<compile_context>
chip_gen: v7x
topology: tpu7x:2x2x1
jax: 0.10.2.dev20260603
libtpu: 0.0.44.dev20260713+nightly
codegen_flags: <defaults>
</compile_context>

<pallas_src>
import dataclasses
import functools

import jax
import jax.numpy as jnp
from jax import lax
from jax.experimental import pallas as pl
from jax.experimental.pallas import tpu as pltpu
from jax.experimental.pallas import tpu_sc as plsc

_N = 10000
_C = 256
_H = 128
_E = 160000
_EPS = 1e-6
_BE = 64
_NBLK = _E // _BE
_NW = 32
_NS = 16
_RPS = 624
_ZR = 104
_TAIL = _N - _RPS * _NS

_BLK = 1000


def _sc_compiler_params():
    cp = pltpu.CompilerParams()
    if "needs_layout_passes" in pltpu.CompilerParams.__dataclass_fields__:
        cp = dataclasses.replace(cp, needs_layout_passes=False)
    return cp



def _stage1_body(x_ref, wv_ref, wr_ref, val_ref, norm_ref, res_ref, s1_ref):
    x = x_ref[...]
    v = jnp.dot(x, wv_ref[...].T, preferred_element_type=jnp.float32)
    val_ref[...] = v
    nrm = jnp.sqrt(jnp.sum(v * v, axis=1, keepdims=True))
    norm_ref[...] = v / jnp.clip(nrm, 1e-12, None)
    res_ref[...] = jnp.dot(x, wr_ref[...].T, preferred_element_type=jnp.float32)
    s1_ref[...] = jnp.sum(jnp.abs(v), axis=1, keepdims=True)


def _stage1(x, Wv, Wr):
    return pl.pallas_call(
        _stage1_body,
        grid=(_N // _BLK,),
        in_specs=[
            pl.BlockSpec((_BLK, _C), lambda i: (i, 0)),
            pl.BlockSpec((_C, _C), lambda i: (0, 0)),
            pl.BlockSpec((_C, _C), lambda i: (0, 0)),
        ],
        out_specs=[
            pl.BlockSpec((_BLK, _C), lambda i: (i, 0)),
            pl.BlockSpec((_BLK, _C), lambda i: (i, 0)),
            pl.BlockSpec((_BLK, _C), lambda i: (i, 0)),
            pl.BlockSpec((_BLK, 1), lambda i: (i, 0)),
        ],
        out_shape=[
            jax.ShapeDtypeStruct((_N, _C), jnp.float32),
            jax.ShapeDtypeStruct((_N, _C), jnp.float32),
            jax.ShapeDtypeStruct((_N, _C), jnp.float32),
            jax.ShapeDtypeStruct((_N, 1), jnp.float32),
        ],
    )(x, Wv, Wr)



_PAIRS = _NBLK // (2 * _NW)
_TAILB = _NBLK - 2 * _NW * _PAIRS


def _sc_cos_body(norm_hbm, row_hbm, col_hbm, s1_hbm,
                 cos_hbm, ct_hbm, spt_hbm, deg_hbm,
                 s1buf, sptacc, degacc,
                 rbuf0, cbuf0, rbuf1, cbuf1,
                 rowidx0, colidx0, rowidx1, colidx1,
                 cosbuf, ctbuf, semr0, semc0, semr1, semc1):
    wid = lax.axis_index("s") * 2 + lax.axis_index("c")

    pltpu.sync_copy(s1_hbm, s1buf)

    @pl.loop(0, _N // 16)
    def _zero(i):
        z = jnp.zeros((16,), jnp.float32)
        sptacc[pl.ds(i * 16, 16)] = z
        degacc[pl.ds(i * 16, 16)] = z

    ones = jnp.ones((16,), jnp.float32)
    lanes = lax.iota(jnp.int32, 16)

    def issue(b, rowidx, colidx, rbuf, cbuf, semr, semc):
        base = b * _BE
        pltpu.sync_copy(row_hbm.at[pl.ds(base, _BE)], rowidx)
        pltpu.sync_copy(col_hbm.at[pl.ds(base, _BE)], colidx)
        pltpu.async_copy(norm_hbm.at[rowidx], rbuf, semr)
        pltpu.async_copy(norm_hbm.at[colidx], cbuf, semc)

    def wait(rowidx, colidx, rbuf, cbuf, semr, semc):
        pltpu.make_async_copy(norm_hbm.at[rowidx], rbuf, semr).wait()
        pltpu.make_async_copy(norm_hbm.at[colidx], cbuf, semc).wait()

    def compute(b, rowidx, colidx, rbuf, cbuf):
        base = b * _BE

        @pl.loop(0, _BE // 16)
        def _dotgrp(g):
            def edge_body(j, cosv):
                e = g * 16 + j
                acc = rbuf[e, pl.ds(0, 16)] * cbuf[e, pl.ds(0, 16)]
                for d in range(1, 16):
                    sl = pl.ds(d * 16, 16)
                    acc = acc + rbuf[e, sl] * cbuf[e, sl]
                cd = jnp.clip(jnp.sum(acc), _EPS, 1.0)
                return jnp.where(lanes == j, cd, cosv)

            cosv = lax.fori_loop(0, 16, edge_body,
                                 jnp.zeros((16,), jnp.float32))
            cosbuf[pl.ds(g * 16, 16)] = cosv

        @pl.loop(0, _BE // 16)
        def _grp(g):
            sl = pl.ds(g * 16, 16)
            civ = colidx[sl]
            riv = rowidx[sl]
            s1v = plsc.load_gather(s1buf, [civ])
            ctv = cosbuf[sl] * s1v
            ctbuf[sl] = ctv
            plsc.addupdate_scatter(sptacc, [riv], ctv)
            plsc.addupdate_scatter(degacc, [riv], ones)

        pltpu.sync_copy(cosbuf, cos_hbm.at[pl.ds(base, _BE)])
        pltpu.sync_copy(ctbuf, ct_hbm.at[pl.ds(base, _BE)])

    bufs0 = (rowidx0, colidx0, rbuf0, cbuf0, semr0, semc0)
    bufs1 = (rowidx1, colidx1, rbuf1, cbuf1, semr1, semc1)

    issue(wid, *bufs0)

    @pl.loop(0, _PAIRS)
    def _pair(k):
        b1 = wid + k * (2 * _NW)
        b2 = b1 + _NW
        issue(b2, *bufs1)
        wait(*bufs0)
        compute(b1, rowidx0, colidx0, rbuf0, cbuf0)

        @pl.when(k < _PAIRS - 1)
        def _():
            issue(b1 + 2 * _NW, *bufs0)

        wait(*bufs1)
        compute(b2, rowidx1, colidx1, rbuf1, cbuf1)

    @pl.when(wid < _TAILB)
    def _tail():
        b = 2 * _NW * _PAIRS + wid
        issue(b, *bufs0)
        wait(*bufs0)
        compute(b, rowidx0, colidx0, rbuf0, cbuf0)

    pltpu.sync_copy(sptacc, spt_hbm.at[wid])
    pltpu.sync_copy(degacc, deg_hbm.at[wid])


def _sc_cos(norm, row, col, s1):
    mesh = plsc.VectorSubcoreMesh(core_axis_name="c", subcore_axis_name="s")
    f32 = jnp.float32
    kern = pl.kernel(
        _sc_cos_body,
        mesh=mesh,
        out_type=[
            jax.ShapeDtypeStruct((_E,), f32),
            jax.ShapeDtypeStruct((_E,), f32),
            jax.ShapeDtypeStruct((_NW, _N), f32),
            jax.ShapeDtypeStruct((_NW, _N), f32),
        ],
        scratch_types=[
            pltpu.VMEM((_N,), f32),
            pltpu.VMEM((_N,), f32),
            pltpu.VMEM((_N,), f32),
            pltpu.VMEM((_BE, _C), f32),
            pltpu.VMEM((_BE, _C), f32),
            pltpu.VMEM((_BE, _C), f32),
            pltpu.VMEM((_BE, _C), f32),
            pltpu.VMEM((_BE,), jnp.int32),
            pltpu.VMEM((_BE,), jnp.int32),
            pltpu.VMEM((_BE,), jnp.int32),
            pltpu.VMEM((_BE,), jnp.int32),
            pltpu.VMEM((_BE,), f32),
            pltpu.VMEM((_BE,), f32),
            pltpu.SemaphoreType.DMA,
            pltpu.SemaphoreType.DMA,
            pltpu.SemaphoreType.DMA,
            pltpu.SemaphoreType.DMA,
        ],
        compiler_params=_sc_compiler_params(),
    )
    return kern(norm, row, col, s1)



def _ispt_body(spt_ref, deg_ref, o_ref, ideg_ref):
    s = jnp.sum(spt_ref[...], axis=0)
    o_ref[...] = (1.0 / jnp.clip(s, 1e-12, None))[None, :]
    d = jnp.sum(deg_ref[...], axis=0)
    ideg_ref[...] = (1.0 / jnp.clip(d, 1.0, None))[None, :]


def _ispt(spt_p, deg_p):
    return pl.pallas_call(
        _ispt_body,
        out_shape=[
            jax.ShapeDtypeStruct((1, _N), jnp.float32),
            jax.ShapeDtypeStruct((1, _N), jnp.float32),
        ],
    )(spt_p, deg_p)



_PAIRS2 = _NBLK // (2 * _NS)
_TAILB2 = _NBLK - 2 * _NS * _PAIRS2


def _sc_msg_body(val2_hbm, cos_hbm, ct_hbm, ispt_hbm, row_hbm, col_hbm,
                 out0_hbm, out1_hbm, cn_hbm,
                 acc_sh, zbuf, sptbuf,
                 vbuf0, rowidx0, colidx0, idxadj0,
                 vbuf1, rowidx1, colidx1, idxadj1,
                 cosbuf, ctbuf, cnbuf,
                 semg0, semg1, sems0, sems1):
    c = lax.axis_index("c")
    sid = lax.axis_index("s")

    @pl.loop(0, _ZR)
    def _z(i):
        for k in range(_H // 16):
            zbuf[i, pl.ds(k * 16, 16)] = jnp.zeros((16,), jnp.float32)

    @pl.loop(0, _RPS // _ZR)
    def _zs(k):
        pltpu.sync_copy(zbuf, acc_sh.at[pl.ds(sid * _RPS + k * _ZR, _ZR)])

    @pl.when(sid == _NS - 1)
    def _ztail():
        pltpu.sync_copy(zbuf.at[pl.ds(0, _TAIL)],
                        acc_sh.at[pl.ds(_RPS * _NS, _TAIL)])

    pltpu.sync_copy(ispt_hbm, sptbuf)

    plsc.subcore_barrier()

    coff = c * _N
    lanes = lax.iota(jnp.int32, 16)

    def issue_gather(b, rowidx, colidx, idxadj, vbuf, semg):
        base = b * _BE
        pltpu.sync_copy(row_hbm.at[pl.ds(base, _BE)], rowidx)
        pltpu.sync_copy(col_hbm.at[pl.ds(base, _BE)], colidx)

        @pl.loop(0, _BE // 16)
        def _adj(g):
            sl = pl.ds(g * 16, 16)
            idxadj[sl] = colidx[sl] + coff

        pltpu.async_copy(val2_hbm.at[idxadj], vbuf, semg)

    def wait_gather(idxadj, vbuf, semg):
        pltpu.make_async_copy(val2_hbm.at[idxadj], vbuf, semg).wait()

    def wait_scatter(rowidx, vbuf, sems):
        pltpu.make_async_copy(vbuf, acc_sh.at[rowidx], sems).wait()

    def compute(b, rowidx, vbuf, sems):
        base = b * _BE
        pltpu.sync_copy(cos_hbm.at[pl.ds(base, _BE)], cosbuf)

        @pl.loop(0, _BE // 16)
        def _sgrp(g):
            cosv = cosbuf[pl.ds(g * 16, 16)]

            def sbody(j, carry):
                sc = jnp.sum(jnp.where(lanes == j, cosv, 0.0))
                e = g * 16 + j
                for k in range(_H // 16):
                    sl = pl.ds(k * 16, 16)
                    vbuf[e, sl] = vbuf[e, sl] * sc
                return carry

            lax.fori_loop(0, 16, sbody, 0)

        pltpu.async_copy(vbuf, acc_sh.at[rowidx], sems, add=True)

        @pl.when(lax.rem(b, 2) == c)
        def _():
            pltpu.sync_copy(ct_hbm.at[pl.ds(base, _BE)], ctbuf)

            @pl.loop(0, _BE // 16)
            def _cn(g):
                sl = pl.ds(g * 16, 16)
                iv = plsc.load_gather(sptbuf, [rowidx[sl]])
                cnbuf[sl] = ctbuf[sl] * iv

            pltpu.sync_copy(cnbuf, cn_hbm.at[pl.ds(base, _BE)])

    set0 = (rowidx0, colidx0, idxadj0, vbuf0, semg0, sems0)
    set1 = (rowidx1, colidx1, idxadj1, vbuf1, semg1, sems1)

    def issue_set(b, s):
        rowidx, colidx, idxadj, vbuf, semg, sems = s
        issue_gather(b, rowidx, colidx, idxadj, vbuf, semg)

    issue_set(sid, set0)

    @pl.loop(0, _PAIRS2)
    def _pair(k):
        b1 = sid + k * (2 * _NS)
        b2 = b1 + _NS

        @pl.when(k > 0)
        def _():
            wait_scatter(rowidx1, vbuf1, sems1)

        issue_set(b2, set1)
        wait_gather(idxadj0, vbuf0, semg0)
        compute(b1, rowidx0, vbuf0, sems0)

        @pl.when(k < _PAIRS2 - 1)
        def _():
            wait_scatter(rowidx0, vbuf0, sems0)
            issue_set(b1 + 2 * _NS, set0)

        wait_gather(idxadj1, vbuf1, semg1)
        compute(b2, rowidx1, vbuf1, sems1)

    wait_scatter(rowidx0, vbuf0, sems0)
    wait_scatter(rowidx1, vbuf1, sems1)

    @pl.when(sid < _TAILB2)
    def _tail():
        b = 2 * _NS * _PAIRS2 + sid
        issue_set(b, set0)
        wait_gather(idxadj0, vbuf0, semg0)
        compute(b, rowidx0, vbuf0, sems0)
        wait_scatter(rowidx0, vbuf0, sems0)

    plsc.subcore_barrier()

    rows = pl.ds(sid * _RPS, _RPS)
    tail = pl.ds(_RPS * _NS, _TAIL)

    @pl.when(c == 0)
    def _():
        pltpu.sync_copy(acc_sh.at[rows], out0_hbm.at[rows])

        @pl.when(sid == _NS - 1)
        def _t0():
            pltpu.sync_copy(acc_sh.at[tail], out0_hbm.at[tail])

    @pl.when(c == 1)
    def _():
        pltpu.sync_copy(acc_sh.at[rows], out1_hbm.at[rows])

        @pl.when(sid == _NS - 1)
        def _t1():
            pltpu.sync_copy(acc_sh.at[tail], out1_hbm.at[tail])


def _sc_msg(val2, cos, ct, ispt, row, col):
    mesh = plsc.VectorSubcoreMesh(core_axis_name="c", subcore_axis_name="s")
    f32 = jnp.float32
    kern = pl.kernel(
        _sc_msg_body,
        mesh=mesh,
        out_type=[
            jax.ShapeDtypeStruct((_N, _H), f32),
            jax.ShapeDtypeStruct((_N, _H), f32),
            jax.ShapeDtypeStruct((_E,), f32),
        ],
        scratch_types=[
            pltpu.VMEM_SHARED((_N, _H), f32),
            pltpu.VMEM((_ZR, _H), f32),
            pltpu.VMEM((_N,), f32),
            pltpu.VMEM((_BE, _H), f32),
            pltpu.VMEM((_BE,), jnp.int32),
            pltpu.VMEM((_BE,), jnp.int32),
            pltpu.VMEM((_BE,), jnp.int32),
            pltpu.VMEM((_BE, _H), f32),
            pltpu.VMEM((_BE,), jnp.int32),
            pltpu.VMEM((_BE,), jnp.int32),
            pltpu.VMEM((_BE,), jnp.int32),
            pltpu.VMEM((_BE,), f32),
            pltpu.VMEM((_BE,), f32),
            pltpu.VMEM((_BE,), f32),
            pltpu.SemaphoreType.DMA,
            pltpu.SemaphoreType.DMA,
            pltpu.SemaphoreType.DMA,
            pltpu.SemaphoreType.DMA,
        ],
        compiler_params=_sc_compiler_params(),
    )
    return kern(val2, cos, ct, ispt, row, col)



def _stage2_body(out0_ref, out1_ref, ideg_ref, res_ref, wo_ref, o_ref):
    out = jnp.concatenate([out0_ref[...], out1_ref[...]], axis=1)
    out = out * ideg_ref[...]
    wo = wo_ref[...]
    lin = jnp.dot(out, wo.T, preferred_element_type=jnp.float32)
    onrm = jnp.sqrt(jnp.sum(out * out, axis=1, keepdims=True))
    out_n = out / jnp.clip(onrm, 1e-12, None)
    wnrm = jnp.sqrt(jnp.sum(wo * wo, axis=1, keepdims=True))
    w_n = wo / jnp.clip(wnrm, 1e-12, None)
    cos2 = jnp.clip(jnp.dot(out_n, w_n.T, preferred_element_type=jnp.float32),
                    _EPS, 1.0)
    o_ref[...] = lin * cos2 + res_ref[...]


def _stage2(out0, out1, ideg, res, Wo):
    return pl.pallas_call(
        _stage2_body,
        grid=(_N // _BLK,),
        in_specs=[
            pl.BlockSpec((_BLK, _H), lambda i: (i, 0)),
            pl.BlockSpec((_BLK, _H), lambda i: (i, 0)),
            pl.BlockSpec((_BLK, 1), lambda i: (i, 0)),
            pl.BlockSpec((_BLK, _C), lambda i: (i, 0)),
            pl.BlockSpec((_C, _C), lambda i: (0, 0)),
        ],
        out_specs=pl.BlockSpec((_BLK, _C), lambda i: (i, 0)),
        out_shape=jax.ShapeDtypeStruct((_N, _C), jnp.float32),
    )(out0, out1, ideg, res, Wo)


def kernel(x, edge_index, Wv, Wo, Wr):
    row = edge_index[0].astype(jnp.int32)
    col = edge_index[1].astype(jnp.int32)
    val, norm, res, s1 = _stage1(x, Wv, Wr)
    s1 = s1.reshape(_N)

    cos, ct, spt_p, deg_p = _sc_cos(norm, row, col, s1)
    ispt2, ideg = _ispt(spt_p, deg_p)
    ispt = ispt2.reshape(_N)

    val2 = jnp.concatenate([val[:, :_H], val[:, _H:]], axis=0)
    out0, out1, contrib_norm = _sc_msg(val2, cos, ct, ispt, row, col)

    out_final = _stage2(out0, out1, ideg.reshape(_N, 1), res, Wo)
    return (out_final, jax.lax.stop_gradient(contrib_norm))

# --- scband reference (transcript-rebuilt; emitter-appended) ---
"""Pipeline reference for scband-bcos-sagelayer-28346784153654 (READ-ONLY COPY).

The authoritative reference and input builder live on the scoring server;
editing this copy changes nothing except your own understanding.
"""

import jax, jax.numpy as jnp
import numpy as np

N = 10000
E = 160000
IN_C = 256
OUT_C = 256
B_EXP = 2.0
EPS = 1e-06

def _l2_normalize(a, axis):
    n = jnp.sqrt(jnp.sum(a * a, axis=axis, keepdims=True))
    return a / jnp.clip(n, 1e-12, None)

def setup_inputs(seed: int = 0) -> dict:
    key = jax.random.key(seed)
    k1, k2, k3, k4, k5 = jax.random.split(key, 5)
    x = jax.random.normal(k1, (N, IN_C), dtype=jnp.float32)
    edge_index = jax.random.randint(k2, (2, E), 0, N, dtype=jnp.int64)
    # value: nn.Linear(in, out, bias=False), xavier_uniform
    limit_v = float(np.sqrt(6.0 / (IN_C + OUT_C)))
    Wv = jax.random.uniform(k3, (OUT_C, IN_C), dtype=jnp.float32, minval=-limit_v, maxval=limit_v)
    # out_proj: BcosLinearNoBias(out, out), normal std 1/sqrt(in)
    Wo = jax.random.normal(k4, (OUT_C, OUT_C), dtype=jnp.float32) * (1.0 / np.sqrt(OUT_C))
    # res_proj: nn.Linear(in, out, bias=False), xavier_uniform
    Wr = jax.random.uniform(k5, (OUT_C, IN_C), dtype=jnp.float32, minval=-limit_v, maxval=limit_v)
    return {"x": x, "edge_index": edge_index, "Wv": Wv, "Wo": Wo, "Wr": Wr}

def reference(x, edge_index, Wv, Wo, Wr):
    row = edge_index[0]
    col = edge_index[1]
    src_val = x @ Wv.T  # (N, OUT_C)
    src_norm = _l2_normalize(src_val, axis=1)
    src_feat = src_norm[col]
    tgt_feat = src_norm[row]
    cos = jnp.clip(jnp.sum(src_feat * tgt_feat, axis=1), EPS, 1.0)
    src_val_edge = src_val[col]
    scale = jnp.power(jnp.abs(cos), B_EXP - 1.0)[:, None]
    messages = src_val_edge * scale  # (E, OUT_C)
    out = jax.ops.segment_sum(messages, row, num_segments=N)
    deg = jax.ops.segment_sum(jnp.ones((E,), dtype=jnp.float32), row, num_segments=N)
    deg = jnp.clip(deg, 1.0, None)[:, None]
    out = out / deg
    # BcosLinearNoBias forward
    lin = out @ Wo.T
    out_n = _l2_normalize(out, axis=1)
    w_n = _l2_normalize(Wo, axis=1)
    cos2 = jnp.clip(out_n @ w_n.T, EPS, 1.0)
    out_bcos = lin * jnp.power(jnp.abs(cos2), B_EXP - 1.0)
    res = x @ Wr.T
    out_final = out_bcos + res
    # contribution map
    contrib_mag = jnp.sum(jnp.abs(messages), axis=1)
    sum_per_target = jax.ops.segment_sum(contrib_mag, row, num_segments=N)
    denom = jnp.clip(sum_per_target[row], 1e-12, None)
    contrib_norm = contrib_mag / denom
    return (out_final, jax.lax.stop_gradient(contrib_norm))

if __name__ == "__main__":
    import jax
    _d = setup_inputs()
    print(jax.jit(kernel)(*tuple(_d.values())))

</pallas_src>

<mosaic_0001>
#map = affine_map<(d0, d1) -> (0, 0)>
#map1 = affine_map<(d0, d1) -> (0)>
module attributes {stable_mosaic.version = 14 : i64} {
  func.func @_sc_cos_body(%arg0: i32, %arg1: i32, %arg2: memref<10000x256xf32, #tpu.memory_space<hbm>>, %arg3: memref<160000xi32, #tpu.memory_space<hbm>>, %arg4: memref<160000xi32, #tpu.memory_space<hbm>>, %arg5: memref<10000xf32, #tpu.memory_space<hbm>>, %arg6: memref<160000xf32, #tpu.memory_space<hbm>>, %arg7: memref<160000xf32, #tpu.memory_space<hbm>>, %arg8: memref<32x10000xf32, #tpu.memory_space<hbm>>, %arg9: memref<32x10000xf32, #tpu.memory_space<hbm>>, %arg10: memref<10000xf32, #tpu.memory_space<vmem>>, %arg11: memref<10000xf32, #tpu.memory_space<vmem>>, %arg12: memref<10000xf32, #tpu.memory_space<vmem>>, %arg13: memref<64x256xf32, #tpu.memory_space<vmem>>, %arg14: memref<64x256xf32, #tpu.memory_space<vmem>>, %arg15: memref<64x256xf32, #tpu.memory_space<vmem>>, %arg16: memref<64x256xf32, #tpu.memory_space<vmem>>, %arg17: memref<64xi32, #tpu.memory_space<vmem>>, %arg18: memref<64xi32, #tpu.memory_space<vmem>>, %arg19: memref<64xi32, #tpu.memory_space<vmem>>, %arg20: memref<64xi32, #tpu.memory_space<vmem>>, %arg21: memref<64xf32, #tpu.memory_space<vmem>>, %arg22: memref<64xf32, #tpu.memory_space<vmem>>, %arg23: memref<!tpu.dma_semaphore, #tpu.memory_space<semaphore_mem>>, %arg24: memref<!tpu.dma_semaphore, #tpu.memory_space<semaphore_mem>>, %arg25: memref<!tpu.dma_semaphore, #tpu.memory_space<semaphore_mem>>, %arg26: memref<!tpu.dma_semaphore, #tpu.memory_space<semaphore_mem>>) attributes {dimension_semantics = [#tpu.dimension_semantics<core_parallel>, #tpu.dimension_semantics<subcore_parallel>], iteration_bounds = array<i64: 2, 16>, scalar_prefetch = 0 : i64, scratch_operands = 17 : i64, tpu.core_type = #tpu.core_type<sc_vector_subcore>, window_params = [{transform_indices = #map}, {transform_indices = #map1}, {transform_indices = #map1}, {transform_indices = #map1}, {transform_indices = #map1}, {transform_indices = #map1}, {transform_indices = #map}, {transform_indices = #map}]} {
    %mul3A = arith.constant 2 : i32
    %mul3A_0 = arith.muli %arg1, %mul3A : i32
    %add3A = arith.addi %mul3A_0, %arg0 : i32
    "tpu.region"() ({
      %run_scoped3A = tpu.sem_alloc : memref<!tpu.dma_semaphore, #tpu.memory_space<semaphore_mem>>
      tpu.enqueue_dma source(%arg5 : memref<10000xf32, #tpu.memory_space<hbm>>) target(%arg10 : memref<10000xf32, #tpu.memory_space<vmem>>) target_semaphore(%run_scoped3A : memref<!tpu.dma_semaphore, #tpu.memory_space<semaphore_mem>>)
      tpu.wait_dma2 semaphore(%run_scoped3A : memref<!tpu.dma_semaphore, #tpu.memory_space<semaphore_mem>>) src(%arg5 : memref<10000xf32, #tpu.memory_space<hbm>>) dst(%arg10 : memref<10000xf32, #tpu.memory_space<vmem>>)
      tpu.yield
    }) : () -> ()
    %scan3A = arith.constant 0 : i32
    %scan3A_1 = arith.constant 625 : i32
    %scan3A_2 = arith.addi %scan3A, %scan3A_1 : i32
    %scan3A_3 = arith.constant 1 : i32
    scf.for %scan3A_20 = %scan3A to %scan3A_2 step %scan3A_3  : i32 {
      %mul3A_21 = arith.constant 1 : i32
      %mul3A_22 = arith.muli %scan3A_20, %mul3A_21 : i32
      %add3A_23 = arith.constant 0 : i32
      %add3A_24 = arith.addi %add3A_23, %mul3A_22 : i32
      %broadcast_in_dim3A_25 = arith.constant 0.000000e+00 : f32
      %broadcast_in_dim3A_26 = vector.broadcast %broadcast_in_dim3A_25 : f32 to vector<16xf32>
      %mul3A_27 = arith.constant 16 : i32
      %mul3A_28 = arith.muli %add3A_24, %mul3A_27 : i32
      %swap3A = arith.index_cast %mul3A_28 : i32 to index
      %swap3A_29 = tpu.vector_load %arg11[%swap3A] {strides = array<i32>} : memref<10000xf32, #tpu.memory_space<vmem>>, vector<16xf32>,
      tpu.vector_store %arg11[%swap3A], %broadcast_in_dim3A_26 {strides = array<i32>} : memref<10000xf32, #tpu.memory_space<vmem>>, vector<16xf32>,
      %mul3A_30 = arith.constant 16 : i32
      %mul3A_31 = arith.muli %add3A_24, %mul3A_30 : i32
      %swap3A_32 = arith.index_cast %mul3A_31 : i32 to index
      %swap3A_33 = tpu.vector_load %arg12[%swap3A_32] {strides = array<i32>} : memref<10000xf32, #tpu.memory_space<vmem>>, vector<16xf32>,
      tpu.vector_store %arg12[%swap3A_32], %broadcast_in_dim3A_26 {strides = array<i32>} : memref<10000xf32, #tpu.memory_space<vmem>>, vector<16xf32>,
    }
    %scan3A_4 = arith.constant 625 : i32
    %broadcast_in_dim3A = arith.constant 1.000000e+00 : f32
    %broadcast_in_dim3A_5 = vector.broadcast %broadcast_in_dim3A : f32 to vector<16xf32>
    %iota3A = tpu.iota {dimensions = array<i32: 0>} : vector<16xi32>
    %mul3A_6 = arith.constant 64 : i32
    %mul3A_7 = arith.muli %add3A, %mul3A_6 : i32
    "tpu.region"() ({
      %run_scoped3A = tpu.sem_alloc : memref<!tpu.dma_semaphore, #tpu.memory_space<semaphore_mem>>
      %dma_start3A_20 = tpu.memref_slice %arg3[%mul3A_7] : memref<160000xi32, #tpu.memory_space<hbm>> -> memref<64xi32, #tpu.memory_space<hbm>>
      %dma_start3A_21 = tpu.memref_slice %arg3[%mul3A_7] : memref<160000xi32, #tpu.memory_space<hbm>> -> memref<64xi32, #tpu.memory_space<hbm>>
      tpu.enqueue_dma source(%dma_start3A_21 : memref<64xi32, #tpu.memory_space<hbm>>) target(%arg17 : memref<64xi32, #tpu.memory_space<vmem>>) target_semaphore(%run_scoped3A : memref<!tpu.dma_semaphore, #tpu.memory_space<semaphore_mem>>)
      %dma_wait3A = tpu.memref_slice %arg3[%mul3A_7] : memref<160000xi32, #tpu.memory_space<hbm>> -> memref<64xi32, #tpu.memory_space<hbm>>
      %dma_wait3A_22 = tpu.memref_slice %arg3[%mul3A_7] : memref<160000xi32, #tpu.memory_space<hbm>> -> memref<64xi32, #tpu.memory_space<hbm>>
      tpu.wait_dma2 semaphore(%run_scoped3A : memref<!tpu.dma_semaphore, #tpu.memory_space<semaphore_mem>>) src(%dma_wait3A_22 : memref<64xi32, #tpu.memory_space<hbm>>) dst(%arg17 : memref<64xi32, #tpu.memory_space<vmem>>)
      tpu.yield
    }) : () -> ()
    "tpu.region"() ({
      %run_scoped3A = tpu.sem_alloc : memref<!tpu.dma_semaphore, #tpu.memory_space<semaphore_mem>>
      %dma_start3A_20 = tpu.memref_slice %arg4[%mul3A_7] : memref<160000xi32, #tpu.memory_space<hbm>> -> memref<64xi32, #tpu.memory_space<hbm>>
      %dma_start3A_21 = tpu.memref_slice %arg4[%mul3A_7] : memref<160000xi32, #tpu.memory_space<hbm>> -> memref<64xi32, #tpu.memory_space<hbm>>
      tpu.enqueue_dma source(%dma_start3A_21 : memref<64xi32, #tpu.memory_space<hbm>>) target(%arg18 : memref<64xi32, #tpu.memory_space<vmem>>) target_semaphore(%run_scoped3A : memref<!tpu.dma_semaphore, #tpu.memory_space<semaphore_mem>>)
      %dma_wait3A = tpu.memref_slice %arg4[%mul3A_7] : memref<160000xi32, #tpu.memory_space<hbm>> -> memref<64xi32, #tpu.memory_space<hbm>>
      %dma_wait3A_22 = tpu.memref_slice %arg4[%mul3A_7] : memref<160000xi32, #tpu.memory_space<hbm>> -> memref<64xi32, #tpu.memory_space<hbm>>
      tpu.wait_dma2 semaphore(%run_scoped3A : memref<!tpu.dma_semaphore, #tpu.memory_space<semaphore_mem>>) src(%dma_wait3A_22 : memref<64xi32, #tpu.memory_space<hbm>>) dst(%arg18 : memref<64xi32, #tpu.memory_space<vmem>>)
      tpu.yield
    }) : () -> ()
    %dma_start3A = arith.constant 0 : i32
    %dma_start3A_8 = arith.constant 0 : i32
    %dma_start3A_9 = tpu.memref_slice %arg2[%dma_start3A, %dma_start3A_8] : memref<10000x256xf32, #tpu.memory_space<hbm>> -> memref<10000x256xf32, #tpu.memory_space<hbm>>
    tpu.enqueue_indirect_dma source(%dma_start3A_9 : memref<10000x256xf32, #tpu.memory_space<hbm>>) target(%arg13 : memref<64x256xf32, #tpu.memory_space<vmem>>) offsets(%arg17 : memref<64xi32, #tpu.memory_space<vmem>>) semaphore(%arg23 : memref<!tpu.dma_semaphore, #tpu.memory_space<semaphore_mem>>)
    %dma_start3A_10 = arith.constant 0 : i32
    %dma_start3A_11 = arith.constant 0 : i32
    %dma_start3A_12 = tpu.memref_slice %arg2[%dma_start3A_10, %dma_start3A_11] : memref<10000x256xf32, #tpu.memory_space<hbm>> -> memref<10000x256xf32, #tpu.memory_space<hbm>>
    tpu.enqueue_indirect_dma source(%dma_start3A_12 : memref<10000x256xf32, #tpu.memory_space<hbm>>) target(%arg14 : memref<64x256xf32, #tpu.memory_space<vmem>>) offsets(%arg18 : memref<64xi32, #tpu.memory_space<vmem>>) semaphore(%arg24 : memref<!tpu.dma_semaphore, #tpu.memory_space<semaphore_mem>>)
    %scan3A_13 = arith.constant 0 : i32
    %scan3A_14 = arith.constant 39 : i32
    %scan3A_15 = arith.addi %scan3A_13, %scan3A_14 : i32
    %scan3A_16 = arith.constant 1 : i32
    scf.for %scan3A_20 = %scan3A_13 to %scan3A_15 step %scan3A_16  : i32 {
      %mul3A_21 = arith.constant 1 : i32
      %mul3A_22 = arith.muli %scan3A_20, %mul3A_21 : i32
      %add3A_23 = arith.constant 0 : i32
      %add3A_24 = arith.addi %add3A_23, %mul3A_22 : i32
      %mul3A_25 = arith.constant 64 : i32
      %mul3A_26 = arith.muli %add3A_24, %mul3A_25 : i32
      %add3A_27 = arith.addi %add3A, %mul3A_26 : i32
      %add3A_28 = arith.constant 32 : i32
      %add3A_29 = arith.addi %add3A_27, %add3A_28 : i32
      %mul3A_30 = arith.constant 64 : i32
      %mul3A_31 = arith.muli %add3A_29, %mul3A_30 : i32
      "tpu.region"() ({
        %run_scoped3A = tpu.sem_alloc : memref<!tpu.dma_semaphore, #tpu.memory_space<semaphore_mem>>
        %dma_start3A_78 = tpu.memref_slice %arg3[%mul3A_31] : memref<160000xi32, #tpu.memory_space<hbm>> -> memref<64xi32, #tpu.memory_space<hbm>>
        %dma_start3A_79 = tpu.memref_slice %arg3[%mul3A_31] : memref<160000xi32, #tpu.memory_space<hbm>> -> memref<64xi32, #tpu.memory_space<hbm>>
        tpu.enqueue_dma source(%dma_start3A_79 : memref<64xi32, #tpu.memory_space<hbm>>) target(%arg19 : memref<64xi32, #tpu.memory_space<vmem>>) target_semaphore(%run_scoped3A : memref<!tpu.dma_semaphore, #tpu.memory_space<semaphore_mem>>)
        %dma_wait3A_80 = tpu.memref_slice %arg3[%mul3A_31] : memref<160000xi32, #tpu.memory_space<hbm>> -> memref<64xi32, #tpu.memory_space<hbm>>
        %dma_wait3A_81 = tpu.memref_slice %arg3[%mul3A_31] : memref<160000xi32, #tpu.memory_space<hbm>> -> memref<64xi32, #tpu.memory_space<hbm>>
        tpu.wait_dma2 semaphore(%run_scoped3A : memref<!tpu.dma_semaphore, #tpu.memory_space<semaphore_mem>>) src(%dma_wait3A_81 : memref<64xi32, #tpu.memory_space<hbm>>) dst(%arg19 : memref<64xi32, #tpu.memory_space<vmem>>)
        tpu.yield
      }) : () -> ()
      "tpu.region"() ({
        %run_scoped3A = tpu.sem_alloc : memref<!tpu.dma_semaphore, #tpu.memory_space<semaphore_mem>>
        %dma_start3A_78 = tpu.memref_slice %arg4[%mul3A_31] : memref<160000xi32, #tpu.memory_space<hbm>> -> memref<64xi32, #tpu.memory_space<hbm>>
        %dma_start3A_79 = tpu.memref_slice %arg4[%mul3A_31] : memref<160000xi32, #tpu.memory_space<hbm>> -> memref<64xi32, #tpu.memory_space<hbm>>
        tpu.enqueue_dma source(%dma_start3A_79 : memref<64xi32, #tpu.memory_space<hbm>>) target(%arg20 : memref<64xi32, #tpu.memory_space<vmem>>) target_semaphore(%run_scoped3A : memref<!tpu.dma_semaphore, #tpu.memory_space<semaphore_mem>>)
        %dma_wait3A_80 = tpu.memref_slice %arg4[%mul3A_31] : memref<160000xi32, #tpu.memory_space<hbm>> -> memref<64xi32, #tpu.memory_space<hbm>>
        %dma_wait3A_81 = tpu.memref_slice %arg4[%mul3A_31] : memref<160000xi32, #tpu.memory_space<hbm>> -> memref<64xi32, #tpu.memory_space<hbm>>
        tpu.wait_dma2 semaphore(%run_scoped3A : memref<!tpu.dma_semaphore, #tpu.memory_space<semaphore_mem>>) src(%dma_wait3A_81 : memref<64xi32, #tpu.memory_space<hbm>>) dst(%arg20 : memref<64xi32, #tpu.memory_space<vmem>>)
        tpu.yield
      }) : () -> ()
      %dma_start3A_32 = arith.constant 0 : i32
      %dma_start3A_33 = arith.constant 0 : i32
      %dma_start3A_34 = tpu.memref_slice %arg2[%dma_start3A_32, %dma_start3A_33] : memref<10000x256xf32, #tpu.memory_space<hbm>> -> memref<10000x256xf32, #tpu.memory_space<hbm>>
      tpu.enqueue_indirect_dma source(%dma_start3A_34 : memref<10000x256xf32, #tpu.memory_space<hbm>>) target(%arg15 : memref<64x256xf32, #tpu.memory_space<vmem>>) offsets(%arg19 : memref<64xi32, #tpu.memory_space<vmem>>) semaphore(%arg25 : memref<!tpu.dma_semaphore, #tpu.memory_space<semaphore_mem>>)
      %dma_start3A_35 = arith.constant 0 : i32
      %dma_start3A_36 = arith.constant 0 : i32
      %dma_start3A_37 = tpu.memref_slice %arg2[%dma_start3A_35, %dma_start3A_36] : memref<10000x256xf32, #tpu.memory_space<hbm>> -> memref<10000x256xf32, #tpu.memory_space<hbm>>
      tpu.enqueue_indirect_dma source(%dma_start3A_37 : memref<10000x256xf32, #tpu.memory_space<hbm>>) target(%arg16 : memref<64x256xf32, #tpu.memory_space<vmem>>) offsets(%arg20 : memref<64xi32, #tpu.memory_space<vmem>>) semaphore(%arg26 : memref<!tpu.dma_semaphore, #tpu.memory_space<semaphore_mem>>)
      %dma_wait3A = arith.constant 0 : i32
      %dma_wait3A_38 = arith.constant 0 : i32
      %dma_wait3A_39 = tpu.memref_slice %arg2[%dma_wait3A, %dma_wait3A_38] : memref<10000x256xf32, #tpu.memory_space<hbm>> -> memref<10000x256xf32, #tpu.memory_space<hbm>>
      tpu.wait_indirect_dma semaphore(%arg23 : memref<!tpu.dma_semaphore, #tpu.memory_space<semaphore_mem>>) src(%dma_wait3A_39 : memref<10000x256xf32, #tpu.memory_space<hbm>>) dst(%arg13 : memref<64x256xf32, #tpu.memory_space<vmem>>)
      %dma_wait3A_40 = arith.constant 0 : i32
      %dma_wait3A_41 = arith.constant 0 : i32
      %dma_wait3A_42 = tpu.memref_slice %arg2[%dma_wait3A_40, %dma_wait3A_41] : memref<10000x256xf32, #tpu.memory_space<hbm>> -> memref<10000x256xf32, #tpu.memory_space<hbm>>
      tpu.wait_indirect_dma semaphore(%arg24 : memref<!tpu.dma_semaphore, #tpu.memory_space<semaphore_mem>>) src(%dma_wait3A_42 : memref<10000x256xf32, #tpu.memory_space<hbm>>) dst(%arg14 : memref<64x256xf32, #tpu.memory_space<vmem>>)
      %mul3A_43 = arith.constant 64 : i32
      %mul3A_44 = arith.muli %add3A_27, %mul3A_43 : i32
      %scan3A_45 = arith.constant 0 : i32
      %scan3A_46 = arith.constant 4 : i32
      %scan3A_47 = arith.addi %scan3A_45, %scan3A_46 : i32
      %scan3A_48 = arith.constant 1 : i32
      scf.for %scan3A_78 = %scan3A_45 to %scan3A_47 step %scan3A_48  : i32 {
        %mul3A_79 = arith.constant 1 : i32
        %mul3A_80 = arith.muli %scan3A_78, %mul3A_79 : i32
        %add3A_81 = arith.constant 0 : i32
        %add3A_82 = arith.addi %add3A_81, %mul3A_80 : i32
        %broadcast_in_dim3A_83 = arith.constant 0.000000e+00 : f32
        %broadcast_in_dim3A_84 = vector.broadcast %broadcast_in_dim3A_83 : f32 to vector<16xf32>
        %scan3A_85 = arith.constant 0 : i32
        %scan3A_86 = arith.constant 16 : i32
        %scan3A_87 = arith.addi %scan3A_85, %scan3A_86 : i32
        %scan3A_88 = arith.constant 1 : i32
        %scan3A_89 = scf.for %scan3A_94 = %scan3A_85 to %scan3A_87 step %scan3A_88 iter_args(%scan3A_95 = %broadcast_in_dim3A_84) -> (vector<16xf32>)  : i32 {
          %mul3A_96 = arith.constant 16 : i32
          %mul3A_97 = arith.muli %add3A_82, %mul3A_96 : i32
          %add3A_98 = arith.addi %mul3A_97, %scan3A_94 : i32
          %get3A = arith.index_cast %add3A_98 : i32 to index
          %get3A_99 = arith.constant 0 : index
          %get3A_100 = tpu.vector_load %arg13[%get3A, %get3A_99] {strides = array<i32>} : memref<64x256xf32, #tpu.memory_space<vmem>>, vector<16xf32>,
          %get3A_101 = arith.index_cast %add3A_98 : i32 to index
          %get3A_102 = arith.constant 0 : index
          %get3A_103 = tpu.vector_load %arg14[%get3A_101, %get3A_102] {strides = array<i32>} : memref<64x256xf32, #tpu.memory_space<vmem>>, vector<16xf32>,
          %mul3A_104 = arith.mulf %get3A_100, %get3A_103 : vector<16xf32>
          %get3A_105 = arith.index_cast %add3A_98 : i32 to index
          %get3A_106 = arith.constant 16 : index
          %get3A_107 = tpu.vector_load %arg13[%get3A_105, %get3A_106] {strides = array<i32>} : memref<64x256xf32, #tpu.memory_space<vmem>>, vector<16xf32>,
          %get3A_108 = arith.index_cast %add3A_98 : i32 to index
          %get3A_109 = arith.constant 16 : index
          %get3A_110 = tpu.vector_load %arg14[%get3A_108, %get3A_109] {strides = array<i32>} : memref<64x256xf32, #tpu.memory_space<vmem>>, vector<16xf32>,
          %mul3A_111 = arith.mulf %get3A_107, %get3A_110 : vector<16xf32>
          %add3A_112 = arith.addf %mul3A_104, %mul3A_111 : vector<16xf32>
          %get3A_113 = arith.index_cast %add3A_98 : i32 to index
          %get3A_114 = arith.constant 32 : index
          %get3A_115 = tpu.vector_load %arg13[%get3A_113, %get3A_114] {strides = array<i32>} : memref<64x256xf32, #tpu.memory_space<vmem>>, vector<16xf32>,
          %get3A_116 = arith.index_cast %add3A_98 : i32 to index
          %get3A_117 = arith.constant 32 : index
          %get3A_118 = tpu.vector_load %arg14[%get3A_116, %get3A_117] {strides = array<i32>} : memref<64x256xf32, #tpu.memory_space<vmem>>, vector<16xf32>,
          %mul3A_119 = arith.mulf %get3A_115, %get3A_118 : vector<16xf32>
          %add3A_120 = arith.addf %add3A_112, %mul3A_119 : vector<16xf32>
          %get3A_121 = arith.index_cast %add3A_98 : i32 to index
          %get3A_122 = arith.constant 48 : index
          %get3A_123 = tpu.vector_load %arg13[%get3A_121, %get3A_122] {strides = array<i32>} : memref<64x256xf32, #tpu.memory_space<vmem>>, vector<16xf32>,
          %get3A_124 = arith.index_cast %add3A_98 : i32 to index
          %get3A_125 = arith.constant 48 : index
          %get3A_126 = tpu.vector_load %arg14[%get3A_124, %get3A_125] {strides = array<i32>} : memref<64x256xf32, #tpu.memory_space<vmem>>, vector<16xf32>,
          %mul3A_127 = arith.mulf %get3A_123, %get3A_126 : vector<16xf32>
          %add3A_128 = arith.addf %add3A_120, %mul3A_127 : vector<16xf32>
          %get3A_129 = arith.index_cast %add3A_98 : i32 to index
          %get3A_130 = arith.constant 64 : index
          %get3A_131 = tpu.vector_load %arg13[%get3A_129, %get3A_130] {strides = array<i32>} : memref<64x256xf32, #tpu.memory_space<vmem>>, vector<16xf32>,
          %get3A_132 = arith.index_cast %add3A_98 : i32 to index
          %get3A_133 = arith.constant 64 : index
          %get3A_134 = tpu.vector_load %arg14[%get3A_132, %get3A_133] {strides = array<i32>} : memref<64x256xf32, #tpu.memory_space<vmem>>, vector<16xf32>,
          %mul3A_135 = arith.mulf %get3A_131, %get3A_134 : vector<16xf32>
          %add3A_136 = arith.addf %add3A_128, %mul3A_135 : vector<16xf32>
          %get3A_137 = arith.index_cast %add3A_98 : i32 to index
          %get3A_138 = arith.constant 80 : index
          %get3A_139 = tpu.vector_load %arg13[%get3A_137, %get3A_138] {strides = array<i32>} : memref<64x256xf32, #tpu.memory_space<vmem>>, vector<16xf32>,
          %get3A_140 = arith.index_cast %add3A_98 : i32 to index
          %get3A_141 = arith.constant 80 : index
          %get3A_142 = tpu.vector_load %arg14[%get3A_140, %get3A_141] {strides = array<i32>} : memref<64x256xf32, #tpu.memory_space<vmem>>, vector<16xf32>,
          %mul3A_143 = arith.mulf %get3A_139, %get3A_142 : vector<16xf32>
          %add3A_144 = arith.addf %add3A_136, %mul3A_143 : vector<16xf32>
          %get3A_145 = arith.index_cast %add3A_98 : i32 to index
          %get3A_146 = arith.constant 96 : index
          %get3A_147 = tpu.vector_load %arg13[%get3A_145, %get3A_146] {strides = array<i32>} : memref<64x256xf32, #tpu.memory_space<vmem>>, vector<16xf32>,
          %get3A_148 = arith.index_cast %add3A_98 : i32 to index
          %get3A_149 = arith.constant 96 : index
          %get3A_150 = tpu.vector_load %arg14[%get3A_148, %get3A_149] {strides = array<i32>} : memref<64x256xf32, #tpu.memory_space<vmem>>, vector<16xf32>,
          %mul3A_151 = arith.mulf %get3A_147, %get3A_150 : vector<16xf32>
          %add3A_152 = arith.addf %add3A_144, %mul3A_151 : vector<16xf32>
          %get3A_153 = arith.index_cast %add3A_98 : i32 to index
          %get3A_154 = arith.constant 112 : index
          %get3A_155 = tpu.vector_load %arg13[%get3A_153, %get3A_154] {strides = array<i32>} : memref<64x256xf32, #tpu.memory_space<vmem>>, vector<16xf32>,
          %get3A_156 = arith.index_cast %add3A_98 : i32 to index
          %get3A_157 = arith.constant 112 : index
          %get3A_158 = tpu.vector_load %arg14[%get3A_156, %get3A_157] {strides = array<i32>} : memref<64x256xf32, #tpu.memory_space<vmem>>, vector<16xf32>,
          %mul3A_159 = arith.mulf %get3A_155, %get3A_158 : vector<16xf32>
          %add3A_160 = arith.addf %add3A_152, %mul3A_159 : vector<16xf32>
          %get3A_161 = arith.index_cast %add3A_98 : i32 to index
          %get3A_162 = arith.constant 128 : index
          %get3A_163 = tpu.vector_load %arg13[%get3A_161, %get3A_162] {strides = array<i32>} : memref<64x256xf32, #tpu.memory_space<vmem>>, vector<16xf32>,
          %get3A_164 = arith.index_cast %add3A_98 : i32 to index
          %get3A_165 = arith.constant 128 : index
          %get3A_166 = tpu.vector_load %arg14[%get3A_164, %get3A_165] {strides = array<i32>} : memref<64x256xf32, #tpu.memory_space<vmem>>, vector<16xf32>,
          %mul3A_167 = arith.mulf %get3A_163, %get3A_166 : vector<16xf32>
          %add3A_168 = arith.addf %add3A_160, %mul3A_167 : vector<16xf32>
          %get3A_169 = arith.index_cast %add3A_98 : i32 to index
          %get3A_170 = arith.constant 144 : index
          %get3A_171 = tpu.vector_load %arg13[%get3A_169, %get3A_170] {strides = array<i32>} : memref<64x256xf32, #tpu.memory_space<vmem>>, vector<16xf32>,
          %get3A_172 = arith.index_cast %add3A_98 : i32 to index
          %get3A_173 = arith.constant 144 : index
          %get3A_174 = tpu.vector_load %arg14[%get3A_172, %get3A_173] {strides = array<i32>} : memref<64x256xf32, #tpu.memory_space<vmem>>, vector<16xf32>,
          %mul3A_175 = arith.mulf %get3A_171, %get3A_174 : vector<16xf32>
          %add3A_176 = arith.addf %add3A_168, %mul3A_175 : vector<16xf32>
          %get3A_177 = arith.index_cast %add3A_98 : i32 to index
          %get3A_178 = arith.constant 160 : index
          %get3A_179 = tpu.vector_load %arg13[%get3A_177, %get3A_178] {strides = array<i32>} : memref<64x256xf32, #tpu.memory_space<vmem>>, vector<16xf32>,
          %get3A_180 = arith.index_cast %add3A_98 : i32 to index
          %get3A_181 = arith.constant 160 : index
          %get3A_182 = tpu.vector_load %arg14[%get3A_180, %get3A_181] {strides = array<i32>} : memref<64x256xf32, #tpu.memory_space<vmem>>, vector<16xf32>,
          %mul3A_183 = arith.mulf %get3A_179, %get3A_182 : vector<16xf32>
          %add3A_184 = arith.addf %add3A_176, %mul3A_183 : vector<16xf32>
          %get3A_185 = arith.index_cast %add3A_98 : i32 to index
          %get3A_186 = arith.constant 176 : index
          %get3A_187 = tpu.vector_load %arg13[%get3A_185, %get3A_186] {strides = array<i32>} : memref<64x256xf32, #tpu.memory_space<vmem>>, vector<16xf32>,
          %get3A_188 = arith.index_cast %add3A_98 : i32 to index
          %get3A_189 = arith.constant 176 : index
          %get3A_190 = tpu.vector_load %arg14[%get3A_188, %get3A_189] {strides = array<i32>} : memref<64x256xf32, #tpu.memory_space<vmem>>, vector<16xf32>,
          %mul3A_191 = arith.mulf %get3A_187, %get3A_190 : vector<16xf32>
          %add3A_192 = arith.addf %add3A_184, %mul3A_191 : vector<16xf32>
          %get3A_193 = arith.index_cast %add3A_98 : i32 to index
          %get3A_194 = arith.constant 192 : index
          %get3A_195 = tpu.vector_load %arg13[%get3A_193, %get3A_194] {strides = array<i32>} : memref<64x256xf32, #tpu.memory_space<vmem>>, vector<16xf32>,
          %get3A_196 = arith.index_cast %add3A_98 : i32 to index
          %get3A_197 = arith.constant 192 : index
          %get3A_198 = tpu.vector_load %arg14[%get3A_196, %get3A_197] {strides = array<i32>} : memref<64x256xf32, #tpu.memory_space<vmem>>, vector<16xf32>,
          %mul3A_199 = arith.mulf %get3A_195, %get3A_198 : vector<16xf32>
          %add3A_200 = arith.addf %add3A_192, %mul3A_199 : vector<16xf32>
          %get3A_201 = arith.index_cast %add3A_98 : i32 to index
          %get3A_202 = arith.constant 208 : index
          %get3A_203 = tpu.vector_load %arg13[%get3A_201, %get3A_202] {strides = array<i32>} : memref<64x256xf32, #tpu.memory_space<vmem>>, vector<16xf32>,
          %get3A_204 = arith.index_cast %add3A_98 : i32 to index
          %get3A_205 = arith.constant 208 : index
          %get3A_206 = tpu.vector_load %arg14[%get3A_204, %get3A_205] {strides = array<i32>} : memref<64x256xf32, #tpu.memory_space<vmem>>, vector<16xf32>,
          %mul3A_207 = arith.mulf %get3A_203, %get3A_206 : vector<16xf32>
          %add3A_208 = arith.addf %add3A_200, %mul3A_207 : vector<16xf32>
          %get3A_209 = arith.index_cast %add3A_98 : i32 to index
          %get3A_210 = arith.constant 224 : index
          %get3A_211 = tpu.vector_load %arg13[%get3A_209, %get3A_210] {strides = array<i32>} : memref<64x256xf32, #tpu.memory_space<vmem>>, vector<16xf32>,
          %get3A_212 = arith.index_cast %add3A_98 : i32 to index
          %get3A_213 = arith.constant 224 : index
          %get3A_214 = tpu.vector_load %arg14[%get3A_212, %get3A_213] {strides = array<i32>} : memref<64x256xf32, #tpu.memory_space<vmem>>, vector<16xf32>,
          %mul3A_215 = arith.mulf %get3A_211, %get3A_214 : vector<16xf32>
          %add3A_216 = arith.addf %add3A_208, %mul3A_215 : vector<16xf32>
          %get3A_217 = arith.index_cast %add3A_98 : i32 to index
          %get3A_218 = arith.constant 240 : index
          %get3A_219 = tpu.vector_load %arg13[%get3A_217, %get3A_218] {strides = array<i32>} : memref<64x256xf32, #tpu.memory_space<vmem>>, vector<16xf32>,
          %get3A_220 = arith.index_cast %add3A_98 : i32 to index
          %get3A_221 = arith.constant 240 : index
          %get3A_222 = tpu.vector_load %arg14[%get3A_220, %get3A_221] {strides = array<i32>} : memref<64x256xf32, #tpu.memory_space<vmem>>, vector<16xf32>,
          %mul3A_223 = arith.mulf %get3A_219, %get3A_222 : vector<16xf32>
          %add3A_224 = arith.addf %add3A_216, %mul3A_223 : vector<16xf32>
          %reduce_sum3A = arith.constant true
          %reduce_sum3A_225 = vector.broadcast %reduce_sum3A : i1 to vector<16xi1>
          %reduce_sum3A_226 = tpu.scan <sum>, %add3A_224 masked %reduce_sum3A_225 : vector<16xf32>, vector<16xi1> -> vector<16xf32>
          %reduce_sum3A_227 = vector.extract %reduce_sum3A_226[15] : f32 from vector<16xf32>
          %jit3A = arith.constant 9.99999997E-7 : f32
          %jit3A_228 = arith.constant 1.000000e+00 : f32
          %max3A = arith.maximumf %jit3A, %reduce_sum3A_227 : f32
          %min3A = arith.minimumf %jit3A_228, %max3A : f32
          %eq3A = vector.broadcast %scan3A_94 : i32 to vector<16xi32>
          %eq3A_229 = arith.cmpi eq, %iota3A, %eq3A : vector<16xi32>
          %broadcast_in_dim3A_230 = vector.broadcast %min3A : f32 to vector<16xf32>
          %select_n3A = arith.select %eq3A_229, %broadcast_in_dim3A_230, %scan3A_95 : vector<16xi1>, vector<16xf32>
          scf.yield %select_n3A : vector<16xf32>
        }
        %scan3A_90 = arith.constant 16 : i32
        %mul3A_91 = arith.constant 16 : i32
        %mul3A_92 = arith.muli %add3A_82, %mul3A_91 : i32
        %swap3A = arith.index_cast %mul3A_92 : i32 to index
        %swap3A_93 = tpu.vector_load %arg21[%swap3A] {strides = array<i32>} : memref<64xf32, #tpu.memory_space<vmem>>, vector<16xf32>,
        tpu.vector_store %arg21[%swap3A], %scan3A_89 {strides = array<i32>} : memref<64xf32, #tpu.memory_space<vmem>>, vector<16xf32>,
      }
      %scan3A_49 = arith.constant 4 : i32
      %scan3A_50 = arith.constant 0 : i32
      %scan3A_51 = arith.constant 4 : i32
      %scan3A_52 = arith.addi %scan3A_50, %scan3A_51 : i32
      %scan3A_53 = arith.constant 1 : i32
      scf.for %scan3A_78 = %scan3A_50 to %scan3A_52 step %scan3A_53  : i32 {
        %mul3A_79 = arith.constant 1 : i32
        %mul3A_80 = arith.muli %scan3A_78, %mul3A_79 : i32
        %add3A_81 = arith.constant 0 : i32
        %add3A_82 = arith.addi %add3A_81, %mul3A_80 : i32
        %mul3A_83 = arith.constant 16 : i32
        %mul3A_84 = arith.muli %add3A_82, %mul3A_83 : i32
        %get3A = arith.index_cast %mul3A_84 : i32 to index
        %get3A_85 = tpu.vector_load %arg18[%get3A] {strides = array<i32>} : memref<64xi32, #tpu.memory_space<vmem>>, vector<16xi32>,
        %get3A_86 = arith.index_cast %mul3A_84 : i32 to index
        %get3A_87 = tpu.vector_load %arg17[%get3A_86] {strides = array<i32>} : memref<64xi32, #tpu.memory_space<vmem>>, vector<16xi32>,
        %gather3A = tpu.vector_load_idx %arg10[%get3A_85] : memref<10000xf32, #tpu.memory_space<vmem>>[vector<16xi32>], vector<16xf32>,
        %get3A_88 = arith.index_cast %mul3A_84 : i32 to index
        %get3A_89 = tpu.vector_load %arg21[%get3A_88] {strides = array<i32>} : memref<64xf32, #tpu.memory_space<vmem>>, vector<16xf32>,
        %mul3A_90 = arith.mulf %get3A_89, %gather3A : vector<16xf32>
        %swap3A = arith.index_cast %mul3A_84 : i32 to index
        %swap3A_91 = tpu.vector_load %arg22[%swap3A] {strides = array<i32>} : memref<64xf32, #tpu.memory_space<vmem>>, vector<16xf32>,
        tpu.vector_store %arg22[%swap3A], %mul3A_90 {strides = array<i32>} : memref<64xf32, #tpu.memory_space<vmem>>, vector<16xf32>,
        tpu.vector_store_idx %arg11[%get3A_87], %mul3A_90 {add = true} : memref<10000xf32, #tpu.memory_space<vmem>>[vector<16xi32>], vector<16xf32>,
        tpu.vector_store_idx %arg12[%get3A_87], %broadcast_in_dim3A_5 {add = true} : memref<10000xf32, #tpu.memory_space<vmem>>[vector<16xi32>], vector<16xf32>,
      }
      %scan3A_54 = arith.constant 4 : i32
      "tpu.region"() ({
        %run_scoped3A = tpu.sem_alloc : memref<!tpu.dma_semaphore, #tpu.memory_space<semaphore_mem>>
        %dma_start3A_78 = tpu.memref_slice %arg6[%mul3A_44] : memref<160000xf32, #tpu.memory_space<hbm>> -> memref<64xf32, #tpu.memory_space<hbm>>
        %dma_start3A_79 = tpu.memref_slice %arg6[%mul3A_44] : memref<160000xf32, #tpu.memory_space<hbm>> -> memref<64xf32, #tpu.memory_space<hbm>>
        tpu.enqueue_dma source(%arg21 : memref<64xf32, #tpu.memory_space<vmem>>) target(%dma_start3A_79 : memref<64xf32, #tpu.memory_space<hbm>>) target_semaphore(%run_scoped3A : memref<!tpu.dma_semaphore, #tpu.memory_space<semaphore_mem>>)
        %dma_wait3A_80 = tpu.memref_slice %arg6[%mul3A_44] : memref<160000xf32, #tpu.memory_space<hbm>> -> memref<64xf32, #tpu.memory_space<hbm>>
        %dma_wait3A_81 = tpu.memref_slice %arg6[%mul3A_44] : memref<160000xf32, #tpu.memory_space<hbm>> -> memref<64xf32, #tpu.memory_space<hbm>>
        tpu.wait_dma2 semaphore(%run_scoped3A : memref<!tpu.dma_semaphore, #tpu.memory_space<semaphore_mem>>) src(%arg21 : memref<64xf32, #tpu.memory_space<vmem>>) dst(%dma_wait3A_81 : memref<64xf32, #tpu.memory_space<hbm>>)
        tpu.yield
      }) : () -> ()
      "tpu.region"() ({
        %run_scoped3A = tpu.sem_alloc : memref<!tpu.dma_semaphore, #tpu.memory_space<semaphore_mem>>
        %dma_start3A_78 = tpu.memref_slice %arg7[%mul3A_44] : memref<160000xf32, #tpu.memory_space<hbm>> -> memref<64xf32, #tpu.memory_space<hbm>>
        %dma_start3A_79 = tpu.memref_slice %arg7[%mul3A_44] : memref<160000xf32, #tpu.memory_space<hbm>> -> memref<64xf32, #tpu.memory_space<hbm>>
        tpu.enqueue_dma source(%arg22 : memref<64xf32, #tpu.memory_space<vmem>>) target(%dma_start3A_79 : memref<64xf32, #tpu.memory_space<hbm>>) target_semaphore(%run_scoped3A : memref<!tpu.dma_semaphore, #tpu.memory_space<semaphore_mem>>)
        %dma_wait3A_80 = tpu.memref_slice %arg7[%mul3A_44] : memref<160000xf32, #tpu.memory_space<hbm>> -> memref<64xf32, #tpu.memory_space<hbm>>
        %dma_wait3A_81 = tpu.memref_slice %arg7[%mul3A_44] : memref<160000xf32, #tpu.memory_space<hbm>> -> memref<64xf32, #tpu.memory_space<hbm>>
        tpu.wait_dma2 semaphore(%run_scoped3A : memref<!tpu.dma_semaphore, #tpu.memory_space<semaphore_mem>>) src(%arg22 : memref<64xf32, #tpu.memory_space<vmem>>) dst(%dma_wait3A_81 : memref<64xf32, #tpu.memory_space<hbm>>)
        tpu.yield
      }) : () -> ()
      %lt3A_55 = arith.constant 38 : i32
      %lt3A_56 = arith.cmpi slt, %add3A_24, %lt3A_55 : i32
      %convert_element_type3A_57 = arith.extui %lt3A_56 : i1 to i32
      %cond3A_58 = arith.constant 0 : i32
      %cond3A_59 = arith.cmpi ne, %convert_element_type3A_57, %cond3A_58 : i32
      scf.if %cond3A_59 {
        %add3A_78 = arith.constant 64 : i32
        %add3A_79 = arith.addi %add3A_27, %add3A_78 : i32
        %mul3A_80 = arith.constant 64 : i32
        %mul3A_81 = arith.muli %add3A_79, %mul3A_80 : i32
        "tpu.region"() ({
          %run_scoped3A = tpu.sem_alloc : memref<!tpu.dma_semaphore, #tpu.memory_space<semaphore_mem>>
          %dma_start3A_88 = tpu.memref_slice %arg3[%mul3A_81] : memref<160000xi32, #tpu.memory_space<hbm>> -> memref<64xi32, #tpu.memory_space<hbm>>
          %dma_start3A_89 = tpu.memref_slice %arg3[%mul3A_81] : memref<160000xi32, #tpu.memory_space<hbm>> -> memref<64xi32, #tpu.memory_space<hbm>>
          tpu.enqueue_dma source(%dma_start3A_89 : memref<64xi32, #tpu.memory_space<hbm>>) target(%arg17 : memref<64xi32, #tpu.memory_space<vmem>>) target_semaphore(%run_scoped3A : memref<!tpu.dma_semaphore, #tpu.memory_space<semaphore_mem>>)
          %dma_wait3A_90 = tpu.memref_slice %arg3[%mul3A_81] : memref<160000xi32, #tpu.memory_space<hbm>> -> memref<64xi32, #tpu.memory_space<hbm>>
          %dma_wait3A_91 = tpu.memref_slice %arg3[%mul3A_81] : memref<160000xi32, #tpu.memory_space<hbm>> -> memref<64xi32, #tpu.memory_space<hbm>>
          tpu.wait_dma2 semaphore(%run_scoped3A : memref<!tpu.dma_semaphore, #tpu.memory_space<semaphore_mem>>) src(%dma_wait3A_91 : memref<64xi32, #tpu.memory_space<hbm>>) dst(%arg17 : memref<64xi32, #tpu.memory_space<vmem>>)
          tpu.yield
        }) : () -> ()
        "tpu.region"() ({
          %run_scoped3A = tpu.sem_alloc : memref<!tpu.dma_semaphore, #tpu.memory_space<semaphore_mem>>
          %dma_start3A_88 = tpu.memref_slice %arg4[%mul3A_81] : memref<160000xi32, #tpu.memory_space<hbm>> -> memref<64xi32, #tpu.memory_space<hbm>>
          %dma_start3A_89 = tpu.memref_slice %arg4[%mul3A_81] : memref<160000xi32, #tpu.memory_space<hbm>> -> memref<64xi32, #tpu.memory_space<hbm>>
          tpu.enqueue_dma source(%dma_start3A_89 : memref<64xi32, #tpu.memory_space<hbm>>) target(%arg18 : memref<64xi32, #tpu.memory_space<vmem>>) target_semaphore(%run_scoped3A : memref<!tpu.dma_semaphore, #tpu.memory_space<semaphore_mem>>)
          %dma_wait3A_90 = tpu.memref_slice %arg4[%mul3A_81] : memref<160000xi32, #tpu.memory_space<hbm>> -> memref<64xi32, #tpu.memory_space<hbm>>
          %dma_wait3A_91 = tpu.memref_slice %arg4[%mul3A_81] : memref<160000xi32, #tpu.memory_space<hbm>> -> memref<64xi32, #tpu.memory_space<hbm>>
          tpu.wait_dma2 semaphore(%run_scoped3A : memref<!tpu.dma_semaphore, #tpu.memory_space<semaphore_mem>>) src(%dma_wait3A_91 : memref<64xi32, #tpu.memory_space<hbm>>) dst(%arg18 : memref<64xi32, #tpu.memory_space<vmem>>)
          tpu.yield
        }) : () -> ()
        %dma_start3A_82 = arith.constant 0 : i32
        %dma_start3A_83 = arith.constant 0 : i32
        %dma_start3A_84 = tpu.memref_slice %arg2[%dma_start3A_82, %dma_start3A_83] : memref<10000x256xf32, #tpu.memory_space<hbm>> -> memref<10000x256xf32, #tpu.memory_space<hbm>>
        tpu.enqueue_indirect_dma source(%dma_start3A_84 : memref<10000x256xf32, #tpu.memory_space<hbm>>) target(%arg13 : memref<64x256xf32, #tpu.memory_space<vmem>>) offsets(%arg17 : memref<64xi32, #tpu.memory_space<vmem>>) semaphore(%arg23 : memref<!tpu.dma_semaphore, #tpu.memory_space<semaphore_mem>>)
        %dma_start3A_85 = arith.constant 0 : i32
        %dma_start3A_86 = arith.constant 0 : i32
        %dma_start3A_87 = tpu.memref_slice %arg2[%dma_start3A_85, %dma_start3A_86] : memref<10000x256xf32, #tpu.memory_space<hbm>> -> memref<10000x256xf32, #tpu.memory_space<hbm>>
        tpu.enqueue_indirect_dma source(%dma_start3A_87 : memref<10000x256xf32, #tpu.memory_space<hbm>>) target(%arg14 : memref<64x256xf32, #tpu.memory_space<vmem>>) offsets(%arg18 : memref<64xi32, #tpu.memory_space<vmem>>) semaphore(%arg24 : memref<!tpu.dma_semaphore, #tpu.memory_space<semaphore_mem>>)
      } else {
      }
      %dma_wait3A_60 = arith.constant 0 : i32
      %dma_wait3A_61 = arith.constant 0 : i32
      %dma_wait3A_62 = tpu.memref_slice %arg2[%dma_wait3A_60, %dma_wait3A_61] : memref<10000x256xf32, #tpu.memory_space<hbm>> -> memref<10000x256xf32, #tpu.memory_space<hbm>>
      tpu.wait_indirect_dma semaphore(%arg25 : memref<!tpu.dma_semaphore, #tpu.memory_space<semaphore_mem>>) src(%dma_wait3A_62 : memref<10000x256xf32, #tpu.memory_space<hbm>>) dst(%arg15 : memref<64x256xf32, #tpu.memory_space<vmem>>)
      %dma_wait3A_63 = arith.constant 0 : i32
      %dma_wait3A_64 = arith.constant 0 : i32
      %dma_wait3A_65 = tpu.memref_slice %arg2[%dma_wait3A_63, %dma_wait3A_64] : memref<10000x256xf32, #tpu.memory_space<hbm>> -> memref<10000x256xf32, #tpu.memory_space<hbm>>
      tpu.wait_indirect_dma semaphore(%arg26 : memref<!tpu.dma_semaphore, #tpu.memory_space<semaphore_mem>>) src(%dma_wait3A_65 : memref<10000x256xf32, #tpu.memory_space<hbm>>) dst(%arg16 : memref<64x256xf32, #tpu.memory_space<vmem>>)
      %mul3A_66 = arith.constant 64 : i32
      %mul3A_67 = arith.muli %add3A_29, %mul3A_66 : i32
      %scan3A_68 = arith.constant 0 : i32
      %scan3A_69 = arith.constant 4 : i32
      %scan3A_70 = arith.addi %scan3A_68, %scan3A_69 : i32
      %scan3A_71 = arith.constant 1 : i32
      scf.for %scan3A_78 = %scan3A_68 to %scan3A_70 step %scan3A_71  : i32 {
        %mul3A_79 = arith.constant 1 : i32
        %mul3A_80 = arith.muli %scan3A_78, %mul3A_79 : i32
        %add3A_81 = arith.constant 0 : i32
        %add3A_82 = arith.addi %add3A_81, %mul3A_80 : i32
        %broadcast_in_dim3A_83 = arith.constant 0.000000e+00 : f32
        %broadcast_in_dim3A_84 = vector.broadcast %broadcast_in_dim3A_83 : f32 to vector<16xf32>
        %scan3A_85 = arith.constant 0 : i32
        %scan3A_86 = arith.constant 16 : i32
        %scan3A_87 = arith.addi %scan3A_85, %scan3A_86 : i32
        %scan3A_88 = arith.constant 1 : i32
        %scan3A_89 = scf.for %scan3A_94 = %scan3A_85 to %scan3A_87 step %scan3A_88 iter_args(%scan3A_95 = %broadcast_in_dim3A_84) -> (vector<16xf32>)  : i32 {
          %mul3A_96 = arith.constant 16 : i32
          %mul3A_97 = arith.muli %add3A_82, %mul3A_96 : i32
          %add3A_98 = arith.addi %mul3A_97, %scan3A_94 : i32
          %get3A = arith.index_cast %add3A_98 : i32 to index
          %get3A_99 = arith.constant 0 : index
          %get3A_100 = tpu.vector_load %arg15[%get3A, %get3A_99] {strides = array<i32>} : memref<64x256xf32, #tpu.memory_space<vmem>>, vector<16xf32>,
          %get3A_101 = arith.index_cast %add3A_98 : i32 to index
          %get3A_102 = arith.constant 0 : index
          %get3A_103 = tpu.vector_load %arg16[%get3A_101, %get3A_102] {strides = array<i32>} : memref<64x256xf32, #tpu.memory_space<vmem>>, vector<16xf32>,
          %mul3A_104 = arith.mulf %get3A_100, %get3A_103 : vector<16xf32>
          %get3A_105 = arith.index_cast %add3A_98 : i32 to index
          %get3A_106 = arith.constant 16 : index
          %get3A_107 = tpu.vector_load %arg15[%get3A_105, %get3A_106] {strides = array<i32>} : memref<64x256xf32, #tpu.memory_space<vmem>>, vector<16xf32>,
          %get3A_108 = arith.index_cast %add3A_98 : i32 to index
          %get3A_109 = arith.constant 16 : index
          %get3A_110 = tpu.vector_load %arg16[%get3A_108, %get3A_109] {strides = array<i32>} : memref<64x256xf32, #tpu.memory_space<vmem>>, vector<16xf32>,
          %mul3A_111 = arith.mulf %get3A_107, %get3A_110 : vector<16xf32>
          %add3A_112 = arith.addf %mul3A_104, %mul3A_111 : vector<16xf32>
          %get3A_113 = arith.index_cast %add3A_98 : i32 to index
          %get3A_114 = arith.constant 32 : index
          %get3A_115 = tpu.vector_load %arg15[%get3A_113, %get3A_114] {strides = array<i32>} : memref<64x256xf32, #tpu.memory_space<vmem>>, vector<16xf32>,
          %get3A_116 = arith.index_cast %add3A_98 : i32 to index
          %get3A_117 = arith.constant 32 : index
          %get3A_118 = tpu.vector_load %arg16[%get3A_116, %get3A_117] {strides = array<i32>} : memref<64x256xf32, #tpu.memory_space<vmem>>, vector<16xf32>,
          %mul3A_119 = arith.mulf %get3A_115, %get3A_118 : vector<16xf32>
          %add3A_120 = arith.addf %add3A_112, %mul3A_119 : vector<16xf32>
          %get3A_121 = arith.index_cast %add3A_98 : i32 to index
          %get3A_122 = arith.constant 48 : index
          %get3A_123 = tpu.vector_load %arg15[%get3A_121, %get3A_122] {strides = array<i32>} : memref<64x256xf32, #tpu.memory_space<vmem>>, vector<16xf32>,
          %get3A_124 = arith.index_cast %add3A_98 : i32 to index
          %get3A_125 = arith.constant 48 : index
          %get3A_126 = tpu.vector_load %arg16[%get3A_124, %get3A_125] {strides = array<i32>} : memref<64x256xf32, #tpu.memory_space<vmem>>, vector<16xf32>,
          %mul3A_127 = arith.mulf %get3A_123, %get3A_126 : vector<16xf32>
          %add3A_128 = arith.addf %add3A_120, %mul3A_127 : vector<16xf32>
          %get3A_129 = arith.index_cast %add3A_98 : i32 to index
          %get3A_130 = arith.constant 64 : index
          %get3A_131 = tpu.vector_load %arg15[%get3A_129, %get3A_130] {strides = array<i32>} : memref<64x256xf32, #tpu.memory_space<vmem>>, vector<16xf32>,
          %get3A_132 = arith.index_cast %add3A_98 : i32 to index
          %get3A_133 = arith.constant 64 : index
          %get3A_134 = tpu.vector_load %arg16[%get3A_132, %get3A_133] {strides = array<i32>} : memref<64x256xf32, #tpu.memory_space<vmem>>, vector<16xf32>,
          %mul3A_135 = arith.mulf %get3A_131, %get3A_134 : vector<16xf32>
          %add3A_136 = arith.addf %add3A_128, %mul3A_135 : vector<16xf32>
          %get3A_137 = arith.index_cast %add3A_98 : i32 to index
          %get3A_138 = arith.constant 80 : index
          %get3A_139 = tpu.vector_load %arg15[%get3A_137, %get3A_138] {strides = array<i32>} : memref<64x256xf32, #tpu.memory_space<vmem>>, vector<16xf32>,
          %get3A_140 = arith.index_cast %add3A_98 : i32 to index
          %get3A_141 = arith.constant 80 : index
          %get3A_142 = tpu.vector_load %arg16[%get3A_140, %get3A_141] {strides = array<i32>} : memref<64x256xf32, #tpu.memory_space<vmem>>, vector<16xf32>,
          %mul3A_143 = arith.mulf %get3A_139, %get3A_142 : vector<16xf32>
          %add3A_144 = arith.addf %add3A_136, %mul3A_143 : vector<16xf32>
          %get3A_145 = arith.index_cast %add3A_98 : i32 to index
          %get3A_146 = arith.constant 96 : index
          %get3A_147 = tpu.vector_load %arg15[%get3A_145, %get3A_146] {strides = array<i32>} : memref<64x256xf32, #tpu.memory_space<vmem>>, vector<16xf32>,
          %get3A_148 = arith.index_cast %add3A_98 : i32 to index
          %get3A_149 = arith.constant 96 : index
          %get3A_150 = tpu.vector_load %arg16[%get3A_148, %get3A_149] {strides = array<i32>} : memref<64x256xf32, #tpu.memory_space<vmem>>, vector<16xf32>,
          %mul3A_151 = arith.mulf %get3A_147, %get3A_150 : vector<16xf32>
          %add3A_152 = arith.addf %add3A_144, %mul3A_151 : vector<16xf32>
          %get3A_153 = arith.index_cast %add3A_98 : i32 to index
          %get3A_154 = arith.constant 112 : index
          %get3A_155 = tpu.vector_load %arg15[%get3A_153, %get3A_154] {strides = array<i32>} : memref<64x256xf32, #tpu.memory_space<vmem>>, vector<16xf32>,
          %get3A_156 = arith.index_cast %add3A_98 : i32 to index
          %get3A_157 = arith.constant 112 : index
          %get3A_158 = tpu.vector_load %arg16[%get3A_156, %get3A_157] {strides = array<i32>} : memref<64x256xf32, #tpu.memory_space<vmem>>, vector<16xf32>,
          %mul3A_159 = arith.mulf %get3A_155, %get3A_158 : vector<16xf32>
          %add3A_160 = arith.addf %add3A_152, %mul3A_159 : vector<16xf32>
          %get3A_161 = arith.index_cast %add3A_98 : i32 to index
          %get3A_162 = arith.constant 128 : index
          %get3A_163 = tpu.vector_load %arg15[%get3A_161, %get3A_162] {strides = array<i32>} : memref<64x256xf32, #tpu.memory_space<vmem>>, vector<16xf32>,
          %get3A_164 = arith.index_cast %add3A_98 : i32 to index
          %get3A_165 = arith.constant 128 : index
          %get3A_166 = tpu.vector_load %arg16[%get3A_164, %get3A_165] {strides = array<i32>} : memref<64x256xf32, #tpu.memory_space<vmem>>, vector<16xf32>,
          %mul3A_167 = arith.mulf %get3A_163, %get3A_166 : vector<16xf32>
          %add3A_168 = arith.addf %add3A_160, %mul3A_167 : vector<16xf32>
          %get3A_169 = arith.index_cast %add3A_98 : i32 to index
          %get3A_170 = arith.constant 144 : index
          %get3A_171 = tpu.vector_load %arg15[%get3A_169, %get3A_170] {strides = array<i32>} : memref<64x256xf32, #tpu.memory_space<vmem>>, vector<16xf32>,
          %get3A_172 = arith.index_cast %add3A_98 : i32 to index
          %get3A_173 = arith.constant 144 : index
          %get3A_174 = tpu.vector_load %arg16[%get3A_172, %get3A_173] {strides = array<i32>} : memref<64x256xf32, #tpu.memory_space<vmem>>, vector<16xf32>,
          %mul3A_175 = arith.mulf %get3A_171, %get3A_174 : vector<16xf32>
          %add3A_176 = arith.addf %add3A_168, %mul3A_175 : vector<16xf32>
          %get3A_177 = arith.index_cast %add3A_98 : i32 to index
          %get3A_178 = arith.constant 160 : index
          %get3A_179 = tpu.vector_load %arg15[%get3A_177, %get3A_178] {strides = array<i32>} : memref<64x256xf32, #tpu.memory_space<vmem>>, vector<16xf32>,
          %get3A_180 = arith.index_cast %add3A_98 : i32 to index
          %get3A_181 = arith.constant 160 : index
          %get3A_182 = tpu.vector_load %arg16[%get3A_180, %get3A_181] {strides = array<i32>} : memref<64x256xf32, #tpu.memory_space<vmem>>, vector<16xf32>,
          %mul3A_183 = arith.mulf %get3A_179, %get3A_182 : vector<16xf32>
          %add3A_184 = arith.addf %add3A_176, %mul3A_183 : vector<16xf32>
          %get3A_185 = arith.index_cast %add3A_98 : i32 to index
          %get3A_186 = arith.constant 176 : index
          %get3A_187 = tpu.vector_load %arg15[%get3A_185, %get3A_186] {strides = array<i32>} : memref<64x256xf32, #tpu.memory_space<vmem>>, vector<16xf32>,
          %get3A_188 = arith.index_cast %add3A_98 : i32 to index
          %get3A_189 = arith.constant 176 : index
          %get3A_190 = tpu.vector_load %arg16[%get3A_188, %get3A_189] {strides = array<i32>} : memref<64x256xf32, #tpu.memory_space<vmem>>, vector<16xf32>,
          %mul3A_191 = arith.mulf %get3A_187, %get3A_190 : vector<16xf32>
          %add3A_192 = arith.addf %add3A_184, %mul3A_191 : vector<16xf32>
          %get3A_193 = arith.index_cast %add3A_98 : i32 to index
          %get3A_194 = arith.constant 192 : index
          %get3A_195 = tpu.vector_load %arg15[%get3A_193, %get3A_194] {strides = array<i32>} : memref<64x256xf32, #tpu.memory_space<vmem>>, vector<16xf32>,
          %get3A_196 = arith.index_cast %add3A_98 : i32 to index
          %get3A_197 = arith.constant 192 : index
          %get3A_198 = tpu.vector_load %arg16[%get3A_196, %get3A_197] {strides = array<i32>} : memref<64x256xf32, #tpu.memory_space<vmem>>, vector<16xf32>,
          %mul3A_199 = arith.mulf %get3A_195, %get3A_198 : vector<16xf32>
          %add3A_200 = arith.addf %add3A_192, %mul3A_199 : vector<16xf32>
          %get3A_201 = arith.index_cast %add3A_98 : i32 to index
          %get3A_202 = arith.constant 208 : index
          %get3A_203 = tpu.vector_load %arg15[%get3A_201, %get3A_202] {strides = array<i32>} : memref<64x256xf32, #tpu.memory_space<vmem>>, vector<16xf32>,
          %get3A_204 = arith.index_cast %add3A_98 : i32 to index
          %get3A_205 = arith.constant 208 : index
          %get3A_206 = tpu.vector_load %arg16[%get3A_204, %get3A_205] {strides = array<i32>} : memref<64x256xf32, #tpu.memory_space<vmem>>, vector<16xf32>,
          %mul3A_207 = arith.mulf %get3A_203, %get3A_206 : vector<16xf32>
          %add3A_208 = arith.addf %add3A_200, %mul3A_207 : vector<16xf32>
          %get3A_209 = arith.index_cast %add3A_98 : i32 to index
          %get3A_210 = arith.constant 224 : index
          %get3A_211 = tpu.vector_load %arg15[%get3A_209, %get3A_210] {strides = array<i32>} : memref<64x256xf32, #tpu.memory_space<vmem>>, vector<16xf32>,
          %get3A_212 = arith.index_cast %add3A_98 : i32 to index
          %get3A_213 = arith.constant 224 : index
          %get3A_214 = tpu.vector_load %arg16[%get3A_212, %get3A_213] {strides = array<i32>} : memref<64x256xf32, #tpu.memory_space<vmem>>, vector<16xf32>,
          %mul3A_215 = arith.mulf %get3A_211, %get3A_214 : vector<16xf32>
          %add3A_216 = arith.addf %add3A_208, %mul3A_215 : vector<16xf32>
          %get3A_217 = arith.index_cast %add3A_98 : i32 to index
          %get3A_218 = arith.constant 240 : index
          %get3A_219 = tpu.vector_load %arg15[%get3A_217, %get3A_218] {strides = array<i32>} : memref<64x256xf32, #tpu.memory_space<vmem>>, vector<16xf32>,
          %get3A_220 = arith.index_cast %add3A_98 : i32 to index
          %get3A_221 = arith.constant 240 : index
          %get3A_222 = tpu.vector_load %arg16[%get3A_220, %get3A_221] {strides = array<i32>} : memref<64x256xf32, #tpu.memory_space<vmem>>, vector<16xf32>,
          %mul3A_223 = arith.mulf %get3A_219, %get3A_222 : vector<16xf32>
          %add3A_224 = arith.addf %add3A_216, %mul3A_223 : vector<16xf32>
          %reduce_sum3A = arith.constant true
          %reduce_sum3A_225 = vector.broadcast %reduce_sum3A : i1 to vector<16xi1>
          %reduce_sum3A_226 = tpu.scan <sum>, %add3A_224 masked %reduce_sum3A_225 : vector<16xf32>, vector<16xi1> -> vector<16xf32>
          %reduce_sum3A_227 = vector.extract %reduce_sum3A_226[15] : f32 from vector<16xf32>
          %jit3A = arith.constant 9.99999997E-7 : f32
          %jit3A_228 = arith.constant 1.000000e+00 : f32
          %max3A = arith.maximumf %jit3A, %reduce_sum3A_227 : f32
          %min3A = arith.minimumf %jit3A_228, %max3A : f32
          %eq3A = vector.broadcast %scan3A_94 : i32 to vector<16xi32>
          %eq3A_229 = arith.cmpi eq, %iota3A, %eq3A : vector<16xi32>
          %broadcast_in_dim3A_230 = vector.broadcast %min3A : f32 to vector<16xf32>
          %select_n3A = arith.select %eq3A_229, %broadcast_in_dim3A_230, %scan3A_95 : vector<16xi1>, vector<16xf32>
          scf.yield %select_n3A : vector<16xf32>
        }
        %scan3A_90 = arith.constant 16 : i32
        %mul3A_91 = arith.constant 16 : i32
        %mul3A_92 = arith.muli %add3A_82, %mul3A_91 : i32
        %swap3A = arith.index_cast %mul3A_92 : i32 to index
        %swap3A_93 = tpu.vector_load %arg21[%swap3A] {strides = array<i32>} : memref<64xf32, #tpu.memory_space<vmem>>, vector<16xf32>,
        tpu.vector_store %arg21[%swap3A], %scan3A_89 {strides = array<i32>} : memref<64xf32, #tpu.memory_space<vmem>>, vector<16xf32>,
      }
      %scan3A_72 = arith.constant 4 : i32
      %scan3A_73 = arith.constant 0 : i32
      %scan3A_74 = arith.constant 4 : i32
      %scan3A_75 = arith.addi %scan3A_73, %scan3A_74 : i32
      %scan3A_76 = arith.constant 1 : i32
      scf.for %scan3A_78 = %scan3A_73 to %scan3A_75 step %scan3A_76  : i32 {
        %mul3A_79 = arith.constant 1 : i32
        %mul3A_80 = arith.muli %scan3A_78, %mul3A_79 : i32
        %add3A_81 = arith.constant 0 : i32
        %add3A_82 = arith.addi %add3A_81, %mul3A_80 : i32
        %mul3A_83 = arith.constant 16 : i32
        %mul3A_84 = arith.muli %add3A_82, %mul3A_83 : i32
        %get3A = arith.index_cast %mul3A_84 : i32 to index
        %get3A_85 = tpu.vector_load %arg20[%get3A] {strides = array<i32>} : memref<64xi32, #tpu.memory_space<vmem>>, vector<16xi32>,
        %get3A_86 = arith.index_cast %mul3A_84 : i32 to index
        %get3A_87 = tpu.vector_load %arg19[%get3A_86] {strides = array<i32>} : memref<64xi32, #tpu.memory_space<vmem>>, vector<16xi32>,
        %gather3A = tpu.vector_load_idx %arg10[%get3A_85] : memref<10000xf32, #tpu.memory_space<vmem>>[vector<16xi32>], vector<16xf32>,
        %get3A_88 = arith.index_cast %mul3A_84 : i32 to index
        %get3A_89 = tpu.vector_load %arg21[%get3A_88] {strides = array<i32>} : memref<64xf32, #tpu.memory_space<vmem>>, vector<16xf32>,
        %mul3A_90 = arith.mulf %get3A_89, %gather3A : vector<16xf32>
        %swap3A = arith.index_cast %mul3A_84 : i32 to index
        %swap3A_91 = tpu.vector_load %arg22[%swap3A] {strides = array<i32>} : memref<64xf32, #tpu.memory_space<vmem>>, vector<16xf32>,
        tpu.vector_store %arg22[%swap3A], %mul3A_90 {strides = array<i32>} : memref<64xf32, #tpu.memory_space<vmem>>, vector<16xf32>,
        tpu.vector_store_idx %arg11[%get3A_87], %mul3A_90 {add = true} : memref<10000xf32, #tpu.memory_space<vmem>>[vector<16xi32>], vector<16xf32>,
        tpu.vector_store_idx %arg12[%get3A_87], %broadcast_in_dim3A_5 {add = true} : memref<10000xf32, #tpu.memory_space<vmem>>[vector<16xi32>], vector<16xf32>,
      }
      %scan3A_77 = arith.constant 4 : i32
      "tpu.region"() ({
        %run_scoped3A = tpu.sem_alloc : memref<!tpu.dma_semaphore, #tpu.memory_space<semaphore_mem>>
        %dma_start3A_78 = tpu.memref_slice %arg6[%mul3A_67] : memref<160000xf32, #tpu.memory_space<hbm>> -> memref<64xf32, #tpu.memory_space<hbm>>
        %dma_start3A_79 = tpu.memref_slice %arg6[%mul3A_67] : memref<160000xf32, #tpu.memory_space<hbm>> -> memref<64xf32, #tpu.memory_space<hbm>>
        tpu.enqueue_dma source(%arg21 : memref<64xf32, #tpu.memory_space<vmem>>) target(%dma_start3A_79 : memref<64xf32, #tpu.memory_space<hbm>>) target_semaphore(%run_scoped3A : memref<!tpu.dma_semaphore, #tpu.memory_space<semaphore_mem>>)
        %dma_wait3A_80 = tpu.memref_slice %arg6[%mul3A_67] : memref<160000xf32, #tpu.memory_space<hbm>> -> memref<64xf32, #tpu.memory_space<hbm>>
        %dma_wait3A_81 = tpu.memref_slice %arg6[%mul3A_67] : memref<160000xf32, #tpu.memory_space<hbm>> -> memref<64xf32, #tpu.memory_space<hbm>>
        tpu.wait_dma2 semaphore(%run_scoped3A : memref<!tpu.dma_semaphore, #tpu.memory_space<semaphore_mem>>) src(%arg21 : memref<64xf32, #tpu.memory_space<vmem>>) dst(%dma_wait3A_81 : memref<64xf32, #tpu.memory_space<hbm>>)
        tpu.yield
      }) : () -> ()
      "tpu.region"() ({
        %run_scoped3A = tpu.sem_alloc : memref<!tpu.dma_semaphore, #tpu.memory_space<semaphore_mem>>
        %dma_start3A_78 = tpu.memref_slice %arg7[%mul3A_67] : memref<160000xf32, #tpu.memory_space<hbm>> -> memref<64xf32, #tpu.memory_space<hbm>>
        %dma_start3A_79 = tpu.memref_slice %arg7[%mul3A_67] : memref<160000xf32, #tpu.memory_space<hbm>> -> memref<64xf32, #tpu.memory_space<hbm>>
        tpu.enqueue_dma source(%arg22 : memref<64xf32, #tpu.memory_space<vmem>>) target(%dma_start3A_79 : memref<64xf32, #tpu.memory_space<hbm>>) target_semaphore(%run_scoped3A : memref<!tpu.dma_semaphore, #tpu.memory_space<semaphore_mem>>)
        %dma_wait3A_80 = tpu.memref_slice %arg7[%mul3A_67] : memref<160000xf32, #tpu.memory_space<hbm>> -> memref<64xf32, #tpu.memory_space<hbm>>
        %dma_wait3A_81 = tpu.memref_slice %arg7[%mul3A_67] : memref<160000xf32, #tpu.memory_space<hbm>> -> memref<64xf32, #tpu.memory_space<hbm>>
        tpu.wait_dma2 semaphore(%run_scoped3A : memref<!tpu.dma_semaphore, #tpu.memory_space<semaphore_mem>>) src(%arg22 : memref<64xf32, #tpu.memory_space<vmem>>) dst(%dma_wait3A_81 : memref<64xf32, #tpu.memory_space<hbm>>)
        tpu.yield
      }) : () -> ()
    }
    %scan3A_17 = arith.constant 39 : i32
    %lt3A = arith.constant 4 : i32
    %lt3A_18 = arith.cmpi slt, %add3A, %lt3A : i32
    %convert_element_type3A = arith.extui %lt3A_18 : i1 to i32
    %cond3A = arith.constant 0 : i32
    %cond3A_19 = arith.cmpi ne, %convert_element_type3A, %cond3A : i32
    scf.if %cond3A_19 {
      %add3A_20 = arith.constant 2496 : i32
      %add3A_21 = arith.addi %add3A_20, %add3A : i32
      %mul3A_22 = arith.constant 64 : i32
      %mul3A_23 = arith.muli %add3A_21, %mul3A_22 : i32
      "tpu.region"() ({
        %run_scoped3A = tpu.sem_alloc : memref<!tpu.dma_semaphore, #tpu.memory_space<semaphore_mem>>
        %dma_start3A_47 = tpu.memref_slice %arg3[%mul3A_23] : memref<160000xi32, #tpu.memory_space<hbm>> -> memref<64xi32, #tpu.memory_space<hbm>>
        %dma_start3A_48 = tpu.memref_slice %arg3[%mul3A_23] : memref<160000xi32, #tpu.memory_space<hbm>> -> memref<64xi32, #tpu.memory_space<hbm>>
        tpu.enqueue_dma source(%dma_start3A_48 : memref<64xi32, #tpu.memory_space<hbm>>) target(%arg17 : memref<64xi32, #tpu.memory_space<vmem>>) target_semaphore(%run_scoped3A : memref<!tpu.dma_semaphore, #tpu.memory_space<semaphore_mem>>)
        %dma_wait3A_49 = tpu.memref_slice %arg3[%mul3A_23] : memref<160000xi32, #tpu.memory_space<hbm>> -> memref<64xi32, #tpu.memory_space<hbm>>
        %dma_wait3A_50 = tpu.memref_slice %arg3[%mul3A_23] : memref<160000xi32, #tpu.memory_space<hbm>> -> memref<64xi32, #tpu.memory_space<hbm>>
        tpu.wait_dma2 semaphore(%run_scoped3A : memref<!tpu.dma_semaphore, #tpu.memory_space<semaphore_mem>>) src(%dma_wait3A_50 : memref<64xi32, #tpu.memory_space<hbm>>) dst(%arg17 : memref<64xi32, #tpu.memory_space<vmem>>)
        tpu.yield
      }) : () -> ()
      "tpu.region"() ({
        %run_scoped3A = tpu.sem_alloc : memref<!tpu.dma_semaphore, #tpu.memory_space<semaphore_mem>>
        %dma_start3A_47 = tpu.memref_slice %arg4[%mul3A_23] : memref<160000xi32, #tpu.memory_space<hbm>> -> memref<64xi32, #tpu.memory_space<hbm>>
        %dma_start3A_48 = tpu.memref_slice %arg4[%mul3A_23] : memref<160000xi32, #tpu.memory_space<hbm>> -> memref<64xi32, #tpu.memory_space<hbm>>
        tpu.enqueue_dma source(%dma_start3A_48 : memref<64xi32, #tpu.memory_space<hbm>>) target(%arg18 : memref<64xi32, #tpu.memory_space<vmem>>) target_semaphore(%run_scoped3A : memref<!tpu.dma_semaphore, #tpu.memory_space<semaphore_mem>>)
        %dma_wait3A_49 = tpu.memref_slice %arg4[%mul3A_23] : memref<160000xi32, #tpu.memory_space<hbm>> -> memref<64xi32, #tpu.memory_space<hbm>>
        %dma_wait3A_50 = tpu.memref_slice %arg4[%mul3A_23] : memref<160000xi32, #tpu.memory_space<hbm>> -> memref<64xi32, #tpu.memory_space<hbm>>
        tpu.wait_dma2 semaphore(%run_scoped3A : memref<!tpu.dma_semaphore, #tpu.memory_space<semaphore_mem>>) src(%dma_wait3A_50 : memref<64xi32, #tpu.memory_space<hbm>>) dst(%arg18 : memref<64xi32, #tpu.memory_space<vmem>>)
        tpu.yield
      }) : () -> ()
      %dma_start3A_24 = arith.constant 0 : i32
      %dma_start3A_25 = arith.constant 0 : i32
      %dma_start3A_26 = tpu.memref_slice %arg2[%dma_start3A_24, %dma_start3A_25] : memref<10000x256xf32, #tpu.memory_space<hbm>> -> memref<10000x256xf32, #tpu.memory_space<hbm>>
      tpu.enqueue_indirect_dma source(%dma_start3A_26 : memref<10000x256xf32, #tpu.memory_space<hbm>>) target(%arg13 : memref<64x256xf32, #tpu.memory_space<vmem>>) offsets(%arg17 : memref<64xi32, #tpu.memory_space<vmem>>) semaphore(%arg23 : memref<!tpu.dma_semaphore, #tpu.memory_space<semaphore_mem>>)
      %dma_start3A_27 = arith.constant 0 : i32
      %dma_start3A_28 = arith.constant 0 : i32
      %dma_start3A_29 = tpu.memref_slice %arg2[%dma_start3A_27, %dma_start3A_28] : memref<10000x256xf32, #tpu.memory_space<hbm>> -> memref<10000x256xf32, #tpu.memory_space<hbm>>
      tpu.enqueue_indirect_dma source(%dma_start3A_29 : memref<10000x256xf32, #tpu.memory_space<hbm>>) target(%arg14 : memref<64x256xf32, #tpu.memory_space<vmem>>) offsets(%arg18 : memref<64xi32, #tpu.memory_space<vmem>>) semaphore(%arg24 : memref<!tpu.dma_semaphore, #tpu.memory_space<semaphore_mem>>)
      %dma_wait3A = arith.constant 0 : i32
      %dma_wait3A_30 = arith.constant 0 : i32
      %dma_wait3A_31 = tpu.memref_slice %arg2[%dma_wait3A, %dma_wait3A_30] : memref<10000x256xf32, #tpu.memory_space<hbm>> -> memref<10000x256xf32, #tpu.memory_space<hbm>>
      tpu.wait_indirect_dma semaphore(%arg23 : memref<!tpu.dma_semaphore, #tpu.memory_space<semaphore_mem>>) src(%dma_wait3A_31 : memref<10000x256xf32, #tpu.memory_space<hbm>>) dst(%arg13 : memref<64x256xf32, #tpu.memory_space<vmem>>)
      %dma_wait3A_32 = arith.constant 0 : i32
      %dma_wait3A_33 = arith.constant 0 : i32
      %dma_wait3A_34 = tpu.memref_slice %arg2[%dma_wait3A_32, %dma_wait3A_33] : memref<10000x256xf32, #tpu.memory_space<hbm>> -> memref<10000x256xf32, #tpu.memory_space<hbm>>
      tpu.wait_indirect_dma semaphore(%arg24 : memref<!tpu.dma_semaphore, #tpu.memory_space<semaphore_mem>>) src(%dma_wait3A_34 : memref<10000x256xf32, #tpu.memory_space<hbm>>) dst(%arg14 : memref<64x256xf32, #tpu.memory_space<vmem>>)
      %mul3A_35 = arith.constant 64 : i32
      %mul3A_36 = arith.muli %add3A_21, %mul3A_35 : i32
      %scan3A_37 = arith.constant 0 : i32
      %scan3A_38 = arith.constant 4 : i32
      %scan3A_39 = arith.addi %scan3A_37, %scan3A_38 : i32
      %scan3A_40 = arith.constant 1 : i32
      scf.for %scan3A_47 = %scan3A_37 to %scan3A_39 step %scan3A_40  : i32 {
        %mul3A_48 = arith.constant 1 : i32
        %mul3A_49 = arith.muli %scan3A_47, %mul3A_48 : i32
        %add3A_50 = arith.constant 0 : i32
        %add3A_51 = arith.addi %add3A_50, %mul3A_49 : i32
        %broadcast_in_dim3A_52 = arith.constant 0.000000e+00 : f32
        %broadcast_in_dim3A_53 = vector.broadcast %broadcast_in_dim3A_52 : f32 to vector<16xf32>
        %scan3A_54 = arith.constant 0 : i32
        %scan3A_55 = arith.constant 16 : i32
        %scan3A_56 = arith.addi %scan3A_54, %scan3A_55 : i32
        %scan3A_57 = arith.constant 1 : i32
        %scan3A_58 = scf.for %scan3A_63 = %scan3A_54 to %scan3A_56 step %scan3A_57 iter_args(%scan3A_64 = %broadcast_in_dim3A_53) -> (vector<16xf32>)  : i32 {
          %mul3A_65 = arith.constant 16 : i32
          %mul3A_66 = arith.muli %add3A_51, %mul3A_65 : i32
          %add3A_67 = arith.addi %mul3A_66, %scan3A_63 : i32
          %get3A = arith.index_cast %add3A_67 : i32 to index
          %get3A_68 = arith.constant 0 : index
          %get3A_69 = tpu.vector_load %arg13[%get3A, %get3A_68] {strides = array<i32>} : memref<64x256xf32, #tpu.memory_space<vmem>>, vector<16xf32>,
          %get3A_70 = arith.index_cast %add3A_67 : i32 to index
          %get3A_71 = arith.constant 0 : index
          %get3A_72 = tpu.vector_load %arg14[%get3A_70, %get3A_71] {strides = array<i32>} : memref<64x256xf32, #tpu.memory_space<vmem>>, vector<16xf32>,
          %mul3A_73 = arith.mulf %get3A_69, %get3A_72 : vector<16xf32>
          %get3A_74 = arith.index_cast %add3A_67 : i32 to index
          %get3A_75 = arith.constant 16 : index
          %get3A_76 = tpu.vector_load %arg13[%get3A_74, %get3A_75] {strides = array<i32>} : memref<64x256xf32, #tpu.memory_space<vmem>>, vector<16xf32>,
          %get3A_77 = arith.index_cast %add3A_67 : i32 to index
          %get3A_78 = arith.constant 16 : index
          %get3A_79 = tpu.vector_load %arg14[%get3A_77, %get3A_78] {strides = array<i32>} : memref<64x256xf32, #tpu.memory_space<vmem>>, vector<16xf32>,
          %mul3A_80 = arith.mulf %get3A_76, %get3A_79 : vector<16xf32>
          %add3A_81 = arith.addf %mul3A_73, %mul3A_80 : vector<16xf32>
          %get3A_82 = arith.index_cast %add3A_67 : i32 to index
          %get3A_83 = arith.constant 32 : index
          %get3A_84 = tpu.vector_load %arg13[%get3A_82, %get3A_83] {strides = array<i32>} : memref<64x256xf32, #tpu.memory_space<vmem>>, vector<16xf32>,
          %get3A_85 = arith.index_cast %add3A_67 : i32 to index
          %get3A_86 = arith.constant 32 : index
          %get3A_87 = tpu.vector_load %arg14[%get3A_85, %get3A_86] {strides = array<i32>} : memref<64x256xf32, #tpu.memory_space<vmem>>, vector<16xf32>,
          %mul3A_88 = arith.mulf %get3A_84, %get3A_87 : vector<16xf32>
          %add3A_89 = arith.addf %add3A_81, %mul3A_88 : vector<16xf32>
          %get3A_90 = arith.index_cast %add3A_67 : i32 to index
          %get3A_91 = arith.constant 48 : index
          %get3A_92 = tpu.vector_load %arg13[%get3A_90, %get3A_91] {strides = array<i32>} : memref<64x256xf32, #tpu.memory_space<vmem>>, vector<16xf32>,
          %get3A_93 = arith.index_cast %add3A_67 : i32 to index
          %get3A_94 = arith.constant 48 : index
          %get3A_95 = tpu.vector_load %arg14[%get3A_93, %get3A_94] {strides = array<i32>} : memref<64x256xf32, #tpu.memory_space<vmem>>, vector<16xf32>,
          %mul3A_96 = arith.mulf %get3A_92, %get3A_95 : vector<16xf32>
          %add3A_97 = arith.addf %add3A_89, %mul3A_96 : vector<16xf32>
          %get3A_98 = arith.index_cast %add3A_67 : i32 to index
          %get3A_99 = arith.constant 64 : index
          %get3A_100 = tpu.vector_load %arg13[%get3A_98, %get3A_99] {strides = array<i32>} : memref<64x256xf32, #tpu.memory_space<vmem>>, vector<16xf32>,
          %get3A_101 = arith.index_cast %add3A_67 : i32 to index
          %get3A_102 = arith.constant 64 : index
          %get3A_103 = tpu.vector_load %arg14[%get3A_101, %get3A_102] {strides = array<i32>} : memref<64x256xf32, #tpu.memory_space<vmem>>, vector<16xf32>,
          %mul3A_104 = arith.mulf %get3A_100, %get3A_103 : vector<16xf32>
          %add3A_105 = arith.addf %add3A_97, %mul3A_104 : vector<16xf32>
          %get3A_106 = arith.index_cast %add3A_67 : i32 to index
          %get3A_107 = arith.constant 80 : index
          %get3A_108 = tpu.vector_load %arg13[%get3A_106, %get3A_107] {strides = array<i32>} : memref<64x256xf32, #tpu.memory_space<vmem>>, vector<16xf32>,
          %get3A_109 = arith.index_cast %add3A_67 : i32 to index
          %get3A_110 = arith.constant 80 : index
          %get3A_111 = tpu.vector_load %arg14[%get3A_109, %get3A_110] {strides = array<i32>} : memref<64x256xf32, #tpu.memory_space<vmem>>, vector<16xf32>,
          %mul3A_112 = arith.mulf %get3A_108, %get3A_111 : vector<16xf32>
          %add3A_113 = arith.addf %add3A_105, %mul3A_112 : vector<16xf32>
          %get3A_114 = arith.index_cast %add3A_67 : i32 to index
          %get3A_115 = arith.constant 96 : index
          %get3A_116 = tpu.vector_load %arg13[%get3A_114, %get3A_115] {strides = array<i32>} : memref<64x256xf32, #tpu.memory_space<vmem>>, vector<16xf32>,
          %get3A_117 = arith.index_cast %add3A_67 : i32 to index
          %get3A_118 = arith.constant 96 : index
          %get3A_119 = tpu.vector_load %arg14[%get3A_117, %get3A_118] {strides = array<i32>} : memref<64x256xf32, #tpu.memory_space<vmem>>, vector<16xf32>,
          %mul3A_120 = arith.mulf %get3A_116, %get3A_119 : vector<16xf32>
          %add3A_121 = arith.addf %add3A_113, %mul3A_120 : vector<16xf32>
          %get3A_122 = arith.index_cast %add3A_67 : i32 to index
          %get3A_123 = arith.constant 112 : index
          %get3A_124 = tpu.vector_load %arg13[%get3A_122, %get3A_123] {strides = array<i32>} : memref<64x256xf32, #tpu.memory_space<vmem>>, vector<16xf32>,
          %get3A_125 = arith.index_cast %add3A_67 : i32 to index
          %get3A_126 = arith.constant 112 : index
          %get3A_127 = tpu.vector_load %arg14[%get3A_125, %get3A_126] {strides = array<i32>} : memref<64x256xf32, #tpu.memory_space<vmem>>, vector<16xf32>,
          %mul3A_128 = arith.mulf %get3A_124, %get3A_127 : vector<16xf32>
          %add3A_129 = arith.addf %add3A_121, %mul3A_128 : vector<16xf32>
          %get3A_130 = arith.index_cast %add3A_67 : i32 to index
          %get3A_131 = arith.constant 128 : index
          %get3A_132 = tpu.vector_load %arg13[%get3A_130, %get3A_131] {strides = array<i32>} : memref<64x256xf32, #tpu.memory_space<vmem>>, vector<16xf32>,
          %get3A_133 = arith.index_cast %add3A_67 : i32 to index
          %get3A_134 = arith.constant 128 : index
          %get3A_135 = tpu.vector_load %arg14[%get3A_133, %get3A_134] {strides = array<i32>} : memref<64x256xf32, #tpu.memory_space<vmem>>, vector<16xf32>,
          %mul3A_136 = arith.mulf %get3A_132, %get3A_135 : vector<16xf32>
          %add3A_137 = arith.addf %add3A_129, %mul3A_136 : vector<16xf32>
          %get3A_138 = arith.index_cast %add3A_67 : i32 to index
          %get3A_139 = arith.constant 144 : index
          %get3A_140 = tpu.vector_load %arg13[%get3A_138, %get3A_139] {strides = array<i32>} : memref<64x256xf32, #tpu.memory_space<vmem>>, vector<16xf32>,
          %get3A_141 = arith.index_cast %add3A_67 : i32 to index
          %get3A_142 = arith.constant 144 : index
          %get3A_143 = tpu.vector_load %arg14[%get3A_141, %get3A_142] {strides = array<i32>} : memref<64x256xf32, #tpu.memory_space<vmem>>, vector<16xf32>,
          %mul3A_144 = arith.mulf %get3A_140, %get3A_143 : vector<16xf32>
          %add3A_145 = arith.addf %add3A_137, %mul3A_144 : vector<16xf32>
          %get3A_146 = arith.index_cast %add3A_67 : i32 to index
          %get3A_147 = arith.constant 160 : index
          %get3A_148 = tpu.vector_load %arg13[%get3A_146, %get3A_147] {strides = array<i32>} : memref<64x256xf32, #tpu.memory_space<vmem>>, vector<16xf32>,
          %get3A_149 = arith.index_cast %add3A_67 : i32 to index
          %get3A_150 = arith.constant 160 : index
          %get3A_151 = tpu.vector_load %arg14[%get3A_149, %get3A_150] {strides = array<i32>} : memref<64x256xf32, #tpu.memory_space<vmem>>, vector<16xf32>,
          %mul3A_152 = arith.mulf %get3A_148, %get3A_151 : vector<16xf32>
          %add3A_153 = arith.addf %add3A_145, %mul3A_152 : vector<16xf32>
          %get3A_154 = arith.index_cast %add3A_67 : i32 to index
          %get3A_155 = arith.constant 176 : index
          %get3A_156 = tpu.vector_load %arg13[%get3A_154, %get3A_155] {strides = array<i32>} : memref<64x256xf32, #tpu.memory_space<vmem>>, vector<16xf32>,
          %get3A_157 = arith.index_cast %add3A_67 : i32 to index
          %get3A_158 = arith.constant 176 : index
          %get3A_159 = tpu.vector_load %arg14[%get3A_157, %get3A_158] {strides = array<i32>} : memref<64x256xf32, #tpu.memory_space<vmem>>, vector<16xf32>,
          %mul3A_160 = arith.mulf %get3A_156, %get3A_159 : vector<16xf32>
          %add3A_161 = arith.addf %add3A_153, %mul3A_160 : vector<16xf32>
          %get3A_162 = arith.index_cast %add3A_67 : i32 to index
          %get3A_163 = arith.constant 192 : index
          %get3A_164 = tpu.vector_load %arg13[%get3A_162, %get3A_163] {strides = array<i32>} : memref<64x256xf32, #tpu.memory_space<vmem>>, vector<16xf32>,
          %get3A_165 = arith.index_cast %add3A_67 : i32 to index
          %get3A_166 = arith.constant 192 : index
          %get3A_167 = tpu.vector_load %arg14[%get3A_165, %get3A_166] {strides = array<i32>} : memref<64x256xf32, #tpu.memory_space<vmem>>, vector<16xf32>,
          %mul3A_168 = arith.mulf %get3A_164, %get3A_167 : vector<16xf32>
          %add3A_169 = arith.addf %add3A_161, %mul3A_168 : vector<16xf32>
          %get3A_170 = arith.index_cast %add3A_67 : i32 to index
          %get3A_171 = arith.constant 208 : index
          %get3A_172 = tpu.vector_load %arg13[%get3A_170, %get3A_171] {strides = array<i32>} : memref<64x256xf32, #tpu.memory_space<vmem>>, vector<16xf32>,
          %get3A_173 = arith.index_cast %add3A_67 : i32 to index
          %get3A_174 = arith.constant 208 : index
          %get3A_175 = tpu.vector_load %arg14[%get3A_173, %get3A_174] {strides = array<i32>} : memref<64x256xf32, #tpu.memory_space<vmem>>, vector<16xf32>,
          %mul3A_176 = arith.mulf %get3A_172, %get3A_175 : vector<16xf32>
          %add3A_177 = arith.addf %add3A_169, %mul3A_176 : vector<16xf32>
          %get3A_178 = arith.index_cast %add3A_67 : i32 to index
          %get3A_179 = arith.constant 224 : index
          %get3A_180 = tpu.vector_load %arg13[%get3A_178, %get3A_179] {strides = array<i32>} : memref<64x256xf32, #tpu.memory_space<vmem>>, vector<16xf32>,
          %get3A_181 = arith.index_cast %add3A_67 : i32 to index
          %get3A_182 = arith.constant 224 : index
          %get3A_183 = tpu.vector_load %arg14[%get3A_181, %get3A_182] {strides = array<i32>} : memref<64x256xf32, #tpu.memory_space<vmem>>, vector<16xf32>,
          %mul3A_184 = arith.mulf %get3A_180, %get3A_183 : vector<16xf32>
          %add3A_185 = arith.addf %add3A_177, %mul3A_184 : vector<16xf32>
          %get3A_186 = arith.index_cast %add3A_67 : i32 to index
          %get3A_187 = arith.constant 240 : index
          %get3A_188 = tpu.vector_load %arg13[%get3A_186, %get3A_187] {strides = array<i32>} : memref<64x256xf32, #tpu.memory_space<vmem>>, vector<16xf32>,
          %get3A_189 = arith.index_cast %add3A_67 : i32 to index
          %get3A_190 = arith.constant 240 : index
          %get3A_191 = tpu.vector_load %arg14[%get3A_189, %get3A_190] {strides = array<i32>} : memref<64x256xf32, #tpu.memory_space<vmem>>, vector<16xf32>,
          %mul3A_192 = arith.mulf %get3A_188, %get3A_191 : vector<16xf32>
          %add3A_193 = arith.addf %add3A_185, %mul3A_192 : vector<16xf32>
          %reduce_sum3A = arith.constant true
          %reduce_sum3A_194 = vector.broadcast %reduce_sum3A : i1 to vector<16xi1>
          %reduce_sum3A_195 = tpu.scan <sum>, %add3A_193 masked %reduce_sum3A_194 : vector<16xf32>, vector<16xi1> -> vector<16xf32>
          %reduce_sum3A_196 = vector.extract %reduce_sum3A_195[15] : f32 from vector<16xf32>
          %jit3A = arith.constant 9.99999997E-7 : f32
          %jit3A_197 = arith.constant 1.000000e+00 : f32
          %max3A = arith.maximumf %jit3A, %reduce_sum3A_196 : f32
          %min3A = arith.minimumf %jit3A_197, %max3A : f32
          %eq3A = vector.broadcast %scan3A_63 : i32 to vector<16xi32>
          %eq3A_198 = arith.cmpi eq, %iota3A, %eq3A : vector<16xi32>
          %broadcast_in_dim3A_199 = vector.broadcast %min3A : f32 to vector<16xf32>
          %select_n3A = arith.select %eq3A_198, %broadcast_in_dim3A_199, %scan3A_64 : vector<16xi1>, vector<16xf32>
          scf.yield %select_n3A : vector<16xf32>
        }
        %scan3A_59 = arith.constant 16 : i32
        %mul3A_60 = arith.constant 16 : i32
        %mul3A_61 = arith.muli %add3A_51, %mul3A_60 : i32
        %swap3A = arith.index_cast %mul3A_61 : i32 to index
        %swap3A_62 = tpu.vector_load %arg21[%swap3A] {strides = array<i32>} : memref<64xf32, #tpu.memory_space<vmem>>, vector<16xf32>,
        tpu.vector_store %arg21[%swap3A], %scan3A_58 {strides = array<i32>} : memref<64xf32, #tpu.memory_space<vmem>>, vector<16xf32>,
      }
      %scan3A_41 = arith.constant 4 : i32
      %scan3A_42 = arith.constant 0 : i32
      %scan3A_43 = arith.constant 4 : i32
      %scan3A_44 = arith.addi %scan3A_42, %scan3A_43 : i32
      %scan3A_45 = arith.constant 1 : i32
      scf.for %scan3A_47 = %scan3A_42 to %scan3A_44 step %scan3A_45  : i32 {
        %mul3A_48 = arith.constant 1 : i32
        %mul3A_49 = arith.muli %scan3A_47, %mul3A_48 : i32
        %add3A_50 = arith.constant 0 : i32
        %add3A_51 = arith.addi %add3A_50, %mul3A_49 : i32
        %mul3A_52 = arith.constant 16 : i32
        %mul3A_53 = arith.muli %add3A_51, %mul3A_52 : i32
        %get3A = arith.index_cast %mul3A_53 : i32 to index
        %get3A_54 = tpu.vector_load %arg18[%get3A] {strides = array<i32>} : memref<64xi32, #tpu.memory_space<vmem>>, vector<16xi32>,
        %get3A_55 = arith.index_cast %mul3A_53 : i32 to index
        %get3A_56 = tpu.vector_load %arg17[%get3A_55] {strides = array<i32>} : memref<64xi32, #tpu.memory_space<vmem>>, vector<16xi32>,
        %gather3A = tpu.vector_load_idx %arg10[%get3A_54] : memref<10000xf32, #tpu.memory_space<vmem>>[vector<16xi32>], vector<16xf32>,
        %get3A_57 = arith.index_cast %mul3A_53 : i32 to index
        %get3A_58 = tpu.vector_load %arg21[%get3A_57] {strides = array<i32>} : memref<64xf32, #tpu.memory_space<vmem>>, vector<16xf32>,
        %mul3A_59 = arith.mulf %get3A_58, %gather3A : vector<16xf32>
        %swap3A = arith.index_cast %mul3A_53 : i32 to index
        %swap3A_60 = tpu.vector_load %arg22[%swap3A] {strides = array<i32>} : memref<64xf32, #tpu.memory_space<vmem>>, vector<16xf32>,
        tpu.vector_store %arg22[%swap3A], %mul3A_59 {strides = array<i32>} : memref<64xf32, #tpu.memory_space<vmem>>, vector<16xf32>,
        tpu.vector_store_idx %arg11[%get3A_56], %mul3A_59 {add = true} : memref<10000xf32, #tpu.memory_space<vmem>>[vector<16xi32>], vector<16xf32>,
        tpu.vector_store_idx %arg12[%get3A_56], %broadcast_in_dim3A_5 {add = true} : memref<10000xf32, #tpu.memory_space<vmem>>[vector<16xi32>], vector<16xf32>,
      }
      %scan3A_46 = arith.constant 4 : i32
      "tpu.region"() ({
        %run_scoped3A = tpu.sem_alloc : memref<!tpu.dma_semaphore, #tpu.memory_space<semaphore_mem>>
        %dma_start3A_47 = tpu.memref_slice %arg6[%mul3A_36] : memref<160000xf32, #tpu.memory_space<hbm>> -> memref<64xf32, #tpu.memory_space<hbm>>
        %dma_start3A_48 = tpu.memref_slice %arg6[%mul3A_36] : memref<160000xf32, #tpu.memory_space<hbm>> -> memref<64xf32, #tpu.memory_space<hbm>>
        tpu.enqueue_dma source(%arg21 : memref<64xf32, #tpu.memory_space<vmem>>) target(%dma_start3A_48 : memref<64xf32, #tpu.memory_space<hbm>>) target_semaphore(%run_scoped3A : memref<!tpu.dma_semaphore, #tpu.memory_space<semaphore_mem>>)
        %dma_wait3A_49 = tpu.memref_slice %arg6[%mul3A_36] : memref<160000xf32, #tpu.memory_space<hbm>> -> memref<64xf32, #tpu.memory_space<hbm>>
        %dma_wait3A_50 = tpu.memref_slice %arg6[%mul3A_36] : memref<160000xf32, #tpu.memory_space<hbm>> -> memref<64xf32, #tpu.memory_space<hbm>>
        tpu.wait_dma2 semaphore(%run_scoped3A : memref<!tpu.dma_semaphore, #tpu.memory_space<semaphore_mem>>) src(%arg21 : memref<64xf32, #tpu.memory_space<vmem>>) dst(%dma_wait3A_50 : memref<64xf32, #tpu.memory_space<hbm>>)
        tpu.yield
      }) : () -> ()
      "tpu.region"() ({
        %run_scoped3A = tpu.sem_alloc : memref<!tpu.dma_semaphore, #tpu.memory_space<semaphore_mem>>
        %dma_start3A_47 = tpu.memref_slice %arg7[%mul3A_36] : memref<160000xf32, #tpu.memory_space<hbm>> -> memref<64xf32, #tpu.memory_space<hbm>>
        %dma_start3A_48 = tpu.memref_slice %arg7[%mul3A_36] : memref<160000xf32, #tpu.memory_space<hbm>> -> memref<64xf32, #tpu.memory_space<hbm>>
        tpu.enqueue_dma source(%arg22 : memref<64xf32, #tpu.memory_space<vmem>>) target(%dma_start3A_48 : memref<64xf32, #tpu.memory_space<hbm>>) target_semaphore(%run_scoped3A : memref<!tpu.dma_semaphore, #tpu.memory_space<semaphore_mem>>)
        %dma_wait3A_49 = tpu.memref_slice %arg7[%mul3A_36] : memref<160000xf32, #tpu.memory_space<hbm>> -> memref<64xf32, #tpu.memory_space<hbm>>
        %dma_wait3A_50 = tpu.memref_slice %arg7[%mul3A_36] : memref<160000xf32, #tpu.memory_space<hbm>> -> memref<64xf32, #tpu.memory_space<hbm>>
        tpu.wait_dma2 semaphore(%run_scoped3A : memref<!tpu.dma_semaphore, #tpu.memory_space<semaphore_mem>>) src(%arg22 : memref<64xf32, #tpu.memory_space<vmem>>) dst(%dma_wait3A_50 : memref<64xf32, #tpu.memory_space<hbm>>)
        tpu.yield
      }) : () -> ()
    } else {
    }
    "tpu.region"() ({
      %run_scoped3A = tpu.sem_alloc : memref<!tpu.dma_semaphore, #tpu.memory_space<semaphore_mem>>
      %dma_start3A_20 = arith.constant 0 : i32
      %dma_start3A_21 = tpu.memref_slice %arg8[%add3A, %dma_start3A_20] : memref<32x10000xf32, #tpu.memory_space<hbm>> -> memref<1x10000xf32, #tpu.memory_space<hbm>>
      %dma_start3A_22 = tpu.memref_squeeze %dma_start3A_21 : memref<1x10000xf32, #tpu.memory_space<hbm>> -> memref<10000xf32, #tpu.memory_space<hbm>>
      %dma_start3A_23 = arith.constant 0 : i32
      %dma_start3A_24 = tpu.memref_slice %arg8[%add3A, %dma_start3A_23] : memref<32x10000xf32, #tpu.memory_space<hbm>> -> memref<1x10000xf32, #tpu.memory_space<hbm>>
      %dma_start3A_25 = tpu.memref_squeeze %dma_start3A_24 : memref<1x10000xf32, #tpu.memory_space<hbm>> -> memref<10000xf32, #tpu.memory_space<hbm>>
      tpu.enqueue_dma source(%arg11 : memref<10000xf32, #tpu.memory_space<vmem>>) target(%dma_start3A_25 : memref<10000xf32, #tpu.memory_space<hbm>>) target_semaphore(%run_scoped3A : memref<!tpu.dma_semaphore, #tpu.memory_space<semaphore_mem>>)
      %dma_wait3A = arith.constant 0 : i32
      %dma_wait3A_26 = tpu.memref_slice %arg8[%add3A, %dma_wait3A] : memref<32x10000xf32, #tpu.memory_space<hbm>> -> memref<1x10000xf32, #tpu.memory_space<hbm>>
      %dma_wait3A_27 = tpu.memref_squeeze %dma_wait3A_26 : memref<1x10000xf32, #tpu.memory_space<hbm>> -> memref<10000xf32, #tpu.memory_space<hbm>>
      %dma_wait3A_28 = arith.constant 0 : i32
      %dma_wait3A_29 = tpu.memref_slice %arg8[%add3A, %dma_wait3A_28] : memref<32x10000xf32, #tpu.memory_space<hbm>> -> memref<1x10000xf32, #tpu.memory_space<hbm>>
      %dma_wait3A_30 = tpu.memref_squeeze %dma_wait3A_29 : memref<1x10000xf32, #tpu.memory_space<hbm>> -> memref<10000xf32, #tpu.memory_space<hbm>>
      tpu.wait_dma2 semaphore(%run_scoped3A : memref<!tpu.dma_semaphore, #tpu.memory_space<semaphore_mem>>) src(%arg11 : memref<10000xf32, #tpu.memory_space<vmem>>) dst(%dma_wait3A_30 : memref<10000xf32, #tpu.memory_space<hbm>>)
      tpu.yield
    }) : () -> ()
    "tpu.region"() ({
      %run_scoped3A = tpu.sem_alloc : memref<!tpu.dma_semaphore, #tpu.memory_space<semaphore_mem>>
      %dma_start3A_20 = arith.constant 0 : i32
      %dma_start3A_21 = tpu.memref_slice %arg9[%add3A, %dma_start3A_20] : memref<32x10000xf32, #tpu.memory_space<hbm>> -> memref<1x10000xf32, #tpu.memory_space<hbm>>
      %dma_start3A_22 = tpu.memref_squeeze %dma_start3A_21 : memref<1x10000xf32, #tpu.memory_space<hbm>> -> memref<10000xf32, #tpu.memory_space<hbm>>
      %dma_start3A_23 = arith.constant 0 : i32
      %dma_start3A_24 = tpu.memref_slice %arg9[%add3A, %dma_start3A_23] : memref<32x10000xf32, #tpu.memory_space<hbm>> -> memref<1x10000xf32, #tpu.memory_space<hbm>>
      %dma_start3A_25 = tpu.memref_squeeze %dma_start3A_24 : memref<1x10000xf32, #tpu.memory_space<hbm>> -> memref<10000xf32, #tpu.memory_space<hbm>>
      tpu.enqueue_dma source(%arg12 : memref<10000xf32, #tpu.memory_space<vmem>>) target(%dma_start3A_25 : memref<10000xf32, #tpu.memory_space<hbm>>) target_semaphore(%run_scoped3A : memref<!tpu.dma_semaphore, #tpu.memory_space<semaphore_mem>>)
      %dma_wait3A = arith.constant 0 : i32
      %dma_wait3A_26 = tpu.memref_slice %arg9[%add3A, %dma_wait3A] : memref<32x10000xf32, #tpu.memory_space<hbm>> -> memref<1x10000xf32, #tpu.memory_space<hbm>>
      %dma_wait3A_27 = tpu.memref_squeeze %dma_wait3A_26 : memref<1x10000xf32, #tpu.memory_space<hbm>> -> memref<10000xf32, #tpu.memory_space<hbm>>
      %dma_wait3A_28 = arith.constant 0 : i32
      %dma_wait3A_29 = tpu.memref_slice %arg9[%add3A, %dma_wait3A_28] : memref<32x10000xf32, #tpu.memory_space<hbm>> -> memref<1x10000xf32, #tpu.memory_space<hbm>>
      %dma_wait3A_30 = tpu.memref_squeeze %dma_wait3A_29 : memref<1x10000xf32, #tpu.memory_space<hbm>> -> memref<10000xf32, #tpu.memory_space<hbm>>
      tpu.wait_dma2 semaphore(%run_scoped3A : memref<!tpu.dma_semaphore, #tpu.memory_space<semaphore_mem>>) src(%arg12 : memref<10000xf32, #tpu.memory_space<vmem>>) dst(%dma_wait3A_30 : memref<10000xf32, #tpu.memory_space<hbm>>)
      tpu.yield
    }) : () -> ()
    return
  }
}

#map = affine_map<(d0, d1) -> (0, 0)>
#map1 = affine_map<(d0, d1) -> (0)>
module attributes {stable_mosaic.version = 14 : i64} {
  func.func @_sc_msg_body(%arg0: i32, %arg1: i32, %arg2: memref<20000x128xf32, #tpu.memory_space<hbm>>, %arg3: memref<160000xf32, #tpu.memory_space<hbm>>, %arg4: memref<160000xf32, #tpu.memory_space<hbm>>, %arg5: memref<10000xf32, #tpu.memory_space<hbm>>, %arg6: memref<160000xi32, #tpu.memory_space<hbm>>, %arg7: memref<160000xi32, #tpu.memory_space<hbm>>, %arg8: memref<10000x128xf32, #tpu.memory_space<hbm>>, %arg9: memref<10000x128xf32, #tpu.memory_space<hbm>>, %arg10: memref<160000xf32, #tpu.memory_space<hbm>>, %arg11: memref<10000x128xf32, #tpu.memory_space<vmem_shared>>, %arg12: memref<104x128xf32, #tpu.memory_space<vmem>>, %arg13: memref<10000xf32, #tpu.memory_space<vmem>>, %arg14: memref<64x128xf32, #tpu.memory_space<vmem>>, %arg15: memref<64xi32, #tpu.memory_space<vmem>>, %arg16: memref<64xi32, #tpu.memory_space<vmem>>, %arg17: memref<64xi32, #tpu.memory_space<vmem>>, %arg18: memref<64x128xf32, #tpu.memory_space<vmem>>, %arg19: memref<64xi32, #tpu.memory_space<vmem>>, %arg20: memref<64xi32, #tpu.memory_space<vmem>>, %arg21: memref<64xi32, #tpu.memory_space<vmem>>, %arg22: memref<64xf32, #tpu.memory_space<vmem>>, %arg23: memref<64xf32, #tpu.memory_space<vmem>>, %arg24: memref<64xf32, #tpu.memory_space<vmem>>, %arg25: memref<!tpu.dma_semaphore, #tpu.memory_space<semaphore_mem>>, %arg26: memref<!tpu.dma_semaphore, #tpu.memory_space<semaphore_mem>>, %arg27: memref<!tpu.dma_semaphore, #tpu.memory_space<semaphore_mem>>, %arg28: memref<!tpu.dma_semaphore, #tpu.memory_space<semaphore_mem>>) attributes {dimension_semantics = [#tpu.dimension_semantics<core_parallel>, #tpu.dimension_semantics<subcore_parallel>], iteration_bounds = array<i64: 2, 16>, scalar_prefetch = 0 : i64, scratch_operands = 18 : i64, tpu.core_type = #tpu.core_type<sc_vector_subcore>, window_params = [{transform_indices = #map}, {transform_indices = #map1}, {transform_indices = #map1}, {transform_indices = #map1}, {transform_indices = #map1}, {transform_indices = #map1}, {transform_indices = #map}, {transform_indices = #map}, {transform_indices = #map1}]} {
    %scan3A = arith.constant 0 : i32
    %scan3A_0 = arith.constant 104 : i32
    %scan3A_1 = arith.addi %scan3A, %scan3A_0 : i32
    %scan3A_2 = arith.constant 1 : i32
    scf.for %scan3A_48 = %scan3A to %scan3A_1 step %scan3A_2  : i32 {
      %mul3A_49 = arith.constant 1 : i32
      %mul3A_50 = arith.muli %scan3A_48, %mul3A_49 : i32
      %add3A = arith.constant 0 : i32
      %add3A_51 = arith.addi %add3A, %mul3A_50 : i32
      %broadcast_in_dim3A = arith.constant 0.000000e+00 : f32
      %broadcast_in_dim3A_52 = vector.broadcast %broadcast_in_dim3A : f32 to vector<16xf32>
      %swap3A = arith.index_cast %add3A_51 : i32 to index
      %swap3A_53 = arith.constant 0 : index
      %swap3A_54 = tpu.vector_load %arg12[%swap3A, %swap3A_53] {strides = array<i32>} : memref<104x128xf32, #tpu.memory_space<vmem>>, vector<16xf32>,
      tpu.vector_store %arg12[%swap3A, %swap3A_53], %broadcast_in_dim3A_52 {strides = array<i32>} : memref<104x128xf32, #tpu.memory_space<vmem>>, vector<16xf32>,
      %broadcast_in_dim3A_55 = arith.constant 0.000000e+00 : f32
      %broadcast_in_dim3A_56 = vector.broadcast %broadcast_in_dim3A_55 : f32 to vector<16xf32>
      %swap3A_57 = arith.index_cast %add3A_51 : i32 to index
      %swap3A_58 = arith.constant 16 : index
      %swap3A_59 = tpu.vector_load %arg12[%swap3A_57, %swap3A_58] {strides = array<i32>} : memref<104x128xf32, #tpu.memory_space<vmem>>, vector<16xf32>,
      tpu.vector_store %arg12[%swap3A_57, %swap3A_58], %broadcast_in_dim3A_56 {strides = array<i32>} : memref<104x128xf32, #tpu.memory_space<vmem>>, vector<16xf32>,
      %broadcast_in_dim3A_60 = arith.constant 0.000000e+00 : f32
      %broadcast_in_dim3A_61 = vector.broadcast %broadcast_in_dim3A_60 : f32 to vector<16xf32>
      %swap3A_62 = arith.index_cast %add3A_51 : i32 to index
      %swap3A_63 = arith.constant 32 : index
      %swap3A_64 = tpu.vector_load %arg12[%swap3A_62, %swap3A_63] {strides = array<i32>} : memref<104x128xf32, #tpu.memory_space<vmem>>, vector<16xf32>,
      tpu.vector_store %arg12[%swap3A_62, %swap3A_63], %broadcast_in_dim3A_61 {strides = array<i32>} : memref<104x128xf32, #tpu.memory_space<vmem>>, vector<16xf32>,
      %broadcast_in_dim3A_65 = arith.constant 0.000000e+00 : f32
      %broadcast_in_dim3A_66 = vector.broadcast %broadcast_in_dim3A_65 : f32 to vector<16xf32>
      %swap3A_67 = arith.index_cast %add3A_51 : i32 to index
      %swap3A_68 = arith.constant 48 : index
      %swap3A_69 = tpu.vector_load %arg12[%swap3A_67, %swap3A_68] {strides = array<i32>} : memref<104x128xf32, #tpu.memory_space<vmem>>, vector<16xf32>,
      tpu.vector_store %arg12[%swap3A_67, %swap3A_68], %broadcast_in_dim3A_66 {strides = array<i32>} : memref<104x128xf32, #tpu.memory_space<vmem>>, vector<16xf32>,
      %broadcast_in_dim3A_70 = arith.constant 0.000000e+00 : f32
      %broadcast_in_dim3A_71 = vector.broadcast %broadcast_in_dim3A_70 : f32 to vector<16xf32>
      %swap3A_72 = arith.index_cast %add3A_51 : i32 to index
      %swap3A_73 = arith.constant 64 : index
      %swap3A_74 = tpu.vector_load %arg12[%swap3A_72, %swap3A_73] {strides = array<i32>} : memref<104x128xf32, #tpu.memory_space<vmem>>, vector<16xf32>,
      tpu.vector_store %arg12[%swap3A_72, %swap3A_73], %broadcast_in_dim3A_71 {strides = array<i32>} : memref<104x128xf32, #tpu.memory_space<vmem>>, vector<16xf32>,
      %broadcast_in_dim3A_75 = arith.constant 0.000000e+00 : f32
      %broadcast_in_dim3A_76 = vector.broadcast %broadcast_in_dim3A_75 : f32 to vector<16xf32>
      %swap3A_77 = arith.index_cast %add3A_51 : i32 to index
      %swap3A_78 = arith.constant 80 : index
      %swap3A_79 = tpu.vector_load %arg12[%swap3A_77, %swap3A_78] {strides = array<i32>} : memref<104x128xf32, #tpu.memory_space<vmem>>, vector<16xf32>,
      tpu.vector_store %arg12[%swap3A_77, %swap3A_78], %broadcast_in_dim3A_76 {strides = array<i32>} : memref<104x128xf32, #tpu.memory_space<vmem>>, vector<16xf32>,
      %broadcast_in_dim3A_80 = arith.constant 0.000000e+00 : f32
      %broadcast_in_dim3A_81 = vector.broadcast %broadcast_in_dim3A_80 : f32 to vector<16xf32>
      %swap3A_82 = arith.index_cast %add3A_51 : i32 to index
      %swap3A_83 = arith.constant 96 : index
      %swap3A_84 = tpu.vector_load %arg12[%swap3A_82, %swap3A_83] {strides = array<i32>} : memref<104x128xf32, #tpu.memory_space<vmem>>, vector<16xf32>,
      tpu.vector_store %arg12[%swap3A_82, %swap3A_83], %broadcast_in_dim3A_81 {strides = array<i32>} : memref<104x128xf32, #tpu.memory_space<vmem>>, vector<16xf32>,
      %broadcast_in_dim3A_85 = arith.constant 0.000000e+00 : f32
      %broadcast_in_dim3A_86 = vector.broadcast %broadcast_in_dim3A_85 : f32 to vector<16xf32>
      %swap3A_87 = arith.index_cast %add3A_51 : i32 to index
      %swap3A_88 = arith.constant 112 : index
      %swap3A_89 = tpu.vector_load %arg12[%swap3A_87, %swap3A_88] {strides = array<i32>} : memref<104x128xf32, #tpu.memory_space<vmem>>, vector<16xf32>,
      tpu.vector_store %arg12[%swap3A_87, %swap3A_88], %broadcast_in_dim3A_86 {strides = array<i32>} : memref<104x128xf32, #tpu.memory_space<vmem>>, vector<16xf32>,
    }
    %scan3A_3 = arith.constant 104 : i32
    %scan3A_4 = arith.constant 0 : i32
    %scan3A_5 = arith.constant 6 : i32
    %scan3A_6 = arith.addi %scan3A_4, %scan3A_5 : i32
    %scan3A_7 = arith.constant 1 : i32
    scf.for %scan3A_48 = %scan3A_4 to %scan3A_6 step %scan3A_7  : i32 {
      %mul3A_49 = arith.constant 1 : i32
      %mul3A_50 = arith.muli %scan3A_48, %mul3A_49 : i32
      %add3A = arith.constant 0 : i32
      %add3A_51 = arith.addi %add3A, %mul3A_50 : i32
      %mul3A_52 = arith.constant 624 : i32
      %mul3A_53 = arith.muli %arg1, %mul3A_52 : i32
      %mul3A_54 = arith.constant 104 : i32
      %mul3A_55 = arith.muli %add3A_51, %mul3A_54 : i32
      %add3A_56 = arith.addi %mul3A_53, %mul3A_55 : i32
      "tpu.region"() ({
        %run_scoped3A = tpu.sem_alloc : memref<!tpu.dma_semaphore, #tpu.memory_space<semaphore_mem>>
        %dma_start3A_57 = arith.constant 0 : i32
        %dma_start3A_58 = tpu.memref_slice %arg11[%add3A_56, %dma_start3A_57] : memref<10000x128xf32, #tpu.memory_space<vmem_shared>> -> memref<104x128xf32, #tpu.memory_space<vmem_shared>>
        %dma_start3A_59 = arith.constant 0 : i32
        %dma_start3A_60 = tpu.memref_slice %arg11[%add3A_56, %dma_start3A_59] : memref<10000x128xf32, #tpu.memory_space<vmem_shared>> -> memref<104x128xf32, #tpu.memory_space<vmem_shared>>
        tpu.enqueue_dma source(%arg12 : memref<104x128xf32, #tpu.memory_space<vmem>>) target(%dma_start3A_60 : memref<104x128xf32, #tpu.memory_space<vmem_shared>>) target_semaphore(%run_scoped3A : memref<!tpu.dma_semaphore, #tpu.memory_space<semaphore_mem>>)
        %dma_wait3A_61 = arith.constant 0 : i32
        %dma_wait3A_62 = tpu.memref_slice %arg11[%add3A_56, %dma_wait3A_61] : memref<10000x128xf32, #tpu.memory_space<vmem_shared>> -> memref<104x128xf32, #tpu.memory_space<vmem_shared>>
        %dma_wait3A_63 = arith.constant 0 : i32
        %dma_wait3A_64 = tpu.memref_slice %arg11[%add3A_56, %dma_wait3A_63] : memref<10000x128xf32, #tpu.memory_space<vmem_shared>> -> memref<104x128xf32, #tpu.memory_space<vmem_shared>>
        tpu.wait_dma2 semaphore(%run_scoped3A : memref<!tpu.dma_semaphore, #tpu.memory_space<semaphore_mem>>) src(%arg12 : memref<104x128xf32, #tpu.memory_space<vmem>>) dst(%dma_wait3A_64 : memref<104x128xf32, #tpu.memory_space<vmem_shared>>)
        tpu.yield
      }) : () -> ()
    }
    %scan3A_8 = arith.constant 6 : i32
    %eq3A = arith.constant 15 : i32
    %eq3A_9 = arith.cmpi eq, %arg1, %eq3A : i32
    %convert_element_type3A = arith.extui %eq3A_9 : i1 to i32
    %cond3A = arith.constant 0 : i32
    %cond3A_10 = arith.cmpi ne, %convert_element_type3A, %cond3A : i32
    scf.if %cond3A_10 {
      "tpu.region"() ({
        %run_scoped3A = tpu.sem_alloc : memref<!tpu.dma_semaphore, #tpu.memory_space<semaphore_mem>>
        %dma_start3A_48 = arith.constant 0 : i32
        %dma_start3A_49 = arith.constant 0 : i32
        %dma_start3A_50 = tpu.memref_slice %arg12[%dma_start3A_48, %dma_start3A_49] : memref<104x128xf32, #tpu.memory_space<vmem>> -> memref<16x128xf32, #tpu.memory_space<vmem>>
        %dma_start3A_51 = arith.constant 9984 : i32
        %dma_start3A_52 = arith.constant 0 : i32
        %dma_start3A_53 = tpu.memref_slice %arg11[%dma_start3A_51, %dma_start3A_52] : memref<10000x128xf32, #tpu.memory_space<vmem_shared>> -> memref<16x128xf32, #tpu.memory_space<vmem_shared>>
        %dma_start3A_54 = arith.constant 9984 : i32
        %dma_start3A_55 = arith.constant 0 : i32
        %dma_start3A_56 = tpu.memref_slice %arg11[%dma_start3A_54, %dma_start3A_55] : memref<10000x128xf32, #tpu.memory_space<vmem_shared>> -> memref<16x128xf32, #tpu.memory_space<vmem_shared>>
        %dma_start3A_57 = arith.constant 0 : i32
        %dma_start3A_58 = arith.constant 0 : i32
        %dma_start3A_59 = tpu.memref_slice %arg12[%dma_start3A_57, %dma_start3A_58] : memref<104x128xf32, #tpu.memory_space<vmem>> -> memref<16x128xf32, #tpu.memory_space<vmem>>
        tpu.enqueue_dma source(%dma_start3A_59 : memref<16x128xf32, #tpu.memory_space<vmem>>) target(%dma_start3A_56 : memref<16x128xf32, #tpu.memory_space<vmem_shared>>) target_semaphore(%run_scoped3A : memref<!tpu.dma_semaphore, #tpu.memory_space<semaphore_mem>>)
        %dma_wait3A_60 = arith.constant 0 : i32
        %dma_wait3A_61 = arith.constant 0 : i32
        %dma_wait3A_62 = tpu.memref_slice %arg12[%dma_wait3A_60, %dma_wait3A_61] : memref<104x128xf32, #tpu.memory_space<vmem>> -> memref<16x128xf32, #tpu.memory_space<vmem>>
        %dma_wait3A_63 = arith.constant 9984 : i32
        %dma_wait3A_64 = arith.constant 0 : i32
        %dma_wait3A_65 = tpu.memref_slice %arg11[%dma_wait3A_63, %dma_wait3A_64] : memref<10000x128xf32, #tpu.memory_space<vmem_shared>> -> memref<16x128xf32, #tpu.memory_space<vmem_shared>>
        %dma_wait3A_66 = arith.constant 9984 : i32
        %dma_wait3A_67 = arith.constant 0 : i32
        %dma_wait3A_68 = tpu.memref_slice %arg11[%dma_wait3A_66, %dma_wait3A_67] : memref<10000x128xf32, #tpu.memory_space<vmem_shared>> -> memref<16x128xf32, #tpu.memory_space<vmem_shared>>
        %dma_wait3A_69 = arith.constant 0 : i32
        %dma_wait3A_70 = arith.constant 0 : i32
        %dma_wait3A_71 = tpu.memref_slice %arg12[%dma_wait3A_69, %dma_wait3A_70] : memref<104x128xf32, #tpu.memory_space<vmem>> -> memref<16x128xf32, #tpu.memory_space<vmem>>
        tpu.wait_dma2 semaphore(%run_scoped3A : memref<!tpu.dma_semaphore, #tpu.memory_space<semaphore_mem>>) src(%dma_wait3A_71 : memref<16x128xf32, #tpu.memory_space<vmem>>) dst(%dma_wait3A_68 : memref<16x128xf32, #tpu.memory_space<vmem_shared>>)
        tpu.yield
      }) : () -> ()
    } else {
    }
    "tpu.region"() ({
      %run_scoped3A = tpu.sem_alloc : memref<!tpu.dma_semaphore, #tpu.memory_space<semaphore_mem>>
      tpu.enqueue_dma source(%arg5 : memref<10000xf32, #tpu.memory_space<hbm>>) target(%arg13 : memref<10000xf32, #tpu.memory_space<vmem>>) target_semaphore(%run_scoped3A : memref<!tpu.dma_semaphore, #tpu.memory_space<semaphore_mem>>)
      tpu.wait_dma2 semaphore(%run_scoped3A : memref<!tpu.dma_semaphore, #tpu.memory_space<semaphore_mem>>) src(%arg5 : memref<10000xf32, #tpu.memory_space<hbm>>) dst(%arg13 : memref<10000xf32, #tpu.memory_space<vmem>>)
      tpu.yield
    }) : () -> ()
    %barrier3A = arith.constant 0 : index
    tpu.barrier barrier_id(%barrier3A)
    %mul3A = arith.constant 10000 : i32
    %mul3A_11 = arith.muli %arg0, %mul3A : i32
    %iota3A = tpu.iota {dimensions = array<i32: 0>} : vector<16xi32>
    %mul3A_12 = arith.constant 64 : i32
    %mul3A_13 = arith.muli %arg1, %mul3A_12 : i32
    "tpu.region"() ({
      %run_scoped3A = tpu.sem_alloc : memref<!tpu.dma_semaphore, #tpu.memory_space<semaphore_mem>>
      %dma_start3A_48 = tpu.memref_slice %arg6[%mul3A_13] : memref<160000xi32, #tpu.memory_space<hbm>> -> memref<64xi32, #tpu.memory_space<hbm>>
      %dma_start3A_49 = tpu.memref_slice %arg6[%mul3A_13] : memref<160000xi32, #tpu.memory_space<hbm>> -> memref<64xi32, #tpu.memory_space<hbm>>
      tpu.enqueue_dma source(%dma_start3A_49 : memref<64xi32, #tpu.memory_space<hbm>>) target(%arg15 : memref<64xi32, #tpu.memory_space<vmem>>) target_semaphore(%run_scoped3A : memref<!tpu.dma_semaphore, #tpu.memory_space<semaphore_mem>>)
      %dma_wait3A_50 = tpu.memref_slice %arg6[%mul3A_13] : memref<160000xi32, #tpu.memory_space<hbm>> -> memref<64xi32, #tpu.memory_space<hbm>>
      %dma_wait3A_51 = tpu.memref_slice %arg6[%mul3A_13] : memref<160000xi32, #tpu.memory_space<hbm>> -> memref<64xi32, #tpu.memory_space<hbm>>
      tpu.wait_dma2 semaphore(%run_scoped3A : memref<!tpu.dma_semaphore, #tpu.memory_space<semaphore_mem>>) src(%dma_wait3A_51 : memref<64xi32, #tpu.memory_space<hbm>>) dst(%arg15 : memref<64xi32, #tpu.memory_space<vmem>>)
      tpu.yield
    }) : () -> ()
    "tpu.region"() ({
      %run_scoped3A = tpu.sem_alloc : memref<!tpu.dma_semaphore, #tpu.memory_space<semaphore_mem>>
      %dma_start3A_48 = tpu.memref_slice %arg7[%mul3A_13] : memref<160000xi32, #tpu.memory_space<hbm>> -> memref<64xi32, #tpu.memory_space<hbm>>
      %dma_start3A_49 = tpu.memref_slice %arg7[%mul3A_13] : memref<160000xi32, #tpu.memory_space<hbm>> -> memref<64xi32, #tpu.memory_space<hbm>>
      tpu.enqueue_dma source(%dma_start3A_49 : memref<64xi32, #tpu.memory_space<hbm>>) target(%arg16 : memref<64xi32, #tpu.memory_space<vmem>>) target_semaphore(%run_scoped3A : memref<!tpu.dma_semaphore, #tpu.memory_space<semaphore_mem>>)
      %dma_wait3A_50 = tpu.memref_slice %arg7[%mul3A_13] : memref<160000xi32, #tpu.memory_space<hbm>> -> memref<64xi32, #tpu.memory_space<hbm>>
      %dma_wait3A_51 = tpu.memref_slice %arg7[%mul3A_13] : memref<160000xi32, #tpu.memory_space<hbm>> -> memref<64xi32, #tpu.memory_space<hbm>>
      tpu.wait_dma2 semaphore(%run_scoped3A : memref<!tpu.dma_semaphore, #tpu.memory_space<semaphore_mem>>) src(%dma_wait3A_51 : memref<64xi32, #tpu.memory_space<hbm>>) dst(%arg16 : memref<64xi32, #tpu.memory_space<vmem>>)
      tpu.yield
    }) : () -> ()
    %scan3A_14 = arith.constant 0 : i32
    %scan3A_15 = arith.constant 4 : i32
    %scan3A_16 = arith.addi %scan3A_14, %scan3A_15 : i32
    %scan3A_17 = arith.constant 1 : i32
    scf.for %scan3A_48 = %scan3A_14 to %scan3A_16 step %scan3A_17  : i32 {
      %mul3A_49 = arith.constant 1 : i32
      %mul3A_50 = arith.muli %scan3A_48, %mul3A_49 : i32
      %add3A = arith.constant 0 : i32
      %add3A_51 = arith.addi %add3A, %mul3A_50 : i32
      %mul3A_52 = arith.constant 16 : i32
      %mul3A_53 = arith.muli %add3A_51, %mul3A_52 : i32
      %get3A = arith.index_cast %mul3A_53 : i32 to index
      %get3A_54 = tpu.vector_load %arg16[%get3A] {strides = array<i32>} : memref<64xi32, #tpu.memory_space<vmem>>, vector<16xi32>,
      %add3A_55 = vector.broadcast %mul3A_11 : i32 to vector<16xi32>
      %add3A_56 = arith.addi %get3A_54, %add3A_55 : vector<16xi32>
      %swap3A = arith.index_cast %mul3A_53 : i32 to index
      %swap3A_57 = tpu.vector_load %arg17[%swap3A] {strides = array<i32>} : memref<64xi32, #tpu.memory_space<vmem>>, vector<16xi32>,
      tpu.vector_store %arg17[%swap3A], %add3A_56 {strides = array<i32>} : memref<64xi32, #tpu.memory_space<vmem>>, vector<16xi32>,
    }
    %scan3A_18 = arith.constant 4 : i32
    %dma_start3A = arith.constant 0 : i32
    %dma_start3A_19 = arith.constant 0 : i32
    %dma_start3A_20 = tpu.memref_slice %arg2[%dma_start3A, %dma_start3A_19] : memref<20000x128xf32, #tpu.memory_space<hbm>> -> memref<20000x128xf32, #tpu.memory_space<hbm>>
    tpu.enqueue_indirect_dma source(%dma_start3A_20 : memref<20000x128xf32, #tpu.memory_space<hbm>>) target(%arg14 : memref<64x128xf32, #tpu.memory_space<vmem>>) offsets(%arg17 : memref<64xi32, #tpu.memory_space<vmem>>) semaphore(%arg25 : memref<!tpu.dma_semaphore, #tpu.memory_space<semaphore_mem>>)
    %scan3A_21 = arith.constant 0 : i32
    %scan3A_22 = arith.constant 78 : i32
    %scan3A_23 = arith.addi %scan3A_21, %scan3A_22 : i32
    %scan3A_24 = arith.constant 1 : i32
    scf.for %scan3A_48 = %scan3A_21 to %scan3A_23 step %scan3A_24  : i32 {
      %mul3A_49 = arith.constant 1 : i32
      %mul3A_50 = arith.muli %scan3A_48, %mul3A_49 : i32
      %add3A = arith.constant 0 : i32
      %add3A_51 = arith.addi %add3A, %mul3A_50 : i32
      %mul3A_52 = arith.constant 32 : i32
      %mul3A_53 = arith.muli %add3A_51, %mul3A_52 : i32
      %add3A_54 = arith.addi %arg1, %mul3A_53 : i32
      %add3A_55 = arith.constant 16 : i32
      %add3A_56 = arith.addi %add3A_54, %add3A_55 : i32
      %gt3A = arith.constant 0 : i32
      %gt3A_57 = arith.cmpi sgt, %add3A_51, %gt3A : i32
      %convert_element_type3A_58 = arith.extui %gt3A_57 : i1 to i32
      %cond3A_59 = arith.constant 0 : i32
      %cond3A_60 = arith.cmpi ne, %convert_element_type3A_58, %cond3A_59 : i32
      scf.if %cond3A_60 {
        %dma_wait3A_113 = arith.constant 0 : i32
        %dma_wait3A_114 = arith.constant 0 : i32
        %dma_wait3A_115 = tpu.memref_slice %arg11[%dma_wait3A_113, %dma_wait3A_114] : memref<10000x128xf32, #tpu.memory_space<vmem_shared>> -> memref<10000x128xf32, #tpu.memory_space<vmem_shared>>
        tpu.wait_indirect_dma semaphore(%arg28 : memref<!tpu.dma_semaphore, #tpu.memory_space<semaphore_mem>>) src(%arg18 : memref<64x128xf32, #tpu.memory_space<vmem>>) dst(%dma_wait3A_115 : memref<10000x128xf32, #tpu.memory_space<vmem_shared>>)
      } else {
      }
      %mul3A_61 = arith.constant 64 : i32
      %mul3A_62 = arith.muli %add3A_56, %mul3A_61 : i32
      "tpu.region"() ({
        %run_scoped3A = tpu.sem_alloc : memref<!tpu.dma_semaphore, #tpu.memory_space<semaphore_mem>>
        %dma_start3A_113 = tpu.memref_slice %arg6[%mul3A_62] : memref<160000xi32, #tpu.memory_space<hbm>> -> memref<64xi32, #tpu.memory_space<hbm>>
        %dma_start3A_114 = tpu.memref_slice %arg6[%mul3A_62] : memref<160000xi32, #tpu.memory_space<hbm>> -> memref<64xi32, #tpu.memory_space<hbm>>
        tpu.enqueue_dma source(%dma_start3A_114 : memref<64xi32, #tpu.memory_space<hbm>>) target(%arg19 : memref<64xi32, #tpu.memory_space<vmem>>) target_semaphore(%run_scoped3A : memref<!tpu.dma_semaphore, #tpu.memory_space<semaphore_mem>>)
        %dma_wait3A_115 = tpu.memref_slice %arg6[%mul3A_62] : memref<160000xi32, #tpu.memory_space<hbm>> -> memref<64xi32, #tpu.memory_space<hbm>>
        %dma_wait3A_116 = tpu.memref_slice %arg6[%mul3A_62] : memref<160000xi32, #tpu.memory_space<hbm>> -> memref<64xi32, #tpu.memory_space<hbm>>
        tpu.wait_dma2 semaphore(%run_scoped3A : memref<!tpu.dma_semaphore, #tpu.memory_space<semaphore_mem>>) src(%dma_wait3A_116 : memref<64xi32, #tpu.memory_space<hbm>>) dst(%arg19 : memref<64xi32, #tpu.memory_space<vmem>>)
        tpu.yield
      }) : () -> ()
      "tpu.region"() ({
        %run_scoped3A = tpu.sem_alloc : memref<!tpu.dma_semaphore, #tpu.memory_space<semaphore_mem>>
        %dma_start3A_113 = tpu.memref_slice %arg7[%mul3A_62] : memref<160000xi32, #tpu.memory_space<hbm>> -> memref<64xi32, #tpu.memory_space<hbm>>
        %dma_start3A_114 = tpu.memref_slice %arg7[%mul3A_62] : memref<160000xi32, #tpu.memory_space<hbm>> -> memref<64xi32, #tpu.memory_space<hbm>>
        tpu.enqueue_dma source(%dma_start3A_114 : memref<64xi32, #tpu.memory_space<hbm>>) target(%arg20 : memref<64xi32, #tpu.memory_space<vmem>>) target_semaphore(%run_scoped3A : memref<!tpu.dma_semaphore, #tpu.memory_space<semaphore_mem>>)
        %dma_wait3A_115 = tpu.memref_slice %arg7[%mul3A_62] : memref<160000xi32, #tpu.memory_space<hbm>> -> memref<64xi32, #tpu.memory_space<hbm>>
        %dma_wait3A_116 = tpu.memref_slice %arg7[%mul3A_62] : memref<160000xi32, #tpu.memory_space<hbm>> -> memref<64xi32, #tpu.memory_space<hbm>>
        tpu.wait_dma2 semaphore(%run_scoped3A : memref<!tpu.dma_semaphore, #tpu.memory_space<semaphore_mem>>) src(%dma_wait3A_116 : memref<64xi32, #tpu.memory_space<hbm>>) dst(%arg20 : memref<64xi32, #tpu.memory_space<vmem>>)
        tpu.yield
      }) : () -> ()
      %scan3A_63 = arith.constant 0 : i32
      %scan3A_64 = arith.constant 4 : i32
      %scan3A_65 = arith.addi %scan3A_63, %scan3A_64 : i32
      %scan3A_66 = arith.constant 1 : i32
      scf.for %scan3A_113 = %scan3A_63 to %scan3A_65 step %scan3A_66  : i32 {
        %mul3A_114 = arith.constant 1 : i32
        %mul3A_115 = arith.muli %scan3A_113, %mul3A_114 : i32
        %add3A_116 = arith.constant 0 : i32
        %add3A_117 = arith.addi %add3A_116, %mul3A_115 : i32
        %mul3A_118 = arith.constant 16 : i32
        %mul3A_119 = arith.muli %add3A_117, %mul3A_118 : i32
        %get3A = arith.index_cast %mul3A_119 : i32 to index
        %get3A_120 = tpu.vector_load %arg20[%get3A] {strides = array<i32>} : memref<64xi32, #tpu.memory_space<vmem>>, vector<16xi32>,
        %add3A_121 = vector.broadcast %mul3A_11 : i32 to vector<16xi32>
        %add3A_122 = arith.addi %get3A_120, %add3A_121 : vector<16xi32>
        %swap3A = arith.index_cast %mul3A_119 : i32 to index
        %swap3A_123 = tpu.vector_load %arg21[%swap3A] {strides = array<i32>} : memref<64xi32, #tpu.memory_space<vmem>>, vector<16xi32>,
        tpu.vector_store %arg21[%swap3A], %add3A_122 {strides = array<i32>} : memref<64xi32, #tpu.memory_space<vmem>>, vector<16xi32>,
      }
      %scan3A_67 = arith.constant 4 : i32
      %dma_start3A_68 = arith.constant 0 : i32
      %dma_start3A_69 = arith.constant 0 : i32
      %dma_start3A_70 = tpu.memref_slice %arg2[%dma_start3A_68, %dma_start3A_69] : memref<20000x128xf32, #tpu.memory_space<hbm>> -> memref<20000x128xf32, #tpu.memory_space<hbm>>
      tpu.enqueue_indirect_dma source(%dma_start3A_70 : memref<20000x128xf32, #tpu.memory_space<hbm>>) target(%arg18 : memref<64x128xf32, #tpu.memory_space<vmem>>) offsets(%arg21 : memref<64xi32, #tpu.memory_space<vmem>>) semaphore(%arg26 : memref<!tpu.dma_semaphore, #tpu.memory_space<semaphore_mem>>)
      %dma_wait3A_71 = arith.constant 0 : i32
      %dma_wait3A_72 = arith.constant 0 : i32
      %dma_wait3A_73 = tpu.memref_slice %arg2[%dma_wait3A_71, %dma_wait3A_72] : memref<20000x128xf32, #tpu.memory_space<hbm>> -> memref<20000x128xf32, #tpu.memory_space<hbm>>
      tpu.wait_indirect_dma semaphore(%arg25 : memref<!tpu.dma_semaphore, #tpu.memory_space<semaphore_mem>>) src(%dma_wait3A_73 : memref<20000x128xf32, #tpu.memory_space<hbm>>) dst(%arg14 : memref<64x128xf32, #tpu.memory_space<vmem>>)
      %mul3A_74 = arith.constant 64 : i32
      %mul3A_75 = arith.muli %add3A_54, %mul3A_74 : i32
      "tpu.region"() ({
        %run_scoped3A = tpu.sem_alloc : memref<!tpu.dma_semaphore, #tpu.memory_space<semaphore_mem>>
        %dma_start3A_113 = tpu.memref_slice %arg3[%mul3A_75] : memref<160000xf32, #tpu.memory_space<hbm>> -> memref<64xf32, #tpu.memory_space<hbm>>
        %dma_start3A_114 = tpu.memref_slice %arg3[%mul3A_75] : memref<160000xf32, #tpu.memory_space<hbm>> -> memref<64xf32, #tpu.memory_space<hbm>>
        tpu.enqueue_dma source(%dma_start3A_114 : memref<64xf32, #tpu.memory_space<hbm>>) target(%arg22 : memref<64xf32, #tpu.memory_space<vmem>>) target_semaphore(%run_scoped3A : memref<!tpu.dma_semaphore, #tpu.memory_space<semaphore_mem>>)
        %dma_wait3A_115 = tpu.memref_slice %arg3[%mul3A_75] : memref<160000xf32, #tpu.memory_space<hbm>> -> memref<64xf32, #tpu.memory_space<hbm>>
        %dma_wait3A_116 = tpu.memref_slice %arg3[%mul3A_75] : memref<160000xf32, #tpu.memory_space<hbm>> -> memref<64xf32, #tpu.memory_space<hbm>>
        tpu.wait_dma2 semaphore(%run_scoped3A : memref<!tpu.dma_semaphore, #tpu.memory_space<semaphore_mem>>) src(%dma_wait3A_116 : memref<64xf32, #tpu.memory_space<hbm>>) dst(%arg22 : memref<64xf32, #tpu.memory_space<vmem>>)
        tpu.yield
      }) : () -> ()
      %scan3A_76 = arith.constant 0 : i32
      %scan3A_77 = arith.constant 4 : i32
      %scan3A_78 = arith.addi %scan3A_76, %scan3A_77 : i32
      %scan3A_79 = arith.constant 1 : i32
      scf.for %scan3A_113 = %scan3A_76 to %scan3A_78 step %scan3A_79  : i32 {
        %mul3A_114 = arith.constant 1 : i32
        %mul3A_115 = arith.muli %scan3A_113, %mul3A_114 : i32
        %add3A_116 = arith.constant 0 : i32
        %add3A_117 = arith.addi %add3A_116, %mul3A_115 : i32
        %mul3A_118 = arith.constant 16 : i32
        %mul3A_119 = arith.muli %add3A_117, %mul3A_118 : i32
        %get3A = arith.index_cast %mul3A_119 : i32 to index
        %get3A_120 = tpu.vector_load %arg22[%get3A] {strides = array<i32>} : memref<64xf32, #tpu.memory_space<vmem>>, vector<16xf32>,
        %scan3A_121 = arith.constant 0 : i32
        %scan3A_122 = arith.constant 0 : i32
        %scan3A_123 = arith.constant 16 : i32
        %scan3A_124 = arith.addi %scan3A_122, %scan3A_123 : i32
        %scan3A_125 = arith.constant 1 : i32
        scf.for %scan3A_127 = %scan3A_122 to %scan3A_124 step %scan3A_125  : i32 {
          %eq3A_128 = vector.broadcast %scan3A_127 : i32 to vector<16xi32>
          %eq3A_129 = arith.cmpi eq, %iota3A, %eq3A_128 : vector<16xi32>
          %jit3A = arith.constant 0.000000e+00 : f32
          %broadcast_in_dim3A = vector.broadcast %jit3A : f32 to vector<16xf32>
          %select_n3A = arith.select %eq3A_129, %get3A_120, %broadcast_in_dim3A : vector<16xi1>, vector<16xf32>
          %reduce_sum3A = arith.constant true
          %reduce_sum3A_130 = vector.broadcast %reduce_sum3A : i1 to vector<16xi1>
          %reduce_sum3A_131 = tpu.scan <sum>, %select_n3A masked %reduce_sum3A_130 : vector<16xf32>, vector<16xi1> -> vector<16xf32>
          %reduce_sum3A_132 = vector.extract %reduce_sum3A_131[15] : f32 from vector<16xf32>
          %mul3A_133 = arith.constant 16 : i32
          %mul3A_134 = arith.muli %add3A_117, %mul3A_133 : i32
          %add3A_135 = arith.addi %mul3A_134, %scan3A_127 : i32
          %get3A_136 = arith.index_cast %add3A_135 : i32 to index
          %get3A_137 = arith.constant 0 : index
          %get3A_138 = tpu.vector_load %arg14[%get3A_136, %get3A_137] {strides = array<i32>} : memref<64x128xf32, #tpu.memory_space<vmem>>, vector<16xf32>,
          %mul3A_139 = vector.broadcast %reduce_sum3A_132 : f32 to vector<16xf32>
          %mul3A_140 = arith.mulf %get3A_138, %mul3A_139 : vector<16xf32>
          %swap3A = arith.index_cast %add3A_135 : i32 to index
          %swap3A_141 = arith.constant 0 : index
          %swap3A_142 = tpu.vector_load %arg14[%swap3A, %swap3A_141] {strides = array<i32>} : memref<64x128xf32, #tpu.memory_space<vmem>>, vector<16xf32>,
          tpu.vector_store %arg14[%swap3A, %swap3A_141], %mul3A_140 {strides = array<i32>} : memref<64x128xf32, #tpu.memory_space<vmem>>, vector<16xf32>,
          %get3A_143 = arith.index_cast %add3A_135 : i32 to index
          %get3A_144 = arith.constant 16 : index
          %get3A_145 = tpu.vector_load %arg14[%get3A_143, %get3A_144] {strides = array<i32>} : memref<64x128xf32, #tpu.memory_space<vmem>>, vector<16xf32>,
          %mul3A_146 = vector.broadcast %reduce_sum3A_132 : f32 to vector<16xf32>
          %mul3A_147 = arith.mulf %get3A_145, %mul3A_146 : vector<16xf32>
          %swap3A_148 = arith.index_cast %add3A_135 : i32 to index
          %swap3A_149 = arith.constant 16 : index
          %swap3A_150 = tpu.vector_load %arg14[%swap3A_148, %swap3A_149] {strides = array<i32>} : memref<64x128xf32, #tpu.memory_space<vmem>>, vector<16xf32>,
          tpu.vector_store %arg14[%swap3A_148, %swap3A_149], %mul3A_147 {strides = array<i32>} : memref<64x128xf32, #tpu.memory_space<vmem>>, vector<16xf32>,
          %get3A_151 = arith.index_cast %add3A_135 : i32 to index
          %get3A_152 = arith.constant 32 : index
          %get3A_153 = tpu.vector_load %arg14[%get3A_151, %get3A_152] {strides = array<i32>} : memref<64x128xf32, #tpu.memory_space<vmem>>, vector<16xf32>,
          %mul3A_154 = vector.broadcast %reduce_sum3A_132 : f32 to vector<16xf32>
          %mul3A_155 = arith.mulf %get3A_153, %mul3A_154 : vector<16xf32>
          %swap3A_156 = arith.index_cast %add3A_135 : i32 to index
          %swap3A_157 = arith.constant 32 : index
          %swap3A_158 = tpu.vector_load %arg14[%swap3A_156, %swap3A_157] {strides = array<i32>} : memref<64x128xf32, #tpu.memory_space<vmem>>, vector<16xf32>,
          tpu.vector_store %arg14[%swap3A_156, %swap3A_157], %mul3A_155 {strides = array<i32>} : memref<64x128xf32, #tpu.memory_space<vmem>>, vector<16xf32>,
          %get3A_159 = arith.index_cast %add3A_135 : i32 to index
          %get3A_160 = arith.constant 48 : index
          %get3A_161 = tpu.vector_load %arg14[%get3A_159, %get3A_160] {strides = array<i32>} : memref<64x128xf32, #tpu.memory_space<vmem>>, vector<16xf32>,
          %mul3A_162 = vector.broadcast %reduce_sum3A_132 : f32 to vector<16xf32>
          %mul3A_163 = arith.mulf %get3A_161, %mul3A_162 : vector<16xf32>
          %swap3A_164 = arith.index_cast %add3A_135 : i32 to index
          %swap3A_165 = arith.constant 48 : index
          %swap3A_166 = tpu.vector_load %arg14[%swap3A_164, %swap3A_165] {strides = array<i32>} : memref<64x128xf32, #tpu.memory_space<vmem>>, vector<16xf32>,
          tpu.vector_store %arg14[%swap3A_164, %swap3A_165], %mul3A_163 {strides = array<i32>} : memref<64x128xf32, #tpu.memory_space<vmem>>, vector<16xf32>,
          %get3A_167 = arith.index_cast %add3A_135 : i32 to index
          %get3A_168 = arith.constant 64 : index
          %get3A_169 = tpu.vector_load %arg14[%get3A_167, %get3A_168] {strides = array<i32>} : memref<64x128xf32, #tpu.memory_space<vmem>>, vector<16xf32>,
          %mul3A_170 = vector.broadcast %reduce_sum3A_132 : f32 to vector<16xf32>
          %mul3A_171 = arith.mulf %get3A_169, %mul3A_170 : vector<16xf32>
          %swap3A_172 = arith.index_cast %add3A_135 : i32 to index
          %swap3A_173 = arith.constant 64 : index
          %swap3A_174 = tpu.vector_load %arg14[%swap3A_172, %swap3A_173] {strides = array<i32>} : memref<64x128xf32, #tpu.memory_space<vmem>>, vector<16xf32>,
          tpu.vector_store %arg14[%swap3A_172, %swap3A_173], %mul3A_171 {strides = array<i32>} : memref<64x128xf32, #tpu.memory_space<vmem>>, vector<16xf32>,
          %get3A_175 = arith.index_cast %add3A_135 : i32 to index
          %get3A_176 = arith.constant 80 : index
          %get3A_177 = tpu.vector_load %arg14[%get3A_175, %get3A_176] {strides = array<i32>} : memref<64x128xf32, #tpu.memory_space<vmem>>, vector<16xf32>,
          %mul3A_178 = vector.broadcast %reduce_sum3A_132 : f32 to vector<16xf32>
          %mul3A_179 = arith.mulf %get3A_177, %mul3A_178 : vector<16xf32>
          %swap3A_180 = arith.index_cast %add3A_135 : i32 to index
          %swap3A_181 = arith.constant 80 : index
          %swap3A_182 = tpu.vector_load %arg14[%swap3A_180, %swap3A_181] {strides = array<i32>} : memref<64x128xf32, #tpu.memory_space<vmem>>, vector<16xf32>,
          tpu.vector_store %arg14[%swap3A_180, %swap3A_181], %mul3A_179 {strides = array<i32>} : memref<64x128xf32, #tpu.memory_space<vmem>>, vector<16xf32>,
          %get3A_183 = arith.index_cast %add3A_135 : i32 to index
          %get3A_184 = arith.constant 96 : index
          %get3A_185 = tpu.vector_load %arg14[%get3A_183, %get3A_184] {strides = array<i32>} : memref<64x128xf32, #tpu.memory_space<vmem>>, vector<16xf32>,
          %mul3A_186 = vector.broadcast %reduce_sum3A_132 : f32 to vector<16xf32>
          %mul3A_187 = arith.mulf %get3A_185, %mul3A_186 : vector<16xf32>
          %swap3A_188 = arith.index_cast %add3A_135 : i32 to index
          %swap3A_189 = arith.constant 96 : index
          %swap3A_190 = tpu.vector_load %arg14[%swap3A_188, %swap3A_189] {strides = array<i32>} : memref<64x128xf32, #tpu.memory_space<vmem>>, vector<16xf32>,
          tpu.vector_store %arg14[%swap3A_188, %swap3A_189], %mul3A_187 {strides = array<i32>} : memref<64x128xf32, #tpu.memory_space<vmem>>, vector<16xf32>,
          %get3A_191 = arith.index_cast %add3A_135 : i32 to index
          %get3A_192 = arith.constant 112 : index
          %get3A_193 = tpu.vector_load %arg14[%get3A_191, %get3A_192] {strides = array<i32>} : memref<64x128xf32, #tpu.memory_space<vmem>>, vector<16xf32>,
          %mul3A_194 = vector.broadcast %reduce_sum3A_132 : f32 to vector<16xf32>
          %mul3A_195 = arith.mulf %get3A_193, %mul3A_194 : vector<16xf32>
          %swap3A_196 = arith.index_cast %add3A_135 : i32 to index
          %swap3A_197 = arith.constant 112 : index
          %swap3A_198 = tpu.vector_load %arg14[%swap3A_196, %swap3A_197] {strides = array<i32>} : memref<64x128xf32, #tpu.memory_space<vmem>>, vector<16xf32>,
          tpu.vector_store %arg14[%swap3A_196, %swap3A_197], %mul3A_195 {strides = array<i32>} : memref<64x128xf32, #tpu.memory_space<vmem>>, vector<16xf32>,
        }
        %scan3A_126 = arith.constant 16 : i32
      }
      %scan3A_80 = arith.constant 4 : i32
      %dma_start3A_81 = arith.constant 0 : i32
      %dma_start3A_82 = arith.constant 0 : i32
      %dma_start3A_83 = tpu.memref_slice %arg11[%dma_start3A_81, %dma_start3A_82] : memref<10000x128xf32, #tpu.memory_space<vmem_shared>> -> memref<10000x128xf32, #tpu.memory_space<vmem_shared>>
      tpu.enqueue_indirect_dma source(%arg14 : memref<64x128xf32, #tpu.memory_space<vmem>>) target(%dma_start3A_83 : memref<10000x128xf32, #tpu.memory_space<vmem_shared>>) offsets(%arg15 : memref<64xi32, #tpu.memory_space<vmem>>) semaphore(%arg27 : memref<!tpu.dma_semaphore, #tpu.memory_space<semaphore_mem>>) {add = true}
      %rem3A = arith.constant 2 : i32
      %rem3A_84 = arith.remsi %add3A_54, %rem3A : i32
      %eq3A_85 = arith.cmpi eq, %rem3A_84, %arg0 : i32
      %convert_element_type3A_86 = arith.extui %eq3A_85 : i1 to i32
      %cond3A_87 = arith.constant 0 : i32
      %cond3A_88 = arith.cmpi ne, %convert_element_type3A_86, %cond3A_87 : i32
      scf.if %cond3A_88 {
        "tpu.region"() ({
          %run_scoped3A = tpu.sem_alloc : memref<!tpu.dma_semaphore, #tpu.memory_space<semaphore_mem>>
          %dma_start3A_118 = tpu.memref_slice %arg4[%mul3A_75] : memref<160000xf32, #tpu.memory_space<hbm>> -> memref<64xf32, #tpu.memory_space<hbm>>
          %dma_start3A_119 = tpu.memref_slice %arg4[%mul3A_75] : memref<160000xf32, #tpu.memory_space<hbm>> -> memref<64xf32, #tpu.memory_space<hbm>>
          tpu.enqueue_dma source(%dma_start3A_119 : memref<64xf32, #tpu.memory_space<hbm>>) target(%arg23 : memref<64xf32, #tpu.memory_space<vmem>>) target_semaphore(%run_scoped3A : memref<!tpu.dma_semaphore, #tpu.memory_space<semaphore_mem>>)
          %dma_wait3A_120 = tpu.memref_slice %arg4[%mul3A_75] : memref<160000xf32, #tpu.memory_space<hbm>> -> memref<64xf32, #tpu.memory_space<hbm>>
          %dma_wait3A_121 = tpu.memref_slice %arg4[%mul3A_75] : memref<160000xf32, #tpu.memory_space<hbm>> -> memref<64xf32, #tpu.memory_space<hbm>>
          tpu.wait_dma2 semaphore(%run_scoped3A : memref<!tpu.dma_semaphore, #tpu.memory_space<semaphore_mem>>) src(%dma_wait3A_121 : memref<64xf32, #tpu.memory_space<hbm>>) dst(%arg23 : memref<64xf32, #tpu.memory_space<vmem>>)
          tpu.yield
        }) : () -> ()
        %scan3A_113 = arith.constant 0 : i32
        %scan3A_114 = arith.constant 4 : i32
        %scan3A_115 = arith.addi %scan3A_113, %scan3A_114 : i32
        %scan3A_116 = arith.constant 1 : i32
        scf.for %scan3A_118 = %scan3A_113 to %scan3A_115 step %scan3A_116  : i32 {
          %mul3A_119 = arith.constant 1 : i32
          %mul3A_120 = arith.muli %scan3A_118, %mul3A_119 : i32
          %add3A_121 = arith.constant 0 : i32
          %add3A_122 = arith.addi %add3A_121, %mul3A_120 : i32
          %mul3A_123 = arith.constant 16 : i32
          %mul3A_124 = arith.muli %add3A_122, %mul3A_123 : i32
          %get3A = arith.index_cast %mul3A_124 : i32 to index
          %get3A_125 = tpu.vector_load %arg15[%get3A] {strides = array<i32>} : memref<64xi32, #tpu.memory_space<vmem>>, vector<16xi32>,
          %gather3A = tpu.vector_load_idx %arg13[%get3A_125] : memref<10000xf32, #tpu.memory_space<vmem>>[vector<16xi32>], vector<16xf32>,
          %get3A_126 = arith.index_cast %mul3A_124 : i32 to index
          %get3A_127 = tpu.vector_load %arg23[%get3A_126] {strides = array<i32>} : memref<64xf32, #tpu.memory_space<vmem>>, vector<16xf32>,
          %mul3A_128 = arith.mulf %get3A_127, %gather3A : vector<16xf32>
          %swap3A = arith.index_cast %mul3A_124 : i32 to index
          %swap3A_129 = tpu.vector_load %arg24[%swap3A] {strides = array<i32>} : memref<64xf32, #tpu.memory_space<vmem>>, vector<16xf32>,
          tpu.vector_store %arg24[%swap3A], %mul3A_128 {strides = array<i32>} : memref<64xf32, #tpu.memory_space<vmem>>, vector<16xf32>,
        }
        %scan3A_117 = arith.constant 4 : i32
        "tpu.region"() ({
          %run_scoped3A = tpu.sem_alloc : memref<!tpu.dma_semaphore, #tpu.memory_space<semaphore_mem>>
          %dma_start3A_118 = tpu.memref_slice %arg10[%mul3A_75] : memref<160000xf32, #tpu.memory_space<hbm>> -> memref<64xf32, #tpu.memory_space<hbm>>
          %dma_start3A_119 = tpu.memref_slice %arg10[%mul3A_75] : memref<160000xf32, #tpu.memory_space<hbm>> -> memref<64xf32, #tpu.memory_space<hbm>>
          tpu.enqueue_dma source(%arg24 : memref<64xf32, #tpu.memory_space<vmem>>) target(%dma_start3A_119 : memref<64xf32, #tpu.memory_space<hbm>>) target_semaphore(%run_scoped3A : memref<!tpu.dma_semaphore, #tpu.memory_space<semaphore_mem>>)
          %dma_wait3A_120 = tpu.memref_slice %arg10[%mul3A_75] : memref<160000xf32, #tpu.memory_space<hbm>> -> memref<64xf32, #tpu.memory_space<hbm>>
          %dma_wait3A_121 = tpu.memref_slice %arg10[%mul3A_75] : memref<160000xf32, #tpu.memory_space<hbm>> -> memref<64xf32, #tpu.memory_space<hbm>>
          tpu.wait_dma2 semaphore(%run_scoped3A : memref<!tpu.dma_semaphore, #tpu.memory_space<semaphore_mem>>) src(%arg24 : memref<64xf32, #tpu.memory_space<vmem>>) dst(%dma_wait3A_121 : memref<64xf32, #tpu.memory_space<hbm>>)
          tpu.yield
        }) : () -> ()
      } else {
      }
      %lt3A_89 = arith.constant 77 : i32
      %lt3A_90 = arith.cmpi slt, %add3A_51, %lt3A_89 : i32
      %convert_element_type3A_91 = arith.extui %lt3A_90 : i1 to i32
      %cond3A_92 = arith.constant 0 : i32
      %cond3A_93 = arith.cmpi ne, %convert_element_type3A_91, %cond3A_92 : i32
      scf.if %cond3A_93 {
        %dma_wait3A_113 = arith.constant 0 : i32
        %dma_wait3A_114 = arith.constant 0 : i32
        %dma_wait3A_115 = tpu.memref_slice %arg11[%dma_wait3A_113, %dma_wait3A_114] : memref<10000x128xf32, #tpu.memory_space<vmem_shared>> -> memref<10000x128xf32, #tpu.memory_space<vmem_shared>>
        tpu.wait_indirect_dma semaphore(%arg27 : memref<!tpu.dma_semaphore, #tpu.memory_space<semaphore_mem>>) src(%arg14 : memref<64x128xf32, #tpu.memory_space<vmem>>) dst(%dma_wait3A_115 : memref<10000x128xf32, #tpu.memory_space<vmem_shared>>)
        %add3A_116 = arith.constant 32 : i32
        %add3A_117 = arith.addi %add3A_54, %add3A_116 : i32
        %mul3A_118 = arith.constant 64 : i32
        %mul3A_119 = arith.muli %add3A_117, %mul3A_118 : i32
        "tpu.region"() ({
          %run_scoped3A = tpu.sem_alloc : memref<!tpu.dma_semaphore, #tpu.memory_space<semaphore_mem>>
          %dma_start3A_128 = tpu.memref_slice %arg6[%mul3A_119] : memref<160000xi32, #tpu.memory_space<hbm>> -> memref<64xi32, #tpu.memory_space<hbm>>
          %dma_start3A_129 = tpu.memref_slice %arg6[%mul3A_119] : memref<160000xi32, #tpu.memory_space<hbm>> -> memref<64xi32, #tpu.memory_space<hbm>>
          tpu.enqueue_dma source(%dma_start3A_129 : memref<64xi32, #tpu.memory_space<hbm>>) target(%arg15 : memref<64xi32, #tpu.memory_space<vmem>>) target_semaphore(%run_scoped3A : memref<!tpu.dma_semaphore, #tpu.memory_space<semaphore_mem>>)
          %dma_wait3A_130 = tpu.memref_slice %arg6[%mul3A_119] : memref<160000xi32, #tpu.memory_space<hbm>> -> memref<64xi32, #tpu.memory_space<hbm>>
          %dma_wait3A_131 = tpu.memref_slice %arg6[%mul3A_119] : memref<160000xi32, #tpu.memory_space<hbm>> -> memref<64xi32, #tpu.memory_space<hbm>>
          tpu.wait_dma2 semaphore(%run_scoped3A : memref<!tpu.dma_semaphore, #tpu.memory_space<semaphore_mem>>) src(%dma_wait3A_131 : memref<64xi32, #tpu.memory_space<hbm>>) dst(%arg15 : memref<64xi32, #tpu.memory_space<vmem>>)
          tpu.yield
        }) : () -> ()
        "tpu.region"() ({
          %run_scoped3A = tpu.sem_alloc : memref<!tpu.dma_semaphore, #tpu.memory_space<semaphore_mem>>
          %dma_start3A_128 = tpu.memref_slice %arg7[%mul3A_119] : memref<160000xi32, #tpu.memory_space<hbm>> -> memref<64xi32, #tpu.memory_space<hbm>>
          %dma_start3A_129 = tpu.memref_slice %arg7[%mul3A_119] : memref<160000xi32, #tpu.memory_space<hbm>> -> memref<64xi32, #tpu.memory_space<hbm>>
          tpu.enqueue_dma source(%dma_start3A_129 : memref<64xi32, #tpu.memory_space<hbm>>) target(%arg16 : memref<64xi32, #tpu.memory_space<vmem>>) target_semaphore(%run_scoped3A : memref<!tpu.dma_semaphore, #tpu.memory_space<semaphore_mem>>)
          %dma_wait3A_130 = tpu.memref_slice %arg7[%mul3A_119] : memref<160000xi32, #tpu.memory_space<hbm>> -> memref<64xi32, #tpu.memory_space<hbm>>
          %dma_wait3A_131 = tpu.memref_slice %arg7[%mul3A_119] : memref<160000xi32, #tpu.memory_space<hbm>> -> memref<64xi32, #tpu.memory_space<hbm>>
          tpu.wait_dma2 semaphore(%run_scoped3A : memref<!tpu.dma_semaphore, #tpu.memory_space<semaphore_mem>>) src(%dma_wait3A_131 : memref<64xi32, #tpu.memory_space<hbm>>) dst(%arg16 : memref<64xi32, #tpu.memory_space<vmem>>)
          tpu.yield
        }) : () -> ()
        %scan3A_120 = arith.constant 0 : i32
        %scan3A_121 = arith.constant 4 : i32
        %scan3A_122 = arith.addi %scan3A_120, %scan3A_121 : i32
        %scan3A_123 = arith.constant 1 : i32
        scf.for %scan3A_128 = %scan3A_120 to %scan3A_122 step %scan3A_123  : i32 {
          %mul3A_129 = arith.constant 1 : i32
          %mul3A_130 = arith.muli %scan3A_128, %mul3A_129 : i32
          %add3A_131 = arith.constant 0 : i32
          %add3A_132 = arith.addi %add3A_131, %mul3A_130 : i32
          %mul3A_133 = arith.constant 16 : i32
          %mul3A_134 = arith.muli %add3A_132, %mul3A_133 : i32
          %get3A = arith.index_cast %mul3A_134 : i32 to index
          %get3A_135 = tpu.vector_load %arg16[%get3A] {strides = array<i32>} : memref<64xi32, #tpu.memory_space<vmem>>, vector<16xi32>,
          %add3A_136 = vector.broadcast %mul3A_11 : i32 to vector<16xi32>
          %add3A_137 = arith.addi %get3A_135, %add3A_136 : vector<16xi32>
          %swap3A = arith.index_cast %mul3A_134 : i32 to index
          %swap3A_138 = tpu.vector_load %arg17[%swap3A] {strides = array<i32>} : memref<64xi32, #tpu.memory_space<vmem>>, vector<16xi32>,
          tpu.vector_store %arg17[%swap3A], %add3A_137 {strides = array<i32>} : memref<64xi32, #tpu.memory_space<vmem>>, vector<16xi32>,
        }
        %scan3A_124 = arith.constant 4 : i32
        %dma_start3A_125 = arith.constant 0 : i32
        %dma_start3A_126 = arith.constant 0 : i32
        %dma_start3A_127 = tpu.memref_slice %arg2[%dma_start3A_125, %dma_start3A_126] : memref<20000x128xf32, #tpu.memory_space<hbm>> -> memref<20000x128xf32, #tpu.memory_space<hbm>>
        tpu.enqueue_indirect_dma source(%dma_start3A_127 : memref<20000x128xf32, #tpu.memory_space<hbm>>) target(%arg14 : memref<64x128xf32, #tpu.memory_space<vmem>>) offsets(%arg17 : memref<64xi32, #tpu.memory_space<vmem>>) semaphore(%arg25 : memref<!tpu.dma_semaphore, #tpu.memory_space<semaphore_mem>>)
      } else {
      }
      %dma_wait3A_94 = arith.constant 0 : i32
      %dma_wait3A_95 = arith.constant 0 : i32
      %dma_wait3A_96 = tpu.memref_slice %arg2[%dma_wait3A_94, %dma_wait3A_95] : memref<20000x128xf32, #tpu.memory_space<hbm>> -> memref<20000x128xf32, #tpu.memory_space<hbm>>
      tpu.wait_indirect_dma semaphore(%arg26 : memref<!tpu.dma_semaphore, #tpu.memory_space<semaphore_mem>>) src(%dma_wait3A_96 : memref<20000x128xf32, #tpu.memory_space<hbm>>) dst(%arg18 : memref<64x128xf32, #tpu.memory_space<vmem>>)
      %mul3A_97 = arith.constant 64 : i32
      %mul3A_98 = arith.muli %add3A_56, %mul3A_97 : i32
      "tpu.region"() ({
        %run_scoped3A = tpu.sem_alloc : memref<!tpu.dma_semaphore, #tpu.memory_space<semaphore_mem>>
        %dma_start3A_113 = tpu.memref_slice %arg3[%mul3A_98] : memref<160000xf32, #tpu.memory_space<hbm>> -> memref<64xf32, #tpu.memory_space<hbm>>
        %dma_start3A_114 = tpu.memref_slice %arg3[%mul3A_98] : memref<160000xf32, #tpu.memory_space<hbm>> -> memref<64xf32, #tpu.memory_space<hbm>>
        tpu.enqueue_dma source(%dma_start3A_114 : memref<64xf32, #tpu.memory_space<hbm>>) target(%arg22 : memref<64xf32, #tpu.memory_space<vmem>>) target_semaphore(%run_scoped3A : memref<!tpu.dma_semaphore, #tpu.memory_space<semaphore_mem>>)
        %dma_wait3A_115 = tpu.memref_slice %arg3[%mul3A_98] : memref<160000xf32, #tpu.memory_space<hbm>> -> memref<64xf32, #tpu.memory_space<hbm>>
        %dma_wait3A_116 = tpu.memref_slice %arg3[%mul3A_98] : memref<160000xf32, #tpu.memory_space<hbm>> -> memref<64xf32, #tpu.memory_space<hbm>>
        tpu.wait_dma2 semaphore(%run_scoped3A : memref<!tpu.dma_semaphore, #tpu.memory_space<semaphore_mem>>) src(%dma_wait3A_116 : memref<64xf32, #tpu.memory_space<hbm>>) dst(%arg22 : memref<64xf32, #tpu.memory_space<vmem>>)
        tpu.yield
      }) : () -> ()
      %scan3A_99 = arith.constant 0 : i32
      %scan3A_100 = arith.constant 4 : i32
      %scan3A_101 = arith.addi %scan3A_99, %scan3A_100 : i32
      %scan3A_102 = arith.constant 1 : i32
      scf.for %scan3A_113 = %scan3A_99 to %scan3A_101 step %scan3A_102  : i32 {
        %mul3A_114 = arith.constant 1 : i32
        %mul3A_115 = arith.muli %scan3A_113, %mul3A_114 : i32
        %add3A_116 = arith.constant 0 : i32
        %add3A_117 = arith.addi %add3A_116, %mul3A_115 : i32
        %mul3A_118 = arith.constant 16 : i32
        %mul3A_119 = arith.muli %add3A_117, %mul3A_118 : i32
        %get3A = arith.index_cast %mul3A_119 : i32 to index
        %get3A_120 = tpu.vector_load %arg22[%get3A] {strides = array<i32>} : memref<64xf32, #tpu.memory_space<vmem>>, vector<16xf32>,
        %scan3A_121 = arith.constant 0 : i32
        %scan3A_122 = arith.constant 0 : i32
        %scan3A_123 = arith.constant 16 : i32
        %scan3A_124 = arith.addi %scan3A_122, %scan3A_123 : i32
        %scan3A_125 = arith.constant 1 : i32
        scf.for %scan3A_127 = %scan3A_122 to %scan3A_124 step %scan3A_125  : i32 {
          %eq3A_128 = vector.broadcast %scan3A_127 : i32 to vector<16xi32>
          %eq3A_129 = arith.cmpi eq, %iota3A, %eq3A_128 : vector<16xi32>
          %jit3A = arith.constant 0.000000e+00 : f32
          %broadcast_in_dim3A = vector.broadcast %jit3A : f32 to vector<16xf32>
          %select_n3A = arith.select %eq3A_129, %get3A_120, %broadcast_in_dim3A : vector<16xi1>, vector<16xf32>
          %reduce_sum3A = arith.constant true
          %reduce_sum3A_130 = vector.broadcast %reduce_sum3A : i1 to vector<16xi1>
          %reduce_sum3A_131 = tpu.scan <sum>, %select_n3A masked %reduce_sum3A_130 : vector<16xf32>, vector<16xi1> -> vector<16xf32>
          %reduce_sum3A_132 = vector.extract %reduce_sum3A_131[15] : f32 from vector<16xf32>
          %mul3A_133 = arith.constant 16 : i32
          %mul3A_134 = arith.muli %add3A_117, %mul3A_133 : i32
          %add3A_135 = arith.addi %mul3A_134, %scan3A_127 : i32
          %get3A_136 = arith.index_cast %add3A_135 : i32 to index
          %get3A_137 = arith.constant 0 : index
          %get3A_138 = tpu.vector_load %arg18[%get3A_136, %get3A_137] {strides = array<i32>} : memref<64x128xf32, #tpu.memory_space<vmem>>, vector<16xf32>,
          %mul3A_139 = vector.broadcast %reduce_sum3A_132 : f32 to vector<16xf32>
          %mul3A_140 = arith.mulf %get3A_138, %mul3A_139 : vector<16xf32>
          %swap3A = arith.index_cast %add3A_135 : i32 to index
          %swap3A_141 = arith.constant 0 : index
          %swap3A_142 = tpu.vector_load %arg18[%swap3A, %swap3A_141] {strides = array<i32>} : memref<64x128xf32, #tpu.memory_space<vmem>>, vector<16xf32>,
          tpu.vector_store %arg18[%swap3A, %swap3A_141], %mul3A_140 {strides = array<i32>} : memref<64x128xf32, #tpu.memory_space<vmem>>, vector<16xf32>,
          %get3A_143 = arith.index_cast %add3A_135 : i32 to index
          %get3A_144 = arith.constant 16 : index
          %get3A_145 = tpu.vector_load %arg18[%get3A_143, %get3A_144] {strides = array<i32>} : memref<64x128xf32, #tpu.memory_space<vmem>>, vector<16xf32>,
          %mul3A_146 = vector.broadcast %reduce_sum3A_132 : f32 to vector<16xf32>
          %mul3A_147 = arith.mulf %get3A_145, %mul3A_146 : vector<16xf32>
          %swap3A_148 = arith.index_cast %add3A_135 : i32 to index
          %swap3A_149 = arith.constant 16 : index
          %swap3A_150 = tpu.vector_load %arg18[%swap3A_148, %swap3A_149] {strides = array<i32>} : memref<64x128xf32, #tpu.memory_space<vmem>>, vector<16xf32>,
          tpu.vector_store %arg18[%swap3A_148, %swap3A_149], %mul3A_147 {strides = array<i32>} : memref<64x128xf32, #tpu.memory_space<vmem>>, vector<16xf32>,
          %get3A_151 = arith.index_cast %add3A_135 : i32 to index
          %get3A_152 = arith.constant 32 : index
          %get3A_153 = tpu.vector_load %arg18[%get3A_151, %get3A_152] {strides = array<i32>} : memref<64x128xf32, #tpu.memory_space<vmem>>, vector<16xf32>,
          %mul3A_154 = vector.broadcast %reduce_sum3A_132 : f32 to vector<16xf32>
          %mul3A_155 = arith.mulf %get3A_153, %mul3A_154 : vector<16xf32>
          %swap3A_156 = arith.index_cast %add3A_135 : i32 to index
          %swap3A_157 = arith.constant 32 : index
          %swap3A_158 = tpu.vector_load %arg18[%swap3A_156, %swap3A_157] {strides = array<i32>} : memref<64x128xf32, #tpu.memory_space<vmem>>, vector<16xf32>,
          tpu.vector_store %arg18[%swap3A_156, %swap3A_157], %mul3A_155 {strides = array<i32>} : memref<64x128xf32, #tpu.memory_space<vmem>>, vector<16xf32>,
          %get3A_159 = arith.index_cast %add3A_135 : i32 to index
          %get3A_160 = arith.constant 48 : index
          %get3A_161 = tpu.vector_load %arg18[%get3A_159, %get3A_160] {strides = array<i32>} : memref<64x128xf32, #tpu.memory_space<vmem>>, vector<16xf32>,
          %mul3A_162 = vector.broadcast %reduce_sum3A_132 : f32 to vector<16xf32>
          %mul3A_163 = arith.mulf %get3A_161, %mul3A_162 : vector<16xf32>
          %swap3A_164 = arith.index_cast %add3A_135 : i32 to index
          %swap3A_165 = arith.constant 48 : index
          %swap3A_166 = tpu.vector_load %arg18[%swap3A_164, %swap3A_165] {strides = array<i32>} : memref<64x128xf32, #tpu.memory_space<vmem>>, vector<16xf32>,
          tpu.vector_store %arg18[%swap3A_164, %swap3A_165], %mul3A_163 {strides = array<i32>} : memref<64x128xf32, #tpu.memory_space<vmem>>, vector<16xf32>,
          %get3A_167 = arith.index_cast %add3A_135 : i32 to index
          %get3A_168 = arith.constant 64 : index
          %get3A_169 = tpu.vector_load %arg18[%get3A_167, %get3A_168] {strides = array<i32>} : memref<64x128xf32, #tpu.memory_space<vmem>>, vector<16xf32>,
          %mul3A_170 = vector.broadcast %reduce_sum3A_132 : f32 to vector<16xf32>
          %mul3A_171 = arith.mulf %get3A_169, %mul3A_170 : vector<16xf32>
          %swap3A_172 = arith.index_cast %add3A_135 : i32 to index
          %swap3A_173 = arith.constant 64 : index
          %swap3A_174 = tpu.vector_load %arg18[%swap3A_172, %swap3A_173] {strides = array<i32>} : memref<64x128xf32, #tpu.memory_space<vmem>>, vector<16xf32>,
          tpu.vector_store %arg18[%swap3A_172, %swap3A_173], %mul3A_171 {strides = array<i32>} : memref<64x128xf32, #tpu.memory_space<vmem>>, vector<16xf32>,
          %get3A_175 = arith.index_cast %add3A_135 : i32 to index
          %get3A_176 = arith.constant 80 : index
          %get3A_177 = tpu.vector_load %arg18[%get3A_175, %get3A_176] {strides = array<i32>} : memref<64x128xf32, #tpu.memory_space<vmem>>, vector<16xf32>,
          %mul3A_178 = vector.broadcast %reduce_sum3A_132 : f32 to vector<16xf32>
          %mul3A_179 = arith.mulf %get3A_177, %mul3A_178 : vector<16xf32>
          %swap3A_180 = arith.index_cast %add3A_135 : i32 to index
          %swap3A_181 = arith.constant 80 : index
          %swap3A_182 = tpu.vector_load %arg18[%swap3A_180, %swap3A_181] {strides = array<i32>} : memref<64x128xf32, #tpu.memory_space<vmem>>, vector<16xf32>,
          tpu.vector_store %arg18[%swap3A_180, %swap3A_181], %mul3A_179 {strides = array<i32>} : memref<64x128xf32, #tpu.memory_space<vmem>>, vector<16xf32>,
          %get3A_183 = arith.index_cast %add3A_135 : i32 to index
          %get3A_184 = arith.constant 96 : index
          %get3A_185 = tpu.vector_load %arg18[%get3A_183, %get3A_184] {strides = array<i32>} : memref<64x128xf32, #tpu.memory_space<vmem>>, vector<16xf32>,
          %mul3A_186 = vector.broadcast %reduce_sum3A_132 : f32 to vector<16xf32>
          %mul3A_187 = arith.mulf %get3A_185, %mul3A_186 : vector<16xf32>
          %swap3A_188 = arith.index_cast %add3A_135 : i32 to index
          %swap3A_189 = arith.constant 96 : index
          %swap3A_190 = tpu.vector_load %arg18[%swap3A_188, %swap3A_189] {strides = array<i32>} : memref<64x128xf32, #tpu.memory_space<vmem>>, vector<16xf32>,
          tpu.vector_store %arg18[%swap3A_188, %swap3A_189], %mul3A_187 {strides = array<i32>} : memref<64x128xf32, #tpu.memory_space<vmem>>, vector<16xf32>,
          %get3A_191 = arith.index_cast %add3A_135 : i32 to index
          %get3A_192 = arith.constant 112 : index
          %get3A_193 = tpu.vector_load %arg18[%get3A_191, %get3A_192] {strides = array<i32>} : memref<64x128xf32, #tpu.memory_space<vmem>>, vector<16xf32>,
          %mul3A_194 = vector.broadcast %reduce_sum3A_132 : f32 to vector<16xf32>
          %mul3A_195 = arith.mulf %get3A_193, %mul3A_194 : vector<16xf32>
          %swap3A_196 = arith.index_cast %add3A_135 : i32 to index
          %swap3A_197 = arith.constant 112 : index
          %swap3A_198 = tpu.vector_load %arg18[%swap3A_196, %swap3A_197] {strides = array<i32>} : memref<64x128xf32, #tpu.memory_space<vmem>>, vector<16xf32>,
          tpu.vector_store %arg18[%swap3A_196, %swap3A_197], %mul3A_195 {strides = array<i32>} : memref<64x128xf32, #tpu.memory_space<vmem>>, vector<16xf32>,
        }
        %scan3A_126 = arith.constant 16 : i32
      }
      %scan3A_103 = arith.constant 4 : i32
      %dma_start3A_104 = arith.constant 0 : i32
      %dma_start3A_105 = arith.constant 0 : i32
      %dma_start3A_106 = tpu.memref_slice %arg11[%dma_start3A_104, %dma_start3A_105] : memref<10000x128xf32, #tpu.memory_space<vmem_shared>> -> memref<10000x128xf32, #tpu.memory_space<vmem_shared>>
      tpu.enqueue_indirect_dma source(%arg18 : memref<64x128xf32, #tpu.memory_space<vmem>>) target(%dma_start3A_106 : memref<10000x128xf32, #tpu.memory_space<vmem_shared>>) offsets(%arg19 : memref<64xi32, #tpu.memory_space<vmem>>) semaphore(%arg28 : memref<!tpu.dma_semaphore, #tpu.memory_space<semaphore_mem>>) {add = true}
      %rem3A_107 = arith.constant 2 : i32
      %rem3A_108 = arith.remsi %add3A_56, %rem3A_107 : i32
      %eq3A_109 = arith.cmpi eq, %rem3A_108, %arg0 : i32
      %convert_element_type3A_110 = arith.extui %eq3A_109 : i1 to i32
      %cond3A_111 = arith.constant 0 : i32
      %cond3A_112 = arith.cmpi ne, %convert_element_type3A_110, %cond3A_111 : i32
      scf.if %cond3A_112 {
        "tpu.region"() ({
          %run_scoped3A = tpu.sem_alloc : memref<!tpu.dma_semaphore, #tpu.memory_space<semaphore_mem>>
          %dma_start3A_118 = tpu.memref_slice %arg4[%mul3A_98] : memref<160000xf32, #tpu.memory_space<hbm>> -> memref<64xf32, #tpu.memory_space<hbm>>
          %dma_start3A_119 = tpu.memref_slice %arg4[%mul3A_98] : memref<160000xf32, #tpu.memory_space<hbm>> -> memref<64xf32, #tpu.memory_space<hbm>>
          tpu.enqueue_dma source(%dma_start3A_119 : memref<64xf32, #tpu.memory_space<hbm>>) target(%arg23 : memref<64xf32, #tpu.memory_space<vmem>>) target_semaphore(%run_scoped3A : memref<!tpu.dma_semaphore, #tpu.memory_space<semaphore_mem>>)
          %dma_wait3A_120 = tpu.memref_slice %arg4[%mul3A_98] : memref<160000xf32, #tpu.memory_space<hbm>> -> memref<64xf32, #tpu.memory_space<hbm>>
          %dma_wait3A_121 = tpu.memref_slice %arg4[%mul3A_98] : memref<160000xf32, #tpu.memory_space<hbm>> -> memref<64xf32, #tpu.memory_space<hbm>>
          tpu.wait_dma2 semaphore(%run_scoped3A : memref<!tpu.dma_semaphore, #tpu.memory_space<semaphore_mem>>) src(%dma_wait3A_121 : memref<64xf32, #tpu.memory_space<hbm>>) dst(%arg23 : memref<64xf32, #tpu.memory_space<vmem>>)
          tpu.yield
        }) : () -> ()
        %scan3A_113 = arith.constant 0 : i32
        %scan3A_114 = arith.constant 4 : i32
        %scan3A_115 = arith.addi %scan3A_113, %scan3A_114 : i32
        %scan3A_116 = arith.constant 1 : i32
        scf.for %scan3A_118 = %scan3A_113 to %scan3A_115 step %scan3A_116  : i32 {
          %mul3A_119 = arith.constant 1 : i32
          %mul3A_120 = arith.muli %scan3A_118, %mul3A_119 : i32
          %add3A_121 = arith.constant 0 : i32
          %add3A_122 = arith.addi %add3A_121, %mul3A_120 : i32
          %mul3A_123 = arith.constant 16 : i32
          %mul3A_124 = arith.muli %add3A_122, %mul3A_123 : i32
          %get3A = arith.index_cast %mul3A_124 : i32 to index
          %get3A_125 = tpu.vector_load %arg19[%get3A] {strides = array<i32>} : memref<64xi32, #tpu.memory_space<vmem>>, vector<16xi32>,
          %gather3A = tpu.vector_load_idx %arg13[%get3A_125] : memref<10000xf32, #tpu.memory_space<vmem>>[vector<16xi32>], vector<16xf32>,
          %get3A_126 = arith.index_cast %mul3A_124 : i32 to index
          %get3A_127 = tpu.vector_load %arg23[%get3A_126] {strides = array<i32>} : memref<64xf32, #tpu.memory_space<vmem>>, vector<16xf32>,
          %mul3A_128 = arith.mulf %get3A_127, %gather3A : vector<16xf32>
          %swap3A = arith.index_cast %mul3A_124 : i32 to index
          %swap3A_129 = tpu.vector_load %arg24[%swap3A] {strides = array<i32>} : memref<64xf32, #tpu.memory_space<vmem>>, vector<16xf32>,
          tpu.vector_store %arg24[%swap3A], %mul3A_128 {strides = array<i32>} : memref<64xf32, #tpu.memory_space<vmem>>, vector<16xf32>,
        }
        %scan3A_117 = arith.constant 4 : i32
        "tpu.region"() ({
          %run_scoped3A = tpu.sem_alloc : memref<!tpu.dma_semaphore, #tpu.memory_space<semaphore_mem>>
          %dma_start3A_118 = tpu.memref_slice %arg10[%mul3A_98] : memref<160000xf32, #tpu.memory_space<hbm>> -> memref<64xf32, #tpu.memory_space<hbm>>
          %dma_start3A_119 = tpu.memref_slice %arg10[%mul3A_98] : memref<160000xf32, #tpu.memory_space<hbm>> -> memref<64xf32, #tpu.memory_space<hbm>>
          tpu.enqueue_dma source(%arg24 : memref<64xf32, #tpu.memory_space<vmem>>) target(%dma_start3A_119 : memref<64xf32, #tpu.memory_space<hbm>>) target_semaphore(%run_scoped3A : memref<!tpu.dma_semaphore, #tpu.memory_space<semaphore_mem>>)
          %dma_wait3A_120 = tpu.memref_slice %arg10[%mul3A_98] : memref<160000xf32, #tpu.memory_space<hbm>> -> memref<64xf32, #tpu.memory_space<hbm>>
          %dma_wait3A_121 = tpu.memref_slice %arg10[%mul3A_98] : memref<160000xf32, #tpu.memory_space<hbm>> -> memref<64xf32, #tpu.memory_space<hbm>>
          tpu.wait_dma2 semaphore(%run_scoped3A : memref<!tpu.dma_semaphore, #tpu.memory_space<semaphore_mem>>) src(%arg24 : memref<64xf32, #tpu.memory_space<vmem>>) dst(%dma_wait3A_121 : memref<64xf32, #tpu.memory_space<hbm>>)
          tpu.yield
        }) : () -> ()
      } else {
      }
    }
    %scan3A_25 = arith.constant 78 : i32
    %dma_wait3A = arith.constant 0 : i32
    %dma_wait3A_26 = arith.constant 0 : i32
    %dma_wait3A_27 = tpu.memref_slice %arg11[%dma_wait3A, %dma_wait3A_26] : memref<10000x128xf32, #tpu.memory_space<vmem_shared>> -> memref<10000x128xf32, #tpu.memory_space<vmem_shared>>
    tpu.wait_indirect_dma semaphore(%arg27 : memref<!tpu.dma_semaphore, #tpu.memory_space<semaphore_mem>>) src(%arg14 : memref<64x128xf32, #tpu.memory_space<vmem>>) dst(%dma_wait3A_27 : memref<10000x128xf32, #tpu.memory_space<vmem_shared>>)
    %dma_wait3A_28 = arith.constant 0 : i32
    %dma_wait3A_29 = arith.constant 0 : i32
    %dma_wait3A_30 = tpu.memref_slice %arg11[%dma_wait3A_28, %dma_wait3A_29] : memref<10000x128xf32, #tpu.memory_space<vmem_shared>> -> memref<10000x128xf32, #tpu.memory_space<vmem_shared>>
    tpu.wait_indirect_dma semaphore(%arg28 : memref<!tpu.dma_semaphore, #tpu.memory_space<semaphore_mem>>) src(%arg18 : memref<64x128xf32, #tpu.memory_space<vmem>>) dst(%dma_wait3A_30 : memref<10000x128xf32, #tpu.memory_space<vmem_shared>>)
    %lt3A = arith.constant 4 : i32
    %lt3A_31 = arith.cmpi slt, %arg1, %lt3A : i32
    %convert_element_type3A_32 = arith.extui %lt3A_31 : i1 to i32
    %cond3A_33 = arith.constant 0 : i32
    %cond3A_34 = arith.cmpi ne, %convert_element_type3A_32, %cond3A_33 : i32
    scf.if %cond3A_34 {
      %add3A = arith.constant 2496 : i32
      %add3A_48 = arith.addi %add3A, %arg1 : i32
      %mul3A_49 = arith.constant 64 : i32
      %mul3A_50 = arith.muli %add3A_48, %mul3A_49 : i32
      "tpu.region"() ({
        %run_scoped3A = tpu.sem_alloc : memref<!tpu.dma_semaphore, #tpu.memory_space<semaphore_mem>>
        %dma_start3A_80 = tpu.memref_slice %arg6[%mul3A_50] : memref<160000xi32, #tpu.memory_space<hbm>> -> memref<64xi32, #tpu.memory_space<hbm>>
        %dma_start3A_81 = tpu.memref_slice %arg6[%mul3A_50] : memref<160000xi32, #tpu.memory_space<hbm>> -> memref<64xi32, #tpu.memory_space<hbm>>
        tpu.enqueue_dma source(%dma_start3A_81 : memref<64xi32, #tpu.memory_space<hbm>>) target(%arg15 : memref<64xi32, #tpu.memory_space<vmem>>) target_semaphore(%run_scoped3A : memref<!tpu.dma_semaphore, #tpu.memory_space<semaphore_mem>>)
        %dma_wait3A_82 = tpu.memref_slice %arg6[%mul3A_50] : memref<160000xi32, #tpu.memory_space<hbm>> -> memref<64xi32, #tpu.memory_space<hbm>>
        %dma_wait3A_83 = tpu.memref_slice %arg6[%mul3A_50] : memref<160000xi32, #tpu.memory_space<hbm>> -> memref<64xi32, #tpu.memory_space<hbm>>
        tpu.wait_dma2 semaphore(%run_scoped3A : memref<!tpu.dma_semaphore, #tpu.memory_space<semaphore_mem>>) src(%dma_wait3A_83 : memref<64xi32, #tpu.memory_space<hbm>>) dst(%arg15 : memref<64xi32, #tpu.memory_space<vmem>>)
        tpu.yield
      }) : () -> ()
      "tpu.region"() ({
        %run_scoped3A = tpu.sem_alloc : memref<!tpu.dma_semaphore, #tpu.memory_space<semaphore_mem>>
        %dma_start3A_80 = tpu.memref_slice %arg7[%mul3A_50] : memref<160000xi32, #tpu.memory_space<hbm>> -> memref<64xi32, #tpu.memory_space<hbm>>
        %dma_start3A_81 = tpu.memref_slice %arg7[%mul3A_50] : memref<160000xi32, #tpu.memory_space<hbm>> -> memref<64xi32, #tpu.memory_space<hbm>>
        tpu.enqueue_dma source(%dma_start3A_81 : memref<64xi32, #tpu.memory_space<hbm>>) target(%arg16 : memref<64xi32, #tpu.memory_space<vmem>>) target_semaphore(%run_scoped3A : memref<!tpu.dma_semaphore, #tpu.memory_space<semaphore_mem>>)
        %dma_wait3A_82 = tpu.memref_slice %arg7[%mul3A_50] : memref<160000xi32, #tpu.memory_space<hbm>> -> memref<64xi32, #tpu.memory_space<hbm>>
        %dma_wait3A_83 = tpu.memref_slice %arg7[%mul3A_50] : memref<160000xi32, #tpu.memory_space<hbm>> -> memref<64xi32, #tpu.memory_space<hbm>>
        tpu.wait_dma2 semaphore(%run_scoped3A : memref<!tpu.dma_semaphore, #tpu.memory_space<semaphore_mem>>) src(%dma_wait3A_83 : memref<64xi32, #tpu.memory_space<hbm>>) dst(%arg16 : memref<64xi32, #tpu.memory_space<vmem>>)
        tpu.yield
      }) : () -> ()
      %scan3A_51 = arith.constant 0 : i32
      %scan3A_52 = arith.constant 4 : i32
      %scan3A_53 = arith.addi %scan3A_51, %scan3A_52 : i32
      %scan3A_54 = arith.constant 1 : i32
      scf.for %scan3A_80 = %scan3A_51 to %scan3A_53 step %scan3A_54  : i32 {
        %mul3A_81 = arith.constant 1 : i32
        %mul3A_82 = arith.muli %scan3A_80, %mul3A_81 : i32
        %add3A_83 = arith.constant 0 : i32
        %add3A_84 = arith.addi %add3A_83, %mul3A_82 : i32
        %mul3A_85 = arith.constant 16 : i32
        %mul3A_86 = arith.muli %add3A_84, %mul3A_85 : i32
        %get3A = arith.index_cast %mul3A_86 : i32 to index
        %get3A_87 = tpu.vector_load %arg16[%get3A] {strides = array<i32>} : memref<64xi32, #tpu.memory_space<vmem>>, vector<16xi32>,
        %add3A_88 = vector.broadcast %mul3A_11 : i32 to vector<16xi32>
        %add3A_89 = arith.addi %get3A_87, %add3A_88 : vector<16xi32>
        %swap3A = arith.index_cast %mul3A_86 : i32 to index
        %swap3A_90 = tpu.vector_load %arg17[%swap3A] {strides = array<i32>} : memref<64xi32, #tpu.memory_space<vmem>>, vector<16xi32>,
        tpu.vector_store %arg17[%swap3A], %add3A_89 {strides = array<i32>} : memref<64xi32, #tpu.memory_space<vmem>>, vector<16xi32>,
      }
      %scan3A_55 = arith.constant 4 : i32
      %dma_start3A_56 = arith.constant 0 : i32
      %dma_start3A_57 = arith.constant 0 : i32
      %dma_start3A_58 = tpu.memref_slice %arg2[%dma_start3A_56, %dma_start3A_57] : memref<20000x128xf32, #tpu.memory_space<hbm>> -> memref<20000x128xf32, #tpu.memory_space<hbm>>
      tpu.enqueue_indirect_dma source(%dma_start3A_58 : memref<20000x128xf32, #tpu.memory_space<hbm>>) target(%arg14 : memref<64x128xf32, #tpu.memory_space<vmem>>) offsets(%arg17 : memref<64xi32, #tpu.memory_space<vmem>>) semaphore(%arg25 : memref<!tpu.dma_semaphore, #tpu.memory_space<semaphore_mem>>)
      %dma_wait3A_59 = arith.constant 0 : i32
      %dma_wait3A_60 = arith.constant 0 : i32
      %dma_wait3A_61 = tpu.memref_slice %arg2[%dma_wait3A_59, %dma_wait3A_60] : memref<20000x128xf32, #tpu.memory_space<hbm>> -> memref<20000x128xf32, #tpu.memory_space<hbm>>
      tpu.wait_indirect_dma semaphore(%arg25 : memref<!tpu.dma_semaphore, #tpu.memory_space<semaphore_mem>>) src(%dma_wait3A_61 : memref<20000x128xf32, #tpu.memory_space<hbm>>) dst(%arg14 : memref<64x128xf32, #tpu.memory_space<vmem>>)
      %mul3A_62 = arith.constant 64 : i32
      %mul3A_63 = arith.muli %add3A_48, %mul3A_62 : i32
      "tpu.region"() ({
        %run_scoped3A = tpu.sem_alloc : memref<!tpu.dma_semaphore, #tpu.memory_space<semaphore_mem>>
        %dma_start3A_80 = tpu.memref_slice %arg3[%mul3A_63] : memref<160000xf32, #tpu.memory_space<hbm>> -> memref<64xf32, #tpu.memory_space<hbm>>
        %dma_start3A_81 = tpu.memref_slice %arg3[%mul3A_63] : memref<160000xf32, #tpu.memory_space<hbm>> -> memref<64xf32, #tpu.memory_space<hbm>>
        tpu.enqueue_dma source(%dma_start3A_81 : memref<64xf32, #tpu.memory_space<hbm>>) target(%arg22 : memref<64xf32, #tpu.memory_space<vmem>>) target_semaphore(%run_scoped3A : memref<!tpu.dma_semaphore, #tpu.memory_space<semaphore_mem>>)
        %dma_wait3A_82 = tpu.memref_slice %arg3[%mul3A_63] : memref<160000xf32, #tpu.memory_space<hbm>> -> memref<64xf32, #tpu.memory_space<hbm>>
        %dma_wait3A_83 = tpu.memref_slice %arg3[%mul3A_63] : memref<160000xf32, #tpu.memory_space<hbm>> -> memref<64xf32, #tpu.memory_space<hbm>>
        tpu.wait_dma2 semaphore(%run_scoped3A : memref<!tpu.dma_semaphore, #tpu.memory_space<semaphore_mem>>) src(%dma_wait3A_83 : memref<64xf32, #tpu.memory_space<hbm>>) dst(%arg22 : memref<64xf32, #tpu.memory_space<vmem>>)
        tpu.yield
      }) : () -> ()
      %scan3A_64 = arith.constant 0 : i32
      %scan3A_65 = arith.constant 4 : i32
      %scan3A_66 = arith.addi %scan3A_64, %scan3A_65 : i32
      %scan3A_67 = arith.constant 1 : i32
      scf.for %scan3A_80 = %scan3A_64 to %scan3A_66 step %scan3A_67  : i32 {
        %mul3A_81 = arith.constant 1 : i32
        %mul3A_82 = arith.muli %scan3A_80, %mul3A_81 : i32
        %add3A_83 = arith.constant 0 : i32
        %add3A_84 = arith.addi %add3A_83, %mul3A_82 : i32
        %mul3A_85 = arith.constant 16 : i32
        %mul3A_86 = arith.muli %add3A_84, %mul3A_85 : i32
        %get3A = arith.index_cast %mul3A_86 : i32 to index
        %get3A_87 = tpu.vector_load %arg22[%get3A] {strides = array<i32>} : memref<64xf32, #tpu.memory_space<vmem>>, vector<16xf32>,
        %scan3A_88 = arith.constant 0 : i32
        %scan3A_89 = arith.constant 0 : i32
        %scan3A_90 = arith.constant 16 : i32
        %scan3A_91 = arith.addi %scan3A_89, %scan3A_90 : i32
        %scan3A_92 = arith.constant 1 : i32
        scf.for %scan3A_94 = %scan3A_89 to %scan3A_91 step %scan3A_92  : i32 {
          %eq3A_95 = vector.broadcast %scan3A_94 : i32 to vector<16xi32>
          %eq3A_96 = arith.cmpi eq, %iota3A, %eq3A_95 : vector<16xi32>
          %jit3A = arith.constant 0.000000e+00 : f32
          %broadcast_in_dim3A = vector.broadcast %jit3A : f32 to vector<16xf32>
          %select_n3A = arith.select %eq3A_96, %get3A_87, %broadcast_in_dim3A : vector<16xi1>, vector<16xf32>
          %reduce_sum3A = arith.constant true
          %reduce_sum3A_97 = vector.broadcast %reduce_sum3A : i1 to vector<16xi1>
          %reduce_sum3A_98 = tpu.scan <sum>, %select_n3A masked %reduce_sum3A_97 : vector<16xf32>, vector<16xi1> -> vector<16xf32>
          %reduce_sum3A_99 = vector.extract %reduce_sum3A_98[15] : f32 from vector<16xf32>
          %mul3A_100 = arith.constant 16 : i32
          %mul3A_101 = arith.muli %add3A_84, %mul3A_100 : i32
          %add3A_102 = arith.addi %mul3A_101, %scan3A_94 : i32
          %get3A_103 = arith.index_cast %add3A_102 : i32 to index
          %get3A_104 = arith.constant 0 : index
          %get3A_105 = tpu.vector_load %arg14[%get3A_103, %get3A_104] {strides = array<i32>} : memref<64x128xf32, #tpu.memory_space<vmem>>, vector<16xf32>,
          %mul3A_106 = vector.broadcast %reduce_sum3A_99 : f32 to vector<16xf32>
          %mul3A_107 = arith.mulf %get3A_105, %mul3A_106 : vector<16xf32>
          %swap3A = arith.index_cast %add3A_102 : i32 to index
          %swap3A_108 = arith.constant 0 : index
          %swap3A_109 = tpu.vector_load %arg14[%swap3A, %swap3A_108] {strides = array<i32>} : memref<64x128xf32, #tpu.memory_space<vmem>>, vector<16xf32>,
          tpu.vector_store %arg14[%swap3A, %swap3A_108], %mul3A_107 {strides = array<i32>} : memref<64x128xf32, #tpu.memory_space<vmem>>, vector<16xf32>,
          %get3A_110 = arith.index_cast %add3A_102 : i32 to index
          %get3A_111 = arith.constant 16 : index
          %get3A_112 = tpu.vector_load %arg14[%get3A_110, %get3A_111] {strides = array<i32>} : memref<64x128xf32, #tpu.memory_space<vmem>>, vector<16xf32>,
          %mul3A_113 = vector.broadcast %reduce_sum3A_99 : f32 to vector<16xf32>
          %mul3A_114 = arith.mulf %get3A_112, %mul3A_113 : vector<16xf32>
          %swap3A_115 = arith.index_cast %add3A_102 : i32 to index
          %swap3A_116 = arith.constant 16 : index
          %swap3A_117 = tpu.vector_load %arg14[%swap3A_115, %swap3A_116] {strides = array<i32>} : memref<64x128xf32, #tpu.memory_space<vmem>>, vector<16xf32>,
          tpu.vector_store %arg14[%swap3A_115, %swap3A_116], %mul3A_114 {strides = array<i32>} : memref<64x128xf32, #tpu.memory_space<vmem>>, vector<16xf32>,
          %get3A_118 = arith.index_cast %add3A_102 : i32 to index
          %get3A_119 = arith.constant 32 : index
          %get3A_120 = tpu.vector_load %arg14[%get3A_118, %get3A_119] {strides = array<i32>} : memref<64x128xf32, #tpu.memory_space<vmem>>, vector<16xf32>,
          %mul3A_121 = vector.broadcast %reduce_sum3A_99 : f32 to vector<16xf32>
          %mul3A_122 = arith.mulf %get3A_120, %mul3A_121 : vector<16xf32>
          %swap3A_123 = arith.index_cast %add3A_102 : i32 to index
          %swap3A_124 = arith.constant 32 : index
          %swap3A_125 = tpu.vector_load %arg14[%swap3A_123, %swap3A_124] {strides = array<i32>} : memref<64x128xf32, #tpu.memory_space<vmem>>, vector<16xf32>,
          tpu.vector_store %arg14[%swap3A_123, %swap3A_124], %mul3A_122 {strides = array<i32>} : memref<64x128xf32, #tpu.memory_space<vmem>>, vector<16xf32>,
          %get3A_126 = arith.index_cast %add3A_102 : i32 to index
          %get3A_127 = arith.constant 48 : index
          %get3A_128 = tpu.vector_load %arg14[%get3A_126, %get3A_127] {strides = array<i32>} : memref<64x128xf32, #tpu.memory_space<vmem>>, vector<16xf32>,
          %mul3A_129 = vector.broadcast %reduce_sum3A_99 : f32 to vector<16xf32>
          %mul3A_130 = arith.mulf %get3A_128, %mul3A_129 : vector<16xf32>
          %swap3A_131 = arith.index_cast %add3A_102 : i32 to index
          %swap3A_132 = arith.constant 48 : index
          %swap3A_133 = tpu.vector_load %arg14[%swap3A_131, %swap3A_132] {strides = array<i32>} : memref<64x128xf32, #tpu.memory_space<vmem>>, vector<16xf32>,
          tpu.vector_store %arg14[%swap3A_131, %swap3A_132], %mul3A_130 {strides = array<i32>} : memref<64x128xf32, #tpu.memory_space<vmem>>, vector<16xf32>,
          %get3A_134 = arith.index_cast %add3A_102 : i32 to index
          %get3A_135 = arith.constant 64 : index
          %get3A_136 = tpu.vector_load %arg14[%get3A_134, %get3A_135] {strides = array<i32>} : memref<64x128xf32, #tpu.memory_space<vmem>>, vector<16xf32>,
          %mul3A_137 = vector.broadcast %reduce_sum3A_99 : f32 to vector<16xf32>
          %mul3A_138 = arith.mulf %get3A_136, %mul3A_137 : vector<16xf32>
          %swap3A_139 = arith.index_cast %add3A_102 : i32 to index
          %swap3A_140 = arith.constant 64 : index
          %swap3A_141 = tpu.vector_load %arg14[%swap3A_139, %swap3A_140] {strides = array<i32>} : memref<64x128xf32, #tpu.memory_space<vmem>>, vector<16xf32>,
          tpu.vector_store %arg14[%swap3A_139, %swap3A_140], %mul3A_138 {strides = array<i32>} : memref<64x128xf32, #tpu.memory_space<vmem>>, vector<16xf32>,
          %get3A_142 = arith.index_cast %add3A_102 : i32 to index
          %get3A_143 = arith.constant 80 : index
          %get3A_144 = tpu.vector_load %arg14[%get3A_142, %get3A_143] {strides = array<i32>} : memref<64x128xf32, #tpu.memory_space<vmem>>, vector<16xf32>,
          %mul3A_145 = vector.broadcast %reduce_sum3A_99 : f32 to vector<16xf32>
          %mul3A_146 = arith.mulf %get3A_144, %mul3A_145 : vector<16xf32>
          %swap3A_147 = arith.index_cast %add3A_102 : i32 to index
          %swap3A_148 = arith.constant 80 : index
          %swap3A_149 = tpu.vector_load %arg14[%swap3A_147, %swap3A_148] {strides = array<i32>} : memref<64x128xf32, #tpu.memory_space<vmem>>, vector<16xf32>,
          tpu.vector_store %arg14[%swap3A_147, %swap3A_148], %mul3A_146 {strides = array<i32>} : memref<64x128xf32, #tpu.memory_space<vmem>>, vector<16xf32>,
          %get3A_150 = arith.index_cast %add3A_102 : i32 to index
          %get3A_151 = arith.constant 96 : index
          %get3A_152 = tpu.vector_load %arg14[%get3A_150, %get3A_151] {strides = array<i32>} : memref<64x128xf32, #tpu.memory_space<vmem>>, vector<16xf32>,
          %mul3A_153 = vector.broadcast %reduce_sum3A_99 : f32 to vector<16xf32>
          %mul3A_154 = arith.mulf %get3A_152, %mul3A_153 : vector<16xf32>
          %swap3A_155 = arith.index_cast %add3A_102 : i32 to index
          %swap3A_156 = arith.constant 96 : index
          %swap3A_157 = tpu.vector_load %arg14[%swap3A_155, %swap3A_156] {strides = array<i32>} : memref<64x128xf32, #tpu.memory_space<vmem>>, vector<16xf32>,
          tpu.vector_store %arg14[%swap3A_155, %swap3A_156], %mul3A_154 {strides = array<i32>} : memref<64x128xf32, #tpu.memory_space<vmem>>, vector<16xf32>,
          %get3A_158 = arith.index_cast %add3A_102 : i32 to index
          %get3A_159 = arith.constant 112 : index
          %get3A_160 = tpu.vector_load %arg14[%get3A_158, %get3A_159] {strides = array<i32>} : memref<64x128xf32, #tpu.memory_space<vmem>>, vector<16xf32>,
          %mul3A_161 = vector.broadcast %reduce_sum3A_99 : f32 to vector<16xf32>
          %mul3A_162 = arith.mulf %get3A_160, %mul3A_161 : vector<16xf32>
          %swap3A_163 = arith.index_cast %add3A_102 : i32 to index
          %swap3A_164 = arith.constant 112 : index
          %swap3A_165 = tpu.vector_load %arg14[%swap3A_163, %swap3A_164] {strides = array<i32>} : memref<64x128xf32, #tpu.memory_space<vmem>>, vector<16xf32>,
          tpu.vector_store %arg14[%swap3A_163, %swap3A_164], %mul3A_162 {strides = array<i32>} : memref<64x128xf32, #tpu.memory_space<vmem>>, vector<16xf32>,
        }
        %scan3A_93 = arith.constant 16 : i32
      }
      %scan3A_68 = arith.constant 4 : i32
      %dma_start3A_69 = arith.constant 0 : i32
      %dma_start3A_70 = arith.constant 0 : i32
      %dma_start3A_71 = tpu.memref_slice %arg11[%dma_start3A_69, %dma_start3A_70] : memref<10000x128xf32, #tpu.memory_space<vmem_shared>> -> memref<10000x128xf32, #tpu.memory_space<vmem_shared>>
      tpu.enqueue_indirect_dma source(%arg14 : memref<64x128xf32, #tpu.memory_space<vmem>>) target(%dma_start3A_71 : memref<10000x128xf32, #tpu.memory_space<vmem_shared>>) offsets(%arg15 : memref<64xi32, #tpu.memory_space<vmem>>) semaphore(%arg27 : memref<!tpu.dma_semaphore, #tpu.memory_space<semaphore_mem>>) {add = true}
      %rem3A = arith.constant 2 : i32
      %rem3A_72 = arith.remsi %add3A_48, %rem3A : i32
      %eq3A_73 = arith.cmpi eq, %rem3A_72, %arg0 : i32
      %convert_element_type3A_74 = arith.extui %eq3A_73 : i1 to i32
      %cond3A_75 = arith.constant 0 : i32
      %cond3A_76 = arith.cmpi ne, %convert_element_type3A_74, %cond3A_75 : i32
      scf.if %cond3A_76 {
        "tpu.region"() ({
          %run_scoped3A = tpu.sem_alloc : memref<!tpu.dma_semaphore, #tpu.memory_space<semaphore_mem>>
          %dma_start3A_85 = tpu.memref_slice %arg4[%mul3A_63] : memref<160000xf32, #tpu.memory_space<hbm>> -> memref<64xf32, #tpu.memory_space<hbm>>
          %dma_start3A_86 = tpu.memref_slice %arg4[%mul3A_63] : memref<160000xf32, #tpu.memory_space<hbm>> -> memref<64xf32, #tpu.memory_space<hbm>>
          tpu.enqueue_dma source(%dma_start3A_86 : memref<64xf32, #tpu.memory_space<hbm>>) target(%arg23 : memref<64xf32, #tpu.memory_space<vmem>>) target_semaphore(%run_scoped3A : memref<!tpu.dma_semaphore, #tpu.memory_space<semaphore_mem>>)
          %dma_wait3A_87 = tpu.memref_slice %arg4[%mul3A_63] : memref<160000xf32, #tpu.memory_space<hbm>> -> memref<64xf32, #tpu.memory_space<hbm>>
          %dma_wait3A_88 = tpu.memref_slice %arg4[%mul3A_63] : memref<160000xf32, #tpu.memory_space<hbm>> -> memref<64xf32, #tpu.memory_space<hbm>>
          tpu.wait_dma2 semaphore(%run_scoped3A : memref<!tpu.dma_semaphore, #tpu.memory_space<semaphore_mem>>) src(%dma_wait3A_88 : memref<64xf32, #tpu.memory_space<hbm>>) dst(%arg23 : memref<64xf32, #tpu.memory_space<vmem>>)
          tpu.yield
        }) : () -> ()
        %scan3A_80 = arith.constant 0 : i32
        %scan3A_81 = arith.constant 4 : i32
        %scan3A_82 = arith.addi %scan3A_80, %scan3A_81 : i32
        %scan3A_83 = arith.constant 1 : i32
        scf.for %scan3A_85 = %scan3A_80 to %scan3A_82 step %scan3A_83  : i32 {
          %mul3A_86 = arith.constant 1 : i32
          %mul3A_87 = arith.muli %scan3A_85, %mul3A_86 : i32
          %add3A_88 = arith.constant 0 : i32
          %add3A_89 = arith.addi %add3A_88, %mul3A_87 : i32
          %mul3A_90 = arith.constant 16 : i32
          %mul3A_91 = arith.muli %add3A_89, %mul3A_90 : i32
          %get3A = arith.index_cast %mul3A_91 : i32 to index
          %get3A_92 = tpu.vector_load %arg15[%get3A] {strides = array<i32>} : memref<64xi32, #tpu.memory_space<vmem>>, vector<16xi32>,
          %gather3A = tpu.vector_load_idx %arg13[%get3A_92] : memref<10000xf32, #tpu.memory_space<vmem>>[vector<16xi32>], vector<16xf32>,
          %get3A_93 = arith.index_cast %mul3A_91 : i32 to index
          %get3A_94 = tpu.vector_load %arg23[%get3A_93] {strides = array<i32>} : memref<64xf32, #tpu.memory_space<vmem>>, vector<16xf32>,
          %mul3A_95 = arith.mulf %get3A_94, %gather3A : vector<16xf32>
          %swap3A = arith.index_cast %mul3A_91 : i32 to index
          %swap3A_96 = tpu.vector_load %arg24[%swap3A] {strides = array<i32>} : memref<64xf32, #tpu.memory_space<vmem>>, vector<16xf32>,
          tpu.vector_store %arg24[%swap3A], %mul3A_95 {strides = array<i32>} : memref<64xf32, #tpu.memory_space<vmem>>, vector<16xf32>,
        }
        %scan3A_84 = arith.constant 4 : i32
        "tpu.region"() ({
          %run_scoped3A = tpu.sem_alloc : memref<!tpu.dma_semaphore, #tpu.memory_space<semaphore_mem>>
          %dma_start3A_85 = tpu.memref_slice %arg10[%mul3A_63] : memref<160000xf32, #tpu.memory_space<hbm>> -> memref<64xf32, #tpu.memory_space<hbm>>
          %dma_start3A_86 = tpu.memref_slice %arg10[%mul3A_63] : memref<160000xf32, #tpu.memory_space<hbm>> -> memref<64xf32, #tpu.memory_space<hbm>>
          tpu.enqueue_dma source(%arg24 : memref<64xf32, #tpu.memory_space<vmem>>) target(%dma_start3A_86 : memref<64xf32, #tpu.memory_space<hbm>>) target_semaphore(%run_scoped3A : memref<!tpu.dma_semaphore, #tpu.memory_space<semaphore_mem>>)
          %dma_wait3A_87 = tpu.memref_slice %arg10[%mul3A_63] : memref<160000xf32, #tpu.memory_space<hbm>> -> memref<64xf32, #tpu.memory_space<hbm>>
          %dma_wait3A_88 = tpu.memref_slice %arg10[%mul3A_63] : memref<160000xf32, #tpu.memory_space<hbm>> -> memref<64xf32, #tpu.memory_space<hbm>>
          tpu.wait_dma2 semaphore(%run_scoped3A : memref<!tpu.dma_semaphore, #tpu.memory_space<semaphore_mem>>) src(%arg24 : memref<64xf32, #tpu.memory_space<vmem>>) dst(%dma_wait3A_88 : memref<64xf32, #tpu.memory_space<hbm>>)
          tpu.yield
        }) : () -> ()
      } else {
      }
      %dma_wait3A_77 = arith.constant 0 : i32
      %dma_wait3A_78 = arith.constant 0 : i32
      %dma_wait3A_79 = tpu.memref_slice %arg11[%dma_wait3A_77, %dma_wait3A_78] : memref<10000x128xf32, #tpu.memory_space<vmem_shared>> -> memref<10000x128xf32, #tpu.memory_space<vmem_shared>>
      tpu.wait_indirect_dma semaphore(%arg27 : memref<!tpu.dma_semaphore, #tpu.memory_space<semaphore_mem>>) src(%arg14 : memref<64x128xf32, #tpu.memory_space<vmem>>) dst(%dma_wait3A_79 : memref<10000x128xf32, #tpu.memory_space<vmem_shared>>)
    } else {
    }
    %barrier3A_35 = arith.constant 0 : index
    tpu.barrier barrier_id(%barrier3A_35)
    %mul3A_36 = arith.constant 624 : i32
    %mul3A_37 = arith.muli %arg1, %mul3A_36 : i32
    %eq3A_38 = arith.constant 0 : i32
    %eq3A_39 = arith.cmpi eq, %arg0, %eq3A_38 : i32
    %convert_element_type3A_40 = arith.extui %eq3A_39 : i1 to i32
    %cond3A_41 = arith.constant 0 : i32
    %cond3A_42 = arith.cmpi ne, %convert_element_type3A_40, %cond3A_41 : i32
    scf.if %cond3A_42 {
      "tpu.region"() ({
        %run_scoped3A = tpu.sem_alloc : memref<!tpu.dma_semaphore, #tpu.memory_space<semaphore_mem>>
        %dma_start3A_53 = arith.constant 0 : i32
        %dma_start3A_54 = tpu.memref_slice %arg8[%mul3A_37, %dma_start3A_53] : memref<10000x128xf32, #tpu.memory_space<hbm>> -> memref<624x128xf32, #tpu.memory_space<hbm>>
        %dma_start3A_55 = arith.constant 0 : i32
        %dma_start3A_56 = tpu.memref_slice %arg11[%mul3A_37, %dma_start3A_55] : memref<10000x128xf32, #tpu.memory_space<vmem_shared>> -> memref<624x128xf32, #tpu.memory_space<vmem_shared>>
        tpu.enqueue_dma source(%dma_start3A_56 : memref<624x128xf32, #tpu.memory_space<vmem_shared>>) target(%dma_start3A_54 : memref<624x128xf32, #tpu.memory_space<hbm>>) target_semaphore(%run_scoped3A : memref<!tpu.dma_semaphore, #tpu.memory_space<semaphore_mem>>)
        %dma_wait3A_57 = arith.constant 0 : i32
        %dma_wait3A_58 = tpu.memref_slice %arg8[%mul3A_37, %dma_wait3A_57] : memref<10000x128xf32, #tpu.memory_space<hbm>> -> memref<624x128xf32, #tpu.memory_space<hbm>>
        %dma_wait3A_59 = arith.constant 0 : i32
        %dma_wait3A_60 = tpu.memref_slice %arg11[%mul3A_37, %dma_wait3A_59] : memref<10000x128xf32, #tpu.memory_space<vmem_shared>> -> memref<624x128xf32, #tpu.memory_space<vmem_shared>>
        tpu.wait_dma2 semaphore(%run_scoped3A : memref<!tpu.dma_semaphore, #tpu.memory_space<semaphore_mem>>) src(%dma_wait3A_60 : memref<624x128xf32, #tpu.memory_space<vmem_shared>>) dst(%dma_wait3A_58 : memref<624x128xf32, #tpu.memory_space<hbm>>)
        tpu.yield
      }) : () -> ()
      %eq3A_48 = arith.constant 15 : i32
      %eq3A_49 = arith.cmpi eq, %arg1, %eq3A_48 : i32
      %convert_element_type3A_50 = arith.extui %eq3A_49 : i1 to i32
      %cond3A_51 = arith.constant 0 : i32
      %cond3A_52 = arith.cmpi ne, %convert_element_type3A_50, %cond3A_51 : i32
      scf.if %cond3A_52 {
        "tpu.region"() ({
          %run_scoped3A = tpu.sem_alloc : memref<!tpu.dma_semaphore, #tpu.memory_space<semaphore_mem>>
          %dma_start3A_53 = arith.constant 9984 : i32
          %dma_start3A_54 = arith.constant 0 : i32
          %dma_start3A_55 = tpu.memref_slice %arg8[%dma_start3A_53, %dma_start3A_54] : memref<10000x128xf32, #tpu.memory_space<hbm>> -> memref<16x128xf32, #tpu.memory_space<hbm>>
          %dma_start3A_56 = arith.constant 9984 : i32
          %dma_start3A_57 = arith.constant 0 : i32
          %dma_start3A_58 = tpu.memref_slice %arg11[%dma_start3A_56, %dma_start3A_57] : memref<10000x128xf32, #tpu.memory_space<vmem_shared>> -> memref<16x128xf32, #tpu.memory_space<vmem_shared>>
          tpu.enqueue_dma source(%dma_start3A_58 : memref<16x128xf32, #tpu.memory_space<vmem_shared>>) target(%dma_start3A_55 : memref<16x128xf32, #tpu.memory_space<hbm>>) target_semaphore(%run_scoped3A : memref<!tpu.dma_semaphore, #tpu.memory_space<semaphore_mem>>)
          %dma_wait3A_59 = arith.constant 9984 : i32
          %dma_wait3A_60 = arith.constant 0 : i32
          %dma_wait3A_61 = tpu.memref_slice %arg8[%dma_wait3A_59, %dma_wait3A_60] : memref<10000x128xf32, #tpu.memory_space<hbm>> -> memref<16x128xf32, #tpu.memory_space<hbm>>
          %dma_wait3A_62 = arith.constant 9984 : i32
          %dma_wait3A_63 = arith.constant 0 : i32
          %dma_wait3A_64 = tpu.memref_slice %arg11[%dma_wait3A_62, %dma_wait3A_63] : memref<10000x128xf32, #tpu.memory_space<vmem_shared>> -> memref<16x128xf32, #tpu.memory_space<vmem_shared>>
          tpu.wait_dma2 semaphore(%run_scoped3A : memref<!tpu.dma_semaphore, #tpu.memory_space<semaphore_mem>>) src(%dma_wait3A_64 : memref<16x128xf32, #tpu.memory_space<vmem_shared>>) dst(%dma_wait3A_61 : memref<16x128xf32, #tpu.memory_space<hbm>>)
          tpu.yield
        }) : () -> ()
      } else {
      }
    } else {
    }
    %eq3A_43 = arith.constant 1 : i32
    %eq3A_44 = arith.cmpi eq, %arg0, %eq3A_43 : i32
    %convert_element_type3A_45 = arith.extui %eq3A_44 : i1 to i32
    %cond3A_46 = arith.constant 0 : i32
    %cond3A_47 = arith.cmpi ne, %convert_element_type3A_45, %cond3A_46 : i32
    scf.if %cond3A_47 {
      "tpu.region"() ({
        %run_scoped3A = tpu.sem_alloc : memref<!tpu.dma_semaphore, #tpu.memory_space<semaphore_mem>>
        %dma_start3A_53 = arith.constant 0 : i32
        %dma_start3A_54 = tpu.memref_slice %arg9[%mul3A_37, %dma_start3A_53] : memref<10000x128xf32, #tpu.memory_space<hbm>> -> memref<624x128xf32, #tpu.memory_space<hbm>>
        %dma_start3A_55 = arith.constant 0 : i32
        %dma_start3A_56 = tpu.memref_slice %arg11[%mul3A_37, %dma_start3A_55] : memref<10000x128xf32, #tpu.memory_space<vmem_shared>> -> memref<624x128xf32, #tpu.memory_space<vmem_shared>>
        tpu.enqueue_dma source(%dma_start3A_56 : memref<624x128xf32, #tpu.memory_space<vmem_shared>>) target(%dma_start3A_54 : memref<624x128xf32, #tpu.memory_space<hbm>>) target_semaphore(%run_scoped3A : memref<!tpu.dma_semaphore, #tpu.memory_space<semaphore_mem>>)
        %dma_wait3A_57 = arith.constant 0 : i32
        %dma_wait3A_58 = tpu.memref_slice %arg9[%mul3A_37, %dma_wait3A_57] : memref<10000x128xf32, #tpu.memory_space<hbm>> -> memref<624x128xf32, #tpu.memory_space<hbm>>
        %dma_wait3A_59 = arith.constant 0 : i32
        %dma_wait3A_60 = tpu.memref_slice %arg11[%mul3A_37, %dma_wait3A_59] : memref<10000x128xf32, #tpu.memory_space<vmem_shared>> -> memref<624x128xf32, #tpu.memory_space<vmem_shared>>
        tpu.wait_dma2 semaphore(%run_scoped3A : memref<!tpu.dma_semaphore, #tpu.memory_space<semaphore_mem>>) src(%dma_wait3A_60 : memref<624x128xf32, #tpu.memory_space<vmem_shared>>) dst(%dma_wait3A_58 : memref<624x128xf32, #tpu.memory_space<hbm>>)
        tpu.yield
      }) : () -> ()
      %eq3A_48 = arith.constant 15 : i32
      %eq3A_49 = arith.cmpi eq, %arg1, %eq3A_48 : i32
      %convert_element_type3A_50 = arith.extui %eq3A_49 : i1 to i32
      %cond3A_51 = arith.constant 0 : i32
      %cond3A_52 = arith.cmpi ne, %convert_element_type3A_50, %cond3A_51 : i32
      scf.if %cond3A_52 {
        "tpu.region"() ({
          %run_scoped3A = tpu.sem_alloc : memref<!tpu.dma_semaphore, #tpu.memory_space<semaphore_mem>>
          %dma_start3A_53 = arith.constant 9984 : i32
          %dma_start3A_54 = arith.constant 0 : i32
          %dma_start3A_55 = tpu.memref_slice %arg9[%dma_start3A_53, %dma_start3A_54] : memref<10000x128xf32, #tpu.memory_space<hbm>> -> memref<16x128xf32, #tpu.memory_space<hbm>>
          %dma_start3A_56 = arith.constant 9984 : i32
          %dma_start3A_57 = arith.constant 0 : i32
          %dma_start3A_58 = tpu.memref_slice %arg11[%dma_start3A_56, %dma_start3A_57] : memref<10000x128xf32, #tpu.memory_space<vmem_shared>> -> memref<16x128xf32, #tpu.memory_space<vmem_shared>>
          tpu.enqueue_dma source(%dma_start3A_58 : memref<16x128xf32, #tpu.memory_space<vmem_shared>>) target(%dma_start3A_55 : memref<16x128xf32, #tpu.memory_space<hbm>>) target_semaphore(%run_scoped3A : memref<!tpu.dma_semaphore, #tpu.memory_space<semaphore_mem>>)
          %dma_wait3A_59 = arith.constant 9984 : i32
          %dma_wait3A_60 = arith.constant 0 : i32
          %dma_wait3A_61 = tpu.memref_slice %arg9[%dma_wait3A_59, %dma_wait3A_60] : memref<10000x128xf32, #tpu.memory_space<hbm>> -> memref<16x128xf32, #tpu.memory_space<hbm>>
          %dma_wait3A_62 = arith.constant 9984 : i32
          %dma_wait3A_63 = arith.constant 0 : i32
          %dma_wait3A_64 = tpu.memref_slice %arg11[%dma_wait3A_62, %dma_wait3A_63] : memref<10000x128xf32, #tpu.memory_space<vmem_shared>> -> memref<16x128xf32, #tpu.memory_space<vmem_shared>>
          tpu.wait_dma2 semaphore(%run_scoped3A : memref<!tpu.dma_semaphore, #tpu.memory_space<semaphore_mem>>) src(%dma_wait3A_64 : memref<16x128xf32, #tpu.memory_space<vmem_shared>>) dst(%dma_wait3A_61 : memref<16x128xf32, #tpu.memory_space<hbm>>)
          tpu.yield
        }) : () -> ()
      } else {
      }
    } else {
    }
    return
  }
}

module attributes {stable_mosaic.version = 14 : i64} {
  func.func @_stage1_body(%arg0: i32, %arg1: memref<1000x256xf32, #tpu.memory_space<vmem>>, %arg2: memref<256x256xf32, #tpu.memory_space<vmem>>, %arg3: memref<256x256xf32, #tpu.memory_space<vmem>>, %arg4: memref<1000x256xf32, #tpu.memory_space<vmem>>, %arg5: memref<1000x256xf32, #tpu.memory_space<vmem>>, %arg6: memref<1000x256xf32, #tpu.memory_space<vmem>>, %arg7: memref<1000x1xf32, #tpu.memory_space<vmem>>) attributes {dimension_semantics = [#tpu.dimension_semantics<arbitrary>], iteration_bounds = array<i64: 10>, scalar_prefetch = 0 : i64, scratch_operands = 0 : i64, tpu.core_type = #tpu.core_type<tc>, window_params = [{transform_indices = @transform_0, window_bounds = array<i64: 1000, 256>}, {pipeline_mode = #tpu.pipeline_mode<synchronous>, transform_indices = @transform_1, window_bounds = array<i64: 256, 256>}, {pipeline_mode = #tpu.pipeline_mode<synchronous>, transform_indices = @transform_2, window_bounds = array<i64: 256, 256>}, {transform_indices = @transform_3, window_bounds = array<i64: 1000, 256>}, {transform_indices = @transform_4, window_bounds = array<i64: 1000, 256>}, {transform_indices = @transform_5, window_bounds = array<i64: 1000, 256>}, {transform_indices = @transform_6, window_bounds = array<i64: 1000, 1>}]} {
    %get3A = arith.constant 0 : index
    %get3A_0 = arith.constant 0 : index
    %get3A_1 = vector.load %arg1[%get3A, %get3A_0] : memref<1000x256xf32, #tpu.memory_space<vmem>>, vector<1000x256xf32>
    %get3A_2 = arith.constant 0 : index
    %get3A_3 = arith.constant 0 : index
    %get3A_4 = vector.load %arg2[%get3A_2, %get3A_3] : memref<256x256xf32, #tpu.memory_space<vmem>>, vector<256x256xf32>
    %transpose3A = tpu.transpose %get3A_4, [1, 0] : vector<256x256xf32> -> vector<256x256xf32>
    %dot_general3A = arith.constant dense<0.000000e+00> : vector<1000x256xf32>
    %dot_general3A_5 = tpu.matmul %get3A_1, %transpose3A, %dot_general3A {dimension_numbers = #tpu.dot_dimension_numbers<[1], [0], [0], [1], [0, 0, 1, 1], [], []>, transpose_lhs_hint = false} : vector<1000x256xf32>, vector<256x256xf32>, vector<1000x256xf32> -> vector<1000x256xf32>
    %swap3A = arith.constant 0 : index
    %swap3A_6 = arith.constant 0 : index
    %swap3A_7 = vector.load %arg4[%swap3A, %swap3A_6] : memref<1000x256xf32, #tpu.memory_space<vmem>>, vector<1000x256xf32>
    tpu.vector_store %arg4[%swap3A, %swap3A_6], %dot_general3A_5 {strides = array<i32>} : memref<1000x256xf32, #tpu.memory_space<vmem>>, vector<1000x256xf32>,
    %mul3A = arith.mulf %dot_general3A_5, %dot_general3A_5 : vector<1000x256xf32>
    %reduce_sum3A = arith.constant dense<0.000000e+00> : vector<1000xf32>
    %reduce_sum3A_8 = vector.multi_reduction <add>, %mul3A, %reduce_sum3A [1] : vector<1000x256xf32> to vector<1000xf32>
    %broadcast_in_dim3A = vector.shape_cast %reduce_sum3A_8 : vector<1000xf32> to vector<1000x1xf32>
    %sqrt3A = math.sqrt %broadcast_in_dim3A : vector<1000x1xf32>
    %jit3A = arith.constant 9.99999996E-13 : f32
    %max3A = vector.broadcast %jit3A : f32 to vector<1000x1xf32>
    %max3A_9 = arith.maximumf %max3A, %sqrt3A : vector<1000x1xf32>
    %div3A = vector.broadcast %max3A_9 : vector<1000x1xf32> to vector<1000x256xf32>
    %div3A_10 = arith.divf %dot_general3A_5, %div3A : vector<1000x256xf32>
    %swap3A_11 = arith.constant 0 : index
    %swap3A_12 = arith.constant 0 : index
    %swap3A_13 = vector.load %arg5[%swap3A_11, %swap3A_12] : memref<1000x256xf32, #tpu.memory_space<vmem>>, vector<1000x256xf32>
    tpu.vector_store %arg5[%swap3A_11, %swap3A_12], %div3A_10 {strides = array<i32>} : memref<1000x256xf32, #tpu.memory_space<vmem>>, vector<1000x256xf32>,
    %get3A_14 = arith.constant 0 : index
    %get3A_15 = arith.constant 0 : index
    %get3A_16 = vector.load %arg3[%get3A_14, %get3A_15] : memref<256x256xf32, #tpu.memory_space<vmem>>, vector<256x256xf32>
    %transpose3A_17 = tpu.transpose %get3A_16, [1, 0] : vector<256x256xf32> -> vector<256x256xf32>
    %dot_general3A_18 = arith.constant dense<0.000000e+00> : vector<1000x256xf32>
    %dot_general3A_19 = tpu.matmul %get3A_1, %transpose3A_17, %dot_general3A_18 {dimension_numbers = #tpu.dot_dimension_numbers<[1], [0], [0], [1], [0, 0, 1, 1], [], []>, transpose_lhs_hint = false} : vector<1000x256xf32>, vector<256x256xf32>, vector<1000x256xf32> -> vector<1000x256xf32>
    %swap3A_20 = arith.constant 0 : index
    %swap3A_21 = arith.constant 0 : index
    %swap3A_22 = vector.load %arg6[%swap3A_20, %swap3A_21] : memref<1000x256xf32, #tpu.memory_space<vmem>>, vector<1000x256xf32>
    tpu.vector_store %arg6[%swap3A_20, %swap3A_21], %dot_general3A_19 {strides = array<i32>} : memref<1000x256xf32, #tpu.memory_space<vmem>>, vector<1000x256xf32>,
    %abs3A = math.absf %dot_general3A_5 : vector<1000x256xf32>
    %reduce_sum3A_23 = arith.constant dense<0.000000e+00> : vector<1000xf32>
    %reduce_sum3A_24 = vector.multi_reduction <add>, %abs3A, %reduce_sum3A_23 [1] : vector<1000x256xf32> to vector<1000xf32>
    %broadcast_in_dim3A_25 = vector.shape_cast %reduce_sum3A_24 : vector<1000xf32> to vector<1000x1xf32>
    %swap3A_26 = arith.constant 0 : index
    %swap3A_27 = arith.constant 0 : index
    %swap3A_28 = vector.load %arg7[%swap3A_26, %swap3A_27] : memref<1000x1xf32, #tpu.memory_space<vmem>>, vector<1000x1xf32>
    tpu.vector_store %arg7[%swap3A_26, %swap3A_27], %broadcast_in_dim3A_25 {strides = array<i32>} : memref<1000x1xf32, #tpu.memory_space<vmem>>, vector<1000x1xf32>,
    return
  }
  func.func @transform_0(%arg0: i32) -> (i32, i32) {
    %c0_i32 = arith.constant 0 : i32
    %c0_i32_0 = arith.constant 0 : i32
    return %arg0, %c0_i32 : i32, i32
  }
  func.func @transform_1(%arg0: i32) -> (i32, i32) {
    %c0_i32 = arith.constant 0 : i32
    %c0_i32_0 = arith.constant 0 : i32
    %c0_i32_1 = arith.constant 0 : i32
    return %c0_i32, %c0_i32_0 : i32, i32
  }
  func.func @transform_2(%arg0: i32) -> (i32, i32) {
    %c0_i32 = arith.constant 0 : i32
    %c0_i32_0 = arith.constant 0 : i32
    %c0_i32_1 = arith.constant 0 : i32
    return %c0_i32, %c0_i32_0 : i32, i32
  }
  func.func @transform_3(%arg0: i32) -> (i32, i32) {
    %c0_i32 = arith.constant 0 : i32
    %c0_i32_0 = arith.constant 0 : i32
    return %arg0, %c0_i32 : i32, i32
  }
  func.func @transform_4(%arg0: i32) -> (i32, i32) {
    %c0_i32 = arith.constant 0 : i32
    %c0_i32_0 = arith.constant 0 : i32
    return %arg0, %c0_i32 : i32, i32
  }
  func.func @transform_5(%arg0: i32) -> (i32, i32) {
    %c0_i32 = arith.constant 0 : i32
    %c0_i32_0 = arith.constant 0 : i32
    return %arg0, %c0_i32 : i32, i32
  }
  func.func @transform_6(%arg0: i32) -> (i32, i32) {
    %c0_i32 = arith.constant 0 : i32
    %c0_i32_0 = arith.constant 0 : i32
    return %arg0, %c0_i32 : i32, i32
  }
}

module attributes {stable_mosaic.version = 14 : i64} {
  func.func @_ispt_body(%arg0: memref<32x10000xf32, #tpu.memory_space<vmem>>, %arg1: memref<32x10000xf32, #tpu.memory_space<vmem>>, %arg2: memref<1x10000xf32, #tpu.memory_space<vmem>>, %arg3: memref<1x10000xf32, #tpu.memory_space<vmem>>) attributes {dimension_semantics = [], scalar_prefetch = 0 : i64, scratch_operands = 0 : i64, tpu.core_type = #tpu.core_type<tc>} {
    %get3A = arith.constant 0 : index
    %get3A_0 = arith.constant 0 : index
    %get3A_1 = vector.load %arg0[%get3A, %get3A_0] : memref<32x10000xf32, #tpu.memory_space<vmem>>, vector<32x10000xf32>
    %reduce_sum3A = arith.constant dense<0.000000e+00> : vector<10000xf32>
    %reduce_sum3A_2 = vector.multi_reduction <add>, %get3A_1, %reduce_sum3A [0] : vector<32x10000xf32> to vector<10000xf32>
    %jit3A = arith.constant 9.99999996E-13 : f32
    %max3A = vector.broadcast %jit3A : f32 to vector<10000xf32>
    %max3A_3 = arith.maximumf %max3A, %reduce_sum3A_2 : vector<10000xf32>
    %div3A = arith.constant 1.000000e+00 : f32
    %div3A_4 = vector.broadcast %div3A : f32 to vector<10000xf32>
    %div3A_5 = arith.divf %div3A_4, %max3A_3 : vector<10000xf32>
    %broadcast_in_dim3A = vector.shape_cast %div3A_5 : vector<10000xf32> to vector<1x10000xf32>
    %swap3A = arith.constant 0 : index
    %swap3A_6 = arith.constant 0 : index
    %swap3A_7 = vector.load %arg2[%swap3A, %swap3A_6] : memref<1x10000xf32, #tpu.memory_space<vmem>>, vector<1x10000xf32>
    tpu.vector_store %arg2[%swap3A, %swap3A_6], %broadcast_in_dim3A {strides = array<i32>} : memref<1x10000xf32, #tpu.memory_space<vmem>>, vector<1x10000xf32>,
    %get3A_8 = arith.constant 0 : index
    %get3A_9 = arith.constant 0 : index
    %get3A_10 = vector.load %arg1[%get3A_8, %get3A_9] : memref<32x10000xf32, #tpu.memory_space<vmem>>, vector<32x10000xf32>
    %reduce_sum3A_11 = arith.constant dense<0.000000e+00> : vector<10000xf32>
    %reduce_sum3A_12 = vector.multi_reduction <add>, %get3A_10, %reduce_sum3A_11 [0] : vector<32x10000xf32> to vector<10000xf32>
    %jit3A_13 = arith.constant 1.000000e+00 : f32
    %max3A_14 = vector.broadcast %jit3A_13 : f32 to vector<10000xf32>
    %max3A_15 = arith.maximumf %max3A_14, %reduce_sum3A_12 : vector<10000xf32>
    %div3A_16 = arith.constant 1.000000e+00 : f32
    %div3A_17 = vector.broadcast %div3A_16 : f32 to vector<10000xf32>
    %div3A_18 = arith.divf %div3A_17, %max3A_15 : vector<10000xf32>
    %broadcast_in_dim3A_19 = vector.shape_cast %div3A_18 : vector<10000xf32> to vector<1x10000xf32>
    %swap3A_20 = arith.constant 0 : index
    %swap3A_21 = arith.constant 0 : index
    %swap3A_22 = vector.load %arg3[%swap3A_20, %swap3A_21] : memref<1x10000xf32, #tpu.memory_space<vmem>>, vector<1x10000xf32>
    tpu.vector_store %arg3[%swap3A_20, %swap3A_21], %broadcast_in_dim3A_19 {strides = array<i32>} : memref<1x10000xf32, #tpu.memory_space<vmem>>, vector<1x10000xf32>,
    return
  }
}

module attributes {stable_mosaic.version = 14 : i64} {
  func.func @_stage2_body(%arg0: i32, %arg1: memref<1000x128xf32, #tpu.memory_space<vmem>>, %arg2: memref<1000x128xf32, #tpu.memory_space<vmem>>, %arg3: memref<1000x1xf32, #tpu.memory_space<vmem>>, %arg4: memref<1000x256xf32, #tpu.memory_space<vmem>>, %arg5: memref<256x256xf32, #tpu.memory_space<vmem>>, %arg6: memref<1000x256xf32, #tpu.memory_space<vmem>>) attributes {dimension_semantics = [#tpu.dimension_semantics<arbitrary>], iteration_bounds = array<i64: 10>, scalar_prefetch = 0 : i64, scratch_operands = 0 : i64, tpu.core_type = #tpu.core_type<tc>, window_params = [{transform_indices = @transform_0, window_bounds = array<i64: 1000, 128>}, {transform_indices = @transform_1, window_bounds = array<i64: 1000, 128>}, {transform_indices = @transform_2, window_bounds = array<i64: 1000, 1>}, {transform_indices = @transform_3, window_bounds = array<i64: 1000, 256>}, {pipeline_mode = #tpu.pipeline_mode<synchronous>, transform_indices = @transform_4, window_bounds = array<i64: 256, 256>}, {transform_indices = @transform_5, window_bounds = array<i64: 1000, 256>}]} {
    %get3A = arith.constant 0 : index
    %get3A_0 = arith.constant 0 : index
    %get3A_1 = vector.load %arg1[%get3A, %get3A_0] : memref<1000x128xf32, #tpu.memory_space<vmem>>, vector<1000x128xf32>
    %get3A_2 = arith.constant 0 : index
    %get3A_3 = arith.constant 0 : index
    %get3A_4 = vector.load %arg2[%get3A_2, %get3A_3] : memref<1000x128xf32, #tpu.memory_space<vmem>>, vector<1000x128xf32>
    %concatenate3A = tpu.concatenate %get3A_1, %get3A_4 in 1 : vector<1000x128xf32>, vector<1000x128xf32> -> vector<1000x256xf32>
    %get3A_5 = arith.constant 0 : index
    %get3A_6 = arith.constant 0 : index
    %get3A_7 = vector.load %arg3[%get3A_5, %get3A_6] : memref<1000x1xf32, #tpu.memory_space<vmem>>, vector<1000x1xf32>
    %mul3A = vector.broadcast %get3A_7 : vector<1000x1xf32> to vector<1000x256xf32>
    %mul3A_8 = arith.mulf %concatenate3A, %mul3A : vector<1000x256xf32>
    %get3A_9 = arith.constant 0 : index
    %get3A_10 = arith.constant 0 : index
    %get3A_11 = vector.load %arg5[%get3A_9, %get3A_10] : memref<256x256xf32, #tpu.memory_space<vmem>>, vector<256x256xf32>
    %transpose3A = tpu.transpose %get3A_11, [1, 0] : vector<256x256xf32> -> vector<256x256xf32>
    %dot_general3A = arith.constant dense<0.000000e+00> : vector<1000x256xf32>
    %dot_general3A_12 = tpu.matmul %mul3A_8, %transpose3A, %dot_general3A {dimension_numbers = #tpu.dot_dimension_numbers<[1], [0], [0], [1], [0, 0, 1, 1], [], []>, transpose_lhs_hint = false} : vector<1000x256xf32>, vector<256x256xf32>, vector<1000x256xf32> -> vector<1000x256xf32>
    %mul3A_13 = arith.mulf %mul3A_8, %mul3A_8 : vector<1000x256xf32>
    %reduce_sum3A = arith.constant dense<0.000000e+00> : vector<1000xf32>
    %reduce_sum3A_14 = vector.multi_reduction <add>, %mul3A_13, %reduce_sum3A [1] : vector<1000x256xf32> to vector<1000xf32>
    %broadcast_in_dim3A = vector.shape_cast %reduce_sum3A_14 : vector<1000xf32> to vector<1000x1xf32>
    %sqrt3A = math.sqrt %broadcast_in_dim3A : vector<1000x1xf32>
    %jit3A = arith.constant 9.99999996E-13 : f32
    %max3A = vector.broadcast %jit3A : f32 to vector<1000x1xf32>
    %max3A_15 = arith.maximumf %max3A, %sqrt3A : vector<1000x1xf32>
    %div3A = vector.broadcast %max3A_15 : vector<1000x1xf32> to vector<1000x256xf32>
    %div3A_16 = arith.divf %mul3A_8, %div3A : vector<1000x256xf32>
    %mul3A_17 = arith.mulf %get3A_11, %get3A_11 : vector<256x256xf32>
    %reduce_sum3A_18 = arith.constant dense<0.000000e+00> : vector<256xf32>
    %reduce_sum3A_19 = vector.multi_reduction <add>, %mul3A_17, %reduce_sum3A_18 [1] : vector<256x256xf32> to vector<256xf32>
    %broadcast_in_dim3A_20 = vector.shape_cast %reduce_sum3A_19 : vector<256xf32> to vector<256x1xf32>
    %sqrt3A_21 = math.sqrt %broadcast_in_dim3A_20 : vector<256x1xf32>
    %jit3A_22 = arith.constant 9.99999996E-13 : f32
    %max3A_23 = vector.broadcast %jit3A_22 : f32 to vector<256x1xf32>
    %max3A_24 = arith.maximumf %max3A_23, %sqrt3A_21 : vector<256x1xf32>
    %div3A_25 = vector.broadcast %max3A_24 : vector<256x1xf32> to vector<256x256xf32>
    %div3A_26 = arith.divf %get3A_11, %div3A_25 : vector<256x256xf32>
    %transpose3A_27 = tpu.transpose %div3A_26, [1, 0] : vector<256x256xf32> -> vector<256x256xf32>
    %dot_general3A_28 = arith.constant dense<0.000000e+00> : vector<1000x256xf32>
    %dot_general3A_29 = tpu.matmul %div3A_16, %transpose3A_27, %dot_general3A_28 {dimension_numbers = #tpu.dot_dimension_numbers<[1], [0], [0], [1], [0, 0, 1, 1], [], []>, transpose_lhs_hint = false} : vector<1000x256xf32>, vector<256x256xf32>, vector<1000x256xf32> -> vector<1000x256xf32>
    %jit3A_30 = arith.constant 9.99999997E-7 : f32
    %jit3A_31 = arith.constant 1.000000e+00 : f32
    %max3A_32 = vector.broadcast %jit3A_30 : f32 to vector<1000x256xf32>
    %max3A_33 = arith.maximumf %max3A_32, %dot_general3A_29 : vector<1000x256xf32>
    %min3A = vector.broadcast %jit3A_31 : f32 to vector<1000x256xf32>
    %min3A_34 = arith.minimumf %min3A, %max3A_33 : vector<1000x256xf32>
    %mul3A_35 = arith.mulf %dot_general3A_12, %min3A_34 : vector<1000x256xf32>
    %get3A_36 = arith.constant 0 : index
    %get3A_37 = arith.constant 0 : index
    %get3A_38 = vector.load %arg4[%get3A_36, %get3A_37] : memref<1000x256xf32, #tpu.memory_space<vmem>>, vector<1000x256xf32>
    %add3A = arith.addf %mul3A_35, %get3A_38 : vector<1000x256xf32>
    %swap3A = arith.constant 0 : index
    %swap3A_39 = arith.constant 0 : index
    %swap3A_40 = vector.load %arg6[%swap3A, %swap3A_39] : memref<1000x256xf32, #tpu.memory_space<vmem>>, vector<1000x256xf32>
    tpu.vector_store %arg6[%swap3A, %swap3A_39], %add3A {strides = array<i32>} : memref<1000x256xf32, #tpu.memory_space<vmem>>, vector<1000x256xf32>,
    return
  }
  func.func @transform_0(%arg0: i32) -> (i32, i32) {
    %c0_i32 = arith.constant 0 : i32
    %c0_i32_0 = arith.constant 0 : i32
    return %arg0, %c0_i32 : i32, i32
  }
  func.func @transform_1(%arg0: i32) -> (i32, i32) {
    %c0_i32 = arith.constant 0 : i32
    %c0_i32_0 = arith.constant 0 : i32
    return %arg0, %c0_i32 : i32, i32
  }
  func.func @transform_2(%arg0: i32) -> (i32, i32) {
    %c0_i32 = arith.constant 0 : i32
    %c0_i32_0 = arith.constant 0 : i32
    return %arg0, %c0_i32 : i32, i32
  }
  func.func @transform_3(%arg0: i32) -> (i32, i32) {
    %c0_i32 = arith.constant 0 : i32
    %c0_i32_0 = arith.constant 0 : i32
    return %arg0, %c0_i32 : i32, i32
  }
  func.func @transform_4(%arg0: i32) -> (i32, i32) {
    %c0_i32 = arith.constant 0 : i32
    %c0_i32_0 = arith.constant 0 : i32
    %c0_i32_1 = arith.constant 0 : i32
    return %c0_i32, %c0_i32_0 : i32, i32
  }
  func.func @transform_5(%arg0: i32) -> (i32, i32) {
    %c0_i32 = arith.constant 0 : i32
    %c0_i32_0 = arith.constant 0 : i32
    return %arg0, %c0_i32 : i32, i32
  }
}

</mosaic_0001>

<sc_bundles>
// kernel: kernel.10.cloned.1.call-start
scs
__scs_entry_jumppad:
0x0: {  	(pc) =	sbr.rel $0x88, $3  }
0x1: {  	(tag) =	ssettag $0x0;
	lr =	simm.s32 $0x1  }
0x2: {  	[smem:$0x3F9C] =	sst lr;
	_ =	strace $0xD0000000  }
0x3: {  	_ = 	snop  }
0x4: {  	_ = 	snop  }
0x5: {  	_ = 	snop  }
0x6: {  	_ = 	snop  }
0x7: {  	_ = 	snop  }
__scs_overlays_trampoline_lowered:
0x8: {  	[smem:$0x3FAB] =	sst s0  }
0x9: {  	[smem:$0x3FAC] =	sst s1  }
0xa: {  	[smem:$0x3FAD] =	sst s2  }
0xb: {  	[smem:$0x3FAE] =	sst s3  }
0xc: {  	[smem:$0x3FAF] =	sst s4  }
0xd: {  	[smem:$0x3FB0] =	sst s5  }
0xe: {  	[smem:$0x3FB1] =	sst s6  }
0xf: {  	[smem:$0x3FB2] =	sst s7  }
0x10: {  	[smem:$0x3FB3] =	sst s8  }
0x11: {  	[smem:$0x3FB4] =	sst s9;
	s0 =	simm.s32 @!p0 $0x0  }
0x12: {  	s1 =	sld [smem:$0x3F9A];
	s0 =	simm.s32 @p0 $0x1  }
0x13: {  	[smem:$0x3FB5] =	sst s0;
	s0 =	simm.s32 @!p1 $0x0  }
0x14: {  	s2 =	sld [smem:$0x3F99];
	s0 =	simm.s32 @p1 $0x1  }
0x15: {  	[smem:$0x3FB6] =	sst s0;
	s0 =	simm.s32 @!p2 $0x0  }
0x16: {  	s3 =	sld [smem:$0x3FDB];
	s0 =	simm.s32 @p2 $0x1  }
0x17: {  	s4 =	simm.s32 $0x1BF5;
	[smem:$0x3FB8] =	sst s0  }
0x18: {  	s0 =	sld [smem:$0x3F9B];
	_ =	swait.ge [sflag:s4], $0x0  }
0x19: {  	s7 =	sld [smem:$0x3F9C]  }
0x1a: {  	s8 =	sadd.s32 $0xFFFFE003, lr  }
0x1b: {  	s9 =	sadd.s32 $0xFFFFFEF7, lr;
	s5 =	simm.s32 $0xFFFFFFFF;
	p2 =	slt.u32 s8, $0xFFFFF086  }
0x1c: {  	p1 =	slt.u32 s9, $0xF7A;
	s5 =	simm.s32 @!p2 $0x0  }
0x1d: {  	s5 =	simm.s32 @p1 $0x1;
	p0 =	seq.s32 s7, s2  }
0x1e: {  	s7 =	smul.u32 @!p0 $0xF7A, s2;
	p2 =	seq.s32 @!p0 s5, $0x0  }
0x1f: {  	s9 =	smul.u32 $0xF7A, s1;
	s8 =	simm.s32 @!p0 $0x1BF5;
	p2 =	por !p2, p0  }
0x20: {  	[sflag:s8] =	ssyncset.s32 @!p0 $0xFFFFF086;
	s6 =	sadd.s32 @!p0 s3, s7;
	s7 =	simm.s32 @!p0 $0x108  }
0x21: {  	s3 =	sadd.s32 s3, s9;
	s6 =	sadd.s32 @!p0 $0x88, s6;
	s7 =	simm.s32 @p2 $0x1082  }
0x22: {  	[simem:s7], [sflag:s8] =	dma.local @!p0 [hbm:s6], $0xF7A  }
0x23: {  	s9 =	sor.u32 $0xD0000000, s2;
	s6 =	simm.s32 $0x108;
	_ =	swait.ge @!p0 [sflag:s8], $0x0  }
0x24: {  	s3 =	sadd.s32 $0x88, s3;
	s6 =	simm.s32 @!p1 $0x1082;
	[sflag:s4] =	ssyncset.s32 $0xFFFFF086  }
0x25: {  	[simem:s6], [sflag:s4] =	dma.local [hbm:s3], $0xF7A  }
0x26: {  	[smem:$0x3F9C] =	sst s1;
	(tag) =	ssettag s2;
	_ =	strace s9  }
0x27: {  	s1 =	sld [smem:$0x3FAC]  }
0x28: {  	s2 =	sld [smem:$0x3FAD]  }
0x29: {  	s4 =	sld [smem:$0x3FAF]  }
0x2a: {  	p0 =	seq.s32 s5, $0x0;
	s5 =	sld [smem:$0x3FB0]  }
0x2b: {  	s6 =	sld [smem:$0x3FB1]  }
0x2c: {  	s7 =	sld [smem:$0x3FB2]  }
0x2d: {  	s3 =	simm.s32 $0x108;
	s8 =	sld [smem:$0x3FB3]  }
0x2e: {  	s3 =	simm.s32 @!p0 $0x1082;
	s9 =	sld [smem:$0x3FB4]  }
0x2f: {  	lr =	sadd.s32 s0, s3;
	s0 =	sld [smem:$0x3FAB]  }
0x30: {  	s3 =	sld [smem:$0x3FAE]  }
0x31: {  	[smem:$0x3FB7] =	sst s10  }
0x32: {  	s10 =	sld [smem:$0x3FB5];
	_ =	sdelay $0x3  }
0x33: {  	p0 =	seq.s32 s10, $0x1;
	s10 =	sld [smem:$0x3FB7];
	_ =	sdelay $0x3  }
0x34: {  	[smem:$0x3FB7] =	sst s10  }
0x35: {  	s10 =	sld [smem:$0x3FB6];
	_ =	sdelay $0x3  }
0x36: {  	p1 =	seq.s32 s10, $0x1;
	s10 =	sld [smem:$0x3FB7];
	_ =	sdelay $0x3  }
0x37: {  	[smem:$0x3FB7] =	sst s10  }
0x38: {  	s10 =	sld [smem:$0x3FB8]  }
0x39: {  	_ = 	snop;
	(pc) =	sbr.ind lr, $3  }
0x3a: {  	_ = 	snop  }
0x3b: {  	_ = 	snop  }
0x3c: {  	p2 =	seq.s32 s10, $0x1;
	s10 =	sld [smem:$0x3FB7]  }
0x3d: {  	_ =	shalt  }
0x3e: {  	_ =	shalt  }
0x3f: {  	_ =	shalt  }
0x40: {  	_ =	shalt  }
0x41: {  	_ =	shalt  }
0x42: {  	_ =	shalt  }
0x43: {  	_ =	shalt  }
0x44: {  	_ =	shalt  }
0x45: {  	_ =	shalt  }
0x46: {  	_ =	shalt  }
0x47: {  	_ =	shalt  }
0x48: {  	_ =	shalt  }
0x49: {  	_ =	shalt  }
0x4a: {  	_ =	shalt  }
0x4b: {  	_ =	shalt  }
0x4c: {  	_ =	shalt  }
0x4d: {  	_ =	shalt  }
0x4e: {  	_ =	shalt  }
0x4f: {  	_ =	shalt  }
0x50: {  	_ =	shalt  }
0x51: {  	_ =	shalt  }
0x52: {  	_ =	shalt  }
0x53: {  	_ =	shalt  }
0x54: {  	_ =	shalt  }
0x55: {  	_ =	shalt  }
0x56: {  	_ =	shalt  }
0x57: {  	_ =	shalt  }
0x58: {  	_ =	shalt  }
0x59: {  	_ =	shalt  }
0x5a: {  	_ =	shalt  }
0x5b: {  	_ =	shalt  }
0x5c: {  	_ =	shalt  }
0x5d: {  	_ =	shalt  }
0x5e: {  	_ =	shalt  }
0x5f: {  	_ =	shalt  }
0x60: {  	_ =	shalt  }
0x61: {  	_ =	shalt  }
0x62: {  	_ =	shalt  }
0x63: {  	_ =	shalt  }
0x64: {  	_ =	shalt  }
0x65: {  	_ =	shalt  }
0x66: {  	_ =	shalt  }
0x67: {  	_ =	shalt  }
0x68: {  	_ =	shalt  }
0x69: {  	_ =	shalt  }
0x6a: {  	_ =	shalt  }
0x6b: {  	_ =	shalt  }
0x6c: {  	_ =	shalt  }
0x6d: {  	_ =	shalt  }
0x6e: {  	_ =	shalt  }
0x6f: {  	_ =	shalt  }
0x70: {  	_ =	shalt  }
0x71: {  	_ =	shalt  }
0x72: {  	_ =	shalt  }
0x73: {  	_ =	shalt  }
0x74: {  	_ =	shalt  }
0x75: {  	_ =	shalt  }
0x76: {  	_ =	shalt  }
0x77: {  	_ =	shalt  }
0x78: {  	_ =	shalt  }
0x79: {  	_ =	shalt  }
0x7a: {  	_ =	shalt  }
0x7b: {  	_ =	shalt  }
0x7c: {  	_ =	shalt  }
0x7d: {  	_ =	shalt  }
0x7e: {  	_ =	shalt  }
0x7f: {  	_ =	shalt  }
0x80: {  	_ =	shalt  }
0x81: {  	_ =	shalt  }
0x82: {  	_ =	shalt  }
0x83: {  	_ =	shalt  }
0x84: {  	_ =	shalt  }
0x85: {  	_ =	shalt  }
0x86: {  	_ =	shalt  }
0x87: {  	_ =	shalt  }
.Lfunc_end0:
.L_simem_size_0:
called_computation.1_lowered:
.L_overlay_start_0:
0x88: {  	s2 =	sld [smem:$0x3FD9]  }
0x89: {  	s3 =	sld [smem:$0x3FFE];
	_ =	sdelay $0x1  }
0x8a: {  	s1 =	srdreg.scid  }
0x8b: {  	s0 =	sand.u32 $0x1, s1  }
0x8c: {  	s14 =	sshll.u32 s0, $0xA;
	s2 =	sadd.s32 s3, s2  }
0x8d: {  	s2 =	sadd.s32 s2, s14  }
0x8e: {  	[smem:$0x3FC3] =	sst s2  }
0x8f: {  	_ = 	snop  }
0x90: {  	s2 =	sld [smem:$0x3FD0];
	_ =	sdelay $0x2  }
0x91: {  	s15 =	simm.s32 $0xA;
	s4 =	simm.s32 $0x10  }
0x92: {  	[smem:s4], [sflag:s15] =	dma.local [hbm:s2], $0x1  }
0x93: {  	_ =	swait.eq [sflag:s15], $0x1  }
0x94: {  	[sflag:s15] =	ssyncset.done $0x0  }
0x95: {  	s16 =	sld [smem:$0x10];
	[sflag:s15] =	ssyncadd.s32 $0xFFFFFFFF  }
0x96: {  	s17 =	sld [smem:$0x11];
	(tm) =	ssettm $0x1  }
0x97: {  	s18 =	sld [smem:$0x3FFB];
	_ =	sdelay $0x3  }
0x98: {  	_ =	strace s18  }
0x99: {  	s4 =	sld [smem:$0x3FFC];
	_ =	sdelay $0x3  }
0x9a: {  	_ =	strace s4  }
0x9b: {  	s4 =	sld [smem:$0x3FFD];
	_ =	sdelay $0x3  }
0x9c: {  	_ =	strace s4  }
0x9d: {  	_ =	strace $0x8FFFFFFF  }
0x9e: {  	s19 =	sld [smem:$0x3FDB];
	_ =	sdelay $0x1  }
0x9f: {  	s5 =	simm.s32 $_scs_section_size  }
0xa0: {  	s6 =	simm.s32 $_size__tile_overlayer_lowered;
	s7 =	simm.s32 $_tile_overlayer_lowered  }
0xa1: {  	s22 =	simm.s32 $0x1BFF;
	s21 =	sshll.u32 s7, $0x1;
	s4 =	sadd.s32 s5, s19  }
0xa2: {  	s8 =	simm.s32 $0x0;
	s20 =	sshll.u32 s6, $0x1;
	s6 =	sadd.s32 s21, s4  }
0xa3: {  	[timem:s8], [sflag:s22] =	dma.local [hbm:s6], s20  }
0xa4: {  	_ =	swait.ge [sflag:s22], s20  }
0xa5: {  	s5 =	ssub.s32 $0x0, s20;
	[sflag:s22] =	ssyncset.done $0x0  }
0xa6: {  	[sflag:s22] =	ssyncadd.s32 s5;
	_ =	sdelay $0x1  }
0xa7: {  	s23 =	simm.s32 $0x1B8B  }
0xa8: {  	_ =	swait.ge [sflag:s23], $0x1  }
0xa9: {  	[sflag:s23] =	ssyncset.done $0x0  }
0xaa: {  	s25 =	simm.s32 $0x1B8E;
	s24 =	sld [smem:$0x3FFE];
	[sflag:s23] =	ssyncadd.s32 $0xFFFFFFFF  }
0xab: {  	s26 =	simm.s32 $execute0_lowered;
	[smem:$0x3FD2] =	sst s25  }
0xac: {  	s6 =	sshll.u32 s26, $0x1;
	_ =	strace $0x80000049;
	[dreg:$0x1] =	wrdreg $0xFFFFFFFF  }
0xad: {  	s28 =	simm.s32 $_size_execute0_lowered;
	s4 =	sadd.s32 s4, s6;
	[dreg:$0x0] =	wrdreg $0x0  }
0xae: {  	s6 =	sshll.u32 s28, $0x1;
	[dreg:$0x2] =	wrdreg s4  }
0xaf: {  	[dreg:$0x3] =	wrdreg s6  }
0xb0: {  	[dreg:$0x4] =	wrdreg $0xC0  }
0xb1: {  	_ =	task [dreg:s8], $0x5FFFF  }
0xb2: {  	[dreg:$0x1] =	wrdreg $0xFFFFFFFF  }
0xb3: {  	[dreg:$0x0] =	wrdreg $0x60  }
0xb4: {  	[dreg:$0x2] =	wrdreg s24  }
0xb5: {  	[dreg:$0x3] =	wrdreg s16  }
0xb6: {  	[dreg:$0x4] =	wrdreg s17  }
0xb7: {  	[dreg:$0x5] =	wrdreg $0x0  }
0xb8: {  	[dreg:$0x6] =	wrdreg $0x9  }
0xb9: {  	_ =	task.clear_ibuf [dreg:s8], $0x7FFFF;
	_ =	strace $0x90000049  }
0xba: {  	s29 =	simm.s32 $0x9;
	_ =	strace $0x8000004B  }
0xbb: {  	_ =	swait.ge [sflag:s29], $0x1  }
0xbc: {  	[sflag:s29] =	ssyncadd.s32 $0xFFFFFFFF  }
0xbd: {  	_ =	strace $0x9000004B  }
0xbe: {  	_ =	sfence  }
0xbf: {  	s30 =	sld [smem:$0x0];
	_ =	sdelay $0x2  }
0xc0: {  	s31 =	sshll.u32 s1, $0xD;
	s1 =	sshrl.u32 s1, $0x2  }
0xc1: {  	s3 =	sand.u32 $0x4000, s31;
	s1 =	sadd.s32 s1, s30  }
0xc2: {  	s0 =	sor.u32 s3, s0;
	s1 =	sshll.u32 s1, $0x11  }
0xc3: {  	s0 =	sor.u32 s1, s0  }
0xc4: {  	s0 =	sadd.s32 $0x8F2B, s0  }
0xc5: {  	[sflag:s0] =	ssyncadd.remote.s32 $0x1  }
0xc6: {  	_ =	sfence.sel $0xFFFF  }
0xc7: {  	[dreg:$0x0] =	wrdreg $0xFFFFFFFF;
	(pc) =	sbr.abs _section_cstart, $3  }
0xc8: {  	[dreg:$0x1] =	wrdreg $0xFFFFFFFF  }
0xc9: {  	_ =	task.clear_ibuf [dreg:s8], $0x2FFFF;
	_ =	strace $0x9FFFFFFF  }
0xca: {  	(tm) =	ssettm $0x7FFFFFFF  }
0xcb: {  	_ =	shalt  }
tec
execute0_lowered:
.L_overlay_start_1:
0x0: {  	(tag) =	ssettag $0x1  }
0x1: {  	s0 =	rddreg [dreg:$0x0]  }
0x2: {  	s15 =	rddreg [dreg:$0x1]  }
0x3: {  	s2 =	rddreg [dreg:$0x2]  }
0x4: {  	s3 =	rddreg [dreg:$0x3]  }
0x5: {  	s4 =	simm.s32 $0x0;
	s1 =	srdreg.scid;
	s16 =	stileid.u32  }
0x6: {  	[smem:$0x7FF] =	sst s4;
	s5 =	sadd.s32 $0x76E00, s0;
	s6 =	sadd.s32 $0x6CE00, s0  }
0x7: {  	s7 =	sadd.s32 $0x71E00, s0;
	s8 =	sadd.s32 $0x59200, s0;
	s1 =	sand.u32 $0x1, s1  }
0x8: {  	s10 =	sadd.s32 $0x6000, s0;
	s11 =	sadd.s32 $0x1000, s0;
	s17 =	sadd.s32 $0xC5000, s0  }
0x9: {  	s28 =	sadd.s32 $0x138000, s3;
	s14 =	sshll.u32 s16, $0x3;
	s31 =	smul.u32 $0x4E000, s16  }
0xa: {  	s9 =	sand.u32 $0x1, s16;
	s21 =	smul.u32 $0x2700, s16;
	p2 =	sne.s32 s16, $0xF  }
0xb: {  	p3 =	sgt.u32 s16, $0x3;
	p4 =	seq.s32 s16, $0xF;
	s16 =	simm.s32 $0x1B400  }
0xc: {  	_ =	strace $0x8000004A;
	[dreg:$0x5] =	wrdreg s8;
	s25 =	ssub.s32 $0x2, s1  }
0xd: {  	[dreg:$0x7] =	wrdreg s28;
	s13 =	smul.u32 $0x2710, s1;
	s29 =	sadd.s32 s10, s14  }
0xe: {  	s30 =	sor.u32 $0x4E00, s14;
	p0 =	sne.s32 s9, s1;
	[dreg:$0x6] =	wrdreg s17  }
0xf: {  	p1 =	seq.s32 s1, $0x1;
	s24 =	sadd.s32 s11, s14;
	[dreg:$0x8] =	wrdreg s29  }
0x10: {  	s1 =	simm.s32 $0x5;
	s12 =	sadd.s32 s10, s30;
	[dreg:$0x12] =	wrdreg s24  }
0x11: {  	s9 =	simm.s32 $0x1D680;
	s18 =	sadd.s32 s11, s30;
	[dreg:$0x9] =	wrdreg s12  }
0x12: {  	s26 =	sshrl.u32 s25, $0x1;
	s19 =	sadd.s32 s6, s30;
	[dreg:$0xa] =	wrdreg s18  }
0x13: {  	s20 =	sadd.s32 s7, s30;
	s8 =	sadd.s32 s2, s30;
	[dreg:$0xb] =	wrdreg s19  }
0x14: {  	s22 =	sadd.s32 s15, s21;
	s23 =	sadd.s32 s17, s21;
	[dreg:$0xc] =	wrdreg s20  }
0x15: {  	s17 =	simm.s32 $0x1B580;
	s15 =	simm.s32 $0x2;
	[dreg:$0xd] =	wrdreg s8  }
0x16: {  	s0 =	ssub.s32 s25, s26;
	s12 =	sshrl.u32 s31, $0x2;
	[dreg:$0xf] =	wrdreg s22  }
0x17: {  	[dreg:$0x10] =	wrdreg s23;
	s18 =	simm.s32 $0x40;
	s0 =	smax.u32 s0, $0x1  }
0x18: {  	s20 =	simm.s32 $0x19400;
	s25 =	sadd.s32 s12, s3;
	[dreg:$0x11] =	wrdreg s0  }
0x19: {  	s22 =	simm.s32 $0x1D580;
	s26 =	sadd.s32 $0x3400, s25;
	[dreg:$0xe] =	wrdreg s25  }
.Ltmp0:
0x1a: {  	s28 =	sadd.s32 $0x6800, s25;
	[dreg:$0x13] =	wrdreg s26;
	(pc) =	sbr.rel .LBB2_1-.Ltmp0, $4  }
0x1b: {  	s23 =	simm.s32 $0x6;
	s29 =	sadd.s32 $0x9C00, s25;
	[dreg:$0x14] =	wrdreg s28  }
0x1c: {  	s19 =	simm.s32 $0x1;
	s30 =	sadd.s32 $0xD000, s25;
	[dreg:$0x15] =	wrdreg s29  }
0x1d: {  	s8 =	simm.s32 $0x1D700;
	s31 =	sadd.s32 $0x10400, s25;
	[dreg:$0x16] =	wrdreg s30  }
0x1e: {  	v1 =	vimm.f32 $0.0e+00;
	v2 =	vlaneseq.u32;
	v0 =	vmov s13;
	s12 =	simm.s32 $0x1D600;
	s0 =	simm.s32 $0x13880;
	[dreg:$0x17] =	wrdreg s31  }
.LBB2_22:
0x1f: {  	s24 =	rddreg [dreg:$0x7]  }
0x20: {  	s21 =	sadd.s32 $0x27000, s21;
	s24 =	sshrl.u32 s24, $0x3  }
0x21: {  	[hbm:s21], [sflag:s13] =	dma.local [spmem:s24], $0x100  }
0x22: {  	_ =	swait.ge [sflag:s1], $0x100  }
0x23: {  	[sflag:s1] =	ssyncset.done $0x0  }
0x24: {  	[sflag:s1] =	ssyncadd.s32 $0xFFFFFF00  }
.LBB2_23:
0x25: {  	s4 =	sadd.s32 $0x1, s4;
	s13 =	rddreg [dreg:$0x11]  }
0x26: {  	p5 =	sne.s32 s4, s13  }
.Ltmp1:
0x27: {  	_ = 	snop;
	(pc) =	sbr.rel @!p5 .LBB2_24-.Ltmp1, $1  }
0x28: {  	_ =	sdelay $0x3  }
.LBB2_1:
0x29: {  	s13 =	simm.s32 $0x0;
	s21 =	simm.s32 $0x200  }
.LBB2_2:
0x2a: {  	p5 =	sne.s32 s21, $0xCE00;
	[tilespmem:s13+$0x138F0] =	vst v1  }
0x2b: {  	[tilespmem:s13+$0x13880] =	vst v1  }
0x2c: {  	[tilespmem:s13+$0x13890] =	vst v1  }
.Ltmp2:
0x2d: {  	[tilespmem:s13+$0x138A0] =	vst v1;
	(pc) =	sbr.rel @p5 .LBB2_2-.Ltmp2, $4  }
0x2e: {  	[tilespmem:s13+$0x138B0] =	vst v1  }
0x2f: {  	[tilespmem:s13+$0x138C0] =	vst v1  }
0x30: {  	[tilespmem:s13+$0x138D0] =	vst v1  }
0x31: {  	[tilespmem:s13+$0x138E0] =	vst v1;
	s13 =	sshra.s32 s21, $0x2;
	s21 =	sadd.s32 $0x200, s21  }
0x32: {  	[tilespmem:s13+$0x138F0] =	vst v1  }
0x33: {  	[tilespmem:s13+$0x13880] =	vst v1  }
0x34: {  	[tilespmem:s13+$0x13890] =	vst v1  }
0x35: {  	[tilespmem:s13+$0x138A0] =	vst v1  }
0x36: {  	[tilespmem:s13+$0x138B0] =	vst v1  }
0x37: {  	[tilespmem:s13+$0x138C0] =	vst v1  }
0x38: {  	[tilespmem:s13+$0x138D0] =	vst v1  }
0x39: {  	[tilespmem:s13+$0x138E0] =	vst v1  }
0x3a: {  	[spmem:s25] =	stream.linear.scatter [tilespmem:s0], [sflag:$0x5], $0x3400, $0x38;
	[tilespmem:$0x1D880] =	vst v63  }
0x3b: {  	_ =	swait.ge [sflag:s1], $0x3400  }
0x3c: {  	[sflag:s1] =	ssyncset.done $0x0  }
0x3d: {  	s25 =	rddreg [dreg:$0x13];
	[sflag:s1] =	ssyncadd.s32 $0xFFFFCC00  }
0x3e: {  	[spmem:s25] =	stream.linear.scatter [tilespmem:s0], [sflag:$0x5], $0x3400, $0x38;
	[tilespmem:$0x1D880] =	vst v63  }
0x3f: {  	_ =	swait.ge [sflag:s1], $0x3400  }
0x40: {  	[sflag:s1] =	ssyncset.done $0x0  }
0x41: {  	s26 =	rddreg [dreg:$0x14];
	[sflag:s1] =	ssyncadd.s32 $0xFFFFCC00  }
0x42: {  	[spmem:s26] =	stream.linear.scatter [tilespmem:s0], [sflag:$0x5], $0x3400, $0x38;
	[tilespmem:$0x1D880] =	vst v63  }
0x43: {  	_ =	swait.ge [sflag:s1], $0x3400  }
0x44: {  	[sflag:s1] =	ssyncset.done $0x0  }
0x45: {  	s29 =	rddreg [dreg:$0x15];
	[sflag:s1] =	ssyncadd.s32 $0xFFFFCC00  }
0x46: {  	[spmem:s29] =	stream.linear.scatter [tilespmem:s0], [sflag:$0x5], $0x3400, $0x38;
	[tilespmem:$0x1D880] =	vst v63  }
0x47: {  	_ =	swait.ge [sflag:s1], $0x3400  }
0x48: {  	[sflag:s1] =	ssyncset.done $0x0  }
0x49: {  	s30 =	rddreg [dreg:$0x16];
	[sflag:s1] =	ssyncadd.s32 $0xFFFFCC00  }
0x4a: {  	[spmem:s30] =	stream.linear.scatter [tilespmem:s0], [sflag:$0x5], $0x3400, $0x38;
	[tilespmem:$0x1D880] =	vst v63  }
0x4b: {  	_ =	swait.ge [sflag:s1], $0x3400  }
0x4c: {  	[sflag:s1] =	ssyncset.done $0x0  }
0x4d: {  	s31 =	rddreg [dreg:$0x17];
	[sflag:s1] =	ssyncadd.s32 $0xFFFFCC00  }
0x4e: {  	[spmem:s31] =	stream.linear.scatter [tilespmem:s0], [sflag:$0x5], $0x3400, $0x38;
	[tilespmem:$0x1D880] =	vst v63  }
0x4f: {  	_ =	swait.ge [sflag:s1], $0x3400  }
0x50: {  	[sflag:s1] =	ssyncset.done $0x0  }
0x51: {  	s13 =	simm.s32 @!p2 $0x13880;
	s21 =	rddreg [dreg:$0x7];
	[sflag:s1] =	ssyncadd.s32 $0xFFFFCC00  }
0x52: {  	[spmem:s21] =	stream.linear.scatter @!p2 [tilespmem:s13], [sflag:$0x5], $0x800, $0x38;
	[tilespmem:$0x1D880] =	vst v63  }
0x53: {  	s13 =	simm.s32 @!p2 $0x5  }
0x54: {  	_ =	swait.ge @!p2 [sflag:s13], $0x800  }
0x55: {  	s24 =	simm.s32 $0x16C80;
	[sflag:s13] =	ssyncset.done @!p2 $0x0  }
0x56: {  	s26 =	simm.s32 $0x0;
	s21 =	rddreg [dreg:$0x5];
	[sflag:s13] =	ssyncadd.s32 @!p2 $0xFFFFF800  }
0x57: {  	[tilespmem:s24], [sflag:$0x5] =	stream.linear.gather [hbm4b:s21+s26], $0x2780, $0x38;
	[tilespmem:$0x1D880] =	vst v63  }
0x58: {  	_ =	swait.ge [sflag:s1], $0x2780  }
0x59: {  	[sflag:s1] =	ssyncset.done $0x0  }
0x5a: {  	[sflag:s1] =	ssyncadd.s32 $0xFFFFD880  }
0x5b: {  	[bflag:$0x0] =	sbarrier.arrive $0xFFFF  }
0x5c: {  	s25 =	rddreg [dreg:$0x8]  }
0x5d: {  	[tilespmem:s16], [sflag:$0x5] =	stream.linear.gather [hbm4b:s25+s26], $0x40, $0x38;
	[tilespmem:$0x1D880] =	vst v63  }
0x5e: {  	_ =	swait.ge [sflag:s1], $0x40  }
0x5f: {  	[sflag:s1] =	ssyncset.done $0x0  }
0x60: {  	s30 =	simm.s32 $0x1B480;
	s29 =	rddreg [dreg:$0x12];
	[sflag:s1] =	ssyncadd.s32 $0xFFFFFFC0  }
0x61: {  	[tilespmem:s30], [sflag:$0x5] =	stream.linear.gather [hbm4b:s29+s26], $0x40, $0x38;
	[tilespmem:$0x1D880] =	vst v63  }
0x62: {  	_ =	swait.ge [sflag:s1], $0x40  }
0x63: {  	[sflag:s1] =	ssyncset.done $0x0  }
0x64: {  	[sflag:s1] =	ssyncadd.s32 $0xFFFFFFC0  }
0x65: {  	v3 =	vld [tilespmem:$0x1B480]  }
0x66: {  	v4 =	vld [tilespmem:$0x1B490]  }
0x67: {  	v5 =	vld [tilespmem:$0x1B4A0]  }
0x68: {  	v6 =	vld [tilespmem:$0x1B4B0];
	_ =	sdelay $0x1  }
0x69: {  	v3 =	vadd.s32 v0, v3  }
0x6a: {  	[tilespmem:$0x1B500] =	vst v3;
	v3 =	vadd.s32 v0, v4  }
0x6b: {  	[tilespmem:$0x1B510] =	vst v3;
	v3 =	vadd.s32 v0, v5  }
0x6c: {  	[tilespmem:$0x1B520] =	vst v3;
	v3 =	vadd.s32 v0, v6  }
0x6d: {  	s28 =	simm.s32 $0x0;
	s31 =	simm.s32 $0x1B500;
	[tilespmem:$0x1B530] =	vst v3  }
0x6e: {  	[tilespmem:s20], [sflag:$0x1] =	stream.indirect.gather [hbm4b:s5+s18], $0x80, s31, s18, $0xb8;
	[tilespmem:$0x1D880] =	vst v63  }
.LBB2_4:
0x6f: {  	p5 =	seq.s32 s28, $0x0  }
0x70: {  	s21 =	sshll.u32 s28, $0x8;
	s13 =	simm.s32 @!p5 $0x4  }
0x71: {  	s30 =	sor.u32 s14, s21;
	_ =	swait.ge @!p5 [sflag:s13], $0x2000  }
0x72: {  	s29 =	sor.u32 $0x80, s30;
	[sflag:s13] =	ssyncset.done @!p5 $0x0  }
0x73: {  	s24 =	sadd.s32 s10, s29;
	[sflag:s13] =	ssyncadd.s32 @!p5 $0xFFFFE000  }
0x74: {  	[tilespmem:s22], [sflag:$0x6] =	stream.linear.gather [hbm4b:s24+s26], $0x40, $0x38;
	[tilespmem:$0x1D880] =	vst v63  }
0x75: {  	_ =	swait.ge [sflag:s23], $0x40  }
0x76: {  	[sflag:s23] =	ssyncset.done $0x0  }
0x77: {  	s25 =	sadd.s32 s11, s29;
	[sflag:s23] =	ssyncadd.s32 $0xFFFFFFC0  }
0x78: {  	[tilespmem:s12], [sflag:$0x6] =	stream.linear.gather [hbm4b:s25+s26], $0x40, $0x38;
	[tilespmem:$0x1D880] =	vst v63  }
0x79: {  	_ =	swait.ge [sflag:s23], $0x40  }
0x7a: {  	[sflag:s23] =	ssyncset.done $0x0  }
0x7b: {  	[sflag:s23] =	ssyncadd.s32 $0xFFFFFFC0  }
0x7c: {  	v3 =	vld [tilespmem:$0x1D600]  }
0x7d: {  	v4 =	vld [tilespmem:$0x1D610]  }
0x7e: {  	v5 =	vld [tilespmem:$0x1D620]  }
0x7f: {  	v6 =	vld [tilespmem:$0x1D630];
	_ =	sdelay $0x1  }
0x80: {  	v3 =	vadd.s32 v0, v3  }
0x81: {  	[tilespmem:$0x1D680] =	vst v3;
	v3 =	vadd.s32 v0, v4  }
0x82: {  	[tilespmem:$0x1D690] =	vst v3;
	v3 =	vadd.s32 v0, v5  }
0x83: {  	[tilespmem:$0x1D6A0] =	vst v3;
	v3 =	vadd.s32 v0, v6  }
0x84: {  	[tilespmem:$0x1D6B0] =	vst v3  }
0x85: {  	[tilespmem:s17], [sflag:$0x2] =	stream.indirect.gather [hbm4b:s5+s18], $0x80, s9, s18, $0xb8;
	[tilespmem:$0x1D880] =	vst v63  }
0x86: {  	_ =	swait.ge [sflag:s19], $0x2000  }
0x87: {  	[sflag:s19] =	ssyncset.done $0x0  }
0x88: {  	s31 =	sadd.s32 s6, s30;
	[sflag:s19] =	ssyncadd.s32 $0xFFFFE000  }
0x89: {  	[tilespmem:s8], [sflag:$0x6] =	stream.linear.gather [hbm4b:s31+s26], $0x40, $0x38;
	[tilespmem:$0x1D880] =	vst v63  }
0x8a: {  	_ =	swait.ge [sflag:s23], $0x40  }
0x8b: {  	[sflag:s23] =	ssyncset.done $0x0  }
0x8c: {  	s21 =	simm.s32 $0x19440;
	s13 =	simm.s32 $0x0;
	[sflag:s23] =	ssyncadd.s32 $0xFFFFFFC0  }
.LBB2_5:
0x8d: {  	s24 =	sshll.u32 s13, $0x4  }
0x8e: {  	v3 =	vld [tilespmem:s24+$0x1D700];
	_ =	sdelay $0x1  }
0x8f: {  	s25 =	simm.s32 $0x0  }
0x90: {  	v4 =	vmov s25  }
0x91: {  	vm0 =	veq.s32 v4, v2  }
0x92: {  	v4 =	vnsel vm0, $0x0, v3  }
0x93: {  	(xrf2) =	vadd.scan.msk.f32 $0xffff, v4;
	_ =	sdelay $0x7  }
0x94: {  	s25 =	simm.s32 $0x1  }
0x95: {  	v5 =	vld [tilespmem:s21+$0xFFFFFFC0];
	v4 =	vmov s25  }
0x96: {  	vm14 =	veq.s32 v4, v2;
	v6, _, _ =	vpop (xrf2)  }
0x97: {  	v7 =	vld [tilespmem:s21+$0xFFFFFFD0];
	v4 =	vbroadcast v6, $0xF;
	v6 =	vnsel vm14, $0x0, v3  }
0x98: {  	v10 =	vld [tilespmem:s21+$0xFFFFFFE0];
	(xrf2) =	vadd.scan.msk.f32 $0xffff, v6;
	_ =	sdelay $0x1  }
0x99: {  	v11 =	vld [tilespmem:s21+$0x0];
	v5 =	vmul.f32 v5, v4  }
0x9a: {  	v12 =	vld [tilespmem:s21+$0x10]  }
0x9b: {  	v13 =	vld [tilespmem:s21+$0x20];
	[tilespmem:s21+$0xFFFFFFC0] =	vst v5;
	v5 =	vmul.f32 v7, v4  }
0x9c: {  	v8 =	vld [tilespmem:s21+$0xFFFFFFF0];
	s25 =	sadd.s32 $0x80, s21;
	v7 =	vmul.f32 v10, v4  }
0x9d: {  	s24 =	simm.s32 $0x2;
	v9 =	vld [tilespmem:s25+$0xFFFFFFC0];
	[tilespmem:s21+$0xFFFFFFD0] =	vst v5  }
0x9e: {  	v10 =	vmul.f32 v11, v4;
	v6 =	vld [tilespmem:s25+$0xFFFFFFD0];
	[tilespmem:s21+$0xFFFFFFE0] =	vst v7;
	v7 =	vmov s24  }
0x9f: {  	v14 =	vld [tilespmem:s21+$0x30];
	vm15 =	veq.s32 v7, v2  }
0xa0: {  	v5 =	vld [tilespmem:s25+$0xFFFFFFE0];
	[tilespmem:s21+$0x0] =	vst v10;
	v10 =	vnsel vm15, $0x0, v3  }
0xa1: {  	v15, _, _ =	vpop (xrf2);
	(xrf2) =	vadd.scan.msk.f32 $0xffff, v10  }
0xa2: {  	v11 =	vmul.f32 v12, v4  }
0xa3: {  	v12 =	vmul.f32 v13, v4  }
0xa4: {  	s31 =	smov.u32 s21;
	s24 =	simm.s32 $0x3;
	v7 =	vld [tilespmem:s25+$0x0];
	[tilespmem:s21+$0x10] =	vst v11;
	v11 =	vmul.f32 v14, v4;
	v10 =	vbroadcast v15, $0xF  }
.LBB2_6:
0xa5: {  	p5 =	sne.s32 s24, $0xF;
	v13 =	vld [tilespmem:s25+$0x10];
	v8 =	vmul.f32 v8, v4;
	[tilespmem:s31+$0x20] =	vst v12  }
0xa6: {  	v12 =	vmov s24;
	v9 =	vmul.f32 v9, v10;
	v14 =	vld [tilespmem:s25+$0x20];
	[tilespmem:s31+$0x30] =	vst v11;
	v4 =	vmov v10  }
0xa7: {  	vm0 =	veq.s32 v12, v2;
	v6 =	vmul.f32 v6, v4;
	v11 =	vld [tilespmem:s25+$0x30];
	[tilespmem:s31+$0xFFFFFFF0] =	vst v8;
	s31 =	smov.u32 s25  }
.Ltmp3:
0xa8: {  	v10 =	vnsel vm0, $0x0, v3;
	s25 =	sadd.s32 $0x80, s25;
	[tilespmem:s31+$0xFFFFFFC0] =	vst v9;
	v5 =	vmul.f32 v5, v4;
	v8 =	vld [tilespmem:s31+$0xFFFFFFF0];
	(pc) =	sbr.rel @p5 .LBB2_6-.Ltmp3, $4  }
0xa9: {  	(xrf2) =	vadd.scan.msk.f32 $0xffff, v10;
	v9 =	vld [tilespmem:s25+$0xFFFFFFC0];
	[tilespmem:s31+$0xFFFFFFD0] =	vst v6;
	v7 =	vmul.f32 v7, v4  }
0xaa: {  	v6 =	vld [tilespmem:s25+$0xFFFFFFD0];
	[tilespmem:s31+$0xFFFFFFE0] =	vst v5;
	v13 =	vmul.f32 v13, v4  }
0xab: {  	v5 =	vld [tilespmem:s25+$0xFFFFFFE0];
	v10, _, _ =	vpop (xrf2);
	[tilespmem:s31+$0x0] =	vst v7;
	v12 =	vmul.f32 v14, v4  }
0xac: {  	s24 =	sadd.s32 $0x1, s24;
	v10 =	vbroadcast v10, $0xF;
	v7 =	vld [tilespmem:s25+$0x0];
	[tilespmem:s31+$0x10] =	vst v13;
	v11 =	vmul.f32 v11, v4  }
0xad: {  	v3 =	vld [tilespmem:s25+$0x10];
	_ =	sdelay $0x1  }
0xae: {  	v4 =	vmul.f32 v8, v4;
	[tilespmem:s31+$0x20] =	vst v12  }
0xaf: {  	v55 =	vmul.f32 v9, v10;
	v56 =	vld [tilespmem:s25+$0x20];
	[tilespmem:s31+$0x30] =	vst v11  }
0xb0: {  	[tilespmem:s31+$0xFFFFFFF0] =	vst v4;
	v57 =	vmul.f32 v6, v10;
	v11 =	vld [tilespmem:s25+$0x30]  }
0xb1: {  	s24 =	sadd.s32 $0x80, s25;
	[tilespmem:s25+$0xFFFFFFC0] =	vst v55;
	v58 =	vld [tilespmem:s25+$0xFFFFFFF0];
	v5 =	vmul.f32 v5, v10;
	v3 =	vmul.f32 v3, v10  }
0xb2: {  	v8 =	vld [tilespmem:s24+$0xFFFFFFC0];
	[tilespmem:s25+$0xFFFFFFD0] =	vst v57;
	v7 =	vmul.f32 v7, v10  }
0xb3: {  	v4 =	vld [tilespmem:s24+$0xFFFFFFD0];
	[tilespmem:s25+$0xFFFFFFE0] =	vst v5  }
0xb4: {  	v5 =	vld [tilespmem:s24+$0xFFFFFFE0];
	[tilespmem:s25+$0x0] =	vst v7  }
0xb5: {  	v9 =	vmul.f32 v56, v10;
	v7 =	vld [tilespmem:s24+$0x0];
	[tilespmem:s25+$0x10] =	vst v3;
	v3, _, _ =	vpop (xrf2)  }
0xb6: {  	v11 =	vmul.f32 v11, v10;
	v3 =	vbroadcast v3, $0xF  }
0xb7: {  	v12 =	vld [tilespmem:s24+$0x10];
	[tilespmem:s25+$0x20] =	vst v9;
	v6 =	vmul.f32 v58, v10  }
0xb8: {  	v9 =	vld [tilespmem:s24+$0x20];
	[tilespmem:s25+$0x30] =	vst v11;
	v8 =	vmul.f32 v8, v3  }
0xb9: {  	v59 =	vld [tilespmem:s24+$0x30];
	[tilespmem:s25+$0xFFFFFFF0] =	vst v6;
	v4 =	vmul.f32 v4, v3  }
0xba: {  	v6 =	vld [tilespmem:s24+$0xFFFFFFF0];
	v5 =	vmul.f32 v5, v3;
	[tilespmem:s24+$0xFFFFFFC0] =	vst v8  }
0xbb: {  	s13 =	sadd.s32 $0x1, s13;
	v60 =	vmul.f32 v7, v3;
	[tilespmem:s24+$0xFFFFFFD0] =	vst v4  }
0xbc: {  	p5 =	sne.s32 s13, $0x4;
	v61 =	vmul.f32 v12, v3;
	[tilespmem:s24+$0xFFFFFFE0] =	vst v5  }
.Ltmp4:
0xbd: {  	[tilespmem:s24+$0x0] =	vst v60;
	v62 =	vmul.f32 v9, v3;
	(pc) =	sbr.rel @p5 .LBB2_5-.Ltmp4, $4  }
0xbe: {  	[tilespmem:s24+$0x10] =	vst v61;
	v63 =	vmul.f32 v59, v3  }
0xbf: {  	v3 =	vmul.f32 v6, v3;
	[tilespmem:s24+$0x20] =	vst v62  }
0xc0: {  	[tilespmem:s24+$0x30] =	vst v63  }
0xc1: {  	s21 =	sadd.s32 $0x800, s21;
	[tilespmem:s24+$0xFFFFFFF0] =	vst v3  }
0xc2: {  	[spmem:s3] =	stream.indirect.scatter.add.f32 [tilespmem:s20], [sflag:$0x3], $0x80, s16, s18, $0xb8;
	[tilespmem:$0x1D880] =	vst v63  }
0xc3: {  	s13 =	sadd.s32 @!p0 s7, s30;
	s21 =	simm.s32 @!p0 $0x0;
	s24 =	simm.s32 @!p0 $0x1D780  }
0xc4: {  	[tilespmem:s24], [sflag:$0x6] =	stream.linear.gather @!p0 [hbm4b:s13+s21], $0x40, $0x38;
	[tilespmem:$0x1D880] =	vst v63  }
0xc5: {  	s13 =	simm.s32 @!p0 $0x6  }
0xc6: {  	_ =	swait.ge @!p0 [sflag:s13], $0x40  }
0xc7: {  	[sflag:s13] =	ssyncset.done @!p0 $0x0  }
0xc8: {  	[sflag:s13] =	ssyncadd.s32 @!p0 $0xFFFFFFC0  }
0xc9: {  	v3 =	vld @!p0 [tilespmem:$0x1B400];
	_ =	sdelay $0x5  }
0xca: {  	v4 =	vld @!p0 [tilespmem:$0x1D780]  }
0xcb: {  	s24 =	simm.s32 @!p0 $0x16C80;
	v5 =	vld @!p0 [tilespmem:$0x1B410]  }
0xcc: {  	v3 =	vld.idx.msk @!p0 [tilespmem:v3+s24+$0x0], $0xffff;
	_ =	sdelay $0x4  }
0xcd: {  	v3 =	vmul.f32 @!p0 v4, v3;
	_ =	sdelay $0x1  }
0xce: {  	v4 =	vld @!p0 [tilespmem:$0x1D790];
	[tilespmem:$0x1D800] =	vst @!p0 v3  }
0xcf: {  	v3 =	vld.idx.msk @!p0 [tilespmem:v5+s24+$0x0], $0xffff  }
0xd0: {  	v5 =	vld @!p0 [tilespmem:$0x1B420];
	_ =	sdelay $0x4  }
0xd1: {  	v3 =	vmul.f32 @!p0 v4, v3;
	_ =	sdelay $0x1  }
0xd2: {  	v4 =	vld @!p0 [tilespmem:$0x1D7A0];
	[tilespmem:$0x1D810] =	vst @!p0 v3  }
0xd3: {  	v3 =	vld.idx.msk @!p0 [tilespmem:v5+s24+$0x0], $0xffff  }
0xd4: {  	v5 =	vld @!p0 [tilespmem:$0x1B430];
	_ =	sdelay $0x4  }
0xd5: {  	v3 =	vmul.f32 @!p0 v4, v3;
	_ =	sdelay $0x1  }
0xd6: {  	v4 =	vld @!p0 [tilespmem:$0x1D7B0];
	[tilespmem:$0x1D820] =	vst @!p0 v3  }
0xd7: {  	v3 =	vld.idx.msk @!p0 [tilespmem:v5+s24+$0x0], $0xffff;
	_ =	sdelay $0x4  }
0xd8: {  	v3 =	vmul.f32 @!p0 v4, v3;
	_ =	sdelay $0x1  }
0xd9: {  	s25 =	simm.s32 @!p0 $0x1D800;
	s24 =	sadd.s32 @!p0 s2, s30;
	[tilespmem:$0x1D830] =	vst @!p0 v3  }
0xda: {  	[hbm4b:s24+s21] =	stream.linear.scatter @!p0 [tilespmem:s25], [sflag:$0x6], $0x40, $0x38;
	[tilespmem:$0x1D880] =	vst v63  }
0xdb: {  	_ =	swait.ge @!p0 [sflag:s13], $0x40  }
0xdc: {  	p5 =	seq.s32 s28, $0x4D;
	[sflag:s13] =	ssyncset.done @!p0 $0x0  }
0xdd: {  	[sflag:s13] =	ssyncadd.s32 @!p0 $0xFFFFFFC0;
	s13 =	simm.s32 @!p5 $0x3  }
0xde: {  	_ =	swait.ge @!p5 [sflag:s13], $0x2000  }
0xdf: {  	[sflag:s13] =	ssyncset.done @!p5 $0x0  }
0xe0: {  	[sflag:s13] =	ssyncadd.s32 @!p5 $0xFFFFE000;
	s13 =	sadd.s32 @!p5 $0x100, s30  }
0xe1: {  	s24 =	simm.s32 @!p5 $0x0;
	s25 =	simm.s32 @!p5 $0x1B400;
	s21 =	sadd.s32 @!p5 s10, s13  }
0xe2: {  	[tilespmem:s25], [sflag:$0x6] =	stream.linear.gather @!p5 [hbm4b:s21+s24], $0x40, $0x38;
	[tilespmem:$0x1D880] =	vst v63  }
0xe3: {  	s21 =	simm.s32 @!p5 $0x6  }
0xe4: {  	_ =	swait.ge @!p5 [sflag:s21], $0x40  }
0xe5: {  	[sflag:s21] =	ssyncset.done @!p5 $0x0  }
0xe6: {  	s13 =	sadd.s32 @!p5 s11, s13;
	s25 =	simm.s32 @!p5 $0x1B480;
	[sflag:s21] =	ssyncadd.s32 @!p5 $0xFFFFFFC0  }
0xe7: {  	[tilespmem:s25], [sflag:$0x6] =	stream.linear.gather @!p5 [hbm4b:s13+s24], $0x40, $0x38;
	[tilespmem:$0x1D880] =	vst v63  }
0xe8: {  	_ =	swait.ge @!p5 [sflag:s21], $0x40  }
0xe9: {  	[sflag:s21] =	ssyncset.done @!p5 $0x0  }
0xea: {  	[sflag:s21] =	ssyncadd.s32 @!p5 $0xFFFFFFC0  }
0xeb: {  	v3 =	vld @!p5 [tilespmem:$0x1B480]  }
0xec: {  	v4 =	vld @!p5 [tilespmem:$0x1B490]  }
0xed: {  	v5 =	vld @!p5 [tilespmem:$0x1B4A0]  }
0xee: {  	v6 =	vld @!p5 [tilespmem:$0x1B4B0];
	_ =	sdelay $0x1  }
0xef: {  	v3 =	vadd.s32 @!p5 v0, v3  }
0xf0: {  	[tilespmem:$0x1B500] =	vst @!p5 v3;
	v3 =	vadd.s32 @!p5 v0, v4  }
0xf1: {  	[tilespmem:$0x1B510] =	vst @!p5 v3;
	v3 =	vadd.s32 @!p5 v0, v5  }
0xf2: {  	[tilespmem:$0x1B520] =	vst @!p5 v3;
	v3 =	vadd.s32 @!p5 v0, v6  }
0xf3: {  	s13 =	simm.s32 @!p5 $0x40;
	s24 =	simm.s32 @!p5 $0x19400;
	s21 =	simm.s32 @!p5 $0x1B500;
	[tilespmem:$0x1B530] =	vst @!p5 v3  }
0xf4: {  	[tilespmem:s24], [sflag:$0x1] =	stream.indirect.gather @!p5 [hbm4b:s5+s13], $0x80, s21, s13, $0xb8;
	[tilespmem:$0x1D880] =	vst v63  }
0xf5: {  	_ =	swait.ge [sflag:s15], $0x2000  }
0xf6: {  	[sflag:s15] =	ssyncset.done $0x0  }
0xf7: {  	s30 =	simm.s32 $0x0;
	s25 =	sadd.s32 s6, s29;
	[sflag:s15] =	ssyncadd.s32 $0xFFFFE000  }
0xf8: {  	[tilespmem:s8], [sflag:$0x6] =	stream.linear.gather [hbm4b:s25+s30], $0x40, $0x38;
	[tilespmem:$0x1D880] =	vst v63  }
0xf9: {  	_ =	swait.ge [sflag:s23], $0x40  }
0xfa: {  	[sflag:s23] =	ssyncset.done $0x0  }
0xfb: {  	s31 =	simm.s32 $0x0;
	s13 =	simm.s32 $0x1B5C0;
	[sflag:s23] =	ssyncadd.s32 $0xFFFFFFC0  }
.LBB2_9:
0xfc: {  	s21 =	sshll.u32 s31, $0x4  }
0xfd: {  	v3 =	vld [tilespmem:s21+$0x1D700];
	_ =	sdelay $0x2  }
0xfe: {  	v4 =	vmov s30  }
0xff: {  	vm0 =	veq.s32 v4, v2  }
0x100: {  	v4 =	vnsel vm0, $0x0, v3  }
0x101: {  	(xrf2) =	vadd.scan.msk.f32 $0xffff, v4;
	_ =	sdelay $0x7  }
0x102: {  	s25 =	simm.s32 $0x1  }
0x103: {  	v5 =	vld [tilespmem:s13+$0xFFFFFFC0];
	v4 =	vmov s25  }
0x104: {  	vm14 =	veq.s32 v4, v2;
	v6, _, _ =	vpop (xrf2)  }
0x105: {  	v7 =	vld [tilespmem:s13+$0xFFFFFFD0];
	v4 =	vbroadcast v6, $0xF;
	v6 =	vnsel vm14, $0x0, v3  }
0x106: {  	v10 =	vld [tilespmem:s13+$0xFFFFFFE0];
	(xrf2) =	vadd.scan.msk.f32 $0xffff, v6;
	_ =	sdelay $0x1  }
0x107: {  	v11 =	vld [tilespmem:s13+$0x0];
	v5 =	vmul.f32 v5, v4  }
0x108: {  	v12 =	vld [tilespmem:s13+$0x10]  }
0x109: {  	v13 =	vld [tilespmem:s13+$0x20];
	[tilespmem:s13+$0xFFFFFFC0] =	vst v5;
	v5 =	vmul.f32 v7, v4  }
0x10a: {  	v8 =	vld [tilespmem:s13+$0xFFFFFFF0];
	s25 =	sadd.s32 $0x80, s13;
	v7 =	vmul.f32 v10, v4  }
0x10b: {  	s24 =	simm.s32 $0x2;
	v9 =	vld [tilespmem:s25+$0xFFFFFFC0];
	[tilespmem:s13+$0xFFFFFFD0] =	vst v5  }
0x10c: {  	v10 =	vmul.f32 v11, v4;
	v6 =	vld [tilespmem:s25+$0xFFFFFFD0];
	[tilespmem:s13+$0xFFFFFFE0] =	vst v7;
	v7 =	vmov s24  }
0x10d: {  	v14 =	vld [tilespmem:s13+$0x30];
	vm15 =	veq.s32 v7, v2  }
0x10e: {  	v5 =	vld [tilespmem:s25+$0xFFFFFFE0];
	[tilespmem:s13+$0x0] =	vst v10;
	v10 =	vnsel vm15, $0x0, v3  }
0x10f: {  	v15, _, _ =	vpop (xrf2);
	(xrf2) =	vadd.scan.msk.f32 $0xffff, v10  }
0x110: {  	v11 =	vmul.f32 v12, v4  }
0x111: {  	v12 =	vmul.f32 v13, v4  }
0x112: {  	s21 =	smov.u32 s13;
	s24 =	simm.s32 $0x3;
	v7 =	vld [tilespmem:s25+$0x0];
	[tilespmem:s13+$0x10] =	vst v11;
	v11 =	vmul.f32 v14, v4;
	v10 =	vbroadcast v15, $0xF  }
.LBB2_10:
0x113: {  	p5 =	sne.s32 s24, $0xF;
	v13 =	vld [tilespmem:s25+$0x10];
	v8 =	vmul.f32 v8, v4;
	[tilespmem:s21+$0x20] =	vst v12  }
0x114: {  	v12 =	vmov s24;
	v9 =	vmul.f32 v9, v10;
	v14 =	vld [tilespmem:s25+$0x20];
	[tilespmem:s21+$0x30] =	vst v11;
	v4 =	vmov v10  }
0x115: {  	vm0 =	veq.s32 v12, v2;
	v6 =	vmul.f32 v6, v4;
	v11 =	vld [tilespmem:s25+$0x30];
	[tilespmem:s21+$0xFFFFFFF0] =	vst v8;
	s21 =	smov.u32 s25  }
.Ltmp5:
0x116: {  	v10 =	vnsel vm0, $0x0, v3;
	s25 =	sadd.s32 $0x80, s25;
	[tilespmem:s21+$0xFFFFFFC0] =	vst v9;
	v5 =	vmul.f32 v5, v4;
	v8 =	vld [tilespmem:s21+$0xFFFFFFF0];
	(pc) =	sbr.rel @p5 .LBB2_10-.Ltmp5, $4  }
0x117: {  	(xrf2) =	vadd.scan.msk.f32 $0xffff, v10;
	v9 =	vld [tilespmem:s25+$0xFFFFFFC0];
	[tilespmem:s21+$0xFFFFFFD0] =	vst v6;
	v7 =	vmul.f32 v7, v4  }
0x118: {  	v6 =	vld [tilespmem:s25+$0xFFFFFFD0];
	[tilespmem:s21+$0xFFFFFFE0] =	vst v5;
	v13 =	vmul.f32 v13, v4  }
0x119: {  	v5 =	vld [tilespmem:s25+$0xFFFFFFE0];
	v10, _, _ =	vpop (xrf2);
	[tilespmem:s21+$0x0] =	vst v7;
	v12 =	vmul.f32 v14, v4  }
0x11a: {  	s24 =	sadd.s32 $0x1, s24;
	v10 =	vbroadcast v10, $0xF;
	v7 =	vld [tilespmem:s25+$0x0];
	[tilespmem:s21+$0x10] =	vst v13;
	v11 =	vmul.f32 v11, v4  }
0x11b: {  	v3 =	vld [tilespmem:s25+$0x10];
	_ =	sdelay $0x1  }
0x11c: {  	v4 =	vmul.f32 v8, v4;
	[tilespmem:s21+$0x20] =	vst v12  }
0x11d: {  	v55 =	vmul.f32 v9, v10;
	v56 =	vld [tilespmem:s25+$0x20];
	[tilespmem:s21+$0x30] =	vst v11  }
0x11e: {  	[tilespmem:s21+$0xFFFFFFF0] =	vst v4;
	v57 =	vmul.f32 v6, v10;
	v11 =	vld [tilespmem:s25+$0x30]  }
0x11f: {  	s24 =	sadd.s32 $0x80, s25;
	[tilespmem:s25+$0xFFFFFFC0] =	vst v55;
	v58 =	vld [tilespmem:s25+$0xFFFFFFF0];
	v5 =	vmul.f32 v5, v10;
	v3 =	vmul.f32 v3, v10  }
0x120: {  	v8 =	vld [tilespmem:s24+$0xFFFFFFC0];
	[tilespmem:s25+$0xFFFFFFD0] =	vst v57;
	v7 =	vmul.f32 v7, v10  }
0x121: {  	v4 =	vld [tilespmem:s24+$0xFFFFFFD0];
	[tilespmem:s25+$0xFFFFFFE0] =	vst v5  }
0x122: {  	v5 =	vld [tilespmem:s24+$0xFFFFFFE0];
	[tilespmem:s25+$0x0] =	vst v7  }
0x123: {  	v9 =	vmul.f32 v56, v10;
	v7 =	vld [tilespmem:s24+$0x0];
	[tilespmem:s25+$0x10] =	vst v3;
	v3, _, _ =	vpop (xrf2)  }
0x124: {  	v11 =	vmul.f32 v11, v10;
	v3 =	vbroadcast v3, $0xF  }
0x125: {  	v12 =	vld [tilespmem:s24+$0x10];
	[tilespmem:s25+$0x20] =	vst v9;
	v6 =	vmul.f32 v58, v10  }
0x126: {  	v9 =	vld [tilespmem:s24+$0x20];
	[tilespmem:s25+$0x30] =	vst v11;
	v8 =	vmul.f32 v8, v3  }
0x127: {  	v59 =	vld [tilespmem:s24+$0x30];
	[tilespmem:s25+$0xFFFFFFF0] =	vst v6;
	v4 =	vmul.f32 v4, v3  }
0x128: {  	v6 =	vld [tilespmem:s24+$0xFFFFFFF0];
	v5 =	vmul.f32 v5, v3;
	[tilespmem:s24+$0xFFFFFFC0] =	vst v8  }
0x129: {  	s31 =	sadd.s32 $0x1, s31;
	v60 =	vmul.f32 v7, v3;
	[tilespmem:s24+$0xFFFFFFD0] =	vst v4  }
0x12a: {  	p5 =	sne.s32 s31, $0x4;
	v61 =	vmul.f32 v12, v3;
	[tilespmem:s24+$0xFFFFFFE0] =	vst v5  }
.Ltmp6:
0x12b: {  	[tilespmem:s24+$0x0] =	vst v60;
	v62 =	vmul.f32 v9, v3;
	(pc) =	sbr.rel @p5 .LBB2_9-.Ltmp6, $4  }
0x12c: {  	[tilespmem:s24+$0x10] =	vst v61;
	v63 =	vmul.f32 v59, v3  }
0x12d: {  	v3 =	vmul.f32 v6, v3;
	[tilespmem:s24+$0x20] =	vst v62  }
0x12e: {  	[tilespmem:s24+$0x30] =	vst v63  }
0x12f: {  	s13 =	sadd.s32 $0x800, s13;
	[tilespmem:s24+$0xFFFFFFF0] =	vst v3  }
0x130: {  	[spmem:s3] =	stream.indirect.scatter.add.f32 [tilespmem:s17], [sflag:$0x4], $0x80, s22, s18, $0xb8;
	[tilespmem:$0x1D880] =	vst v63  }
0x131: {  	s13 =	sadd.s32 @!p0 s7, s29;
	s21 =	simm.s32 @!p0 $0x0;
	s24 =	simm.s32 @!p0 $0x1D780  }
0x132: {  	[tilespmem:s24], [sflag:$0x6] =	stream.linear.gather @!p0 [hbm4b:s13+s21], $0x40, $0x38;
	[tilespmem:$0x1D880] =	vst v63  }
0x133: {  	s13 =	simm.s32 @!p0 $0x6  }
0x134: {  	_ =	swait.ge @!p0 [sflag:s13], $0x40  }
0x135: {  	[sflag:s13] =	ssyncset.done @!p0 $0x0  }
0x136: {  	[sflag:s13] =	ssyncadd.s32 @!p0 $0xFFFFFFC0  }
0x137: {  	v3 =	vld @!p0 [tilespmem:$0x1D580];
	_ =	sdelay $0x5  }
0x138: {  	v4 =	vld @!p0 [tilespmem:$0x1D780]  }
0x139: {  	s13 =	simm.s32 @!p0 $0x16C80;
	v5 =	vld @!p0 [tilespmem:$0x1D590]  }
0x13a: {  	v3 =	vld.idx.msk @!p0 [tilespmem:v3+s13+$0x0], $0xffff;
	_ =	sdelay $0x4  }
0x13b: {  	v3 =	vmul.f32 @!p0 v4, v3;
	_ =	sdelay $0x1  }
0x13c: {  	v4 =	vld @!p0 [tilespmem:$0x1D790];
	[tilespmem:$0x1D800] =	vst @!p0 v3  }
0x13d: {  	v3 =	vld.idx.msk @!p0 [tilespmem:v5+s13+$0x0], $0xffff  }
0x13e: {  	v5 =	vld @!p0 [tilespmem:$0x1D5A0];
	_ =	sdelay $0x4  }
0x13f: {  	v3 =	vmul.f32 @!p0 v4, v3;
	_ =	sdelay $0x1  }
0x140: {  	v4 =	vld @!p0 [tilespmem:$0x1D7A0];
	[tilespmem:$0x1D810] =	vst @!p0 v3  }
0x141: {  	v3 =	vld.idx.msk @!p0 [tilespmem:v5+s13+$0x0], $0xffff  }
0x142: {  	v5 =	vld @!p0 [tilespmem:$0x1D5B0];
	_ =	sdelay $0x4  }
0x143: {  	v3 =	vmul.f32 @!p0 v4, v3;
	_ =	sdelay $0x1  }
0x144: {  	v4 =	vld @!p0 [tilespmem:$0x1D7B0];
	[tilespmem:$0x1D820] =	vst @!p0 v3  }
0x145: {  	v3 =	vld.idx.msk @!p0 [tilespmem:v5+s13+$0x0], $0xffff;
	_ =	sdelay $0x4  }
0x146: {  	v3 =	vmul.f32 @!p0 v4, v3  }
0x147: {  	s28 =	sadd.s32 $0x1, s28  }
0x148: {  	p5 =	sne.s32 s28, $0x4E;
	s24 =	simm.s32 @!p0 $0x1D800;
	s13 =	sadd.s32 @!p0 s2, s29;
	[tilespmem:$0x1D830] =	vst @!p0 v3  }
0x149: {  	[hbm4b:s13+s21] =	stream.linear.scatter @!p0 [tilespmem:s24], [sflag:$0x5], $0x40, $0x38;
	[tilespmem:$0x1D880] =	vst v63  }
.Ltmp7:
0x14a: {  	_ = 	snop;
	(pc) =	sbr.rel @p5 .LBB2_4-.Ltmp7, $4  }
0x14b: {  	s13 =	simm.s32 @!p0 $0x5  }
0x14c: {  	_ =	swait.ge @!p0 [sflag:s13], $0x40  }
0x14d: {  	[sflag:s13] =	ssyncset.done @!p0 $0x0  }
0x14e: {  	[sflag:s13] =	ssyncadd.s32 @!p0 $0xFFFFFFC0  }
0x14f: {  	s13 =	simm.s32 $0x3  }
0x150: {  	_ =	swait.ge [sflag:s13], $0x2000  }
.Ltmp8:
0x151: {  	[sflag:s13] =	ssyncset.done $0x0;
	(pc) =	sbr.rel @p3 .LBB2_19-.Ltmp8, $4  }
0x152: {  	s31 =	simm.s32 $0x4;
	[sflag:s13] =	ssyncadd.s32 $0xFFFFE000  }
0x153: {  	_ =	swait.ge [sflag:s31], $0x2000  }
0x154: {  	[sflag:s31] =	ssyncset.done $0x0  }
0x155: {  	[sflag:s31] =	ssyncadd.s32 $0xFFFFE000  }
0x156: {  	s26 =	simm.s32 $0x0;
	s13 =	rddreg [dreg:$0x9]  }
0x157: {  	[tilespmem:s16], [sflag:$0x5] =	stream.linear.gather [hbm4b:s13+s26], $0x40, $0x38;
	[tilespmem:$0x1D880] =	vst v63  }
0x158: {  	_ =	swait.ge [sflag:s1], $0x40  }
0x159: {  	[sflag:s1] =	ssyncset.done $0x0  }
0x15a: {  	s21 =	simm.s32 $0x1B480;
	s29 =	rddreg [dreg:$0xa];
	[sflag:s1] =	ssyncadd.s32 $0xFFFFFFC0  }
0x15b: {  	[tilespmem:s21], [sflag:$0x5] =	stream.linear.gather [hbm4b:s29+s26], $0x40, $0x38;
	[tilespmem:$0x1D880] =	vst v63  }
0x15c: {  	_ =	swait.ge [sflag:s1], $0x40  }
0x15d: {  	[sflag:s1] =	ssyncset.done $0x0  }
0x15e: {  	[sflag:s1] =	ssyncadd.s32 $0xFFFFFFC0  }
0x15f: {  	v3 =	vld [tilespmem:$0x1B480]  }
0x160: {  	v4 =	vld [tilespmem:$0x1B490]  }
0x161: {  	v5 =	vld [tilespmem:$0x1B4A0]  }
0x162: {  	v6 =	vld [tilespmem:$0x1B4B0];
	_ =	sdelay $0x1  }
0x163: {  	v3 =	vadd.s32 v0, v3  }
0x164: {  	[tilespmem:$0x1B500] =	vst v3;
	v3 =	vadd.s32 v0, v4  }
0x165: {  	[tilespmem:$0x1B510] =	vst v3;
	v3 =	vadd.s32 v0, v5  }
0x166: {  	[tilespmem:$0x1B520] =	vst v3;
	v3 =	vadd.s32 v0, v6  }
0x167: {  	s30 =	simm.s32 $0x1B500;
	[tilespmem:$0x1B530] =	vst v3  }
0x168: {  	[tilespmem:s20], [sflag:$0x1] =	stream.indirect.gather [hbm4b:s5+s18], $0x80, s30, s18, $0xb8;
	[tilespmem:$0x1D880] =	vst v63  }
0x169: {  	_ =	swait.ge [sflag:s19], $0x2000  }
0x16a: {  	[sflag:s19] =	ssyncset.done $0x0  }
0x16b: {  	s31 =	rddreg [dreg:$0xb];
	[sflag:s19] =	ssyncadd.s32 $0xFFFFE000  }
0x16c: {  	[tilespmem:s8], [sflag:$0x5] =	stream.linear.gather [hbm4b:s31+s26], $0x40, $0x38;
	[tilespmem:$0x1D880] =	vst v63  }
0x16d: {  	_ =	swait.ge [sflag:s1], $0x40  }
0x16e: {  	[sflag:s1] =	ssyncset.done $0x0  }
0x16f: {  	s28 =	simm.s32 $0x0;
	s13 =	simm.s32 $0x19440;
	[sflag:s1] =	ssyncadd.s32 $0xFFFFFFC0  }
.LBB2_15:
0x170: {  	s21 =	sshll.u32 s28, $0x4  }
0x171: {  	v3 =	vld [tilespmem:s21+$0x1D700];
	_ =	sdelay $0x2  }
0x172: {  	v4 =	vmov s26  }
0x173: {  	vm0 =	veq.s32 v4, v2  }
0x174: {  	v4 =	vnsel vm0, $0x0, v3  }
0x175: {  	(xrf2) =	vadd.scan.msk.f32 $0xffff, v4;
	_ =	sdelay $0x7  }
0x176: {  	s30 =	simm.s32 $0x1  }
0x177: {  	v5 =	vld [tilespmem:s13+$0xFFFFFFC0];
	v4 =	vmov s30  }
0x178: {  	vm14 =	veq.s32 v4, v2;
	v6, _, _ =	vpop (xrf2)  }
0x179: {  	v7 =	vld [tilespmem:s13+$0xFFFFFFD0];
	v4 =	vbroadcast v6, $0xF;
	v6 =	vnsel vm14, $0x0, v3  }
0x17a: {  	v10 =	vld [tilespmem:s13+$0xFFFFFFE0];
	(xrf2) =	vadd.scan.msk.f32 $0xffff, v6;
	_ =	sdelay $0x1  }
0x17b: {  	v11 =	vld [tilespmem:s13+$0x0];
	v5 =	vmul.f32 v5, v4  }
0x17c: {  	v12 =	vld [tilespmem:s13+$0x10]  }
0x17d: {  	v13 =	vld [tilespmem:s13+$0x20];
	[tilespmem:s13+$0xFFFFFFC0] =	vst v5;
	v5 =	vmul.f32 v7, v4  }
0x17e: {  	v8 =	vld [tilespmem:s13+$0xFFFFFFF0];
	s25 =	sadd.s32 $0x80, s13;
	v7 =	vmul.f32 v10, v4  }
0x17f: {  	s31 =	simm.s32 $0x2;
	v9 =	vld [tilespmem:s25+$0xFFFFFFC0];
	[tilespmem:s13+$0xFFFFFFD0] =	vst v5  }
0x180: {  	v10 =	vmul.f32 v11, v4;
	v6 =	vld [tilespmem:s25+$0xFFFFFFD0];
	[tilespmem:s13+$0xFFFFFFE0] =	vst v7;
	v7 =	vmov s31  }
0x181: {  	v14 =	vld [tilespmem:s13+$0x30];
	vm15 =	veq.s32 v7, v2  }
0x182: {  	v5 =	vld [tilespmem:s25+$0xFFFFFFE0];
	[tilespmem:s13+$0x0] =	vst v10;
	v10 =	vnsel vm15, $0x0, v3  }
0x183: {  	v15, _, _ =	vpop (xrf2);
	(xrf2) =	vadd.scan.msk.f32 $0xffff, v10  }
0x184: {  	v11 =	vmul.f32 v12, v4  }
0x185: {  	v12 =	vmul.f32 v13, v4  }
0x186: {  	s24 =	simm.s32 $0x3;
	s21 =	smov.u32 s13;
	v7 =	vld [tilespmem:s25+$0x0];
	[tilespmem:s13+$0x10] =	vst v11;
	v11 =	vmul.f32 v14, v4;
	v10 =	vbroadcast v15, $0xF  }
.LBB2_16:
0x187: {  	p5 =	sne.s32 s24, $0xF;
	v13 =	vld [tilespmem:s25+$0x10];
	v8 =	vmul.f32 v8, v4;
	[tilespmem:s21+$0x20] =	vst v12  }
0x188: {  	v12 =	vmov s24;
	v9 =	vmul.f32 v9, v10;
	v14 =	vld [tilespmem:s25+$0x20];
	[tilespmem:s21+$0x30] =	vst v11;
	v4 =	vmov v10  }
0x189: {  	vm0 =	veq.s32 v12, v2;
	v6 =	vmul.f32 v6, v4;
	v11 =	vld [tilespmem:s25+$0x30];
	[tilespmem:s21+$0xFFFFFFF0] =	vst v8;
	s21 =	smov.u32 s25  }
.Ltmp9:
0x18a: {  	v10 =	vnsel vm0, $0x0, v3;
	s25 =	sadd.s32 $0x80, s25;
	[tilespmem:s21+$0xFFFFFFC0] =	vst v9;
	v5 =	vmul.f32 v5, v4;
	v8 =	vld [tilespmem:s21+$0xFFFFFFF0];
	(pc) =	sbr.rel @p5 .LBB2_16-.Ltmp9, $4  }
0x18b: {  	(xrf2) =	vadd.scan.msk.f32 $0xffff, v10;
	v9 =	vld [tilespmem:s25+$0xFFFFFFC0];
	[tilespmem:s21+$0xFFFFFFD0] =	vst v6;
	v7 =	vmul.f32 v7, v4  }
0x18c: {  	v6 =	vld [tilespmem:s25+$0xFFFFFFD0];
	[tilespmem:s21+$0xFFFFFFE0] =	vst v5;
	v13 =	vmul.f32 v13, v4  }
0x18d: {  	v5 =	vld [tilespmem:s25+$0xFFFFFFE0];
	v10, _, _ =	vpop (xrf2);
	[tilespmem:s21+$0x0] =	vst v7;
	v12 =	vmul.f32 v14, v4  }
0x18e: {  	s24 =	sadd.s32 $0x1, s24;
	v10 =	vbroadcast v10, $0xF;
	v7 =	vld [tilespmem:s25+$0x0];
	[tilespmem:s21+$0x10] =	vst v13;
	v11 =	vmul.f32 v11, v4  }
0x18f: {  	v3 =	vld [tilespmem:s25+$0x10];
	_ =	sdelay $0x1  }
0x190: {  	v4 =	vmul.f32 v8, v4;
	[tilespmem:s21+$0x20] =	vst v12  }
0x191: {  	v55 =	vmul.f32 v9, v10;
	v56 =	vld [tilespmem:s25+$0x20];
	[tilespmem:s21+$0x30] =	vst v11  }
0x192: {  	[tilespmem:s21+$0xFFFFFFF0] =	vst v4;
	v57 =	vmul.f32 v6, v10;
	v11 =	vld [tilespmem:s25+$0x30]  }
0x193: {  	s24 =	sadd.s32 $0x80, s25;
	[tilespmem:s25+$0xFFFFFFC0] =	vst v55;
	v58 =	vld [tilespmem:s25+$0xFFFFFFF0];
	v5 =	vmul.f32 v5, v10;
	v3 =	vmul.f32 v3, v10  }
0x194: {  	v8 =	vld [tilespmem:s24+$0xFFFFFFC0];
	[tilespmem:s25+$0xFFFFFFD0] =	vst v57;
	v7 =	vmul.f32 v7, v10  }
0x195: {  	v4 =	vld [tilespmem:s24+$0xFFFFFFD0];
	[tilespmem:s25+$0xFFFFFFE0] =	vst v5  }
0x196: {  	v5 =	vld [tilespmem:s24+$0xFFFFFFE0];
	[tilespmem:s25+$0x0] =	vst v7  }
0x197: {  	v9 =	vmul.f32 v56, v10;
	v7 =	vld [tilespmem:s24+$0x0];
	[tilespmem:s25+$0x10] =	vst v3;
	v3, _, _ =	vpop (xrf2)  }
0x198: {  	v11 =	vmul.f32 v11, v10;
	v3 =	vbroadcast v3, $0xF  }
0x199: {  	v12 =	vld [tilespmem:s24+$0x10];
	[tilespmem:s25+$0x20] =	vst v9;
	v6 =	vmul.f32 v58, v10  }
0x19a: {  	v9 =	vld [tilespmem:s24+$0x20];
	[tilespmem:s25+$0x30] =	vst v11;
	v8 =	vmul.f32 v8, v3  }
0x19b: {  	v59 =	vld [tilespmem:s24+$0x30];
	[tilespmem:s25+$0xFFFFFFF0] =	vst v6;
	v4 =	vmul.f32 v4, v3  }
0x19c: {  	v6 =	vld [tilespmem:s24+$0xFFFFFFF0];
	v5 =	vmul.f32 v5, v3;
	[tilespmem:s24+$0xFFFFFFC0] =	vst v8  }
0x19d: {  	s28 =	sadd.s32 $0x1, s28;
	v60 =	vmul.f32 v7, v3;
	[tilespmem:s24+$0xFFFFFFD0] =	vst v4  }
0x19e: {  	p5 =	sne.s32 s28, $0x4;
	v61 =	vmul.f32 v12, v3;
	[tilespmem:s24+$0xFFFFFFE0] =	vst v5  }
.Ltmp10:
0x19f: {  	[tilespmem:s24+$0x0] =	vst v60;
	v62 =	vmul.f32 v9, v3;
	(pc) =	sbr.rel @p5 .LBB2_15-.Ltmp10, $4  }
0x1a0: {  	[tilespmem:s24+$0x10] =	vst v61;
	v63 =	vmul.f32 v59, v3  }
0x1a1: {  	v3 =	vmul.f32 v6, v3;
	[tilespmem:s24+$0x20] =	vst v62  }
0x1a2: {  	[tilespmem:s24+$0x30] =	vst v63  }
0x1a3: {  	s13 =	sadd.s32 $0x800, s13;
	[tilespmem:s24+$0xFFFFFFF0] =	vst v3  }
0x1a4: {  	[spmem:s3] =	stream.indirect.scatter.add.f32 [tilespmem:s20], [sflag:$0x3], $0x80, s16, s18, $0xb8;
	[tilespmem:$0x1D880] =	vst v63  }
0x1a5: {  	s13 =	simm.s32 @!p0 $0x0;
	s21 =	simm.s32 @!p0 $0x1D780;
	s24 =	rddreg [dreg:$0xc]  }
0x1a6: {  	[tilespmem:s21], [sflag:$0x5] =	stream.linear.gather @!p0 [hbm4b:s24+s13], $0x40, $0x38;
	[tilespmem:$0x1D880] =	vst v63  }
0x1a7: {  	s21 =	simm.s32 @!p0 $0x5  }
0x1a8: {  	_ =	swait.ge @!p0 [sflag:s21], $0x40  }
0x1a9: {  	[sflag:s21] =	ssyncset.done @!p0 $0x0  }
0x1aa: {  	[sflag:s21] =	ssyncadd.s32 @!p0 $0xFFFFFFC0  }
0x1ab: {  	v3 =	vld @!p0 [tilespmem:$0x1B400];
	_ =	sdelay $0x5  }
0x1ac: {  	v4 =	vld @!p0 [tilespmem:$0x1D780]  }
0x1ad: {  	s24 =	simm.s32 @!p0 $0x16C80;
	v5 =	vld @!p0 [tilespmem:$0x1B410]  }
0x1ae: {  	v3 =	vld.idx.msk @!p0 [tilespmem:v3+s24+$0x0], $0xffff;
	_ =	sdelay $0x4  }
0x1af: {  	v3 =	vmul.f32 @!p0 v4, v3;
	_ =	sdelay $0x1  }
0x1b0: {  	v4 =	vld @!p0 [tilespmem:$0x1D790];
	[tilespmem:$0x1D800] =	vst @!p0 v3  }
0x1b1: {  	v3 =	vld.idx.msk @!p0 [tilespmem:v5+s24+$0x0], $0xffff  }
0x1b2: {  	v5 =	vld @!p0 [tilespmem:$0x1B420];
	_ =	sdelay $0x4  }
0x1b3: {  	v3 =	vmul.f32 @!p0 v4, v3;
	_ =	sdelay $0x1  }
0x1b4: {  	v4 =	vld @!p0 [tilespmem:$0x1D7A0];
	[tilespmem:$0x1D810] =	vst @!p0 v3  }
0x1b5: {  	v3 =	vld.idx.msk @!p0 [tilespmem:v5+s24+$0x0], $0xffff  }
0x1b6: {  	v5 =	vld @!p0 [tilespmem:$0x1B430];
	_ =	sdelay $0x4  }
0x1b7: {  	v3 =	vmul.f32 @!p0 v4, v3;
	_ =	sdelay $0x1  }
0x1b8: {  	v4 =	vld @!p0 [tilespmem:$0x1D7B0];
	[tilespmem:$0x1D820] =	vst @!p0 v3  }
0x1b9: {  	v3 =	vld.idx.msk @!p0 [tilespmem:v5+s24+$0x0], $0xffff;
	_ =	sdelay $0x4  }
0x1ba: {  	v3 =	vmul.f32 @!p0 v4, v3;
	_ =	sdelay $0x1  }
0x1bb: {  	s25 =	rddreg [dreg:$0xd];
	s24 =	simm.s32 @!p0 $0x1D800;
	[tilespmem:$0x1D830] =	vst @!p0 v3  }
0x1bc: {  	[hbm4b:s25+s13] =	stream.linear.scatter @!p0 [tilespmem:s24], [sflag:$0x5], $0x40, $0x38;
	[tilespmem:$0x1D880] =	vst v63  }
0x1bd: {  	_ =	swait.ge @!p0 [sflag:s21], $0x40  }
0x1be: {  	[sflag:s21] =	ssyncset.done @!p0 $0x0  }
0x1bf: {  	s31 =	simm.s32 $0x3;
	[sflag:s21] =	ssyncadd.s32 @!p0 $0xFFFFFFC0  }
0x1c0: {  	_ =	swait.ge [sflag:s31], $0x2000  }
0x1c1: {  	[sflag:s31] =	ssyncset.done $0x0  }
0x1c2: {  	[sflag:s31] =	ssyncadd.s32 $0xFFFFE000  }
.LBB2_19:
.Ltmp11:
0x1c3: {  	(pc) =	sbr.rel @!p1 .LBB2_20-.Ltmp11, $4  }
0x1c4: {  	_ = 	snop  }
0x1c5: {  	s13 =	stileid.u32;
	[bflag:$0x0] =	sbarrier.arrive $0xFFFF  }
0x1c6: {  	s24 =	sshll.u32 s13, $0x6;
	s25 =	rddreg [dreg:$0xe]  }
0x1c7: {  	s21 =	sshrl.u32 s25, $0x3;
	s13 =	sor.u32 $0x1C05, s24  }
0x1c8: {  	s13 =	sor.u32 $0x1C05, s24;
	s31 =	rddreg [dreg:$0x10]  }
0x1c9: {  	[hbm:s31], [sflag:s13] =	dma.local [spmem:s21], $0x2700  }
.Ltmp12:
0x1ca: {  	_ = 	snop;
	(pc) =	sbr.rel @p2 .LBB2_23-.Ltmp12, $4  }
.Ltmp13:
0x1cb: {  	_ = 	snop;
	(pc) =	sbr.rel @!p2 .LBB2_22-.Ltmp13, $4  }
0x1cc: {  	_ =	swait.ge [sflag:s1], $0x2700  }
0x1cd: {  	[sflag:s1] =	ssyncset.done $0x0  }
0x1ce: {  	s21 =	rddreg [dreg:$0x6];
	[sflag:s1] =	ssyncadd.s32 $0xFFFFD900  }
0x1cf: {  	_ = 	snop  }
.LBB2_20:
0x1d0: {  	s24 =	rddreg [dreg:$0xf]  }
0x1d1: {  	[hbm:s24], [sflag:s13] =	dma.local [spmem:s21], $0x2700  }
.Ltmp14:
0x1d2: {  	_ = 	snop;
	(pc) =	sbr.rel @p4 .LBB2_22-.Ltmp14, $4  }
.Ltmp15:
0x1d3: {  	_ =	swait.ge [sflag:s1], $0x2700;
	(pc) =	sbr.rel @!p4 .LBB2_23-.Ltmp15, $4  }
0x1d4: {  	[sflag:s1] =	ssyncset.done $0x0  }
0x1d5: {  	[sflag:s1] =	ssyncadd.s32 $0xFFFFD900  }
0x1d6: {  	s21 =	rddreg [dreg:$0x1]  }
0x1d7: {  	_ = 	snop  }
.LBB2_24:
0x1d8: {  	_ =	sfence.sel $0x180000  }
0x1d9: {  	[bflag:$0x0] =	sbarrier.arrive $0xFFFF  }
0x1da: {  	_ =	strace $0x9000004A  }
0x1db: {  	s0 =	stileid.u32;
	[bflag:$0x2] =	sbarrier.arrive $0xFFFF  }
0x1dc: {  	p0 =	sne.s32 s0, $0x0;
	s0 =	rddreg [dreg:$0x4]  }
0x1dd: {  	s0 =	sadd.s32 @!p0 $0x100000, s0  }
0x1de: {  	[sflag:s0] =	ssyncadd.tile.s32 @!p0 $0x1;
	_ =	shalt  }
.Lfunc_end2:
_tile_overlayer_lowered:
.L_overlay_start_2:
0x1df: {  	(tag) =	ssettag $0x2  }
0x1e0: {  	s0 =	rddreg [dreg:$0x0];
	s2 =	stileid.u32  }
0x1e1: {  	s1 =	rddreg [dreg:$0x1];
	p0 =	sne.s32 s2, $0x0  }
0x1e2: {  	s3 =	rddreg [dreg:$0x2];
	[bflag:$0x3] =	sbarrier.arrive $0xFFFF;
	s2 =	simm.s32 @!p0 $0x1C05  }
0x1e3: {  	[timem:s3], [sflag:s2] =	dma.local @!p0 [hbm:s0], s1  }
0x1e4: {  	s0 =	simm.s32 @!p0 $0x5  }
0x1e5: {  	_ =	swait.ge @!p0 [sflag:s0], s1  }
0x1e6: {  	s1 =	ssub.s32 @!p0 $0x0, s1;
	[sflag:s0] =	ssyncset.done @!p0 $0x0  }
0x1e7: {  	[sflag:s0] =	ssyncadd.s32 @!p0 s1  }
0x1e8: {  	[bflag:$0x3] =	sbarrier.arrive $0xFFFF  }
0x1e9: {  	_ =	shalt  }

// kernel: kernel.7.cloned.1.call-start
scs
__scs_entry_jumppad:
0x0: {  	(pc) =	sbr.rel $0x88, $3  }
0x1: {  	(tag) =	ssettag $0x0;
	lr =	simm.s32 $0x1  }
0x2: {  	[smem:$0x3F9C] =	sst lr;
	_ =	strace $0xD0000000  }
0x3: {  	_ = 	snop  }
0x4: {  	_ = 	snop  }
0x5: {  	_ = 	snop  }
0x6: {  	_ = 	snop  }
0x7: {  	_ = 	snop  }
__scs_overlays_trampoline_lowered:
0x8: {  	[smem:$0x3FAB] =	sst s0  }
0x9: {  	[smem:$0x3FAC] =	sst s1  }
0xa: {  	[smem:$0x3FAD] =	sst s2  }
0xb: {  	[smem:$0x3FAE] =	sst s3  }
0xc: {  	[smem:$0x3FAF] =	sst s4  }
0xd: {  	[smem:$0x3FB0] =	sst s5  }
0xe: {  	[smem:$0x3FB1] =	sst s6  }
0xf: {  	[smem:$0x3FB2] =	sst s7  }
0x10: {  	[smem:$0x3FB3] =	sst s8  }
0x11: {  	[smem:$0x3FB4] =	sst s9;
	s0 =	simm.s32 @!p0 $0x0  }
0x12: {  	s1 =	sld [smem:$0x3F9A];
	s0 =	simm.s32 @p0 $0x1  }
0x13: {  	[smem:$0x3FB5] =	sst s0;
	s0 =	simm.s32 @!p1 $0x0  }
0x14: {  	s2 =	sld [smem:$0x3F99];
	s0 =	simm.s32 @p1 $0x1  }
0x15: {  	[smem:$0x3FB6] =	sst s0;
	s0 =	simm.s32 @!p2 $0x0  }
0x16: {  	s3 =	sld [smem:$0x3FDB];
	s0 =	simm.s32 @p2 $0x1  }
0x17: {  	s4 =	simm.s32 $0x1BF5;
	[smem:$0x3FB8] =	sst s0  }
0x18: {  	s0 =	sld [smem:$0x3F9B];
	_ =	swait.ge [sflag:s4], $0x0  }
0x19: {  	s7 =	sld [smem:$0x3F9C]  }
0x1a: {  	s8 =	sadd.s32 $0xFFFFE003, lr  }
0x1b: {  	s9 =	sadd.s32 $0xFFFFFEF7, lr;
	s5 =	simm.s32 $0xFFFFFFFF;
	p2 =	slt.u32 s8, $0xFFFFF086  }
0x1c: {  	p1 =	slt.u32 s9, $0xF7A;
	s5 =	simm.s32 @!p2 $0x0  }
0x1d: {  	s5 =	simm.s32 @p1 $0x1;
	p0 =	seq.s32 s7, s2  }
0x1e: {  	s7 =	smul.u32 @!p0 $0xF7A, s2;
	p2 =	seq.s32 @!p0 s5, $0x0  }
0x1f: {  	s9 =	smul.u32 $0xF7A, s1;
	s8 =	simm.s32 @!p0 $0x1BF5;
	p2 =	por !p2, p0  }
0x20: {  	[sflag:s8] =	ssyncset.s32 @!p0 $0xFFFFF086;
	s6 =	sadd.s32 @!p0 s3, s7;
	s7 =	simm.s32 @!p0 $0x108  }
0x21: {  	s3 =	sadd.s32 s3, s9;
	s6 =	sadd.s32 @!p0 $0x88, s6;
	s7 =	simm.s32 @p2 $0x1082  }
0x22: {  	[simem:s7], [sflag:s8] =	dma.local @!p0 [hbm:s6], $0xF7A  }
0x23: {  	s9 =	sor.u32 $0xD0000000, s2;
	s6 =	simm.s32 $0x108;
	_ =	swait.ge @!p0 [sflag:s8], $0x0  }
0x24: {  	s3 =	sadd.s32 $0x88, s3;
	s6 =	simm.s32 @!p1 $0x1082;
	[sflag:s4] =	ssyncset.s32 $0xFFFFF086  }
0x25: {  	[simem:s6], [sflag:s4] =	dma.local [hbm:s3], $0xF7A  }
0x26: {  	[smem:$0x3F9C] =	sst s1;
	(tag) =	ssettag s2;
	_ =	strace s9  }
0x27: {  	s1 =	sld [smem:$0x3FAC]  }
0x28: {  	s2 =	sld [smem:$0x3FAD]  }
0x29: {  	s4 =	sld [smem:$0x3FAF]  }
0x2a: {  	p0 =	seq.s32 s5, $0x0;
	s5 =	sld [smem:$0x3FB0]  }
0x2b: {  	s6 =	sld [smem:$0x3FB1]  }
0x2c: {  	s7 =	sld [smem:$0x3FB2]  }
0x2d: {  	s3 =	simm.s32 $0x108;
	s8 =	sld [smem:$0x3FB3]  }
0x2e: {  	s3 =	simm.s32 @!p0 $0x1082;
	s9 =	sld [smem:$0x3FB4]  }
0x2f: {  	lr =	sadd.s32 s0, s3;
	s0 =	sld [smem:$0x3FAB]  }
0x30: {  	s3 =	sld [smem:$0x3FAE]  }
0x31: {  	[smem:$0x3FB7] =	sst s10  }
0x32: {  	s10 =	sld [smem:$0x3FB5];
	_ =	sdelay $0x3  }
0x33: {  	p0 =	seq.s32 s10, $0x1;
	s10 =	sld [smem:$0x3FB7];
	_ =	sdelay $0x3  }
0x34: {  	[smem:$0x3FB7] =	sst s10  }
0x35: {  	s10 =	sld [smem:$0x3FB6];
	_ =	sdelay $0x3  }
0x36: {  	p1 =	seq.s32 s10, $0x1;
	s10 =	sld [smem:$0x3FB7];
	_ =	sdelay $0x3  }
0x37: {  	[smem:$0x3FB7] =	sst s10  }
0x38: {  	s10 =	sld [smem:$0x3FB8]  }
0x39: {  	_ = 	snop;
	(pc) =	sbr.ind lr, $3  }
0x3a: {  	_ = 	snop  }
0x3b: {  	_ = 	snop  }
0x3c: {  	p2 =	seq.s32 s10, $0x1;
	s10 =	sld [smem:$0x3FB7]  }
0x3d: {  	_ =	shalt  }
0x3e: {  	_ =	shalt  }
0x3f: {  	_ =	shalt  }
0x40: {  	_ =	shalt  }
0x41: {  	_ =	shalt  }
0x42: {  	_ =	shalt  }
0x43: {  	_ =	shalt  }
0x44: {  	_ =	shalt  }
0x45: {  	_ =	shalt  }
0x46: {  	_ =	shalt  }
0x47: {  	_ =	shalt  }
0x48: {  	_ =	shalt  }
0x49: {  	_ =	shalt  }
0x4a: {  	_ =	shalt  }
0x4b: {  	_ =	shalt  }
0x4c: {  	_ =	shalt  }
0x4d: {  	_ =	shalt  }
0x4e: {  	_ =	shalt  }
0x4f: {  	_ =	shalt  }
0x50: {  	_ =	shalt  }
0x51: {  	_ =	shalt  }
0x52: {  	_ =	shalt  }
0x53: {  	_ =	shalt  }
0x54: {  	_ =	shalt  }
0x55: {  	_ =	shalt  }
0x56: {  	_ =	shalt  }
0x57: {  	_ =	shalt  }
0x58: {  	_ =	shalt  }
0x59: {  	_ =	shalt  }
0x5a: {  	_ =	shalt  }
0x5b: {  	_ =	shalt  }
0x5c: {  	_ =	shalt  }
0x5d: {  	_ =	shalt  }
0x5e: {  	_ =	shalt  }
0x5f: {  	_ =	shalt  }
0x60: {  	_ =	shalt  }
0x61: {  	_ =	shalt  }
0x62: {  	_ =	shalt  }
0x63: {  	_ =	shalt  }
0x64: {  	_ =	shalt  }
0x65: {  	_ =	shalt  }
0x66: {  	_ =	shalt  }
0x67: {  	_ =	shalt  }
0x68: {  	_ =	shalt  }
0x69: {  	_ =	shalt  }
0x6a: {  	_ =	shalt  }
0x6b: {  	_ =	shalt  }
0x6c: {  	_ =	shalt  }
0x6d: {  	_ =	shalt  }
0x6e: {  	_ =	shalt  }
0x6f: {  	_ =	shalt  }
0x70: {  	_ =	shalt  }
0x71: {  	_ =	shalt  }
0x72: {  	_ =	shalt  }
0x73: {  	_ =	shalt  }
0x74: {  	_ =	shalt  }
0x75: {  	_ =	shalt  }
0x76: {  	_ =	shalt  }
0x77: {  	_ =	shalt  }
0x78: {  	_ =	shalt  }
0x79: {  	_ =	shalt  }
0x7a: {  	_ =	shalt  }
0x7b: {  	_ =	shalt  }
0x7c: {  	_ =	shalt  }
0x7d: {  	_ =	shalt  }
0x7e: {  	_ =	shalt  }
0x7f: {  	_ =	shalt  }
0x80: {  	_ =	shalt  }
0x81: {  	_ =	shalt  }
0x82: {  	_ =	shalt  }
0x83: {  	_ =	shalt  }
0x84: {  	_ =	shalt  }
0x85: {  	_ =	shalt  }
0x86: {  	_ =	shalt  }
0x87: {  	_ =	shalt  }
.Lfunc_end0:
.L_simem_size_0:
called_computation_lowered:
.L_overlay_start_0:
0x88: {  	s2 =	sld [smem:$0x3FD9]  }
0x89: {  	s3 =	sld [smem:$0x3FFE];
	_ =	sdelay $0x1  }
0x8a: {  	s1 =	srdreg.scid  }
0x8b: {  	s0 =	sand.u32 $0x1, s1  }
0x8c: {  	s14 =	sshll.u32 s0, $0xA;
	s2 =	sadd.s32 s3, s2  }
0x8d: {  	s2 =	sadd.s32 s2, s14  }
0x8e: {  	[smem:$0x3FC3] =	sst s2  }
0x8f: {  	_ = 	snop  }
0x90: {  	s2 =	sld [smem:$0x3FD0];
	_ =	sdelay $0x2  }
0x91: {  	s15 =	simm.s32 $0xA;
	s4 =	simm.s32 $0x10  }
0x92: {  	[smem:s4], [sflag:s15] =	dma.local [hbm:s2], $0x1  }
0x93: {  	_ =	swait.eq [sflag:s15], $0x1  }
0x94: {  	[sflag:s15] =	ssyncset.done $0x0  }
0x95: {  	s16 =	sld [smem:$0x10];
	[sflag:s15] =	ssyncadd.s32 $0xFFFFFFFF  }
0x96: {  	s17 =	sld [smem:$0x11];
	(tm) =	ssettm $0x1  }
0x97: {  	s18 =	sld [smem:$0x3FFB];
	_ =	sdelay $0x3  }
0x98: {  	_ =	strace s18  }
0x99: {  	s4 =	sld [smem:$0x3FFC];
	_ =	sdelay $0x3  }
0x9a: {  	_ =	strace s4  }
0x9b: {  	s4 =	sld [smem:$0x3FFD];
	_ =	sdelay $0x3  }
0x9c: {  	_ =	strace s4  }
0x9d: {  	_ =	strace $0x8FFFFFFF  }
0x9e: {  	s19 =	sld [smem:$0x3FDB];
	_ =	sdelay $0x1  }
0x9f: {  	s5 =	simm.s32 $_scs_section_size  }
0xa0: {  	s6 =	simm.s32 $_size__tile_overlayer_lowered;
	s7 =	simm.s32 $_tile_overlayer_lowered  }
0xa1: {  	s22 =	simm.s32 $0x1BFF;
	s21 =	sshll.u32 s7, $0x1;
	s4 =	sadd.s32 s5, s19  }
0xa2: {  	s8 =	simm.s32 $0x0;
	s20 =	sshll.u32 s6, $0x1;
	s6 =	sadd.s32 s21, s4  }
0xa3: {  	[timem:s8], [sflag:s22] =	dma.local [hbm:s6], s20  }
0xa4: {  	_ =	swait.ge [sflag:s22], s20  }
0xa5: {  	s5 =	ssub.s32 $0x0, s20;
	[sflag:s22] =	ssyncset.done $0x0  }
0xa6: {  	[sflag:s22] =	ssyncadd.s32 s5;
	_ =	sdelay $0x1  }
0xa7: {  	s23 =	simm.s32 $0x1B8B  }
0xa8: {  	_ =	swait.ge [sflag:s23], $0x1  }
0xa9: {  	[sflag:s23] =	ssyncset.done $0x0  }
0xaa: {  	s25 =	simm.s32 $0x1B8E;
	s24 =	sld [smem:$0x3FFE];
	[sflag:s23] =	ssyncadd.s32 $0xFFFFFFFF  }
0xab: {  	s26 =	simm.s32 $execute0_lowered;
	[smem:$0x3FD2] =	sst s25  }
0xac: {  	s6 =	sshll.u32 s26, $0x1;
	_ =	strace $0x80000046;
	[dreg:$0x1] =	wrdreg $0xFFFFFFFF  }
0xad: {  	s28 =	simm.s32 $_size_execute0_lowered;
	s4 =	sadd.s32 s4, s6;
	[dreg:$0x0] =	wrdreg $0x0  }
0xae: {  	s6 =	sshll.u32 s28, $0x1;
	[dreg:$0x2] =	wrdreg s4  }
0xaf: {  	[dreg:$0x3] =	wrdreg s6  }
0xb0: {  	[dreg:$0x4] =	wrdreg $0xC0  }
0xb1: {  	_ =	task [dreg:s8], $0x5FFFF  }
0xb2: {  	[dreg:$0x1] =	wrdreg $0xFFFFFFFF  }
0xb3: {  	[dreg:$0x0] =	wrdreg $0x60  }
0xb4: {  	[dreg:$0x2] =	wrdreg s16  }
0xb5: {  	[dreg:$0x3] =	wrdreg s24  }
0xb6: {  	[dreg:$0x4] =	wrdreg s17  }
0xb7: {  	[dreg:$0x5] =	wrdreg $0x9  }
0xb8: {  	_ =	task.clear_ibuf [dreg:s8], $0x6FFFF;
	_ =	strace $0x90000046  }
0xb9: {  	s29 =	simm.s32 $0x9;
	_ =	strace $0x80000048  }
0xba: {  	_ =	swait.ge [sflag:s29], $0x1  }
0xbb: {  	[sflag:s29] =	ssyncadd.s32 $0xFFFFFFFF  }
0xbc: {  	_ =	strace $0x90000048  }
0xbd: {  	_ =	sfence  }
0xbe: {  	s30 =	sld [smem:$0x0];
	_ =	sdelay $0x2  }
0xbf: {  	s31 =	sshll.u32 s1, $0xD;
	s1 =	sshrl.u32 s1, $0x2  }
0xc0: {  	s3 =	sand.u32 $0x4000, s31;
	s1 =	sadd.s32 s1, s30  }
0xc1: {  	s0 =	sor.u32 s3, s0;
	s1 =	sshll.u32 s1, $0x11  }
0xc2: {  	s0 =	sor.u32 s1, s0  }
0xc3: {  	s0 =	sadd.s32 $0x8F2B, s0  }
0xc4: {  	[sflag:s0] =	ssyncadd.remote.s32 $0x1  }
0xc5: {  	_ =	sfence.sel $0xFFFF  }
0xc6: {  	[dreg:$0x0] =	wrdreg $0xFFFFFFFF;
	(pc) =	sbr.abs _section_cstart, $3  }
0xc7: {  	[dreg:$0x1] =	wrdreg $0xFFFFFFFF  }
0xc8: {  	_ =	task.clear_ibuf [dreg:s8], $0x2FFFF;
	_ =	strace $0x9FFFFFFF  }
0xc9: {  	(tm) =	ssettm $0x7FFFFFFF  }
tec
execute0_lowered:
.L_overlay_start_1:
0x0: {  	(tag) =	ssettag $0x1  }
0x1: {  	s2 =	rddreg [dreg:$0x0]  }
0x2: {  	s0 =	rddreg [dreg:$0x1]  }
0x3: {  	s1 =	srdreg.scid;
	s11 =	stileid.u32;
	s4 =	simm.s32 $0x0  }
0x4: {  	s19 =	simm.s32 $0x5;
	s12 =	simm.s32 $0x2;
	s13 =	simm.s32 $0x2780  }
0x5: {  	s14 =	simm.s32 $0x4F00;
	s1 =	sand.u32 $0x1, s1;
	s3 =	sshll.u32 s11, $0x1  }
0x6: {  	s5 =	sshrl.u32 s11, $0x2;
	[smem:$0x7FF] =	sst s4;
	s3 =	sor.u32 s1, s3  }
0x7: {  	s7 =	sadd.s32 $0x6CE00, s0;
	s8 =	smul.u32 $0x13C00, s5;
	s6 =	sshll.u32 s3, $0x7  }
0x8: {  	s5 =	sadd.s32 $0x6000, s0;
	s1 =	ssub.s32 $0x2, s1;
	s9 =	sand.u32 $0x380, s6  }
0x9: {  	s10 =	sshrl.u32 s1, $0x1;
	s6 =	sadd.s32 $0x1000, s0;
	s9 =	sor.u32 s8, s9  }
0xa: {  	s1 =	ssub.s32 s1, s10;
	s8 =	sadd.s32 $0x71E00, s0;
	s9 =	sshrl.u32 s9, $0x3  }
0xb: {  	s31 =	smax.u32 s1, $0x1;
	s0 =	sadd.s32 s9, s0;
	s9 =	sshll.u32 s3, $0x3  }
0xc: {  	_ =	strace $0x80000047;
	[dreg:$0xc] =	wrdreg s31;
	s3 =	sadd.s32 s5, s9  }
0xd: {  	s15 =	simm.s32 $0x17880;
	s25 =	sadd.s32 s6, s9;
	[dreg:$0x4] =	wrdreg s3  }
0xe: {  	s16 =	simm.s32 $0x4;
	s30 =	sadd.s32 $0x59200, s0;
	[dreg:$0x5] =	wrdreg s25  }
0xf: {  	s24 =	sor.u32 $0x4E00, s9;
	s0 =	sadd.s32 $0x63000, s0;
	[dreg:$0xa] =	wrdreg s30  }
.Ltmp0:
0x10: {  	s26 =	sadd.s32 s5, s24;
	[dreg:$0xb] =	wrdreg s0;
	(pc) =	sbr.rel .LBB2_1-.Ltmp0, $4  }
0x11: {  	s18 =	simm.s32 $0x0;
	s28 =	sadd.s32 s6, s24;
	[dreg:$0x6] =	wrdreg s26  }
0x12: {  	v0 =	vlaneseq.u32;
	v1 =	vimm.f32 $0.0e+00;
	p0 =	sgt.u32 s11, $0x1;
	s29 =	sadd.s32 s7, s24;
	[dreg:$0x7] =	wrdreg s28  }
0x13: {  	vm0 =	vmmov $0xffff;
	v5 =	vimm.f32 $1.000000000e+00;
	v3 =	vshrl.u32 v0, $0x3;
	s11 =	simm.s32 $0x3;
	s3 =	sadd.s32 s8, s24;
	[dreg:$0x8] =	wrdreg s29  }
0x14: {  	v2 =	vand.u32 $0x7, v0;
	v4 =	vor.u32 $0x8, v0;
	v3 =	vmul.u32 $0x8, v3;
	s10 =	simm.s32 $0x17900;
	[dreg:$0x9] =	wrdreg s3;
	s3 =	simm.s32 $0x1  }
.LBB2_21:
0x15: {  	s0 =	rddreg [dreg:$0xa];
	s1 =	simm.s32 $0x80;
	s17 =	simm.s32 $0x400  }
0x16: {  	[hbm4b:s0+s1] =	stream.strided.scatter [tilespmem:s13], [sflag:$0x5], $0x2780, s17, s1, $0x38;
	[tilespmem:$0x17980] =	vst v63  }
0x17: {  	_ =	swait.ge [sflag:s19], $0x2780  }
0x18: {  	[sflag:s19] =	ssyncset.done $0x0  }
0x19: {  	s30 =	rddreg [dreg:$0xb];
	[sflag:s19] =	ssyncadd.s32 $0xFFFFD880  }
0x1a: {  	[hbm4b:s30+s1] =	stream.strided.scatter [tilespmem:s14], [sflag:$0x5], $0x2780, s17, s1, $0x38;
	[tilespmem:$0x17980] =	vst v63  }
0x1b: {  	_ =	swait.ge [sflag:s19], $0x2780  }
0x1c: {  	s18 =	sadd.s32 $0x1, s18;
	s31 =	rddreg [dreg:$0xc]  }
0x1d: {  	p1 =	sne.s32 s18, s31  }
.Ltmp1:
0x1e: {  	_ = 	snop;
	(pc) =	sbr.rel @!p1 .LBB2_22-.Ltmp1, $3  }
0x1f: {  	_ =	sdelay $0x1  }
0x20: {  	[sflag:s19] =	ssyncset.done $0x0  }
0x21: {  	[sflag:s19] =	ssyncadd.s32 $0xFFFFD880  }
.LBB2_1:
0x22: {  	[dreg:$0xd] =	wrdreg s18  }
0x23: {  	s0 =	rddreg [dreg:$0x2]  }
0x24: {  	[tilespmem:s4], [sflag:$0x5] =	stream.linear.gather [hbm4b:s0+s4], $0x2780, $0x38;
	[tilespmem:$0x17980] =	vst v63  }
0x25: {  	_ =	swait.ge [sflag:s19], $0x2780  }
0x26: {  	[sflag:s19] =	ssyncset.done $0x0  }
0x27: {  	s17 =	simm.s32 $0x40;
	s18 =	simm.s32 $0x0;
	[sflag:s19] =	ssyncadd.s32 $0xFFFFD880  }
.LBB2_2:
0x28: {  	p1 =	sne.s32 s17, $0x9C00;
	[tilespmem:s18+$0x2780] =	vst v1;
	s20 =	smov.u32 s17;
	s17 =	sadd.s32 $0x40, s17  }
.Ltmp2:
0x29: {  	[tilespmem:s18+$0x4F00] =	vst v1;
	(pc) =	sbr.rel @p1 .LBB2_2-.Ltmp2, $2  }
0x2a: {  	_ =	sdelay $0x2  }
0x2b: {  	s18 =	sshra.s32 s20, $0x2  }
0x2c: {  	[tilespmem:s18+$0x2780] =	vst v1  }
0x2d: {  	[tilespmem:s18+$0x4F00] =	vst v1;
	s17 =	simm.s32 $0x0;
	s0 =	rddreg [dreg:$0x4];
	s1 =	simm.s32 $0x17680  }
0x2e: {  	[tilespmem:s1], [sflag:$0x5] =	stream.linear.gather [hbm4b:s0+s17], $0x40, $0x38;
	[tilespmem:$0x17980] =	vst v63  }
0x2f: {  	_ =	swait.ge [sflag:s19], $0x40  }
0x30: {  	[sflag:s19] =	ssyncset.done $0x0  }
0x31: {  	s28 =	simm.s32 $0x17700;
	s26 =	rddreg [dreg:$0x5];
	[sflag:s19] =	ssyncadd.s32 $0xFFFFFFC0  }
0x32: {  	[tilespmem:s28], [sflag:$0x5] =	stream.linear.gather [hbm4b:s26+s17], $0x40, $0x38;
	[tilespmem:$0x17980] =	vst v63  }
0x33: {  	_ =	swait.ge [sflag:s19], $0x40  }
0x34: {  	[sflag:s19] =	ssyncset.done $0x0  }
0x35: {  	[sflag:s19] =	ssyncadd.s32 $0xFFFFFFC0  }
0x36: {  	v6 =	vld [tilespmem:$0x17680];
	_ =	sdelay $0x4  }
0x37: {  	v7 =	vshll.u32 v6, $0x1  }
0x38: {  	v6 =	vand.u32 $0x7, v6;
	v7 =	vand.u32 $0xFFFFFFF0, v7  }
0x39: {  	v6 =	vor.u32 v6, v7  }
0x3a: {  	v7 =	vperm.xlane v6, v2;
	_ =	sdelay $0x1  }
0x3b: {  	v6 =	vperm.xlane v6, v4;
	v7 =	vadd.s32 v3, v7;
	_ =	sdelay $0x1  }
0x3c: {  	v6 =	vadd.s32 v3, v6;
	_ =	sdelay $0x1  }
0x3d: {  	s29 =	simm.s32 $0x7680  }
0x3e: {  	[tilespmem:s29], [sflag:$0x1] =	stream.indirect_vreg.gather [hbm4b:s2+s17], $0x80, v7, vm0, $0xb8;
	[tilespmem:$0x17980] =	vst v63  }
0x3f: {  	s30 =	simm.s32 $0x7E80  }
0x40: {  	[tilespmem:s30], [sflag:$0x1] =	stream.indirect_vreg.gather [hbm4b:s2+s17], $0x80, v6, vm0, $0xb8;
	[tilespmem:$0x17980] =	vst v63  }
0x41: {  	v6 =	vld [tilespmem:$0x17690];
	_ =	sdelay $0x4  }
0x42: {  	v7 =	vshll.u32 v6, $0x1  }
0x43: {  	v6 =	vand.u32 $0x7, v6;
	v7 =	vand.u32 $0xFFFFFFF0, v7  }
0x44: {  	v6 =	vor.u32 v6, v7  }
0x45: {  	v7 =	vperm.xlane v6, v2;
	_ =	sdelay $0x1  }
0x46: {  	v6 =	vperm.xlane v6, v4;
	v7 =	vadd.s32 v3, v7;
	_ =	sdelay $0x1  }
0x47: {  	v6 =	vadd.s32 v3, v6;
	_ =	sdelay $0x1  }
0x48: {  	s31 =	simm.s32 $0x8680  }
0x49: {  	[tilespmem:s31], [sflag:$0x1] =	stream.indirect_vreg.gather [hbm4b:s2+s17], $0x80, v7, vm0, $0xb8;
	[tilespmem:$0x17980] =	vst v63  }
0x4a: {  	s1 =	simm.s32 $0x8E80  }
0x4b: {  	[tilespmem:s1], [sflag:$0x1] =	stream.indirect_vreg.gather [hbm4b:s2+s17], $0x80, v6, vm0, $0xb8;
	[tilespmem:$0x17980] =	vst v63  }
0x4c: {  	v6 =	vld [tilespmem:$0x176A0];
	_ =	sdelay $0x4  }
0x4d: {  	v7 =	vshll.u32 v6, $0x1  }
0x4e: {  	v6 =	vand.u32 $0x7, v6;
	v7 =	vand.u32 $0xFFFFFFF0, v7  }
0x4f: {  	v6 =	vor.u32 v6, v7  }
0x50: {  	v7 =	vperm.xlane v6, v2;
	_ =	sdelay $0x1  }
0x51: {  	v6 =	vperm.xlane v6, v4;
	v7 =	vadd.s32 v3, v7;
	_ =	sdelay $0x1  }
0x52: {  	v6 =	vadd.s32 v3, v6;
	_ =	sdelay $0x1  }
0x53: {  	s18 =	simm.s32 $0x9680  }
0x54: {  	[tilespmem:s18], [sflag:$0x1] =	stream.indirect_vreg.gather [hbm4b:s2+s17], $0x80, v7, vm0, $0xb8;
	[tilespmem:$0x17980] =	vst v63  }
0x55: {  	s20 =	simm.s32 $0x9E80  }
0x56: {  	[tilespmem:s20], [sflag:$0x1] =	stream.indirect_vreg.gather [hbm4b:s2+s17], $0x80, v6, vm0, $0xb8;
	[tilespmem:$0x17980] =	vst v63  }
0x57: {  	v6 =	vld [tilespmem:$0x176B0];
	_ =	sdelay $0x4  }
0x58: {  	v7 =	vshll.u32 v6, $0x1  }
0x59: {  	v6 =	vand.u32 $0x7, v6;
	v7 =	vand.u32 $0xFFFFFFF0, v7  }
0x5a: {  	v6 =	vor.u32 v6, v7  }
0x5b: {  	v7 =	vperm.xlane v6, v2;
	_ =	sdelay $0x1  }
0x5c: {  	v6 =	vperm.xlane v6, v4;
	v7 =	vadd.s32 v3, v7;
	_ =	sdelay $0x1  }
0x5d: {  	v6 =	vadd.s32 v3, v6;
	_ =	sdelay $0x1  }
0x5e: {  	s21 =	simm.s32 $0xA680  }
0x5f: {  	[tilespmem:s21], [sflag:$0x1] =	stream.indirect_vreg.gather [hbm4b:s2+s17], $0x80, v7, vm0, $0xb8;
	[tilespmem:$0x17980] =	vst v63  }
0x60: {  	s22 =	simm.s32 $0xAE80  }
0x61: {  	[tilespmem:s22], [sflag:$0x1] =	stream.indirect_vreg.gather [hbm4b:s2+s17], $0x80, v6, vm0, $0xb8;
	[tilespmem:$0x17980] =	vst v63  }
0x62: {  	v6 =	vld [tilespmem:$0x17700];
	_ =	sdelay $0x4  }
0x63: {  	v7 =	vshll.u32 v6, $0x1  }
0x64: {  	v6 =	vand.u32 $0x7, v6;
	v7 =	vand.u32 $0xFFFFFFF0, v7  }
0x65: {  	v6 =	vor.u32 v6, v7  }
0x66: {  	v7 =	vperm.xlane v6, v2;
	_ =	sdelay $0x1  }
0x67: {  	v6 =	vperm.xlane v6, v4;
	v7 =	vadd.s32 v3, v7;
	_ =	sdelay $0x1  }
0x68: {  	v6 =	vadd.s32 v3, v6;
	_ =	sdelay $0x1  }
0x69: {  	s23 =	simm.s32 $0xB680  }
0x6a: {  	[tilespmem:s23], [sflag:$0x2] =	stream.indirect_vreg.gather [hbm4b:s2+s17], $0x80, v7, vm0, $0xb8;
	[tilespmem:$0x17980] =	vst v63  }
0x6b: {  	s24 =	simm.s32 $0xBE80  }
0x6c: {  	[tilespmem:s24], [sflag:$0x2] =	stream.indirect_vreg.gather [hbm4b:s2+s17], $0x80, v6, vm0, $0xb8;
	[tilespmem:$0x17980] =	vst v63  }
0x6d: {  	v6 =	vld [tilespmem:$0x17710];
	_ =	sdelay $0x4  }
0x6e: {  	v7 =	vshll.u32 v6, $0x1  }
0x6f: {  	v6 =	vand.u32 $0x7, v6;
	v7 =	vand.u32 $0xFFFFFFF0, v7  }
0x70: {  	v6 =	vor.u32 v6, v7  }
0x71: {  	v7 =	vperm.xlane v6, v2;
	_ =	sdelay $0x1  }
0x72: {  	v6 =	vperm.xlane v6, v4;
	v7 =	vadd.s32 v3, v7;
	_ =	sdelay $0x1  }
0x73: {  	v6 =	vadd.s32 v3, v6;
	_ =	sdelay $0x1  }
0x74: {  	s25 =	simm.s32 $0xC680  }
0x75: {  	[tilespmem:s25], [sflag:$0x2] =	stream.indirect_vreg.gather [hbm4b:s2+s17], $0x80, v7, vm0, $0xb8;
	[tilespmem:$0x17980] =	vst v63  }
0x76: {  	s26 =	simm.s32 $0xCE80  }
0x77: {  	[tilespmem:s26], [sflag:$0x2] =	stream.indirect_vreg.gather [hbm4b:s2+s17], $0x80, v6, vm0, $0xb8;
	[tilespmem:$0x17980] =	vst v63  }
0x78: {  	v6 =	vld [tilespmem:$0x17720];
	_ =	sdelay $0x4  }
0x79: {  	v7 =	vshll.u32 v6, $0x1  }
0x7a: {  	v6 =	vand.u32 $0x7, v6;
	v7 =	vand.u32 $0xFFFFFFF0, v7  }
0x7b: {  	v6 =	vor.u32 v6, v7  }
0x7c: {  	v7 =	vperm.xlane v6, v2;
	_ =	sdelay $0x1  }
0x7d: {  	v6 =	vperm.xlane v6, v4;
	v7 =	vadd.s32 v3, v7;
	_ =	sdelay $0x1  }
0x7e: {  	v6 =	vadd.s32 v3, v6;
	_ =	sdelay $0x1  }
0x7f: {  	s28 =	simm.s32 $0xD680  }
0x80: {  	[tilespmem:s28], [sflag:$0x2] =	stream.indirect_vreg.gather [hbm4b:s2+s17], $0x80, v7, vm0, $0xb8;
	[tilespmem:$0x17980] =	vst v63  }
0x81: {  	s29 =	simm.s32 $0xDE80  }
0x82: {  	[tilespmem:s29], [sflag:$0x2] =	stream.indirect_vreg.gather [hbm4b:s2+s17], $0x80, v6, vm0, $0xb8;
	[tilespmem:$0x17980] =	vst v63  }
0x83: {  	v6 =	vld [tilespmem:$0x17730];
	_ =	sdelay $0x4  }
0x84: {  	v7 =	vshll.u32 v6, $0x1  }
0x85: {  	v6 =	vand.u32 $0x7, v6;
	v7 =	vand.u32 $0xFFFFFFF0, v7  }
0x86: {  	v6 =	vor.u32 v6, v7  }
0x87: {  	v7 =	vperm.xlane v6, v2;
	_ =	sdelay $0x1  }
0x88: {  	v6 =	vperm.xlane v6, v4;
	v7 =	vadd.s32 v3, v7;
	_ =	sdelay $0x1  }
0x89: {  	v6 =	vadd.s32 v3, v6;
	_ =	sdelay $0x1  }
0x8a: {  	s30 =	simm.s32 $0xE680  }
0x8b: {  	[tilespmem:s30], [sflag:$0x2] =	stream.indirect_vreg.gather [hbm4b:s2+s17], $0x80, v7, vm0, $0xb8;
	[tilespmem:$0x17980] =	vst v63  }
0x8c: {  	s31 =	simm.s32 $0xEE80;
	s18 =	simm.s32 $0x0  }
0x8d: {  	[tilespmem:s31], [sflag:$0x2] =	stream.indirect_vreg.gather [hbm4b:s2+s17], $0x80, v6, vm0, $0xb8;
	[tilespmem:$0x17980] =	vst v63  }
.LBB2_4:
0x8e: {  	s20 =	sshll.u32 s18, $0x9  }
0x8f: {  	s21 =	sor.u32 s9, s20  }
0x90: {  	s20 =	sor.u32 $0x100, s21  }
0x91: {  	s0 =	simm.s32 $0x17780;
	s22 =	sadd.s32 s5, s20  }
0x92: {  	[tilespmem:s0], [sflag:$0x5] =	stream.linear.gather [hbm4b:s22+s17], $0x40, $0x38;
	[tilespmem:$0x17980] =	vst v63  }
0x93: {  	_ =	swait.ge [sflag:s19], $0x40  }
0x94: {  	[sflag:s19] =	ssyncset.done $0x0  }
0x95: {  	s24 =	simm.s32 $0x17800;
	s23 =	sadd.s32 s6, s20;
	[sflag:s19] =	ssyncadd.s32 $0xFFFFFFC0  }
0x96: {  	[tilespmem:s24], [sflag:$0x5] =	stream.linear.gather [hbm4b:s23+s17], $0x40, $0x38;
	[tilespmem:$0x17980] =	vst v63  }
0x97: {  	_ =	swait.ge [sflag:s19], $0x40  }
0x98: {  	[sflag:s19] =	ssyncset.done $0x0  }
0x99: {  	[sflag:s19] =	ssyncadd.s32 $0xFFFFFFC0  }
0x9a: {  	v6 =	vld [tilespmem:$0x17780];
	_ =	sdelay $0x4  }
0x9b: {  	v7 =	vshll.u32 v6, $0x1  }
0x9c: {  	v6 =	vand.u32 $0x7, v6;
	v7 =	vand.u32 $0xFFFFFFF0, v7  }
0x9d: {  	v6 =	vor.u32 v6, v7  }
0x9e: {  	v7 =	vperm.xlane v6, v2;
	_ =	sdelay $0x1  }
0x9f: {  	v6 =	vperm.xlane v6, v4;
	v7 =	vadd.s32 v3, v7;
	_ =	sdelay $0x1  }
0xa0: {  	v6 =	vadd.s32 v3, v6;
	_ =	sdelay $0x1  }
0xa1: {  	s25 =	simm.s32 $0xF680  }
0xa2: {  	[tilespmem:s25], [sflag:$0x3] =	stream.indirect_vreg.gather [hbm4b:s2+s17], $0x80, v7, vm0, $0xb8;
	[tilespmem:$0x17980] =	vst v63  }
0xa3: {  	s26 =	simm.s32 $0xFE80  }
0xa4: {  	[tilespmem:s26], [sflag:$0x3] =	stream.indirect_vreg.gather [hbm4b:s2+s17], $0x80, v6, vm0, $0xb8;
	[tilespmem:$0x17980] =	vst v63  }
0xa5: {  	v6 =	vld [tilespmem:$0x17790];
	_ =	sdelay $0x4  }
0xa6: {  	v7 =	vshll.u32 v6, $0x1  }
0xa7: {  	v6 =	vand.u32 $0x7, v6;
	v7 =	vand.u32 $0xFFFFFFF0, v7  }
0xa8: {  	v6 =	vor.u32 v6, v7  }
0xa9: {  	v7 =	vperm.xlane v6, v2;
	_ =	sdelay $0x1  }
0xaa: {  	v6 =	vperm.xlane v6, v4;
	v7 =	vadd.s32 v3, v7;
	_ =	sdelay $0x1  }
0xab: {  	v6 =	vadd.s32 v3, v6;
	_ =	sdelay $0x1  }
0xac: {  	s28 =	simm.s32 $0x10680  }
0xad: {  	[tilespmem:s28], [sflag:$0x3] =	stream.indirect_vreg.gather [hbm4b:s2+s17], $0x80, v7, vm0, $0xb8;
	[tilespmem:$0x17980] =	vst v63  }
0xae: {  	s29 =	simm.s32 $0x10E80  }
0xaf: {  	[tilespmem:s29], [sflag:$0x3] =	stream.indirect_vreg.gather [hbm4b:s2+s17], $0x80, v6, vm0, $0xb8;
	[tilespmem:$0x17980] =	vst v63  }
0xb0: {  	v6 =	vld [tilespmem:$0x177A0];
	_ =	sdelay $0x4  }
0xb1: {  	v7 =	vshll.u32 v6, $0x1  }
0xb2: {  	v6 =	vand.u32 $0x7, v6;
	v7 =	vand.u32 $0xFFFFFFF0, v7  }
0xb3: {  	v6 =	vor.u32 v6, v7  }
0xb4: {  	v7 =	vperm.xlane v6, v2;
	_ =	sdelay $0x1  }
0xb5: {  	v6 =	vperm.xlane v6, v4;
	v7 =	vadd.s32 v3, v7;
	_ =	sdelay $0x1  }
0xb6: {  	v6 =	vadd.s32 v3, v6;
	_ =	sdelay $0x1  }
0xb7: {  	s30 =	simm.s32 $0x11680  }
0xb8: {  	[tilespmem:s30], [sflag:$0x3] =	stream.indirect_vreg.gather [hbm4b:s2+s17], $0x80, v7, vm0, $0xb8;
	[tilespmem:$0x17980] =	vst v63  }
0xb9: {  	s31 =	simm.s32 $0x11E80  }
0xba: {  	[tilespmem:s31], [sflag:$0x3] =	stream.indirect_vreg.gather [hbm4b:s2+s17], $0x80, v6, vm0, $0xb8;
	[tilespmem:$0x17980] =	vst v63  }
0xbb: {  	v6 =	vld [tilespmem:$0x177B0];
	_ =	sdelay $0x4  }
0xbc: {  	v7 =	vshll.u32 v6, $0x1  }
0xbd: {  	v6 =	vand.u32 $0x7, v6;
	v7 =	vand.u32 $0xFFFFFFF0, v7  }
0xbe: {  	v6 =	vor.u32 v6, v7  }
0xbf: {  	v7 =	vperm.xlane v6, v2;
	_ =	sdelay $0x1  }
0xc0: {  	v6 =	vperm.xlane v6, v4;
	v7 =	vadd.s32 v3, v7;
	_ =	sdelay $0x1  }
0xc1: {  	v6 =	vadd.s32 v3, v6;
	_ =	sdelay $0x1  }
0xc2: {  	s1 =	simm.s32 $0x12680  }
0xc3: {  	[tilespmem:s1], [sflag:$0x3] =	stream.indirect_vreg.gather [hbm4b:s2+s17], $0x80, v7, vm0, $0xb8;
	[tilespmem:$0x17980] =	vst v63  }
0xc4: {  	s22 =	simm.s32 $0x12E80  }
0xc5: {  	[tilespmem:s22], [sflag:$0x3] =	stream.indirect_vreg.gather [hbm4b:s2+s17], $0x80, v6, vm0, $0xb8;
	[tilespmem:$0x17980] =	vst v63  }
0xc6: {  	v6 =	vld [tilespmem:$0x17800];
	_ =	sdelay $0x4  }
0xc7: {  	v7 =	vshll.u32 v6, $0x1  }
0xc8: {  	v6 =	vand.u32 $0x7, v6;
	v7 =	vand.u32 $0xFFFFFFF0, v7  }
0xc9: {  	v6 =	vor.u32 v6, v7  }
0xca: {  	v7 =	vperm.xlane v6, v2;
	_ =	sdelay $0x1  }
0xcb: {  	v6 =	vperm.xlane v6, v4;
	v7 =	vadd.s32 v3, v7;
	_ =	sdelay $0x1  }
0xcc: {  	v6 =	vadd.s32 v3, v6;
	_ =	sdelay $0x1  }
0xcd: {  	s23 =	simm.s32 $0x13680  }
0xce: {  	[tilespmem:s23], [sflag:$0x4] =	stream.indirect_vreg.gather [hbm4b:s2+s17], $0x80, v7, vm0, $0xb8;
	[tilespmem:$0x17980] =	vst v63  }
0xcf: {  	s24 =	simm.s32 $0x13E80  }
0xd0: {  	[tilespmem:s24], [sflag:$0x4] =	stream.indirect_vreg.gather [hbm4b:s2+s17], $0x80, v6, vm0, $0xb8;
	[tilespmem:$0x17980] =	vst v63  }
0xd1: {  	v6 =	vld [tilespmem:$0x17810];
	_ =	sdelay $0x4  }
0xd2: {  	v7 =	vshll.u32 v6, $0x1  }
0xd3: {  	v6 =	vand.u32 $0x7, v6;
	v7 =	vand.u32 $0xFFFFFFF0, v7  }
0xd4: {  	v6 =	vor.u32 v6, v7  }
0xd5: {  	v7 =	vperm.xlane v6, v2;
	_ =	sdelay $0x1  }
0xd6: {  	v6 =	vperm.xlane v6, v4;
	v7 =	vadd.s32 v3, v7;
	_ =	sdelay $0x1  }
0xd7: {  	v6 =	vadd.s32 v3, v6;
	_ =	sdelay $0x1  }
0xd8: {  	s25 =	simm.s32 $0x14680  }
0xd9: {  	[tilespmem:s25], [sflag:$0x4] =	stream.indirect_vreg.gather [hbm4b:s2+s17], $0x80, v7, vm0, $0xb8;
	[tilespmem:$0x17980] =	vst v63  }
0xda: {  	s26 =	simm.s32 $0x14E80  }
0xdb: {  	[tilespmem:s26], [sflag:$0x4] =	stream.indirect_vreg.gather [hbm4b:s2+s17], $0x80, v6, vm0, $0xb8;
	[tilespmem:$0x17980] =	vst v63  }
0xdc: {  	v6 =	vld [tilespmem:$0x17820];
	_ =	sdelay $0x4  }
0xdd: {  	v7 =	vshll.u32 v6, $0x1  }
0xde: {  	v6 =	vand.u32 $0x7, v6;
	v7 =	vand.u32 $0xFFFFFFF0, v7  }
0xdf: {  	v6 =	vor.u32 v6, v7  }
0xe0: {  	v7 =	vperm.xlane v6, v2;
	_ =	sdelay $0x1  }
0xe1: {  	v6 =	vperm.xlane v6, v4;
	v7 =	vadd.s32 v3, v7;
	_ =	sdelay $0x1  }
0xe2: {  	v6 =	vadd.s32 v3, v6;
	_ =	sdelay $0x1  }
0xe3: {  	s28 =	simm.s32 $0x15680  }
0xe4: {  	[tilespmem:s28], [sflag:$0x4] =	stream.indirect_vreg.gather [hbm4b:s2+s17], $0x80, v7, vm0, $0xb8;
	[tilespmem:$0x17980] =	vst v63  }
0xe5: {  	s29 =	simm.s32 $0x15E80  }
0xe6: {  	[tilespmem:s29], [sflag:$0x4] =	stream.indirect_vreg.gather [hbm4b:s2+s17], $0x80, v6, vm0, $0xb8;
	[tilespmem:$0x17980] =	vst v63  }
0xe7: {  	v6 =	vld [tilespmem:$0x17830];
	_ =	sdelay $0x4  }
0xe8: {  	v7 =	vshll.u32 v6, $0x1  }
0xe9: {  	v6 =	vand.u32 $0x7, v6;
	v7 =	vand.u32 $0xFFFFFFF0, v7  }
0xea: {  	v6 =	vor.u32 v6, v7  }
0xeb: {  	v7 =	vperm.xlane v6, v2;
	_ =	sdelay $0x1  }
0xec: {  	v6 =	vperm.xlane v6, v4;
	v7 =	vadd.s32 v3, v7;
	_ =	sdelay $0x1  }
0xed: {  	v6 =	vadd.s32 v3, v6;
	_ =	sdelay $0x1  }
0xee: {  	s30 =	simm.s32 $0x16680  }
0xef: {  	[tilespmem:s30], [sflag:$0x4] =	stream.indirect_vreg.gather [hbm4b:s2+s17], $0x80, v7, vm0, $0xb8;
	[tilespmem:$0x17980] =	vst v63  }
0xf0: {  	s31 =	simm.s32 $0x16E80  }
0xf1: {  	[tilespmem:s31], [sflag:$0x4] =	stream.indirect_vreg.gather [hbm4b:s2+s17], $0x80, v6, vm0, $0xb8;
	[tilespmem:$0x17980] =	vst v63  }
0xf2: {  	_ =	swait.ge [sflag:s3], $0x4000  }
0xf3: {  	[sflag:s3] =	ssyncset.done $0x0  }
0xf4: {  	[sflag:s3] =	ssyncadd.s32 $0xFFFFC000  }
0xf5: {  	_ =	swait.ge [sflag:s12], $0x4000  }
0xf6: {  	[sflag:s12] =	ssyncset.done $0x0  }
0xf7: {  	s22 =	simm.s32 $0x0;
	[sflag:s12] =	ssyncadd.s32 $0xFFFFC000  }
.LBB2_5:
0xf8: {  	s23 =	simm.s32 $0x0  }
0xf9: {  	s24 =	sshll.u32 s22, $0xC;
	s25 =	sand.u32 $0x800, s23  }
0xfa: {  	s26 =	sand.u32 $0x380, s23;
	s25 =	sor.u32 s24, s25  }
0xfb: {  	s26 =	sor.u32 s26, s25  }
0xfc: {  	v6 =	vld [tilespmem:s26+$0x7680]  }
0xfd: {  	v7 =	vld [tilespmem:s26+$0xB680]  }
0xfe: {  	v8 =	vld [tilespmem:s26+$0x7690]  }
0xff: {  	v9 =	vld [tilespmem:s26+$0xB690]  }
0x100: {  	v10 =	vld [tilespmem:s26+$0x76A0]  }
0x101: {  	v11 =	vld [tilespmem:s26+$0xB6A0]  }
0x102: {  	v12 =	vld [tilespmem:s26+$0x76B0]  }
0x103: {  	v13 =	vld [tilespmem:s26+$0xB6B0]  }
0x104: {  	v14 =	vld [tilespmem:s26+$0x76C0]  }
0x105: {  	v15 =	vld [tilespmem:s26+$0xB6C0]  }
0x106: {  	v16 =	vld [tilespmem:s26+$0x76D0]  }
0x107: {  	v17 =	vld [tilespmem:s26+$0xB6D0]  }
0x108: {  	v18 =	vld [tilespmem:s26+$0x76E0]  }
0x109: {  	v19 =	vld [tilespmem:s26+$0xB6E0]  }
0x10a: {  	v20 =	vld [tilespmem:s26+$0x76F0]  }
0x10b: {  	v21 =	vld [tilespmem:s26+$0xB6F0]  }
0x10c: {  	v22 =	vld [tilespmem:s26+$0x7A80]  }
0x10d: {  	v23 =	vld [tilespmem:s26+$0xBA80];
	v6 =	vmul.f32 v7, v6;
	v7 =	vmul.f32 v9, v8  }
0x10e: {  	v24 =	vld [tilespmem:s26+$0x7A90]  }
0x10f: {  	v25 =	vld [tilespmem:s26+$0xBA90];
	v6 =	vadd.f32 v7, v6;
	v7 =	vmul.f32 v11, v10  }
0x110: {  	s0 =	simm.s32 $0x100;
	v26 =	vld [tilespmem:s26+$0x7AA0]  }
0x111: {  	s28 =	simm.s32 $0x80;
	s25 =	sand.u32 $0x800, s0;
	v49 =	vld [tilespmem:s26+$0xBAE0];
	v6 =	vadd.f32 v7, v6;
	v7 =	vmul.f32 v13, v12  }
0x112: {  	s28 =	sand.u32 $0x380, s28;
	s25 =	sor.u32 s24, s25;
	v50 =	vld [tilespmem:s26+$0x7AF0]  }
0x113: {  	v51 =	vld [tilespmem:s26+$0xBAF0];
	s25 =	sor.u32 s28, s25;
	v6 =	vadd.f32 v7, v6;
	v7 =	vmul.f32 v15, v14  }
0x114: {  	v52 =	vld [tilespmem:s25+$0x7680]  }
0x115: {  	v53 =	vld [tilespmem:s25+$0xB680];
	v6 =	vadd.f32 v7, v6;
	v7 =	vmul.f32 v17, v16  }
0x116: {  	v54 =	vld [tilespmem:s25+$0x7690]  }
0x117: {  	v55 =	vld [tilespmem:s25+$0xB690];
	v6 =	vadd.f32 v7, v6;
	v7 =	vmul.f32 v19, v18  }
0x118: {  	v56 =	vld [tilespmem:s25+$0x76A0]  }
0x119: {  	v57 =	vld [tilespmem:s25+$0xB6A0];
	v6 =	vadd.f32 v7, v6;
	v7 =	vmul.f32 v21, v20  }
0x11a: {  	v8 =	vld [tilespmem:s26+$0xBAA0]  }
0x11b: {  	v9 =	vld [tilespmem:s26+$0x7AB0];
	v6 =	vadd.f32 v7, v6;
	v7 =	vmul.f32 v23, v22  }
0x11c: {  	v10 =	vld [tilespmem:s26+$0xBAB0]  }
0x11d: {  	v11 =	vld [tilespmem:s26+$0x7AC0];
	v6 =	vadd.f32 v7, v6;
	v7 =	vmul.f32 v25, v24  }
0x11e: {  	v12 =	vld [tilespmem:s26+$0xBAC0]  }
0x11f: {  	v13 =	vld [tilespmem:s26+$0x7AD0];
	v6 =	vadd.f32 v7, v6;
	v7 =	vmul.f32 v8, v26  }
0x120: {  	v14 =	vld [tilespmem:s26+$0xBAD0]  }
0x121: {  	v58 =	vld [tilespmem:s25+$0x76B0];
	v6 =	vadd.f32 v7, v6;
	v7 =	vmul.f32 v10, v9  }
0x122: {  	v15 =	vld [tilespmem:s26+$0x7AE0]  }
0x123: {  	v8 =	vld [tilespmem:s25+$0xB6B0];
	v6 =	vadd.f32 v7, v6;
	v7 =	vmul.f32 v12, v11  }
0x124: {  	v60 =	vld [tilespmem:s25+$0x76C0];
	v59 =	vmul.f32 v55, v54;
	v19 =	vmul.f32 v53, v52  }
0x125: {  	v9 =	vld [tilespmem:s25+$0xB6C0];
	v6 =	vadd.f32 v7, v6;
	v7 =	vmul.f32 v14, v13  }
0x126: {  	v62 =	vld [tilespmem:s25+$0x76D0];
	v61 =	vmul.f32 v57, v56;
	v10 =	vadd.f32 v59, v19  }
0x127: {  	v11 =	vld [tilespmem:s25+$0xB6D0];
	v6 =	vadd.f32 v7, v6;
	v7 =	vmul.f32 v49, v15  }
0x128: {  	v10 =	vadd.f32 v61, v10;
	v12 =	vld [tilespmem:s25+$0x76E0];
	v8 =	vmul.f32 v8, v58  }
0x129: {  	v13 =	vld [tilespmem:s25+$0xB6E0];
	v6 =	vadd.f32 v7, v6;
	v7 =	vmul.f32 v51, v50  }
0x12a: {  	v14 =	vld [tilespmem:s25+$0xB6F0];
	v8 =	vadd.f32 v8, v10;
	v9 =	vmul.f32 v9, v60  }
0x12b: {  	v10 =	vld [tilespmem:s25+$0x76F0];
	v6 =	vadd.f32 v7, v6  }
0x12c: {  	v15 =	vld [tilespmem:s25+$0xBA80];
	v8 =	vadd.f32 v9, v8;
	v9 =	vmul.f32 v11, v62  }
0x12d: {  	v11 =	vld [tilespmem:s25+$0x7A80];
	(xrf2) =	vadd.scan.msk.f32 $0xffff, v6  }
0x12e: {  	v8 =	vadd.f32 v9, v8;
	v9 =	vmul.f32 v13, v12  }
0x12f: {  	v12 =	vld [tilespmem:s25+$0x7A90]  }
0x130: {  	v7 =	vld [tilespmem:s25+$0xBA90];
	v8 =	vadd.f32 v9, v8;
	v9 =	vmul.f32 v14, v10  }
0x131: {  	v13 =	vld [tilespmem:s25+$0xBAB0]  }
0x132: {  	v8 =	vadd.f32 v9, v8;
	v9 =	vmul.f32 v15, v11;
	v11 =	vld [tilespmem:s25+$0x7AB0];
	_ =	sdelay $0x2  }
0x133: {  	v8 =	vadd.f32 v9, v8;
	v7 =	vmul.f32 v7, v12;
	_ =	sdelay $0x1  }
0x134: {  	v7 =	vadd.f32 v7, v8;
	v8 =	vmul.f32 v13, v11;
	v13, _, _ =	vpop (xrf2)  }
0x135: {  	(v2sf) =	vpush v13, $0xF  }
0x136: {  	v10 =	vld [tilespmem:s25+$0x7AA0]  }
0x137: {  	v6 =	vld [tilespmem:s25+$0xBAA0];
	_ =	sdelay $0x2  }
0x138: {  	v14 =	vld [tilespmem:s25+$0xBAC0]  }
0x139: {  	v12 =	vld [tilespmem:s25+$0x7AC0]  }
0x13a: {  	v63 =	vld [tilespmem:s25+$0xBAD0];
	v6 =	vmul.f32 v6, v10  }
0x13b: {  	v15 =	vld [tilespmem:s25+$0x7AD0]  }
0x13c: {  	s29 =	simm.s32 $0x200;
	v9 =	vld [tilespmem:s25+$0xBAE0];
	v6 =	vadd.f32 v6, v7  }
0x13d: {  	s30 =	simm.s32 $0x100;
	s1 =	sand.u32 $0x800, s29;
	v7 =	vld [tilespmem:s25+$0x7AE0]  }
0x13e: {  	s28 =	sand.u32 $0x380, s30;
	s26 =	sor.u32 s24, s1;
	v10 =	vld [tilespmem:s25+$0xBAF0];
	v12 =	vmul.f32 v14, v12;
	v11 =	vadd.f32 v8, v6  }
0x13f: {  	s28 =	sor.u32 s28, s26;
	v8 =	vld [tilespmem:s25+$0x7AF0]  }
0x140: {  	s31 =	simm.s32 $0x3;
	s26 =	simm.s32 $0x2;
	v6 =	vimm.f32 $0.0e+00;
	s25 =	simm.s32 $0x1;
	v13 =	vld [tilespmem:s28+$0x7680];
	v11 =	vadd.f32 v12, v11;
	v12 =	vmul.f32 v63, v15  }
.LBB2_6:
0x141: {  	p1 =	sne.s32 s31, $0xF;
	v14 =	vld [tilespmem:s28+$0xB680]  }
0x142: {  	v15 =	vld [tilespmem:s28+$0x7690];
	v11 =	vadd.f32 v12, v11;
	v7 =	vmul.f32 v9, v7;
	s0 =	spop (v2sf)  }
0x143: {  	v12 =	vmov s23;
	s23 =	smov.u32 s25;
	s25 =	smov.u32 s26;
	v9 =	vld [tilespmem:s28+$0xB690];
	s0 =	smax.f32 s0, $9.999999970e-07  }
0x144: {  	s26 =	smov.u32 s31;
	vm1 =	veq.s32 v12, v0;
	v16 =	vld [tilespmem:s28+$0x76A0];
	v7 =	vadd.f32 v7, v11;
	v8 =	vmul.f32 v10, v8;
	s0 =	smin.f32 s0, $1.000000000e+00  }
0x145: {  	v10 =	vld [tilespmem:s28+$0xB6A0];
	v6 =	vsel vm1, s0, v6  }
0x146: {  	v11 =	vld [tilespmem:s28+$0x76B0];
	v7 =	vadd.f32 v8, v7  }
0x147: {  	v8 =	vld [tilespmem:s28+$0xB6B0]  }
0x148: {  	v12 =	vmul.f32 v14, v13;
	v9 =	vmul.f32 v9, v15;
	v13 =	vld [tilespmem:s28+$0x76C0];
	(xrf2) =	vadd.scan.msk.f32 $0xffff, v7  }
0x149: {  	v7 =	vld [tilespmem:s28+$0xB6C0]  }
0x14a: {  	v9 =	vadd.f32 v9, v12;
	v10 =	vmul.f32 v10, v16;
	v12 =	vld [tilespmem:s28+$0x76D0]  }
0x14b: {  	v14 =	vld [tilespmem:s28+$0xB6D0]  }
0x14c: {  	v9 =	vadd.f32 v10, v9;
	v8 =	vmul.f32 v8, v11;
	v10 =	vld [tilespmem:s28+$0x76E0]  }
0x14d: {  	v11 =	vld [tilespmem:s28+$0xB6E0]  }
0x14e: {  	v8 =	vadd.f32 v8, v9;
	v7 =	vmul.f32 v7, v13;
	v9 =	vld [tilespmem:s28+$0x76F0]  }
0x14f: {  	v13 =	vld [tilespmem:s28+$0xB6F0]  }
0x150: {  	v7 =	vadd.f32 v7, v8;
	v8 =	vmul.f32 v14, v12;
	v12 =	vld [tilespmem:s28+$0x7A80]  }
0x151: {  	v14 =	vld [tilespmem:s28+$0xBA80]  }
0x152: {  	v7 =	vadd.f32 v8, v7;
	v8 =	vmul.f32 v11, v10;
	v10 =	vld [tilespmem:s28+$0x7A90];
	v11, _, _ =	vpop (xrf2)  }
0x153: {  	v15 =	vld [tilespmem:s28+$0xBA90];
	(v2sf) =	vpush v11, $0xF  }
0x154: {  	v7 =	vadd.f32 v8, v7;
	v8 =	vmul.f32 v13, v9;
	v9 =	vld [tilespmem:s28+$0x7AA0]  }
0x155: {  	v11 =	vld [tilespmem:s28+$0xBAA0]  }
0x156: {  	v7 =	vadd.f32 v8, v7;
	v8 =	vmul.f32 v14, v12;
	v12 =	vld [tilespmem:s28+$0x7AB0]  }
0x157: {  	v13 =	vld [tilespmem:s28+$0xBAB0]  }
0x158: {  	v7 =	vadd.f32 v8, v7;
	v8 =	vmul.f32 v15, v10;
	v10 =	vld [tilespmem:s28+$0x7AC0]  }
0x159: {  	v14 =	vld [tilespmem:s28+$0xBAC0]  }
0x15a: {  	v7 =	vadd.f32 v8, v7;
	v8 =	vmul.f32 v11, v9;
	v15 =	vld [tilespmem:s28+$0x7AD0]  }
0x15b: {  	v16 =	vld [tilespmem:s28+$0xBAD0]  }
.Ltmp3:
0x15c: {  	s29 =	sadd.s32 $0x100, s29;
	v8 =	vadd.f32 v8, v7;
	v11 =	vmul.f32 v13, v12;
	v7 =	vld [tilespmem:s28+$0x7AE0];
	(pc) =	sbr.rel @p1 .LBB2_6-.Ltmp3, $4  }
0x15d: {  	s30 =	sadd.s32 $0x80, s30;
	s0 =	sand.u32 $0x800, s29;
	v9 =	vld [tilespmem:s28+$0xBAE0]  }
0x15e: {  	s1 =	sand.u32 $0x380, s30;
	s0 =	sor.u32 s24, s0;
	v11 =	vadd.f32 v11, v8;
	v12 =	vmul.f32 v14, v10;
	v8 =	vld [tilespmem:s28+$0x7AF0]  }
0x15f: {  	v10 =	vld [tilespmem:s28+$0xBAF0];
	s28 =	sor.u32 s1, s0  }
0x160: {  	s31 =	sadd.s32 $0x1, s31;
	v13 =	vld [tilespmem:s28+$0x7680];
	v11 =	vadd.f32 v12, v11;
	v12 =	vmul.f32 v16, v15  }
0x161: {  	v14 =	vld [tilespmem:s28+$0xB680]  }
0x162: {  	v15 =	vld [tilespmem:s28+$0x7690]  }
0x163: {  	v16 =	vld [tilespmem:s28+$0xB690]  }
0x164: {  	v17 =	vld [tilespmem:s28+$0x76A0]  }
0x165: {  	v18 =	vld [tilespmem:s28+$0xB6A0]  }
0x166: {  	v19 =	vld [tilespmem:s28+$0x76B0]  }
0x167: {  	v20 =	vld [tilespmem:s28+$0xB6B0]  }
0x168: {  	v24 =	vld [tilespmem:s28+$0x76C0];
	v13 =	vmul.f32 v14, v13;
	v23 =	vmul.f32 v16, v15  }
0x169: {  	v25 =	vld [tilespmem:s28+$0xB6C0]  }
0x16a: {  	v27 =	vld [tilespmem:s28+$0x76D0];
	v26 =	vmul.f32 v18, v17;
	v13 =	vadd.f32 v23, v13  }
0x16b: {  	v28 =	vld [tilespmem:s28+$0xB6D0]  }
0x16c: {  	v30 =	vld [tilespmem:s28+$0x76E0];
	v29 =	vmul.f32 v20, v19;
	v13 =	vadd.f32 v26, v13  }
0x16d: {  	v31 =	vld [tilespmem:s28+$0xB6E0]  }
0x16e: {  	v33 =	vld [tilespmem:s28+$0x76F0];
	v32 =	vmul.f32 v25, v24;
	v13 =	vadd.f32 v29, v13  }
0x16f: {  	v34 =	vld [tilespmem:s28+$0xB6F0]  }
0x170: {  	v36 =	vld [tilespmem:s28+$0x7A80];
	v35 =	vmul.f32 v28, v27;
	v13 =	vadd.f32 v32, v13  }
0x171: {  	v37 =	vld [tilespmem:s28+$0xBA80]  }
0x172: {  	v39 =	vld [tilespmem:s28+$0x7A90];
	v38 =	vmul.f32 v31, v30;
	v13 =	vadd.f32 v35, v13  }
0x173: {  	v40 =	vld [tilespmem:s28+$0xBA90]  }
0x174: {  	v42 =	vld [tilespmem:s28+$0x7AA0];
	v41 =	vmul.f32 v34, v33;
	v13 =	vadd.f32 v38, v13  }
0x175: {  	v43 =	vld [tilespmem:s28+$0xBAA0]  }
0x176: {  	v45 =	vld [tilespmem:s28+$0x7AB0];
	v44 =	vmul.f32 v37, v36;
	v13 =	vadd.f32 v41, v13  }
0x177: {  	v46 =	vld [tilespmem:s28+$0xBAB0]  }
0x178: {  	v48 =	vld [tilespmem:s28+$0x7AC0];
	v47 =	vmul.f32 v40, v39;
	v13 =	vadd.f32 v44, v13  }
0x179: {  	v49 =	vld [tilespmem:s28+$0xBAC0]  }
0x17a: {  	v51 =	vld [tilespmem:s28+$0x7AD0];
	v50 =	vmul.f32 v43, v42;
	v13 =	vadd.f32 v47, v13  }
0x17b: {  	v52 =	vld [tilespmem:s28+$0xBAD0]  }
0x17c: {  	v54 =	vld [tilespmem:s28+$0x7AE0];
	v53 =	vmul.f32 v46, v45;
	v13 =	vadd.f32 v50, v13  }
0x17d: {  	v55 =	vld [tilespmem:s28+$0xBAE0]  }
0x17e: {  	v57 =	vld [tilespmem:s28+$0x7AF0];
	v56 =	vmul.f32 v49, v48;
	v13 =	vadd.f32 v53, v13  }
0x17f: {  	v58 =	vld [tilespmem:s28+$0xBAF0];
	v11 =	vadd.f32 v12, v11;
	v7 =	vmul.f32 v9, v7  }
0x180: {  	v59 =	vmul.f32 v52, v51;
	v13 =	vadd.f32 v56, v13  }
0x181: {  	v7 =	vadd.f32 v7, v11  }
0x182: {  	v8 =	vmul.f32 v10, v8;
	v61 =	vmul.f32 v55, v54;
	v60 =	vadd.f32 v59, v13;
	_ =	sdelay $0x1  }
0x183: {  	v62 =	vmul.f32 v58, v57;
	v7 =	vadd.f32 v8, v7;
	v9 =	vadd.f32 v61, v60;
	_ =	sdelay $0x1  }
0x184: {  	(xrf2) =	vadd.scan.msk.f32 $0xffff, v7;
	v63 =	vadd.f32 v62, v9;
	_ =	sdelay $0x1  }
0x185: {  	(xrf2) =	vadd.scan.msk.f32 $0xffff, v63;
	_ =	sdelay $0x7  }
0x186: {  	v7, _, _ =	vpop (xrf2)  }
0x187: {  	(v2sf) =	vpush v7, $0xF  }
0x188: {  	v7, _, _ =	vpop (xrf2)  }
0x189: {  	(v2sf) =	vpush v7, $0xF;
	_ =	sdelay $0xb  }
0x18a: {  	s29 =	sshll.u32 s22, $0x4;
	s0 =	spop (v2sf)  }
0x18b: {  	s22 =	sadd.s32 $0x1, s22;
	s0 =	smax.f32 s0, $9.999999970e-07;
	s1 =	spop (v2sf)  }
0x18c: {  	p1 =	sne.s32 s22, $0x4;
	s0 =	smin.f32 s0, $1.000000000e+00;
	s1 =	smax.f32 s1, $9.999999970e-07;
	v7 =	vmov s23  }
.Ltmp4:
0x18d: {  	vm1 =	veq.s32 v7, v0;
	v7 =	vmov s25;
	s24 =	spop (v2sf);
	(pc) =	sbr.rel @p1 .LBB2_5-.Ltmp4, $4  }
0x18e: {  	s25 =	smin.f32 s1, $1.000000000e+00;
	v6 =	vsel vm1, s0, v6;
	vm1 =	veq.s32 v7, v0;
	v7 =	vmov s26;
	s28 =	smax.f32 s24, $9.999999970e-07  }
0x18f: {  	v6 =	vsel vm1, s25, v6;
	vm1 =	veq.s32 v7, v0;
	s30 =	smin.f32 s28, $1.000000000e+00  }
0x190: {  	s31 =	sand.u32 $0x3FFFFFF0, s29;
	v6 =	vsel vm1, s30, v6  }
0x191: {  	[tilespmem:s31+$0x17880] =	vst v6  }
0x192: {  	v6 =	vld [tilespmem:$0x17700];
	_ =	sdelay $0x5  }
0x193: {  	v7 =	vld [tilespmem:$0x17680]  }
0x194: {  	v8 =	vld [tilespmem:$0x17880]  }
0x195: {  	v6 =	vld.idx.msk [tilespmem:v6+s4+$0x0], $0xffff;
	_ =	sdelay $0x4  }
0x196: {  	v6 =	vmul.f32 v8, v6;
	_ =	sdelay $0x1  }
0x197: {  	[tilespmem:$0x17900] =	vst v6  }
0x198: {  	[tilespmem:v7+s13+$0x0] =	vst.idx.add.f32.msk $0xffff, v6  }
0x199: {  	[tilespmem:v7+s14+$0x0] =	vst.idx.add.f32.msk $0xffff, v5  }
0x19a: {  	v6 =	vld [tilespmem:$0x17710];
	_ =	sdelay $0x5  }
0x19b: {  	v7 =	vld [tilespmem:$0x17690]  }
0x19c: {  	v61 =	vld [tilespmem:$0x17890]  }
0x19d: {  	v6 =	vld.idx.msk [tilespmem:v6+s4+$0x0], $0xffff;
	_ =	sdelay $0x4  }
0x19e: {  	v6 =	vmul.f32 v61, v6;
	_ =	sdelay $0x1  }
0x19f: {  	[tilespmem:$0x17910] =	vst v6  }
0x1a0: {  	[tilespmem:v7+s13+$0x0] =	vst.idx.add.f32.msk $0xffff, v6  }
0x1a1: {  	[tilespmem:v7+s14+$0x0] =	vst.idx.add.f32.msk $0xffff, v5  }
0x1a2: {  	v6 =	vld [tilespmem:$0x17720];
	_ =	sdelay $0x5  }
0x1a3: {  	v7 =	vld [tilespmem:$0x176A0]  }
0x1a4: {  	v62 =	vld [tilespmem:$0x178A0]  }
0x1a5: {  	v6 =	vld.idx.msk [tilespmem:v6+s4+$0x0], $0xffff;
	_ =	sdelay $0x4  }
0x1a6: {  	v6 =	vmul.f32 v62, v6;
	_ =	sdelay $0x1  }
0x1a7: {  	[tilespmem:$0x17920] =	vst v6  }
0x1a8: {  	[tilespmem:v7+s13+$0x0] =	vst.idx.add.f32.msk $0xffff, v6  }
0x1a9: {  	[tilespmem:v7+s14+$0x0] =	vst.idx.add.f32.msk $0xffff, v5  }
0x1aa: {  	v6 =	vld [tilespmem:$0x17730];
	_ =	sdelay $0x5  }
0x1ab: {  	v7 =	vld [tilespmem:$0x176B0]  }
0x1ac: {  	v63 =	vld [tilespmem:$0x178B0]  }
0x1ad: {  	v6 =	vld.idx.msk [tilespmem:v6+s4+$0x0], $0xffff;
	_ =	sdelay $0x4  }
0x1ae: {  	v6 =	vmul.f32 v63, v6;
	_ =	sdelay $0x1  }
0x1af: {  	[tilespmem:$0x17930] =	vst v6  }
0x1b0: {  	[tilespmem:v7+s13+$0x0] =	vst.idx.add.f32.msk $0xffff, v6  }
0x1b1: {  	s0 =	sadd.s32 s7, s21;
	[tilespmem:v7+s14+$0x0] =	vst.idx.add.f32.msk $0xffff, v5  }
0x1b2: {  	[hbm4b:s0+s4] =	stream.linear.scatter [tilespmem:s15], [sflag:$0x5], $0x40, $0x38;
	[tilespmem:$0x17980] =	vst v63  }
0x1b3: {  	_ =	swait.ge [sflag:s19], $0x40  }
0x1b4: {  	p1 =	seq.s32 s18, $0x26;
	[sflag:s19] =	ssyncset.done $0x0  }
.Ltmp5:
0x1b5: {  	s31 =	sadd.s32 s8, s21;
	[sflag:s19] =	ssyncadd.s32 $0xFFFFFFC0;
	(pc) =	sbr.rel @p1 .LBB2_10-.Ltmp5, $4  }
0x1b6: {  	[hbm4b:s31+s4] =	stream.linear.scatter [tilespmem:s10], [sflag:$0x5], $0x40, $0x38;
	[tilespmem:$0x17980] =	vst v63  }
0x1b7: {  	_ =	swait.ge [sflag:s19], $0x40  }
0x1b8: {  	[sflag:s19] =	ssyncset.done $0x0  }
0x1b9: {  	[sflag:s19] =	ssyncadd.s32 $0xFFFFFFC0  }
0x1ba: {  	s0 =	sadd.s32 $0x200, s21  }
0x1bb: {  	s24 =	simm.s32 $0x17680;
	s1 =	sadd.s32 s5, s0  }
0x1bc: {  	[tilespmem:s24], [sflag:$0x5] =	stream.linear.gather [hbm4b:s1+s4], $0x40, $0x38;
	[tilespmem:$0x17980] =	vst v63  }
0x1bd: {  	_ =	swait.ge [sflag:s19], $0x40  }
0x1be: {  	[sflag:s19] =	ssyncset.done $0x0  }
0x1bf: {  	s25 =	simm.s32 $0x17700;
	s0 =	sadd.s32 s6, s0;
	[sflag:s19] =	ssyncadd.s32 $0xFFFFFFC0  }
0x1c0: {  	[tilespmem:s25], [sflag:$0x5] =	stream.linear.gather [hbm4b:s0+s4], $0x40, $0x38;
	[tilespmem:$0x17980] =	vst v63  }
0x1c1: {  	_ =	swait.ge [sflag:s19], $0x40  }
0x1c2: {  	[sflag:s19] =	ssyncset.done $0x0  }
0x1c3: {  	[sflag:s19] =	ssyncadd.s32 $0xFFFFFFC0  }
0x1c4: {  	v6 =	vld [tilespmem:$0x17680];
	_ =	sdelay $0x4  }
0x1c5: {  	v7 =	vshll.u32 v6, $0x1  }
0x1c6: {  	v6 =	vand.u32 $0x7, v6;
	v7 =	vand.u32 $0xFFFFFFF0, v7  }
0x1c7: {  	v6 =	vor.u32 v6, v7  }
0x1c8: {  	v7 =	vperm.xlane v6, v2;
	_ =	sdelay $0x1  }
0x1c9: {  	v6 =	vperm.xlane v6, v4;
	v7 =	vadd.s32 v3, v7;
	_ =	sdelay $0x1  }
0x1ca: {  	v6 =	vadd.s32 v3, v6;
	_ =	sdelay $0x1  }
0x1cb: {  	s26 =	simm.s32 $0x7680  }
0x1cc: {  	[tilespmem:s26], [sflag:$0x1] =	stream.indirect_vreg.gather [hbm4b:s2+s4], $0x80, v7, vm0, $0xb8;
	[tilespmem:$0x17980] =	vst v63  }
0x1cd: {  	s28 =	simm.s32 $0x7E80  }
0x1ce: {  	[tilespmem:s28], [sflag:$0x1] =	stream.indirect_vreg.gather [hbm4b:s2+s4], $0x80, v6, vm0, $0xb8;
	[tilespmem:$0x17980] =	vst v63  }
0x1cf: {  	v6 =	vld [tilespmem:$0x17690];
	_ =	sdelay $0x4  }
0x1d0: {  	v7 =	vshll.u32 v6, $0x1  }
0x1d1: {  	v6 =	vand.u32 $0x7, v6;
	v7 =	vand.u32 $0xFFFFFFF0, v7  }
0x1d2: {  	v6 =	vor.u32 v6, v7  }
0x1d3: {  	v7 =	vperm.xlane v6, v2;
	_ =	sdelay $0x1  }
0x1d4: {  	v6 =	vperm.xlane v6, v4;
	v7 =	vadd.s32 v3, v7;
	_ =	sdelay $0x1  }
0x1d5: {  	v6 =	vadd.s32 v3, v6;
	_ =	sdelay $0x1  }
0x1d6: {  	s29 =	simm.s32 $0x8680  }
0x1d7: {  	[tilespmem:s29], [sflag:$0x1] =	stream.indirect_vreg.gather [hbm4b:s2+s4], $0x80, v7, vm0, $0xb8;
	[tilespmem:$0x17980] =	vst v63  }
0x1d8: {  	s30 =	simm.s32 $0x8E80  }
0x1d9: {  	[tilespmem:s30], [sflag:$0x1] =	stream.indirect_vreg.gather [hbm4b:s2+s4], $0x80, v6, vm0, $0xb8;
	[tilespmem:$0x17980] =	vst v63  }
0x1da: {  	v6 =	vld [tilespmem:$0x176A0];
	_ =	sdelay $0x4  }
0x1db: {  	v7 =	vshll.u32 v6, $0x1  }
0x1dc: {  	v6 =	vand.u32 $0x7, v6;
	v7 =	vand.u32 $0xFFFFFFF0, v7  }
0x1dd: {  	v6 =	vor.u32 v6, v7  }
0x1de: {  	v7 =	vperm.xlane v6, v2;
	_ =	sdelay $0x1  }
0x1df: {  	v6 =	vperm.xlane v6, v4;
	v7 =	vadd.s32 v3, v7;
	_ =	sdelay $0x1  }
0x1e0: {  	v6 =	vadd.s32 v3, v6;
	_ =	sdelay $0x1  }
0x1e1: {  	s31 =	simm.s32 $0x9680  }
0x1e2: {  	[tilespmem:s31], [sflag:$0x1] =	stream.indirect_vreg.gather [hbm4b:s2+s4], $0x80, v7, vm0, $0xb8;
	[tilespmem:$0x17980] =	vst v63  }
0x1e3: {  	s1 =	simm.s32 $0x9E80  }
0x1e4: {  	[tilespmem:s1], [sflag:$0x1] =	stream.indirect_vreg.gather [hbm4b:s2+s4], $0x80, v6, vm0, $0xb8;
	[tilespmem:$0x17980] =	vst v63  }
0x1e5: {  	v6 =	vld [tilespmem:$0x176B0];
	_ =	sdelay $0x4  }
0x1e6: {  	v7 =	vshll.u32 v6, $0x1  }
0x1e7: {  	v6 =	vand.u32 $0x7, v6;
	v7 =	vand.u32 $0xFFFFFFF0, v7  }
0x1e8: {  	v6 =	vor.u32 v6, v7  }
0x1e9: {  	v7 =	vperm.xlane v6, v2;
	_ =	sdelay $0x1  }
0x1ea: {  	v6 =	vperm.xlane v6, v4;
	v7 =	vadd.s32 v3, v7;
	_ =	sdelay $0x1  }
0x1eb: {  	v6 =	vadd.s32 v3, v6;
	_ =	sdelay $0x1  }
0x1ec: {  	s21 =	simm.s32 $0xA680  }
0x1ed: {  	[tilespmem:s21], [sflag:$0x1] =	stream.indirect_vreg.gather [hbm4b:s2+s4], $0x80, v7, vm0, $0xb8;
	[tilespmem:$0x17980] =	vst v63  }
0x1ee: {  	s22 =	simm.s32 $0xAE80  }
0x1ef: {  	[tilespmem:s22], [sflag:$0x1] =	stream.indirect_vreg.gather [hbm4b:s2+s4], $0x80, v6, vm0, $0xb8;
	[tilespmem:$0x17980] =	vst v63  }
0x1f0: {  	v6 =	vld [tilespmem:$0x17700];
	_ =	sdelay $0x4  }
0x1f1: {  	v7 =	vshll.u32 v6, $0x1  }
0x1f2: {  	v6 =	vand.u32 $0x7, v6;
	v7 =	vand.u32 $0xFFFFFFF0, v7  }
0x1f3: {  	v6 =	vor.u32 v6, v7  }
0x1f4: {  	v7 =	vperm.xlane v6, v2;
	_ =	sdelay $0x1  }
0x1f5: {  	v6 =	vperm.xlane v6, v4;
	v7 =	vadd.s32 v3, v7;
	_ =	sdelay $0x1  }
0x1f6: {  	v6 =	vadd.s32 v3, v6;
	_ =	sdelay $0x1  }
0x1f7: {  	s23 =	simm.s32 $0xB680  }
0x1f8: {  	[tilespmem:s23], [sflag:$0x2] =	stream.indirect_vreg.gather [hbm4b:s2+s4], $0x80, v7, vm0, $0xb8;
	[tilespmem:$0x17980] =	vst v63  }
0x1f9: {  	s24 =	simm.s32 $0xBE80  }
0x1fa: {  	[tilespmem:s24], [sflag:$0x2] =	stream.indirect_vreg.gather [hbm4b:s2+s4], $0x80, v6, vm0, $0xb8;
	[tilespmem:$0x17980] =	vst v63  }
0x1fb: {  	v6 =	vld [tilespmem:$0x17710];
	_ =	sdelay $0x4  }
0x1fc: {  	v7 =	vshll.u32 v6, $0x1  }
0x1fd: {  	v6 =	vand.u32 $0x7, v6;
	v7 =	vand.u32 $0xFFFFFFF0, v7  }
0x1fe: {  	v6 =	vor.u32 v6, v7  }
0x1ff: {  	v7 =	vperm.xlane v6, v2;
	_ =	sdelay $0x1  }
0x200: {  	v6 =	vperm.xlane v6, v4;
	v7 =	vadd.s32 v3, v7;
	_ =	sdelay $0x1  }
0x201: {  	v6 =	vadd.s32 v3, v6;
	_ =	sdelay $0x1  }
0x202: {  	s25 =	simm.s32 $0xC680  }
0x203: {  	[tilespmem:s25], [sflag:$0x2] =	stream.indirect_vreg.gather [hbm4b:s2+s4], $0x80, v7, vm0, $0xb8;
	[tilespmem:$0x17980] =	vst v63  }
0x204: {  	s26 =	simm.s32 $0xCE80  }
0x205: {  	[tilespmem:s26], [sflag:$0x2] =	stream.indirect_vreg.gather [hbm4b:s2+s4], $0x80, v6, vm0, $0xb8;
	[tilespmem:$0x17980] =	vst v63  }
0x206: {  	v6 =	vld [tilespmem:$0x17720];
	_ =	sdelay $0x4  }
0x207: {  	v7 =	vshll.u32 v6, $0x1  }
0x208: {  	v6 =	vand.u32 $0x7, v6;
	v7 =	vand.u32 $0xFFFFFFF0, v7  }
0x209: {  	v6 =	vor.u32 v6, v7  }
0x20a: {  	v7 =	vperm.xlane v6, v2;
	_ =	sdelay $0x1  }
0x20b: {  	v6 =	vperm.xlane v6, v4;
	v7 =	vadd.s32 v3, v7;
	_ =	sdelay $0x1  }
0x20c: {  	v6 =	vadd.s32 v3, v6;
	_ =	sdelay $0x1  }
0x20d: {  	s28 =	simm.s32 $0xD680  }
0x20e: {  	[tilespmem:s28], [sflag:$0x2] =	stream.indirect_vreg.gather [hbm4b:s2+s4], $0x80, v7, vm0, $0xb8;
	[tilespmem:$0x17980] =	vst v63  }
0x20f: {  	s29 =	simm.s32 $0xDE80  }
0x210: {  	[tilespmem:s29], [sflag:$0x2] =	stream.indirect_vreg.gather [hbm4b:s2+s4], $0x80, v6, vm0, $0xb8;
	[tilespmem:$0x17980] =	vst v63  }
0x211: {  	v6 =	vld [tilespmem:$0x17730];
	_ =	sdelay $0x4  }
0x212: {  	v7 =	vshll.u32 v6, $0x1  }
0x213: {  	v6 =	vand.u32 $0x7, v6;
	v7 =	vand.u32 $0xFFFFFFF0, v7  }
0x214: {  	v6 =	vor.u32 v6, v7  }
0x215: {  	v7 =	vperm.xlane v6, v2;
	_ =	sdelay $0x1  }
0x216: {  	v6 =	vperm.xlane v6, v4;
	v7 =	vadd.s32 v3, v7;
	_ =	sdelay $0x1  }
0x217: {  	v6 =	vadd.s32 v3, v6;
	_ =	sdelay $0x1  }
0x218: {  	s30 =	simm.s32 $0xE680  }
0x219: {  	[tilespmem:s30], [sflag:$0x2] =	stream.indirect_vreg.gather [hbm4b:s2+s4], $0x80, v7, vm0, $0xb8;
	[tilespmem:$0x17980] =	vst v63  }
0x21a: {  	s31 =	simm.s32 $0xEE80  }
0x21b: {  	[tilespmem:s31], [sflag:$0x2] =	stream.indirect_vreg.gather [hbm4b:s2+s4], $0x80, v6, vm0, $0xb8;
	[tilespmem:$0x17980] =	vst v63  }
.LBB2_10:
0x21c: {  	_ =	swait.ge [sflag:s11], $0x4000  }
0x21d: {  	[sflag:s11] =	ssyncset.done $0x0  }
0x21e: {  	[sflag:s11] =	ssyncadd.s32 $0xFFFFC000  }
0x21f: {  	_ =	swait.ge [sflag:s16], $0x4000  }
0x220: {  	[sflag:s16] =	ssyncset.done $0x0  }
0x221: {  	s21 =	simm.s32 $0x0;
	s22 =	simm.s32 $0x0;
	[sflag:s16] =	ssyncadd.s32 $0xFFFFC000  }
.LBB2_11:
0x222: {  	s23 =	sshll.u32 s22, $0xC;
	s0 =	sand.u32 $0x800, s21  }
0x223: {  	s1 =	sand.u32 $0x380, s21;
	s0 =	sor.u32 s23, s0  }
0x224: {  	s0 =	sor.u32 s1, s0  }
0x225: {  	v6 =	vld [tilespmem:s0+$0xF680]  }
0x226: {  	v7 =	vld [tilespmem:s0+$0x13680]  }
0x227: {  	v8 =	vld [tilespmem:s0+$0xF690]  }
0x228: {  	v9 =	vld [tilespmem:s0+$0x13690]  }
0x229: {  	v10 =	vld [tilespmem:s0+$0xF6A0]  }
0x22a: {  	v11 =	vld [tilespmem:s0+$0x136A0]  }
0x22b: {  	v12 =	vld [tilespmem:s0+$0xF6B0]  }
0x22c: {  	v13 =	vld [tilespmem:s0+$0x136B0]  }
0x22d: {  	v14 =	vld [tilespmem:s0+$0xF6C0]  }
0x22e: {  	v15 =	vld [tilespmem:s0+$0x136C0]  }
0x22f: {  	v16 =	vld [tilespmem:s0+$0xF6D0]  }
0x230: {  	v17 =	vld [tilespmem:s0+$0x136D0]  }
0x231: {  	v18 =	vld [tilespmem:s0+$0xF6E0]  }
0x232: {  	v19 =	vld [tilespmem:s0+$0x136E0]  }
0x233: {  	v20 =	vld [tilespmem:s0+$0xF6F0]  }
0x234: {  	v21 =	vld [tilespmem:s0+$0x136F0]  }
0x235: {  	v22 =	vld [tilespmem:s0+$0xFA80]  }
0x236: {  	v23 =	vld [tilespmem:s0+$0x13A80];
	v6 =	vmul.f32 v7, v6;
	v7 =	vmul.f32 v9, v8  }
0x237: {  	v24 =	vld [tilespmem:s0+$0xFA90]  }
0x238: {  	v25 =	vld [tilespmem:s0+$0x13A90];
	v6 =	vadd.f32 v7, v6;
	v7 =	vmul.f32 v11, v10  }
0x239: {  	s26 =	simm.s32 $0x100;
	v26 =	vld [tilespmem:s0+$0xFAA0]  }
0x23a: {  	s24 =	simm.s32 $0x80;
	s1 =	sand.u32 $0x800, s26;
	v49 =	vld [tilespmem:s0+$0x13AE0];
	v6 =	vadd.f32 v7, v6;
	v7 =	vmul.f32 v13, v12  }
0x23b: {  	s24 =	sand.u32 $0x380, s24;
	s1 =	sor.u32 s23, s1;
	v50 =	vld [tilespmem:s0+$0xFAF0]  }
0x23c: {  	v51 =	vld [tilespmem:s0+$0x13AF0];
	s25 =	sor.u32 s24, s1;
	v6 =	vadd.f32 v7, v6;
	v7 =	vmul.f32 v15, v14  }
0x23d: {  	v52 =	vld [tilespmem:s25+$0xF680]  }
0x23e: {  	v53 =	vld [tilespmem:s25+$0x13680];
	v6 =	vadd.f32 v7, v6;
	v7 =	vmul.f32 v17, v16  }
0x23f: {  	v54 =	vld [tilespmem:s25+$0xF690]  }
0x240: {  	v55 =	vld [tilespmem:s25+$0x13690];
	v6 =	vadd.f32 v7, v6;
	v7 =	vmul.f32 v19, v18  }
0x241: {  	v56 =	vld [tilespmem:s25+$0xF6A0]  }
0x242: {  	v57 =	vld [tilespmem:s25+$0x136A0];
	v6 =	vadd.f32 v7, v6;
	v7 =	vmul.f32 v21, v20  }
0x243: {  	v8 =	vld [tilespmem:s0+$0x13AA0]  }
0x244: {  	v9 =	vld [tilespmem:s0+$0xFAB0];
	v6 =	vadd.f32 v7, v6;
	v7 =	vmul.f32 v23, v22  }
0x245: {  	v10 =	vld [tilespmem:s0+$0x13AB0]  }
0x246: {  	v11 =	vld [tilespmem:s0+$0xFAC0];
	v6 =	vadd.f32 v7, v6;
	v7 =	vmul.f32 v25, v24  }
0x247: {  	v12 =	vld [tilespmem:s0+$0x13AC0]  }
0x248: {  	v13 =	vld [tilespmem:s0+$0xFAD0];
	v6 =	vadd.f32 v7, v6;
	v7 =	vmul.f32 v8, v26  }
0x249: {  	v14 =	vld [tilespmem:s0+$0x13AD0]  }
0x24a: {  	v58 =	vld [tilespmem:s25+$0xF6B0];
	v6 =	vadd.f32 v7, v6;
	v7 =	vmul.f32 v10, v9  }
0x24b: {  	v15 =	vld [tilespmem:s0+$0xFAE0]  }
0x24c: {  	v8 =	vld [tilespmem:s25+$0x136B0];
	v6 =	vadd.f32 v7, v6;
	v7 =	vmul.f32 v12, v11  }
0x24d: {  	v60 =	vld [tilespmem:s25+$0xF6C0];
	v59 =	vmul.f32 v55, v54;
	v19 =	vmul.f32 v53, v52  }
0x24e: {  	v9 =	vld [tilespmem:s25+$0x136C0];
	v6 =	vadd.f32 v7, v6;
	v7 =	vmul.f32 v14, v13  }
0x24f: {  	v62 =	vld [tilespmem:s25+$0xF6D0];
	v61 =	vmul.f32 v57, v56;
	v10 =	vadd.f32 v59, v19  }
0x250: {  	v11 =	vld [tilespmem:s25+$0x136D0];
	v6 =	vadd.f32 v7, v6;
	v7 =	vmul.f32 v49, v15  }
0x251: {  	v10 =	vadd.f32 v61, v10;
	v12 =	vld [tilespmem:s25+$0xF6E0];
	v8 =	vmul.f32 v8, v58  }
0x252: {  	v13 =	vld [tilespmem:s25+$0x136E0];
	v6 =	vadd.f32 v7, v6;
	v7 =	vmul.f32 v51, v50  }
0x253: {  	v14 =	vld [tilespmem:s25+$0x136F0];
	v8 =	vadd.f32 v8, v10;
	v9 =	vmul.f32 v9, v60  }
0x254: {  	v10 =	vld [tilespmem:s25+$0xF6F0];
	v6 =	vadd.f32 v7, v6  }
0x255: {  	v15 =	vld [tilespmem:s25+$0x13A80];
	v8 =	vadd.f32 v9, v8;
	v9 =	vmul.f32 v11, v62  }
0x256: {  	v11 =	vld [tilespmem:s25+$0xFA80];
	(xrf2) =	vadd.scan.msk.f32 $0xffff, v6  }
0x257: {  	v8 =	vadd.f32 v9, v8;
	v9 =	vmul.f32 v13, v12  }
0x258: {  	v12 =	vld [tilespmem:s25+$0xFA90]  }
0x259: {  	v7 =	vld [tilespmem:s25+$0x13A90];
	v8 =	vadd.f32 v9, v8;
	v9 =	vmul.f32 v14, v10  }
0x25a: {  	v13 =	vld [tilespmem:s25+$0x13AB0]  }
0x25b: {  	v8 =	vadd.f32 v9, v8;
	v9 =	vmul.f32 v15, v11;
	v11 =	vld [tilespmem:s25+$0xFAB0];
	_ =	sdelay $0x2  }
0x25c: {  	v8 =	vadd.f32 v9, v8;
	v7 =	vmul.f32 v7, v12;
	_ =	sdelay $0x1  }
0x25d: {  	v7 =	vadd.f32 v7, v8;
	v8 =	vmul.f32 v13, v11;
	v13, _, _ =	vpop (xrf2)  }
0x25e: {  	(v2sf) =	vpush v13, $0xF  }
0x25f: {  	v10 =	vld [tilespmem:s25+$0xFAA0]  }
0x260: {  	v6 =	vld [tilespmem:s25+$0x13AA0];
	_ =	sdelay $0x2  }
0x261: {  	v14 =	vld [tilespmem:s25+$0x13AC0]  }
0x262: {  	v12 =	vld [tilespmem:s25+$0xFAC0]  }
0x263: {  	v63 =	vld [tilespmem:s25+$0x13AD0];
	v6 =	vmul.f32 v6, v10  }
0x264: {  	v15 =	vld [tilespmem:s25+$0xFAD0]  }
0x265: {  	s29 =	simm.s32 $0x200;
	v9 =	vld [tilespmem:s25+$0x13AE0];
	v6 =	vadd.f32 v6, v7  }
0x266: {  	s30 =	simm.s32 $0x100;
	s24 =	sand.u32 $0x800, s29;
	v7 =	vld [tilespmem:s25+$0xFAE0]  }
0x267: {  	s26 =	sand.u32 $0x380, s30;
	s0 =	sor.u32 s23, s24;
	v10 =	vld [tilespmem:s25+$0x13AF0];
	v12 =	vmul.f32 v14, v12;
	v11 =	vadd.f32 v8, v6  }
0x268: {  	s31 =	simm.s32 $0x3;
	s28 =	sor.u32 s26, s0;
	v8 =	vld [tilespmem:s25+$0xFAF0]  }
0x269: {  	s24 =	simm.s32 $0x1;
	s26 =	simm.s32 $0x0;
	v6 =	vimm.f32 $0.0e+00;
	s25 =	simm.s32 $0x2;
	v13 =	vld [tilespmem:s28+$0xF680];
	v11 =	vadd.f32 v12, v11;
	v12 =	vmul.f32 v63, v15  }
.LBB2_12:
0x26a: {  	p1 =	sne.s32 s31, $0xF;
	v14 =	vld [tilespmem:s28+$0x13680]  }
0x26b: {  	v15 =	vld [tilespmem:s28+$0xF690];
	v11 =	vadd.f32 v12, v11;
	v7 =	vmul.f32 v9, v7;
	s0 =	spop (v2sf)  }
0x26c: {  	v12 =	vmov s26;
	s26 =	smov.u32 s24;
	s24 =	smov.u32 s25;
	v9 =	vld [tilespmem:s28+$0x13690];
	s0 =	smax.f32 s0, $9.999999970e-07  }
0x26d: {  	s25 =	smov.u32 s31;
	vm1 =	veq.s32 v12, v0;
	v16 =	vld [tilespmem:s28+$0xF6A0];
	v7 =	vadd.f32 v7, v11;
	v8 =	vmul.f32 v10, v8;
	s0 =	smin.f32 s0, $1.000000000e+00  }
0x26e: {  	v10 =	vld [tilespmem:s28+$0x136A0];
	v6 =	vsel vm1, s0, v6  }
0x26f: {  	v11 =	vld [tilespmem:s28+$0xF6B0];
	v7 =	vadd.f32 v8, v7  }
0x270: {  	v8 =	vld [tilespmem:s28+$0x136B0]  }
0x271: {  	v12 =	vmul.f32 v14, v13;
	v9 =	vmul.f32 v9, v15;
	v13 =	vld [tilespmem:s28+$0xF6C0];
	(xrf2) =	vadd.scan.msk.f32 $0xffff, v7  }
0x272: {  	v7 =	vld [tilespmem:s28+$0x136C0]  }
0x273: {  	v9 =	vadd.f32 v9, v12;
	v10 =	vmul.f32 v10, v16;
	v12 =	vld [tilespmem:s28+$0xF6D0]  }
0x274: {  	v14 =	vld [tilespmem:s28+$0x136D0]  }
0x275: {  	v9 =	vadd.f32 v10, v9;
	v8 =	vmul.f32 v8, v11;
	v10 =	vld [tilespmem:s28+$0xF6E0]  }
0x276: {  	v11 =	vld [tilespmem:s28+$0x136E0]  }
0x277: {  	v8 =	vadd.f32 v8, v9;
	v7 =	vmul.f32 v7, v13;
	v9 =	vld [tilespmem:s28+$0xF6F0]  }
0x278: {  	v13 =	vld [tilespmem:s28+$0x136F0]  }
0x279: {  	v7 =	vadd.f32 v7, v8;
	v8 =	vmul.f32 v14, v12;
	v12 =	vld [tilespmem:s28+$0xFA80]  }
0x27a: {  	v14 =	vld [tilespmem:s28+$0x13A80]  }
0x27b: {  	v7 =	vadd.f32 v8, v7;
	v8 =	vmul.f32 v11, v10;
	v10 =	vld [tilespmem:s28+$0xFA90];
	v11, _, _ =	vpop (xrf2)  }
0x27c: {  	v15 =	vld [tilespmem:s28+$0x13A90];
	(v2sf) =	vpush v11, $0xF  }
0x27d: {  	v7 =	vadd.f32 v8, v7;
	v8 =	vmul.f32 v13, v9;
	v9 =	vld [tilespmem:s28+$0xFAA0]  }
0x27e: {  	v11 =	vld [tilespmem:s28+$0x13AA0]  }
0x27f: {  	v7 =	vadd.f32 v8, v7;
	v8 =	vmul.f32 v14, v12;
	v12 =	vld [tilespmem:s28+$0xFAB0]  }
0x280: {  	v13 =	vld [tilespmem:s28+$0x13AB0]  }
0x281: {  	v7 =	vadd.f32 v8, v7;
	v8 =	vmul.f32 v15, v10;
	v10 =	vld [tilespmem:s28+$0xFAC0]  }
0x282: {  	v14 =	vld [tilespmem:s28+$0x13AC0]  }
0x283: {  	v7 =	vadd.f32 v8, v7;
	v8 =	vmul.f32 v11, v9;
	v15 =	vld [tilespmem:s28+$0xFAD0]  }
0x284: {  	v16 =	vld [tilespmem:s28+$0x13AD0]  }
.Ltmp6:
0x285: {  	s29 =	sadd.s32 $0x100, s29;
	v8 =	vadd.f32 v8, v7;
	v11 =	vmul.f32 v13, v12;
	v7 =	vld [tilespmem:s28+$0xFAE0];
	(pc) =	sbr.rel @p1 .LBB2_12-.Ltmp6, $4  }
0x286: {  	s30 =	sadd.s32 $0x80, s30;
	s0 =	sand.u32 $0x800, s29;
	v9 =	vld [tilespmem:s28+$0x13AE0]  }
0x287: {  	s1 =	sand.u32 $0x380, s30;
	s0 =	sor.u32 s23, s0;
	v11 =	vadd.f32 v11, v8;
	v12 =	vmul.f32 v14, v10;
	v8 =	vld [tilespmem:s28+$0xFAF0]  }
0x288: {  	v10 =	vld [tilespmem:s28+$0x13AF0];
	s28 =	sor.u32 s1, s0  }
0x289: {  	s31 =	sadd.s32 $0x1, s31;
	v13 =	vld [tilespmem:s28+$0xF680];
	v11 =	vadd.f32 v12, v11;
	v12 =	vmul.f32 v16, v15  }
0x28a: {  	v14 =	vld [tilespmem:s28+$0x13680]  }
0x28b: {  	v15 =	vld [tilespmem:s28+$0xF690]  }
0x28c: {  	v16 =	vld [tilespmem:s28+$0x13690]  }
0x28d: {  	v17 =	vld [tilespmem:s28+$0xF6A0]  }
0x28e: {  	v18 =	vld [tilespmem:s28+$0x136A0]  }
0x28f: {  	v19 =	vld [tilespmem:s28+$0xF6B0]  }
0x290: {  	v20 =	vld [tilespmem:s28+$0x136B0]  }
0x291: {  	v24 =	vld [tilespmem:s28+$0xF6C0];
	v13 =	vmul.f32 v14, v13;
	v23 =	vmul.f32 v16, v15  }
0x292: {  	v25 =	vld [tilespmem:s28+$0x136C0]  }
0x293: {  	v27 =	vld [tilespmem:s28+$0xF6D0];
	v26 =	vmul.f32 v18, v17;
	v13 =	vadd.f32 v23, v13  }
0x294: {  	v28 =	vld [tilespmem:s28+$0x136D0]  }
0x295: {  	v30 =	vld [tilespmem:s28+$0xF6E0];
	v29 =	vmul.f32 v20, v19;
	v13 =	vadd.f32 v26, v13  }
0x296: {  	v31 =	vld [tilespmem:s28+$0x136E0]  }
0x297: {  	v33 =	vld [tilespmem:s28+$0xF6F0];
	v32 =	vmul.f32 v25, v24;
	v13 =	vadd.f32 v29, v13  }
0x298: {  	v34 =	vld [tilespmem:s28+$0x136F0]  }
0x299: {  	v36 =	vld [tilespmem:s28+$0xFA80];
	v35 =	vmul.f32 v28, v27;
	v13 =	vadd.f32 v32, v13  }
0x29a: {  	v37 =	vld [tilespmem:s28+$0x13A80]  }
0x29b: {  	v39 =	vld [tilespmem:s28+$0xFA90];
	v38 =	vmul.f32 v31, v30;
	v13 =	vadd.f32 v35, v13  }
0x29c: {  	v40 =	vld [tilespmem:s28+$0x13A90]  }
0x29d: {  	v42 =	vld [tilespmem:s28+$0xFAA0];
	v41 =	vmul.f32 v34, v33;
	v13 =	vadd.f32 v38, v13  }
0x29e: {  	v43 =	vld [tilespmem:s28+$0x13AA0]  }
0x29f: {  	v45 =	vld [tilespmem:s28+$0xFAB0];
	v44 =	vmul.f32 v37, v36;
	v13 =	vadd.f32 v41, v13  }
0x2a0: {  	v46 =	vld [tilespmem:s28+$0x13AB0]  }
0x2a1: {  	v48 =	vld [tilespmem:s28+$0xFAC0];
	v47 =	vmul.f32 v40, v39;
	v13 =	vadd.f32 v44, v13  }
0x2a2: {  	v49 =	vld [tilespmem:s28+$0x13AC0]  }
0x2a3: {  	v51 =	vld [tilespmem:s28+$0xFAD0];
	v50 =	vmul.f32 v43, v42;
	v13 =	vadd.f32 v47, v13  }
0x2a4: {  	v52 =	vld [tilespmem:s28+$0x13AD0]  }
0x2a5: {  	v54 =	vld [tilespmem:s28+$0xFAE0];
	v53 =	vmul.f32 v46, v45;
	v13 =	vadd.f32 v50, v13  }
0x2a6: {  	v55 =	vld [tilespmem:s28+$0x13AE0]  }
0x2a7: {  	v57 =	vld [tilespmem:s28+$0xFAF0];
	v56 =	vmul.f32 v49, v48;
	v13 =	vadd.f32 v53, v13  }
0x2a8: {  	v58 =	vld [tilespmem:s28+$0x13AF0];
	v11 =	vadd.f32 v12, v11;
	v7 =	vmul.f32 v9, v7  }
0x2a9: {  	v59 =	vmul.f32 v52, v51;
	v13 =	vadd.f32 v56, v13  }
0x2aa: {  	v7 =	vadd.f32 v7, v11  }
0x2ab: {  	v8 =	vmul.f32 v10, v8;
	v61 =	vmul.f32 v55, v54;
	v60 =	vadd.f32 v59, v13;
	_ =	sdelay $0x1  }
0x2ac: {  	v62 =	vmul.f32 v58, v57;
	v7 =	vadd.f32 v8, v7;
	v9 =	vadd.f32 v61, v60;
	_ =	sdelay $0x1  }
0x2ad: {  	(xrf2) =	vadd.scan.msk.f32 $0xffff, v7;
	v63 =	vadd.f32 v62, v9;
	_ =	sdelay $0x1  }
0x2ae: {  	(xrf2) =	vadd.scan.msk.f32 $0xffff, v63;
	_ =	sdelay $0x7  }
0x2af: {  	v7, _, _ =	vpop (xrf2)  }
0x2b0: {  	(v2sf) =	vpush v7, $0xF  }
0x2b1: {  	v7, _, _ =	vpop (xrf2)  }
0x2b2: {  	(v2sf) =	vpush v7, $0xF;
	_ =	sdelay $0xb  }
0x2b3: {  	s29 =	sshll.u32 s22, $0x4;
	s0 =	spop (v2sf)  }
0x2b4: {  	s22 =	sadd.s32 $0x1, s22;
	s0 =	smax.f32 s0, $9.999999970e-07;
	s1 =	spop (v2sf)  }
0x2b5: {  	p1 =	sne.s32 s22, $0x4;
	s0 =	smin.f32 s0, $1.000000000e+00;
	s1 =	smax.f32 s1, $9.999999970e-07;
	v7 =	vmov s26  }
.Ltmp7:
0x2b6: {  	vm1 =	veq.s32 v7, v0;
	v7 =	vmov s24;
	s23 =	spop (v2sf);
	(pc) =	sbr.rel @p1 .LBB2_11-.Ltmp7, $4  }
0x2b7: {  	s26 =	smin.f32 s1, $1.000000000e+00;
	v6 =	vsel vm1, s0, v6;
	vm1 =	veq.s32 v7, v0;
	v7 =	vmov s25;
	s28 =	smax.f32 s23, $9.999999970e-07  }
0x2b8: {  	v6 =	vsel vm1, s26, v6;
	vm1 =	veq.s32 v7, v0;
	s30 =	smin.f32 s28, $1.000000000e+00  }
0x2b9: {  	s31 =	sand.u32 $0x3FFFFFF0, s29;
	v6 =	vsel vm1, s30, v6  }
0x2ba: {  	[tilespmem:s31+$0x17880] =	vst v6  }
0x2bb: {  	v6 =	vld [tilespmem:$0x17800];
	_ =	sdelay $0x5  }
0x2bc: {  	v7 =	vld [tilespmem:$0x17780]  }
0x2bd: {  	v8 =	vld [tilespmem:$0x17880]  }
0x2be: {  	v6 =	vld.idx.msk [tilespmem:v6+s4+$0x0], $0xffff;
	_ =	sdelay $0x4  }
0x2bf: {  	v6 =	vmul.f32 v8, v6;
	_ =	sdelay $0x1  }
0x2c0: {  	[tilespmem:$0x17900] =	vst v6  }
0x2c1: {  	[tilespmem:v7+s13+$0x0] =	vst.idx.add.f32.msk $0xffff, v6  }
0x2c2: {  	[tilespmem:v7+s14+$0x0] =	vst.idx.add.f32.msk $0xffff, v5  }
0x2c3: {  	v6 =	vld [tilespmem:$0x17810];
	_ =	sdelay $0x5  }
0x2c4: {  	v7 =	vld [tilespmem:$0x17790]  }
0x2c5: {  	v61 =	vld [tilespmem:$0x17890]  }
0x2c6: {  	v6 =	vld.idx.msk [tilespmem:v6+s4+$0x0], $0xffff;
	_ =	sdelay $0x4  }
0x2c7: {  	v6 =	vmul.f32 v61, v6;
	_ =	sdelay $0x1  }
0x2c8: {  	[tilespmem:$0x17910] =	vst v6  }
0x2c9: {  	[tilespmem:v7+s13+$0x0] =	vst.idx.add.f32.msk $0xffff, v6  }
0x2ca: {  	[tilespmem:v7+s14+$0x0] =	vst.idx.add.f32.msk $0xffff, v5  }
0x2cb: {  	v6 =	vld [tilespmem:$0x17820];
	_ =	sdelay $0x5  }
0x2cc: {  	v7 =	vld [tilespmem:$0x177A0]  }
0x2cd: {  	v62 =	vld [tilespmem:$0x178A0]  }
0x2ce: {  	v6 =	vld.idx.msk [tilespmem:v6+s4+$0x0], $0xffff;
	_ =	sdelay $0x4  }
0x2cf: {  	v6 =	vmul.f32 v62, v6;
	_ =	sdelay $0x1  }
0x2d0: {  	[tilespmem:$0x17920] =	vst v6  }
0x2d1: {  	[tilespmem:v7+s13+$0x0] =	vst.idx.add.f32.msk $0xffff, v6  }
0x2d2: {  	[tilespmem:v7+s14+$0x0] =	vst.idx.add.f32.msk $0xffff, v5  }
0x2d3: {  	v6 =	vld [tilespmem:$0x17830];
	_ =	sdelay $0x5  }
0x2d4: {  	v7 =	vld [tilespmem:$0x177B0]  }
0x2d5: {  	v63 =	vld [tilespmem:$0x178B0]  }
0x2d6: {  	v6 =	vld.idx.msk [tilespmem:v6+s4+$0x0], $0xffff;
	_ =	sdelay $0x4  }
0x2d7: {  	v6 =	vmul.f32 v63, v6;
	_ =	sdelay $0x1  }
0x2d8: {  	[tilespmem:$0x17930] =	vst v6  }
0x2d9: {  	[tilespmem:v7+s13+$0x0] =	vst.idx.add.f32.msk $0xffff, v6  }
0x2da: {  	s0 =	sadd.s32 s7, s20;
	[tilespmem:v7+s14+$0x0] =	vst.idx.add.f32.msk $0xffff, v5  }
0x2db: {  	[hbm4b:s0+s4] =	stream.linear.scatter [tilespmem:s15], [sflag:$0x5], $0x40, $0x38;
	[tilespmem:$0x17980] =	vst v63  }
0x2dc: {  	s18 =	sadd.s32 $0x1, s18;
	_ =	swait.ge [sflag:s19], $0x40  }
0x2dd: {  	p1 =	sne.s32 s18, $0x27;
	[sflag:s19] =	ssyncset.done $0x0  }
.Ltmp8:
0x2de: {  	s31 =	sadd.s32 s8, s20;
	[sflag:s19] =	ssyncadd.s32 $0xFFFFFFC0;
	(pc) =	sbr.rel @p1 .LBB2_4-.Ltmp8, $4  }
0x2df: {  	[hbm4b:s31+s4] =	stream.linear.scatter [tilespmem:s10], [sflag:$0x5], $0x40, $0x38;
	[tilespmem:$0x17980] =	vst v63  }
0x2e0: {  	_ =	swait.ge [sflag:s19], $0x40  }
0x2e1: {  	[sflag:s19] =	ssyncset.done $0x0  }
0x2e2: {  	[sflag:s19] =	ssyncadd.s32 $0xFFFFFFC0  }
.Ltmp9:
0x2e3: {  	(pc) =	sbr.rel @p0 .LBB2_21-.Ltmp9, $2  }
0x2e4: {  	_ =	sdelay $0x2  }
0x2e5: {  	s18 =	rddreg [dreg:$0xd]  }
0x2e6: {  	s17 =	simm.s32 $0x0;
	s0 =	rddreg [dreg:$0x6];
	s1 =	simm.s32 $0x17680  }
0x2e7: {  	[tilespmem:s1], [sflag:$0x5] =	stream.linear.gather [hbm4b:s0+s17], $0x40, $0x38;
	[tilespmem:$0x17980] =	vst v63  }
0x2e8: {  	_ =	swait.ge [sflag:s19], $0x40  }
0x2e9: {  	[sflag:s19] =	ssyncset.done $0x0  }
0x2ea: {  	s28 =	simm.s32 $0x17700;
	s26 =	rddreg [dreg:$0x7];
	[sflag:s19] =	ssyncadd.s32 $0xFFFFFFC0  }
0x2eb: {  	[tilespmem:s28], [sflag:$0x5] =	stream.linear.gather [hbm4b:s26+s17], $0x40, $0x38;
	[tilespmem:$0x17980] =	vst v63  }
0x2ec: {  	_ =	swait.ge [sflag:s19], $0x40  }
0x2ed: {  	[sflag:s19] =	ssyncset.done $0x0  }
0x2ee: {  	[sflag:s19] =	ssyncadd.s32 $0xFFFFFFC0  }
0x2ef: {  	v6 =	vld [tilespmem:$0x17680];
	_ =	sdelay $0x4  }
0x2f0: {  	v7 =	vshll.u32 v6, $0x1  }
0x2f1: {  	v6 =	vand.u32 $0x7, v6;
	v7 =	vand.u32 $0xFFFFFFF0, v7  }
0x2f2: {  	v6 =	vor.u32 v6, v7  }
0x2f3: {  	v7 =	vperm.xlane v6, v2;
	_ =	sdelay $0x1  }
0x2f4: {  	v6 =	vperm.xlane v6, v4;
	v7 =	vadd.s32 v3, v7;
	_ =	sdelay $0x1  }
0x2f5: {  	v6 =	vadd.s32 v3, v6;
	_ =	sdelay $0x1  }
0x2f6: {  	s29 =	simm.s32 $0x7680  }
0x2f7: {  	[tilespmem:s29], [sflag:$0x1] =	stream.indirect_vreg.gather [hbm4b:s2+s17], $0x80, v7, vm0, $0xb8;
	[tilespmem:$0x17980] =	vst v63  }
0x2f8: {  	s30 =	simm.s32 $0x7E80  }
0x2f9: {  	[tilespmem:s30], [sflag:$0x1] =	stream.indirect_vreg.gather [hbm4b:s2+s17], $0x80, v6, vm0, $0xb8;
	[tilespmem:$0x17980] =	vst v63  }
0x2fa: {  	v6 =	vld [tilespmem:$0x17690];
	_ =	sdelay $0x4  }
0x2fb: {  	v7 =	vshll.u32 v6, $0x1  }
0x2fc: {  	v6 =	vand.u32 $0x7, v6;
	v7 =	vand.u32 $0xFFFFFFF0, v7  }
0x2fd: {  	v6 =	vor.u32 v6, v7  }
0x2fe: {  	v7 =	vperm.xlane v6, v2;
	_ =	sdelay $0x1  }
0x2ff: {  	v6 =	vperm.xlane v6, v4;
	v7 =	vadd.s32 v3, v7;
	_ =	sdelay $0x1  }
0x300: {  	v6 =	vadd.s32 v3, v6;
	_ =	sdelay $0x1  }
0x301: {  	s31 =	simm.s32 $0x8680  }
0x302: {  	[tilespmem:s31], [sflag:$0x1] =	stream.indirect_vreg.gather [hbm4b:s2+s17], $0x80, v7, vm0, $0xb8;
	[tilespmem:$0x17980] =	vst v63  }
0x303: {  	s1 =	simm.s32 $0x8E80  }
0x304: {  	[tilespmem:s1], [sflag:$0x1] =	stream.indirect_vreg.gather [hbm4b:s2+s17], $0x80, v6, vm0, $0xb8;
	[tilespmem:$0x17980] =	vst v63  }
0x305: {  	v6 =	vld [tilespmem:$0x176A0];
	_ =	sdelay $0x4  }
0x306: {  	v7 =	vshll.u32 v6, $0x1  }
0x307: {  	v6 =	vand.u32 $0x7, v6;
	v7 =	vand.u32 $0xFFFFFFF0, v7  }
0x308: {  	v6 =	vor.u32 v6, v7  }
0x309: {  	v7 =	vperm.xlane v6, v2;
	_ =	sdelay $0x1  }
0x30a: {  	v6 =	vperm.xlane v6, v4;
	v7 =	vadd.s32 v3, v7;
	_ =	sdelay $0x1  }
0x30b: {  	v6 =	vadd.s32 v3, v6;
	_ =	sdelay $0x1  }
0x30c: {  	s18 =	simm.s32 $0x9680  }
0x30d: {  	[tilespmem:s18], [sflag:$0x1] =	stream.indirect_vreg.gather [hbm4b:s2+s17], $0x80, v7, vm0, $0xb8;
	[tilespmem:$0x17980] =	vst v63  }
0x30e: {  	s20 =	simm.s32 $0x9E80  }
0x30f: {  	[tilespmem:s20], [sflag:$0x1] =	stream.indirect_vreg.gather [hbm4b:s2+s17], $0x80, v6, vm0, $0xb8;
	[tilespmem:$0x17980] =	vst v63  }
0x310: {  	v6 =	vld [tilespmem:$0x176B0];
	_ =	sdelay $0x4  }
0x311: {  	v7 =	vshll.u32 v6, $0x1  }
0x312: {  	v6 =	vand.u32 $0x7, v6;
	v7 =	vand.u32 $0xFFFFFFF0, v7  }
0x313: {  	v6 =	vor.u32 v6, v7  }
0x314: {  	v7 =	vperm.xlane v6, v2;
	_ =	sdelay $0x1  }
0x315: {  	v6 =	vperm.xlane v6, v4;
	v7 =	vadd.s32 v3, v7;
	_ =	sdelay $0x1  }
0x316: {  	v6 =	vadd.s32 v3, v6;
	_ =	sdelay $0x1  }
0x317: {  	s21 =	simm.s32 $0xA680  }
0x318: {  	[tilespmem:s21], [sflag:$0x1] =	stream.indirect_vreg.gather [hbm4b:s2+s17], $0x80, v7, vm0, $0xb8;
	[tilespmem:$0x17980] =	vst v63  }
0x319: {  	s22 =	simm.s32 $0xAE80  }
0x31a: {  	[tilespmem:s22], [sflag:$0x1] =	stream.indirect_vreg.gather [hbm4b:s2+s17], $0x80, v6, vm0, $0xb8;
	[tilespmem:$0x17980] =	vst v63  }
0x31b: {  	v6 =	vld [tilespmem:$0x17700];
	_ =	sdelay $0x4  }
0x31c: {  	v7 =	vshll.u32 v6, $0x1  }
0x31d: {  	v6 =	vand.u32 $0x7, v6;
	v7 =	vand.u32 $0xFFFFFFF0, v7  }
0x31e: {  	v6 =	vor.u32 v6, v7  }
0x31f: {  	v7 =	vperm.xlane v6, v2;
	_ =	sdelay $0x1  }
0x320: {  	v6 =	vperm.xlane v6, v4;
	v7 =	vadd.s32 v3, v7;
	_ =	sdelay $0x1  }
0x321: {  	v6 =	vadd.s32 v3, v6;
	_ =	sdelay $0x1  }
0x322: {  	s23 =	simm.s32 $0xB680  }
0x323: {  	[tilespmem:s23], [sflag:$0x2] =	stream.indirect_vreg.gather [hbm4b:s2+s17], $0x80, v7, vm0, $0xb8;
	[tilespmem:$0x17980] =	vst v63  }
0x324: {  	s24 =	simm.s32 $0xBE80  }
0x325: {  	[tilespmem:s24], [sflag:$0x2] =	stream.indirect_vreg.gather [hbm4b:s2+s17], $0x80, v6, vm0, $0xb8;
	[tilespmem:$0x17980] =	vst v63  }
0x326: {  	v6 =	vld [tilespmem:$0x17710];
	_ =	sdelay $0x4  }
0x327: {  	v7 =	vshll.u32 v6, $0x1  }
0x328: {  	v6 =	vand.u32 $0x7, v6;
	v7 =	vand.u32 $0xFFFFFFF0, v7  }
0x329: {  	v6 =	vor.u32 v6, v7  }
0x32a: {  	v7 =	vperm.xlane v6, v2;
	_ =	sdelay $0x1  }
0x32b: {  	v6 =	vperm.xlane v6, v4;
	v7 =	vadd.s32 v3, v7;
	_ =	sdelay $0x1  }
0x32c: {  	v6 =	vadd.s32 v3, v6;
	_ =	sdelay $0x1  }
0x32d: {  	s25 =	simm.s32 $0xC680  }
0x32e: {  	[tilespmem:s25], [sflag:$0x2] =	stream.indirect_vreg.gather [hbm4b:s2+s17], $0x80, v7, vm0, $0xb8;
	[tilespmem:$0x17980] =	vst v63  }
0x32f: {  	s26 =	simm.s32 $0xCE80  }
0x330: {  	[tilespmem:s26], [sflag:$0x2] =	stream.indirect_vreg.gather [hbm4b:s2+s17], $0x80, v6, vm0, $0xb8;
	[tilespmem:$0x17980] =	vst v63  }
0x331: {  	v6 =	vld [tilespmem:$0x17720];
	_ =	sdelay $0x4  }
0x332: {  	v7 =	vshll.u32 v6, $0x1  }
0x333: {  	v6 =	vand.u32 $0x7, v6;
	v7 =	vand.u32 $0xFFFFFFF0, v7  }
0x334: {  	v6 =	vor.u32 v6, v7  }
0x335: {  	v7 =	vperm.xlane v6, v2;
	_ =	sdelay $0x1  }
0x336: {  	v6 =	vperm.xlane v6, v4;
	v7 =	vadd.s32 v3, v7;
	_ =	sdelay $0x1  }
0x337: {  	v6 =	vadd.s32 v3, v6;
	_ =	sdelay $0x1  }
0x338: {  	s28 =	simm.s32 $0xD680  }
0x339: {  	[tilespmem:s28], [sflag:$0x2] =	stream.indirect_vreg.gather [hbm4b:s2+s17], $0x80, v7, vm0, $0xb8;
	[tilespmem:$0x17980] =	vst v63  }
0x33a: {  	s29 =	simm.s32 $0xDE80  }
0x33b: {  	[tilespmem:s29], [sflag:$0x2] =	stream.indirect_vreg.gather [hbm4b:s2+s17], $0x80, v6, vm0, $0xb8;
	[tilespmem:$0x17980] =	vst v63  }
0x33c: {  	v6 =	vld [tilespmem:$0x17730];
	_ =	sdelay $0x4  }
0x33d: {  	v7 =	vshll.u32 v6, $0x1  }
0x33e: {  	v6 =	vand.u32 $0x7, v6;
	v7 =	vand.u32 $0xFFFFFFF0, v7  }
0x33f: {  	v6 =	vor.u32 v6, v7  }
0x340: {  	v7 =	vperm.xlane v6, v2;
	_ =	sdelay $0x1  }
0x341: {  	v6 =	vperm.xlane v6, v4;
	v7 =	vadd.s32 v3, v7;
	_ =	sdelay $0x1  }
0x342: {  	v6 =	vadd.s32 v3, v6;
	_ =	sdelay $0x1  }
0x343: {  	s30 =	simm.s32 $0xE680  }
0x344: {  	[tilespmem:s30], [sflag:$0x2] =	stream.indirect_vreg.gather [hbm4b:s2+s17], $0x80, v7, vm0, $0xb8;
	[tilespmem:$0x17980] =	vst v63  }
0x345: {  	s31 =	simm.s32 $0xEE80  }
0x346: {  	[tilespmem:s31], [sflag:$0x2] =	stream.indirect_vreg.gather [hbm4b:s2+s17], $0x80, v6, vm0, $0xb8;
	[tilespmem:$0x17980] =	vst v63  }
0x347: {  	_ =	swait.ge [sflag:s3], $0x4000  }
0x348: {  	[sflag:s3] =	ssyncset.done $0x0  }
0x349: {  	[sflag:s3] =	ssyncadd.s32 $0xFFFFC000  }
0x34a: {  	_ =	swait.ge [sflag:s12], $0x4000  }
0x34b: {  	[sflag:s12] =	ssyncset.done $0x0  }
0x34c: {  	s18 =	simm.s32 $0x0;
	[sflag:s12] =	ssyncadd.s32 $0xFFFFC000  }
.LBB2_17:
0x34d: {  	s20 =	sshll.u32 s18, $0xC;
	s0 =	sand.u32 $0x800, s17  }
0x34e: {  	s1 =	sand.u32 $0x380, s17;
	s0 =	sor.u32 s20, s0  }
0x34f: {  	s0 =	sor.u32 s1, s0  }
0x350: {  	v6 =	vld [tilespmem:s0+$0x7680]  }
0x351: {  	v7 =	vld [tilespmem:s0+$0xB680]  }
0x352: {  	v8 =	vld [tilespmem:s0+$0x7690]  }
0x353: {  	v9 =	vld [tilespmem:s0+$0xB690]  }
0x354: {  	v10 =	vld [tilespmem:s0+$0x76A0]  }
0x355: {  	v11 =	vld [tilespmem:s0+$0xB6A0]  }
0x356: {  	v12 =	vld [tilespmem:s0+$0x76B0]  }
0x357: {  	v13 =	vld [tilespmem:s0+$0xB6B0]  }
0x358: {  	v14 =	vld [tilespmem:s0+$0x76C0]  }
0x359: {  	v15 =	vld [tilespmem:s0+$0xB6C0]  }
0x35a: {  	v16 =	vld [tilespmem:s0+$0x76D0]  }
0x35b: {  	v17 =	vld [tilespmem:s0+$0xB6D0]  }
0x35c: {  	v18 =	vld [tilespmem:s0+$0x76E0]  }
0x35d: {  	v19 =	vld [tilespmem:s0+$0xB6E0]  }
0x35e: {  	v20 =	vld [tilespmem:s0+$0x76F0]  }
0x35f: {  	v21 =	vld [tilespmem:s0+$0xB6F0]  }
0x360: {  	v22 =	vld [tilespmem:s0+$0x7A80]  }
0x361: {  	v23 =	vld [tilespmem:s0+$0xBA80];
	v6 =	vmul.f32 v7, v6;
	v7 =	vmul.f32 v9, v8  }
0x362: {  	v24 =	vld [tilespmem:s0+$0x7A90]  }
0x363: {  	v25 =	vld [tilespmem:s0+$0xBA90];
	v6 =	vadd.f32 v7, v6;
	v7 =	vmul.f32 v11, v10  }
0x364: {  	s29 =	simm.s32 $0x100;
	v26 =	vld [tilespmem:s0+$0x7AA0]  }
0x365: {  	s21 =	simm.s32 $0x80;
	s1 =	sand.u32 $0x800, s29;
	v49 =	vld [tilespmem:s0+$0xBAE0];
	v6 =	vadd.f32 v7, v6;
	v7 =	vmul.f32 v13, v12  }
0x366: {  	s21 =	sand.u32 $0x380, s21;
	s1 =	sor.u32 s20, s1;
	v50 =	vld [tilespmem:s0+$0x7AF0]  }
0x367: {  	v51 =	vld [tilespmem:s0+$0xBAF0];
	s22 =	sor.u32 s21, s1;
	v6 =	vadd.f32 v7, v6;
	v7 =	vmul.f32 v15, v14  }
0x368: {  	v52 =	vld [tilespmem:s22+$0x7680]  }
0x369: {  	v53 =	vld [tilespmem:s22+$0xB680];
	v6 =	vadd.f32 v7, v6;
	v7 =	vmul.f32 v17, v16  }
0x36a: {  	v54 =	vld [tilespmem:s22+$0x7690]  }
0x36b: {  	v55 =	vld [tilespmem:s22+$0xB690];
	v6 =	vadd.f32 v7, v6;
	v7 =	vmul.f32 v19, v18  }
0x36c: {  	v56 =	vld [tilespmem:s22+$0x76A0]  }
0x36d: {  	v57 =	vld [tilespmem:s22+$0xB6A0];
	v6 =	vadd.f32 v7, v6;
	v7 =	vmul.f32 v21, v20  }
0x36e: {  	v8 =	vld [tilespmem:s0+$0xBAA0]  }
0x36f: {  	v9 =	vld [tilespmem:s0+$0x7AB0];
	v6 =	vadd.f32 v7, v6;
	v7 =	vmul.f32 v23, v22  }
0x370: {  	v10 =	vld [tilespmem:s0+$0xBAB0]  }
0x371: {  	v11 =	vld [tilespmem:s0+$0x7AC0];
	v6 =	vadd.f32 v7, v6;
	v7 =	vmul.f32 v25, v24  }
0x372: {  	v12 =	vld [tilespmem:s0+$0xBAC0]  }
0x373: {  	v13 =	vld [tilespmem:s0+$0x7AD0];
	v6 =	vadd.f32 v7, v6;
	v7 =	vmul.f32 v8, v26  }
0x374: {  	v14 =	vld [tilespmem:s0+$0xBAD0]  }
0x375: {  	v58 =	vld [tilespmem:s22+$0x76B0];
	v6 =	vadd.f32 v7, v6;
	v7 =	vmul.f32 v10, v9  }
0x376: {  	v15 =	vld [tilespmem:s0+$0x7AE0]  }
0x377: {  	v8 =	vld [tilespmem:s22+$0xB6B0];
	v6 =	vadd.f32 v7, v6;
	v7 =	vmul.f32 v12, v11  }
0x378: {  	v60 =	vld [tilespmem:s22+$0x76C0];
	v59 =	vmul.f32 v55, v54;
	v19 =	vmul.f32 v53, v52  }
0x379: {  	v9 =	vld [tilespmem:s22+$0xB6C0];
	v6 =	vadd.f32 v7, v6;
	v7 =	vmul.f32 v14, v13  }
0x37a: {  	v62 =	vld [tilespmem:s22+$0x76D0];
	v61 =	vmul.f32 v57, v56;
	v10 =	vadd.f32 v59, v19  }
0x37b: {  	v11 =	vld [tilespmem:s22+$0xB6D0];
	v6 =	vadd.f32 v7, v6;
	v7 =	vmul.f32 v49, v15  }
0x37c: {  	v10 =	vadd.f32 v61, v10;
	v12 =	vld [tilespmem:s22+$0x76E0];
	v8 =	vmul.f32 v8, v58  }
0x37d: {  	v13 =	vld [tilespmem:s22+$0xB6E0];
	v6 =	vadd.f32 v7, v6;
	v7 =	vmul.f32 v51, v50  }
0x37e: {  	v14 =	vld [tilespmem:s22+$0xB6F0];
	v8 =	vadd.f32 v8, v10;
	v9 =	vmul.f32 v9, v60  }
0x37f: {  	v10 =	vld [tilespmem:s22+$0x76F0];
	v6 =	vadd.f32 v7, v6  }
0x380: {  	v15 =	vld [tilespmem:s22+$0xBA80];
	v8 =	vadd.f32 v9, v8;
	v9 =	vmul.f32 v11, v62  }
0x381: {  	v11 =	vld [tilespmem:s22+$0x7A80];
	(xrf2) =	vadd.scan.msk.f32 $0xffff, v6  }
0x382: {  	v8 =	vadd.f32 v9, v8;
	v9 =	vmul.f32 v13, v12  }
0x383: {  	v12 =	vld [tilespmem:s22+$0x7A90]  }
0x384: {  	v7 =	vld [tilespmem:s22+$0xBA90];
	v8 =	vadd.f32 v9, v8;
	v9 =	vmul.f32 v14, v10  }
0x385: {  	v13 =	vld [tilespmem:s22+$0xBAB0]  }
0x386: {  	v8 =	vadd.f32 v9, v8;
	v9 =	vmul.f32 v15, v11;
	v11 =	vld [tilespmem:s22+$0x7AB0];
	_ =	sdelay $0x2  }
0x387: {  	v8 =	vadd.f32 v9, v8;
	v7 =	vmul.f32 v7, v12;
	_ =	sdelay $0x1  }
0x388: {  	v7 =	vadd.f32 v7, v8;
	v8 =	vmul.f32 v13, v11;
	v13, _, _ =	vpop (xrf2)  }
0x389: {  	(v2sf) =	vpush v13, $0xF  }
0x38a: {  	v10 =	vld [tilespmem:s22+$0x7AA0]  }
0x38b: {  	v6 =	vld [tilespmem:s22+$0xBAA0];
	_ =	sdelay $0x2  }
0x38c: {  	v14 =	vld [tilespmem:s22+$0xBAC0]  }
0x38d: {  	v12 =	vld [tilespmem:s22+$0x7AC0]  }
0x38e: {  	v63 =	vld [tilespmem:s22+$0xBAD0];
	v6 =	vmul.f32 v6, v10  }
0x38f: {  	v15 =	vld [tilespmem:s22+$0x7AD0]  }
0x390: {  	s25 =	simm.s32 $0x200;
	v9 =	vld [tilespmem:s22+$0xBAE0];
	v6 =	vadd.f32 v6, v7  }
0x391: {  	s26 =	simm.s32 $0x100;
	s30 =	sand.u32 $0x800, s25;
	v7 =	vld [tilespmem:s22+$0x7AE0]  }
0x392: {  	s31 =	sand.u32 $0x380, s26;
	s0 =	sor.u32 s20, s30;
	v10 =	vld [tilespmem:s22+$0xBAF0];
	v12 =	vmul.f32 v14, v12;
	v11 =	vadd.f32 v8, v6  }
0x393: {  	s28 =	simm.s32 $0x3;
	s24 =	sor.u32 s31, s0;
	v8 =	vld [tilespmem:s22+$0x7AF0]  }
0x394: {  	s23 =	simm.s32 $0x0;
	s21 =	simm.s32 $0x1;
	v6 =	vimm.f32 $0.0e+00;
	s22 =	simm.s32 $0x2;
	v13 =	vld [tilespmem:s24+$0x7680];
	v11 =	vadd.f32 v12, v11;
	v12 =	vmul.f32 v63, v15  }
.LBB2_18:
0x395: {  	p1 =	sne.s32 s28, $0xF;
	v14 =	vld [tilespmem:s24+$0xB680]  }
0x396: {  	v15 =	vld [tilespmem:s24+$0x7690];
	v11 =	vadd.f32 v12, v11;
	v7 =	vmul.f32 v9, v7;
	s0 =	spop (v2sf)  }
0x397: {  	v12 =	vmov s23;
	s23 =	smov.u32 s21;
	s21 =	smov.u32 s22;
	v9 =	vld [tilespmem:s24+$0xB690];
	s0 =	smax.f32 s0, $9.999999970e-07  }
0x398: {  	s22 =	smov.u32 s28;
	vm1 =	veq.s32 v12, v0;
	v16 =	vld [tilespmem:s24+$0x76A0];
	v7 =	vadd.f32 v7, v11;
	v8 =	vmul.f32 v10, v8;
	s0 =	smin.f32 s0, $1.000000000e+00  }
0x399: {  	v10 =	vld [tilespmem:s24+$0xB6A0];
	v6 =	vsel vm1, s0, v6  }
0x39a: {  	v11 =	vld [tilespmem:s24+$0x76B0];
	v7 =	vadd.f32 v8, v7  }
0x39b: {  	v8 =	vld [tilespmem:s24+$0xB6B0]  }
0x39c: {  	v12 =	vmul.f32 v14, v13;
	v9 =	vmul.f32 v9, v15;
	v13 =	vld [tilespmem:s24+$0x76C0];
	(xrf2) =	vadd.scan.msk.f32 $0xffff, v7  }
0x39d: {  	v7 =	vld [tilespmem:s24+$0xB6C0]  }
0x39e: {  	v9 =	vadd.f32 v9, v12;
	v10 =	vmul.f32 v10, v16;
	v12 =	vld [tilespmem:s24+$0x76D0]  }
0x39f: {  	v14 =	vld [tilespmem:s24+$0xB6D0]  }
0x3a0: {  	v9 =	vadd.f32 v10, v9;
	v8 =	vmul.f32 v8, v11;
	v10 =	vld [tilespmem:s24+$0x76E0]  }
0x3a1: {  	v11 =	vld [tilespmem:s24+$0xB6E0]  }
0x3a2: {  	v8 =	vadd.f32 v8, v9;
	v7 =	vmul.f32 v7, v13;
	v9 =	vld [tilespmem:s24+$0x76F0]  }
0x3a3: {  	v13 =	vld [tilespmem:s24+$0xB6F0]  }
0x3a4: {  	v7 =	vadd.f32 v7, v8;
	v8 =	vmul.f32 v14, v12;
	v12 =	vld [tilespmem:s24+$0x7A80]  }
0x3a5: {  	v14 =	vld [tilespmem:s24+$0xBA80]  }
0x3a6: {  	v7 =	vadd.f32 v8, v7;
	v8 =	vmul.f32 v11, v10;
	v10 =	vld [tilespmem:s24+$0x7A90];
	v11, _, _ =	vpop (xrf2)  }
0x3a7: {  	v15 =	vld [tilespmem:s24+$0xBA90];
	(v2sf) =	vpush v11, $0xF  }
0x3a8: {  	v7 =	vadd.f32 v8, v7;
	v8 =	vmul.f32 v13, v9;
	v9 =	vld [tilespmem:s24+$0x7AA0]  }
0x3a9: {  	v11 =	vld [tilespmem:s24+$0xBAA0]  }
0x3aa: {  	v7 =	vadd.f32 v8, v7;
	v8 =	vmul.f32 v14, v12;
	v12 =	vld [tilespmem:s24+$0x7AB0]  }
0x3ab: {  	v13 =	vld [tilespmem:s24+$0xBAB0]  }
0x3ac: {  	v7 =	vadd.f32 v8, v7;
	v8 =	vmul.f32 v15, v10;
	v10 =	vld [tilespmem:s24+$0x7AC0]  }
0x3ad: {  	v14 =	vld [tilespmem:s24+$0xBAC0]  }
0x3ae: {  	v7 =	vadd.f32 v8, v7;
	v8 =	vmul.f32 v11, v9;
	v15 =	vld [tilespmem:s24+$0x7AD0]  }
0x3af: {  	v16 =	vld [tilespmem:s24+$0xBAD0]  }
.Ltmp10:
0x3b0: {  	s25 =	sadd.s32 $0x100, s25;
	v8 =	vadd.f32 v8, v7;
	v11 =	vmul.f32 v13, v12;
	v7 =	vld [tilespmem:s24+$0x7AE0];
	(pc) =	sbr.rel @p1 .LBB2_18-.Ltmp10, $4  }
0x3b1: {  	s26 =	sadd.s32 $0x80, s26;
	s0 =	sand.u32 $0x800, s25;
	v9 =	vld [tilespmem:s24+$0xBAE0]  }
0x3b2: {  	s1 =	sand.u32 $0x380, s26;
	s0 =	sor.u32 s20, s0;
	v11 =	vadd.f32 v11, v8;
	v12 =	vmul.f32 v14, v10;
	v8 =	vld [tilespmem:s24+$0x7AF0]  }
0x3b3: {  	v10 =	vld [tilespmem:s24+$0xBAF0];
	s24 =	sor.u32 s1, s0  }
0x3b4: {  	s28 =	sadd.s32 $0x1, s28;
	v13 =	vld [tilespmem:s24+$0x7680];
	v11 =	vadd.f32 v12, v11;
	v12 =	vmul.f32 v16, v15  }
0x3b5: {  	v14 =	vld [tilespmem:s24+$0xB680]  }
0x3b6: {  	v15 =	vld [tilespmem:s24+$0x7690]  }
0x3b7: {  	v16 =	vld [tilespmem:s24+$0xB690]  }
0x3b8: {  	v17 =	vld [tilespmem:s24+$0x76A0]  }
0x3b9: {  	v18 =	vld [tilespmem:s24+$0xB6A0]  }
0x3ba: {  	v19 =	vld [tilespmem:s24+$0x76B0]  }
0x3bb: {  	v20 =	vld [tilespmem:s24+$0xB6B0]  }
0x3bc: {  	v24 =	vld [tilespmem:s24+$0x76C0];
	v13 =	vmul.f32 v14, v13;
	v23 =	vmul.f32 v16, v15  }
0x3bd: {  	v25 =	vld [tilespmem:s24+$0xB6C0]  }
0x3be: {  	v27 =	vld [tilespmem:s24+$0x76D0];
	v26 =	vmul.f32 v18, v17;
	v13 =	vadd.f32 v23, v13  }
0x3bf: {  	v28 =	vld [tilespmem:s24+$0xB6D0]  }
0x3c0: {  	v30 =	vld [tilespmem:s24+$0x76E0];
	v29 =	vmul.f32 v20, v19;
	v13 =	vadd.f32 v26, v13  }
0x3c1: {  	v31 =	vld [tilespmem:s24+$0xB6E0]  }
0x3c2: {  	v33 =	vld [tilespmem:s24+$0x76F0];
	v32 =	vmul.f32 v25, v24;
	v13 =	vadd.f32 v29, v13  }
0x3c3: {  	v34 =	vld [tilespmem:s24+$0xB6F0]  }
0x3c4: {  	v36 =	vld [tilespmem:s24+$0x7A80];
	v35 =	vmul.f32 v28, v27;
	v13 =	vadd.f32 v32, v13  }
0x3c5: {  	v37 =	vld [tilespmem:s24+$0xBA80]  }
0x3c6: {  	v39 =	vld [tilespmem:s24+$0x7A90];
	v38 =	vmul.f32 v31, v30;
	v13 =	vadd.f32 v35, v13  }
0x3c7: {  	v40 =	vld [tilespmem:s24+$0xBA90]  }
0x3c8: {  	v42 =	vld [tilespmem:s24+$0x7AA0];
	v41 =	vmul.f32 v34, v33;
	v13 =	vadd.f32 v38, v13  }
0x3c9: {  	v43 =	vld [tilespmem:s24+$0xBAA0]  }
0x3ca: {  	v45 =	vld [tilespmem:s24+$0x7AB0];
	v44 =	vmul.f32 v37, v36;
	v13 =	vadd.f32 v41, v13  }
0x3cb: {  	v46 =	vld [tilespmem:s24+$0xBAB0]  }
0x3cc: {  	v48 =	vld [tilespmem:s24+$0x7AC0];
	v47 =	vmul.f32 v40, v39;
	v13 =	vadd.f32 v44, v13  }
0x3cd: {  	v49 =	vld [tilespmem:s24+$0xBAC0]  }
0x3ce: {  	v51 =	vld [tilespmem:s24+$0x7AD0];
	v50 =	vmul.f32 v43, v42;
	v13 =	vadd.f32 v47, v13  }
0x3cf: {  	v52 =	vld [tilespmem:s24+$0xBAD0]  }
0x3d0: {  	v54 =	vld [tilespmem:s24+$0x7AE0];
	v53 =	vmul.f32 v46, v45;
	v13 =	vadd.f32 v50, v13  }
0x3d1: {  	v55 =	vld [tilespmem:s24+$0xBAE0]  }
0x3d2: {  	v57 =	vld [tilespmem:s24+$0x7AF0];
	v56 =	vmul.f32 v49, v48;
	v13 =	vadd.f32 v53, v13  }
0x3d3: {  	v58 =	vld [tilespmem:s24+$0xBAF0];
	v11 =	vadd.f32 v12, v11;
	v7 =	vmul.f32 v9, v7  }
0x3d4: {  	v59 =	vmul.f32 v52, v51;
	v13 =	vadd.f32 v56, v13  }
0x3d5: {  	v7 =	vadd.f32 v7, v11  }
0x3d6: {  	v8 =	vmul.f32 v10, v8;
	v61 =	vmul.f32 v55, v54;
	v60 =	vadd.f32 v59, v13;
	_ =	sdelay $0x1  }
0x3d7: {  	v62 =	vmul.f32 v58, v57;
	v7 =	vadd.f32 v8, v7;
	v9 =	vadd.f32 v61, v60;
	_ =	sdelay $0x1  }
0x3d8: {  	(xrf2) =	vadd.scan.msk.f32 $0xffff, v7;
	v63 =	vadd.f32 v62, v9;
	_ =	sdelay $0x1  }
0x3d9: {  	(xrf2) =	vadd.scan.msk.f32 $0xffff, v63;
	_ =	sdelay $0x7  }
0x3da: {  	v7, _, _ =	vpop (xrf2)  }
0x3db: {  	(v2sf) =	vpush v7, $0xF  }
0x3dc: {  	v7, _, _ =	vpop (xrf2)  }
0x3dd: {  	(v2sf) =	vpush v7, $0xF;
	_ =	sdelay $0xb  }
0x3de: {  	s29 =	sshll.u32 s18, $0x4;
	s0 =	spop (v2sf)  }
0x3df: {  	s18 =	sadd.s32 $0x1, s18;
	s0 =	smax.f32 s0, $9.999999970e-07;
	s1 =	spop (v2sf)  }
0x3e0: {  	p1 =	sne.s32 s18, $0x4;
	s0 =	smin.f32 s0, $1.000000000e+00;
	s1 =	smax.f32 s1, $9.999999970e-07;
	v7 =	vmov s23  }
.Ltmp11:
0x3e1: {  	vm1 =	veq.s32 v7, v0;
	v7 =	vmov s21;
	s20 =	spop (v2sf);
	(pc) =	sbr.rel @p1 .LBB2_17-.Ltmp11, $4  }
0x3e2: {  	s26 =	smin.f32 s1, $1.000000000e+00;
	v6 =	vsel vm1, s0, v6;
	vm1 =	veq.s32 v7, v0;
	v7 =	vmov s22;
	s28 =	smax.f32 s20, $9.999999970e-07  }
0x3e3: {  	v6 =	vsel vm1, s26, v6;
	vm1 =	veq.s32 v7, v0;
	s30 =	smin.f32 s28, $1.000000000e+00  }
0x3e4: {  	s31 =	sand.u32 $0x3FFFFFF0, s29;
	v6 =	vsel vm1, s30, v6  }
0x3e5: {  	[tilespmem:s31+$0x17880] =	vst v6  }
0x3e6: {  	v6 =	vld [tilespmem:$0x17700];
	_ =	sdelay $0x5  }
0x3e7: {  	v7 =	vld [tilespmem:$0x17680]  }
0x3e8: {  	v8 =	vld [tilespmem:$0x17880]  }
0x3e9: {  	v6 =	vld.idx.msk [tilespmem:v6+s4+$0x0], $0xffff;
	_ =	sdelay $0x4  }
0x3ea: {  	v6 =	vmul.f32 v8, v6;
	_ =	sdelay $0x1  }
0x3eb: {  	[tilespmem:$0x17900] =	vst v6  }
0x3ec: {  	[tilespmem:v7+s13+$0x0] =	vst.idx.add.f32.msk $0xffff, v6  }
0x3ed: {  	[tilespmem:v7+s14+$0x0] =	vst.idx.add.f32.msk $0xffff, v5  }
0x3ee: {  	v6 =	vld [tilespmem:$0x17710];
	_ =	sdelay $0x5  }
0x3ef: {  	v7 =	vld [tilespmem:$0x17690]  }
0x3f0: {  	v61 =	vld [tilespmem:$0x17890]  }
0x3f1: {  	v6 =	vld.idx.msk [tilespmem:v6+s4+$0x0], $0xffff;
	_ =	sdelay $0x4  }
0x3f2: {  	v6 =	vmul.f32 v61, v6;
	_ =	sdelay $0x1  }
0x3f3: {  	[tilespmem:$0x17910] =	vst v6  }
0x3f4: {  	[tilespmem:v7+s13+$0x0] =	vst.idx.add.f32.msk $0xffff, v6  }
0x3f5: {  	[tilespmem:v7+s14+$0x0] =	vst.idx.add.f32.msk $0xffff, v5  }
0x3f6: {  	v6 =	vld [tilespmem:$0x17720];
	_ =	sdelay $0x5  }
0x3f7: {  	v7 =	vld [tilespmem:$0x176A0]  }
0x3f8: {  	v62 =	vld [tilespmem:$0x178A0]  }
0x3f9: {  	v6 =	vld.idx.msk [tilespmem:v6+s4+$0x0], $0xffff;
	_ =	sdelay $0x4  }
0x3fa: {  	v6 =	vmul.f32 v62, v6;
	_ =	sdelay $0x1  }
0x3fb: {  	[tilespmem:$0x17920] =	vst v6  }
0x3fc: {  	[tilespmem:v7+s13+$0x0] =	vst.idx.add.f32.msk $0xffff, v6  }
0x3fd: {  	[tilespmem:v7+s14+$0x0] =	vst.idx.add.f32.msk $0xffff, v5  }
0x3fe: {  	v6 =	vld [tilespmem:$0x17730];
	_ =	sdelay $0x5  }
0x3ff: {  	v7 =	vld [tilespmem:$0x176B0]  }
0x400: {  	v63 =	vld [tilespmem:$0x178B0]  }
0x401: {  	v6 =	vld.idx.msk [tilespmem:v6+s4+$0x0], $0xffff;
	_ =	sdelay $0x4  }
0x402: {  	v6 =	vmul.f32 v63, v6;
	_ =	sdelay $0x1  }
0x403: {  	[tilespmem:$0x17930] =	vst v6  }
0x404: {  	[tilespmem:v7+s13+$0x0] =	vst.idx.add.f32.msk $0xffff, v6  }
0x405: {  	s0 =	rddreg [dreg:$0x8];
	[tilespmem:v7+s14+$0x0] =	vst.idx.add.f32.msk $0xffff, v5  }
0x406: {  	[hbm4b:s0+s4] =	stream.linear.scatter [tilespmem:s15], [sflag:$0x5], $0x40, $0x38;
	[tilespmem:$0x17980] =	vst v63  }
0x407: {  	_ =	swait.ge [sflag:s19], $0x40  }
0x408: {  	[sflag:s19] =	ssyncset.done $0x0  }
.Ltmp12:
0x409: {  	s31 =	rddreg [dreg:$0x9];
	[sflag:s19] =	ssyncadd.s32 $0xFFFFFFC0;
	(pc) =	sbr.rel .LBB2_21-.Ltmp12, $4  }
0x40a: {  	[hbm4b:s31+s4] =	stream.linear.scatter [tilespmem:s10], [sflag:$0x5], $0x40, $0x38;
	[tilespmem:$0x17980] =	vst v63  }
0x40b: {  	_ =	swait.ge [sflag:s19], $0x40  }
0x40c: {  	[sflag:s19] =	ssyncset.done $0x0  }
0x40d: {  	s18 =	rddreg [dreg:$0xd];
	[sflag:s19] =	ssyncadd.s32 $0xFFFFFFC0  }
.LBB2_22:
0x40e: {  	_ =	sfence.sel $0x180000  }
0x40f: {  	[bflag:$0x0] =	sbarrier.arrive $0xFFFF  }
0x410: {  	_ =	strace $0x90000047  }
0x411: {  	s0 =	stileid.u32;
	[bflag:$0x2] =	sbarrier.arrive $0xFFFF  }
0x412: {  	p0 =	sne.s32 s0, $0x0;
	s0 =	rddreg [dreg:$0x3]  }
0x413: {  	s0 =	sadd.s32 @!p0 $0x100000, s0  }
0x414: {  	[sflag:s0] =	ssyncadd.tile.s32 @!p0 $0x1;
	_ =	shalt  }
.Lfunc_end2:
_tile_overlayer_lowered:
.L_overlay_start_2:
0x415: {  	(tag) =	ssettag $0x2  }
0x416: {  	s0 =	rddreg [dreg:$0x0];
	s2 =	stileid.u32  }
0x417: {  	s1 =	rddreg [dreg:$0x1];
	p0 =	sne.s32 s2, $0x0  }
0x418: {  	s3 =	rddreg [dreg:$0x2];
	[bflag:$0x3] =	sbarrier.arrive $0xFFFF;
	s2 =	simm.s32 @!p0 $0x1C05  }
0x419: {  	[timem:s3], [sflag:s2] =	dma.local @!p0 [hbm:s0], s1  }
0x41a: {  	s0 =	simm.s32 @!p0 $0x5  }
0x41b: {  	_ =	swait.ge @!p0 [sflag:s0], s1  }
0x41c: {  	s1 =	ssub.s32 @!p0 $0x0, s1;
	[sflag:s0] =	ssyncset.done @!p0 $0x0  }
0x41d: {  	[sflag:s0] =	ssyncadd.s32 @!p0 s1  }
0x41e: {  	[bflag:$0x3] =	sbarrier.arrive $0xFFFF  }
0x41f: {  	_ =	shalt  }

</sc_bundles>
